<compile_context>
chip_gen: v7x
topology: tpu7x:2x2x1
jax: 0.10.2.dev20260603
libtpu: 0.0.44.dev20260713+nightly
codegen_flags: <defaults>
</compile_context>

<pallas_src>
import functools

import jax
import jax.numpy as jnp
from jax import lax
from jax.experimental import pallas as pl
from jax.experimental.pallas import tpu as pltpu
from jax.experimental.pallas import tpu_sc as plsc

_B = 4096
_L = 200
_D = 32
_NW = 32
_RPW = _B * _L // _NW
_G = 128
_NG = _RPW // _G
_POSP = 3200

_mesh = plsc.VectorSubcoreMesh(core_axis_name="c", subcore_axis_name="s")


@functools.partial(
    pl.kernel,
    out_type=jax.ShapeDtypeStruct((_B * _L, _D), jnp.float32),
    mesh=_mesh,
    scratch_types=[
        pltpu.VMEM((_RPW,), jnp.int32),
        pltpu.VMEM((_POSP,), jnp.int32),
        pltpu.VMEM((4, _G), jnp.int32),
        pltpu.VMEM((_G, _D), jnp.float32),
        pltpu.VMEM((_G, _D), jnp.float32),
        pltpu.VMEM((_G, _D), jnp.float32),
        pltpu.VMEM((_G, _D), jnp.float32),
        pltpu.SemaphoreType.DMA,
        pltpu.SemaphoreType.DMA,
    ],
    compiler_params=pltpu.CompilerParams(use_tc_tiling_on_sc=False),
)
def _sc_lookup(labels_hbm, wtab_hbm, out_hbm,
               lbuf, posall, idxbuf, rb0, rb1, rb2, rb3, gsem, osem):
    wid = lax.axis_index("s") * 2 + lax.axis_index("c")
    base = wid * _RPW
    rbufs = (rb0, rb1, rb2, rb3)

    iota = lax.iota(jnp.int32, 16)
    zeros = jnp.zeros((16,), jnp.int32)
    for v in range(_POSP // 16):
        posall[pl.ds(v * 16, 16)] = lax.rem(iota + (v * 16), _L) + 1

    pltpu.sync_copy(labels_hbm.at[pl.ds(base, _RPW)], lbuf)

    def _compute_idx(g, b):
        poff = lax.rem(g, 25) * _G
        for v in range(_G // 16):
            lab = lbuf[pl.ds(g * _G + v * 16, 16)]
            pos = posall[pl.ds(poff + v * 16, 16)]
            idxbuf[b, pl.ds(v * 16, 16)] = jnp.where(lab != 0, pos, zeros)

    def _start_gather(b):
        pltpu.async_copy(wtab_hbm.at[idxbuf.at[b]], rbufs[b], gsem)

    def _wait_gather(b):
        pltpu.make_async_copy(wtab_hbm.at[idxbuf.at[b]], rbufs[b], gsem).wait()

    def _start_out(g, b):
        pltpu.async_copy(rbufs[b], out_hbm.at[pl.ds(base + g * _G, _G)], osem)

    def _wait_out(g, b):
        pltpu.make_async_copy(
            rbufs[b], out_hbm.at[pl.ds(base + g * _G, _G)], osem).wait()

    def _step(t, carry):
        for b in range(4):
            g = t * 4 + b
            @pl.when(t > 0)
            def _():
                _wait_out(g - 4, b)
            _compute_idx(g, b)
            _start_gather(b)
            if b >= 2:
                _wait_gather(b - 2)
                _start_out(g - 2, b - 2)
            else:
                @pl.when(t > 0)
                def _():
                    _wait_gather((b - 2) % 4)
                    _start_out(g - 2, (b - 2) % 4)
        return carry

    lax.fori_loop(0, _NG // 4, _step, 0)

    for b in (2, 3):
        _wait_gather(b)
        _start_out(_NG - 4 + b, b)
    for b in range(4):
        _wait_out(_NG - 4 + b, b)


def kernel(labels, weight):
    wtab = jnp.concatenate(
        [jnp.zeros((1, _D), jnp.float32),
         jax.lax.slice(weight, (1, 0), (1 + _L, _D))], axis=0)
    out2 = _sc_lookup(labels.reshape(_B * _L), wtab)
    return out2.reshape(_B, _L, _D)

# --- scband reference (transcript-rebuilt; emitter-appended) ---
"""Pipeline reference for scband-pos-embedding-5755256177176 (READ-ONLY COPY).

The authoritative reference and input builder live on the scoring server;
editing this copy changes nothing except your own understanding.
"""

import jax, jax.numpy as jnp
import numpy as np

B = 4096
L = 200
MAX_LENGTH = 512
POSITION_DIM = 32
PADDING_IDX = 0
PAD_LEFT = False


def setup_inputs(seed: int = 0) -> dict:
    key = jax.random.key(seed)
    k1, k2 = jax.random.split(key)
    labels = jax.random.randint(k1, (B, L), 0, 1000, dtype=jnp.int32)
    weight = jax.random.normal(k2, (MAX_LENGTH, POSITION_DIM), dtype=jnp.float32)
    weight = weight.at[PADDING_IDX].set(0.0)  # nn.Embedding padding_idx row zeroed
    return {"labels": labels, "weight": weight}


def _make_positions(labels):
    # positions = arange(padding_idx+1, padding_idx+1+L) broadcast over batch
    positions = jnp.arange(PADDING_IDX + 1, PADDING_IDX + 1 + L, dtype=labels.dtype)
    positions = jnp.broadcast_to(positions[None, :], labels.shape)
    mask = labels != PADDING_IDX
    # masked_scatter_: where mask, take position value; else keep original label (==0)
    final = jnp.where(mask, positions, labels)
    if PAD_LEFT:
        zero_left = jnp.zeros((labels.shape[0], 1), dtype=final.dtype)
        final = jnp.concatenate([zero_left, final[:, :-1]], axis=1)
    return final


def reference(labels, weight):
    final = _make_positions(labels)
    out = jnp.take(weight, final, axis=0)
    # padding_idx semantics: embedding of index 0 is exactly zero (row already zero,
    # mask keeps grad behavior faithful in the bwd variant)
    out = out * (final != PADDING_IDX)[..., None].astype(weight.dtype)
    return out

if __name__ == "__main__":
    import jax
    _d = setup_inputs()
    print(jax.jit(kernel)(*tuple(_d.values())))

</pallas_src>

<mosaic_0001>
#map = affine_map<(d0, d1) -> (0)>
#map1 = affine_map<(d0, d1) -> (0, 0)>
module attributes {stable_mosaic.version = 14 : i64} {
  func.func @_sc_lookup(%arg0: i32, %arg1: i32, %arg2: memref<819200xi32, #tpu.memory_space<hbm>>, %arg3: memref<201x32xf32, #tpu.memory_space<hbm>>, %arg4: memref<819200x32xf32, #tpu.memory_space<hbm>>, %arg5: memref<25600xi32, #tpu.memory_space<vmem>>, %arg6: memref<3200xi32, #tpu.memory_space<vmem>>, %arg7: memref<4x128xi32, #tpu.memory_space<vmem>>, %arg8: memref<128x32xf32, #tpu.memory_space<vmem>>, %arg9: memref<128x32xf32, #tpu.memory_space<vmem>>, %arg10: memref<128x32xf32, #tpu.memory_space<vmem>>, %arg11: memref<128x32xf32, #tpu.memory_space<vmem>>, %arg12: memref<!tpu.dma_semaphore, #tpu.memory_space<semaphore_mem>>, %arg13: memref<!tpu.dma_semaphore, #tpu.memory_space<semaphore_mem>>) attributes {dimension_semantics = [#tpu.dimension_semantics<core_parallel>, #tpu.dimension_semantics<subcore_parallel>], iteration_bounds = array<i64: 2, 16>, scalar_prefetch = 0 : i64, scratch_operands = 9 : i64, tpu.core_type = #tpu.core_type<sc_vector_subcore>, window_params = [{transform_indices = #map}, {transform_indices = #map1}, {transform_indices = #map1}]} {
    %mul3A = arith.constant 2 : i32
    %mul3A_0 = arith.muli %arg1, %mul3A : i32
    %add3A = arith.addi %mul3A_0, %arg0 : i32
    %mul3A_1 = arith.constant 25600 : i32
    %mul3A_2 = arith.muli %add3A, %mul3A_1 : i32
    %iota3A = tpu.iota {dimensions = array<i32: 0>} : vector<16xi32>
    %broadcast_in_dim3A = arith.constant 0 : i32
    %broadcast_in_dim3A_3 = vector.broadcast %broadcast_in_dim3A : i32 to vector<16xi32>
    %add3A_4 = arith.constant 0 : i32
    %add3A_5 = vector.broadcast %add3A_4 : i32 to vector<16xi32>
    %add3A_6 = arith.addi %iota3A, %add3A_5 : vector<16xi32>
    %rem3A = arith.constant 200 : i32
    %rem3A_7 = vector.broadcast %rem3A : i32 to vector<16xi32>
    %rem3A_8 = arith.remsi %add3A_6, %rem3A_7 : vector<16xi32>
    %add3A_9 = arith.constant 1 : i32
    %add3A_10 = vector.broadcast %add3A_9 : i32 to vector<16xi32>
    %add3A_11 = arith.addi %rem3A_8, %add3A_10 : vector<16xi32>
    %swap3A = arith.constant 0 : index
    %swap3A_12 = tpu.vector_load %arg6[%swap3A] {strides = array<i32>} : memref<3200xi32, #tpu.memory_space<vmem>>, vector<16xi32>,
    %swap3A_13 = vector.shape_cast %swap3A_12 : vector<16xi32> to vector<16xi32>
    %swap3A_14 = vector.shape_cast %add3A_11 : vector<16xi32> to vector<16xi32>
    tpu.vector_store %arg6[%swap3A], %swap3A_14 {strides = array<i32>} : memref<3200xi32, #tpu.memory_space<vmem>>, vector<16xi32>,
    %add3A_15 = arith.constant 16 : i32
    %add3A_16 = vector.broadcast %add3A_15 : i32 to vector<16xi32>
    %add3A_17 = arith.addi %iota3A, %add3A_16 : vector<16xi32>
    %rem3A_18 = arith.constant 200 : i32
    %rem3A_19 = vector.broadcast %rem3A_18 : i32 to vector<16xi32>
    %rem3A_20 = arith.remsi %add3A_17, %rem3A_19 : vector<16xi32>
    %add3A_21 = arith.constant 1 : i32
    %add3A_22 = vector.broadcast %add3A_21 : i32 to vector<16xi32>
    %add3A_23 = arith.addi %rem3A_20, %add3A_22 : vector<16xi32>
    %swap3A_24 = arith.constant 16 : index
    %swap3A_25 = tpu.vector_load %arg6[%swap3A_24] {strides = array<i32>} : memref<3200xi32, #tpu.memory_space<vmem>>, vector<16xi32>,
    %swap3A_26 = vector.shape_cast %swap3A_25 : vector<16xi32> to vector<16xi32>
    %swap3A_27 = vector.shape_cast %add3A_23 : vector<16xi32> to vector<16xi32>
    tpu.vector_store %arg6[%swap3A_24], %swap3A_27 {strides = array<i32>} : memref<3200xi32, #tpu.memory_space<vmem>>, vector<16xi32>,
    %add3A_28 = arith.constant 32 : i32
    %add3A_29 = vector.broadcast %add3A_28 : i32 to vector<16xi32>
    %add3A_30 = arith.addi %iota3A, %add3A_29 : vector<16xi32>
    %rem3A_31 = arith.constant 200 : i32
    %rem3A_32 = vector.broadcast %rem3A_31 : i32 to vector<16xi32>
    %rem3A_33 = arith.remsi %add3A_30, %rem3A_32 : vector<16xi32>
    %add3A_34 = arith.constant 1 : i32
    %add3A_35 = vector.broadcast %add3A_34 : i32 to vector<16xi32>
    %add3A_36 = arith.addi %rem3A_33, %add3A_35 : vector<16xi32>
    %swap3A_37 = arith.constant 32 : index
    %swap3A_38 = tpu.vector_load %arg6[%swap3A_37] {strides = array<i32>} : memref<3200xi32, #tpu.memory_space<vmem>>, vector<16xi32>,
    %swap3A_39 = vector.shape_cast %swap3A_38 : vector<16xi32> to vector<16xi32>
    %swap3A_40 = vector.shape_cast %add3A_36 : vector<16xi32> to vector<16xi32>
    tpu.vector_store %arg6[%swap3A_37], %swap3A_40 {strides = array<i32>} : memref<3200xi32, #tpu.memory_space<vmem>>, vector<16xi32>,
    %add3A_41 = arith.constant 48 : i32
    %add3A_42 = vector.broadcast %add3A_41 : i32 to vector<16xi32>
    %add3A_43 = arith.addi %iota3A, %add3A_42 : vector<16xi32>
    %rem3A_44 = arith.constant 200 : i32
    %rem3A_45 = vector.broadcast %rem3A_44 : i32 to vector<16xi32>
    %rem3A_46 = arith.remsi %add3A_43, %rem3A_45 : vector<16xi32>
    %add3A_47 = arith.constant 1 : i32
    %add3A_48 = vector.broadcast %add3A_47 : i32 to vector<16xi32>
    %add3A_49 = arith.addi %rem3A_46, %add3A_48 : vector<16xi32>
    %swap3A_50 = arith.constant 48 : index
    %swap3A_51 = tpu.vector_load %arg6[%swap3A_50] {strides = array<i32>} : memref<3200xi32, #tpu.memory_space<vmem>>, vector<16xi32>,
    %swap3A_52 = vector.shape_cast %swap3A_51 : vector<16xi32> to vector<16xi32>
    %swap3A_53 = vector.shape_cast %add3A_49 : vector<16xi32> to vector<16xi32>
    tpu.vector_store %arg6[%swap3A_50], %swap3A_53 {strides = array<i32>} : memref<3200xi32, #tpu.memory_space<vmem>>, vector<16xi32>,
    %add3A_54 = arith.constant 64 : i32
    %add3A_55 = vector.broadcast %add3A_54 : i32 to vector<16xi32>
    %add3A_56 = arith.addi %iota3A, %add3A_55 : vector<16xi32>
    %rem3A_57 = arith.constant 200 : i32
    %rem3A_58 = vector.broadcast %rem3A_57 : i32 to vector<16xi32>
    %rem3A_59 = arith.remsi %add3A_56, %rem3A_58 : vector<16xi32>
    %add3A_60 = arith.constant 1 : i32
    %add3A_61 = vector.broadcast %add3A_60 : i32 to vector<16xi32>
    %add3A_62 = arith.addi %rem3A_59, %add3A_61 : vector<16xi32>
    %swap3A_63 = arith.constant 64 : index
    %swap3A_64 = tpu.vector_load %arg6[%swap3A_63] {strides = array<i32>} : memref<3200xi32, #tpu.memory_space<vmem>>, vector<16xi32>,
    %swap3A_65 = vector.shape_cast %swap3A_64 : vector<16xi32> to vector<16xi32>
    %swap3A_66 = vector.shape_cast %add3A_62 : vector<16xi32> to vector<16xi32>
    tpu.vector_store %arg6[%swap3A_63], %swap3A_66 {strides = array<i32>} : memref<3200xi32, #tpu.memory_space<vmem>>, vector<16xi32>,
    %add3A_67 = arith.constant 80 : i32
    %add3A_68 = vector.broadcast %add3A_67 : i32 to vector<16xi32>
    %add3A_69 = arith.addi %iota3A, %add3A_68 : vector<16xi32>
    %rem3A_70 = arith.constant 200 : i32
    %rem3A_71 = vector.broadcast %rem3A_70 : i32 to vector<16xi32>
    %rem3A_72 = arith.remsi %add3A_69, %rem3A_71 : vector<16xi32>
    %add3A_73 = arith.constant 1 : i32
    %add3A_74 = vector.broadcast %add3A_73 : i32 to vector<16xi32>
    %add3A_75 = arith.addi %rem3A_72, %add3A_74 : vector<16xi32>
    %swap3A_76 = arith.constant 80 : index
    %swap3A_77 = tpu.vector_load %arg6[%swap3A_76] {strides = array<i32>} : memref<3200xi32, #tpu.memory_space<vmem>>, vector<16xi32>,
    %swap3A_78 = vector.shape_cast %swap3A_77 : vector<16xi32> to vector<16xi32>
    %swap3A_79 = vector.shape_cast %add3A_75 : vector<16xi32> to vector<16xi32>
    tpu.vector_store %arg6[%swap3A_76], %swap3A_79 {strides = array<i32>} : memref<3200xi32, #tpu.memory_space<vmem>>, vector<16xi32>,
    %add3A_80 = arith.constant 96 : i32
    %add3A_81 = vector.broadcast %add3A_80 : i32 to vector<16xi32>
    %add3A_82 = arith.addi %iota3A, %add3A_81 : vector<16xi32>
    %rem3A_83 = arith.constant 200 : i32
    %rem3A_84 = vector.broadcast %rem3A_83 : i32 to vector<16xi32>
    %rem3A_85 = arith.remsi %add3A_82, %rem3A_84 : vector<16xi32>
    %add3A_86 = arith.constant 1 : i32
    %add3A_87 = vector.broadcast %add3A_86 : i32 to vector<16xi32>
    %add3A_88 = arith.addi %rem3A_85, %add3A_87 : vector<16xi32>
    %swap3A_89 = arith.constant 96 : index
    %swap3A_90 = tpu.vector_load %arg6[%swap3A_89] {strides = array<i32>} : memref<3200xi32, #tpu.memory_space<vmem>>, vector<16xi32>,
    %swap3A_91 = vector.shape_cast %swap3A_90 : vector<16xi32> to vector<16xi32>
    %swap3A_92 = vector.shape_cast %add3A_88 : vector<16xi32> to vector<16xi32>
    tpu.vector_store %arg6[%swap3A_89], %swap3A_92 {strides = array<i32>} : memref<3200xi32, #tpu.memory_space<vmem>>, vector<16xi32>,
    %add3A_93 = arith.constant 112 : i32
    %add3A_94 = vector.broadcast %add3A_93 : i32 to vector<16xi32>
    %add3A_95 = arith.addi %iota3A, %add3A_94 : vector<16xi32>
    %rem3A_96 = arith.constant 200 : i32
    %rem3A_97 = vector.broadcast %rem3A_96 : i32 to vector<16xi32>
    %rem3A_98 = arith.remsi %add3A_95, %rem3A_97 : vector<16xi32>
    %add3A_99 = arith.constant 1 : i32
    %add3A_100 = vector.broadcast %add3A_99 : i32 to vector<16xi32>
    %add3A_101 = arith.addi %rem3A_98, %add3A_100 : vector<16xi32>
    %swap3A_102 = arith.constant 112 : index
    %swap3A_103 = tpu.vector_load %arg6[%swap3A_102] {strides = array<i32>} : memref<3200xi32, #tpu.memory_space<vmem>>, vector<16xi32>,
    %swap3A_104 = vector.shape_cast %swap3A_103 : vector<16xi32> to vector<16xi32>
    %swap3A_105 = vector.shape_cast %add3A_101 : vector<16xi32> to vector<16xi32>
    tpu.vector_store %arg6[%swap3A_102], %swap3A_105 {strides = array<i32>} : memref<3200xi32, #tpu.memory_space<vmem>>, vector<16xi32>,
    %add3A_106 = arith.constant 128 : i32
    %add3A_107 = vector.broadcast %add3A_106 : i32 to vector<16xi32>
    %add3A_108 = arith.addi %iota3A, %add3A_107 : vector<16xi32>
    %rem3A_109 = arith.constant 200 : i32
    %rem3A_110 = vector.broadcast %rem3A_109 : i32 to vector<16xi32>
    %rem3A_111 = arith.remsi %add3A_108, %rem3A_110 : vector<16xi32>
    %add3A_112 = arith.constant 1 : i32
    %add3A_113 = vector.broadcast %add3A_112 : i32 to vector<16xi32>
    %add3A_114 = arith.addi %rem3A_111, %add3A_113 : vector<16xi32>
    %swap3A_115 = arith.constant 128 : index
    %swap3A_116 = tpu.vector_load %arg6[%swap3A_115] {strides = array<i32>} : memref<3200xi32, #tpu.memory_space<vmem>>, vector<16xi32>,
    %swap3A_117 = vector.shape_cast %swap3A_116 : vector<16xi32> to vector<16xi32>
    %swap3A_118 = vector.shape_cast %add3A_114 : vector<16xi32> to vector<16xi32>
    tpu.vector_store %arg6[%swap3A_115], %swap3A_118 {strides = array<i32>} : memref<3200xi32, #tpu.memory_space<vmem>>, vector<16xi32>,
    %add3A_119 = arith.constant 144 : i32
    %add3A_120 = vector.broadcast %add3A_119 : i32 to vector<16xi32>
    %add3A_121 = arith.addi %iota3A, %add3A_120 : vector<16xi32>
    %rem3A_122 = arith.constant 200 : i32
    %rem3A_123 = vector.broadcast %rem3A_122 : i32 to vector<16xi32>
    %rem3A_124 = arith.remsi %add3A_121, %rem3A_123 : vector<16xi32>
    %add3A_125 = arith.constant 1 : i32
    %add3A_126 = vector.broadcast %add3A_125 : i32 to vector<16xi32>
    %add3A_127 = arith.addi %rem3A_124, %add3A_126 : vector<16xi32>
    %swap3A_128 = arith.constant 144 : index
    %swap3A_129 = tpu.vector_load %arg6[%swap3A_128] {strides = array<i32>} : memref<3200xi32, #tpu.memory_space<vmem>>, vector<16xi32>,
    %swap3A_130 = vector.shape_cast %swap3A_129 : vector<16xi32> to vector<16xi32>
    %swap3A_131 = vector.shape_cast %add3A_127 : vector<16xi32> to vector<16xi32>
    tpu.vector_store %arg6[%swap3A_128], %swap3A_131 {strides = array<i32>} : memref<3200xi32, #tpu.memory_space<vmem>>, vector<16xi32>,
    %add3A_132 = arith.constant 160 : i32
    %add3A_133 = vector.broadcast %add3A_132 : i32 to vector<16xi32>
    %add3A_134 = arith.addi %iota3A, %add3A_133 : vector<16xi32>
    %rem3A_135 = arith.constant 200 : i32
    %rem3A_136 = vector.broadcast %rem3A_135 : i32 to vector<16xi32>
    %rem3A_137 = arith.remsi %add3A_134, %rem3A_136 : vector<16xi32>
    %add3A_138 = arith.constant 1 : i32
    %add3A_139 = vector.broadcast %add3A_138 : i32 to vector<16xi32>
    %add3A_140 = arith.addi %rem3A_137, %add3A_139 : vector<16xi32>
    %swap3A_141 = arith.constant 160 : index
    %swap3A_142 = tpu.vector_load %arg6[%swap3A_141] {strides = array<i32>} : memref<3200xi32, #tpu.memory_space<vmem>>, vector<16xi32>,
    %swap3A_143 = vector.shape_cast %swap3A_142 : vector<16xi32> to vector<16xi32>
    %swap3A_144 = vector.shape_cast %add3A_140 : vector<16xi32> to vector<16xi32>
    tpu.vector_store %arg6[%swap3A_141], %swap3A_144 {strides = array<i32>} : memref<3200xi32, #tpu.memory_space<vmem>>, vector<16xi32>,
    %add3A_145 = arith.constant 176 : i32
    %add3A_146 = vector.broadcast %add3A_145 : i32 to vector<16xi32>
    %add3A_147 = arith.addi %iota3A, %add3A_146 : vector<16xi32>
    %rem3A_148 = arith.constant 200 : i32
    %rem3A_149 = vector.broadcast %rem3A_148 : i32 to vector<16xi32>
    %rem3A_150 = arith.remsi %add3A_147, %rem3A_149 : vector<16xi32>
    %add3A_151 = arith.constant 1 : i32
    %add3A_152 = vector.broadcast %add3A_151 : i32 to vector<16xi32>
    %add3A_153 = arith.addi %rem3A_150, %add3A_152 : vector<16xi32>
    %swap3A_154 = arith.constant 176 : index
    %swap3A_155 = tpu.vector_load %arg6[%swap3A_154] {strides = array<i32>} : memref<3200xi32, #tpu.memory_space<vmem>>, vector<16xi32>,
    %swap3A_156 = vector.shape_cast %swap3A_155 : vector<16xi32> to vector<16xi32>
    %swap3A_157 = vector.shape_cast %add3A_153 : vector<16xi32> to vector<16xi32>
    tpu.vector_store %arg6[%swap3A_154], %swap3A_157 {strides = array<i32>} : memref<3200xi32, #tpu.memory_space<vmem>>, vector<16xi32>,
    %add3A_158 = arith.constant 192 : i32
    %add3A_159 = vector.broadcast %add3A_158 : i32 to vector<16xi32>
    %add3A_160 = arith.addi %iota3A, %add3A_159 : vector<16xi32>
    %rem3A_161 = arith.constant 200 : i32
    %rem3A_162 = vector.broadcast %rem3A_161 : i32 to vector<16xi32>
    %rem3A_163 = arith.remsi %add3A_160, %rem3A_162 : vector<16xi32>
    %add3A_164 = arith.constant 1 : i32
    %add3A_165 = vector.broadcast %add3A_164 : i32 to vector<16xi32>
    %add3A_166 = arith.addi %rem3A_163, %add3A_165 : vector<16xi32>
    %swap3A_167 = arith.constant 192 : index
    %swap3A_168 = tpu.vector_load %arg6[%swap3A_167] {strides = array<i32>} : memref<3200xi32, #tpu.memory_space<vmem>>, vector<16xi32>,
    %swap3A_169 = vector.shape_cast %swap3A_168 : vector<16xi32> to vector<16xi32>
    %swap3A_170 = vector.shape_cast %add3A_166 : vector<16xi32> to vector<16xi32>
    tpu.vector_store %arg6[%swap3A_167], %swap3A_170 {strides = array<i32>} : memref<3200xi32, #tpu.memory_space<vmem>>, vector<16xi32>,
    %add3A_171 = arith.constant 208 : i32
    %add3A_172 = vector.broadcast %add3A_171 : i32 to vector<16xi32>
    %add3A_173 = arith.addi %iota3A, %add3A_172 : vector<16xi32>
    %rem3A_174 = arith.constant 200 : i32
    %rem3A_175 = vector.broadcast %rem3A_174 : i32 to vector<16xi32>
    %rem3A_176 = arith.remsi %add3A_173, %rem3A_175 : vector<16xi32>
    %add3A_177 = arith.constant 1 : i32
    %add3A_178 = vector.broadcast %add3A_177 : i32 to vector<16xi32>
    %add3A_179 = arith.addi %rem3A_176, %add3A_178 : vector<16xi32>
    %swap3A_180 = arith.constant 208 : index
    %swap3A_181 = tpu.vector_load %arg6[%swap3A_180] {strides = array<i32>} : memref<3200xi32, #tpu.memory_space<vmem>>, vector<16xi32>,
    %swap3A_182 = vector.shape_cast %swap3A_181 : vector<16xi32> to vector<16xi32>
    %swap3A_183 = vector.shape_cast %add3A_179 : vector<16xi32> to vector<16xi32>
    tpu.vector_store %arg6[%swap3A_180], %swap3A_183 {strides = array<i32>} : memref<3200xi32, #tpu.memory_space<vmem>>, vector<16xi32>,
    %add3A_184 = arith.constant 224 : i32
    %add3A_185 = vector.broadcast %add3A_184 : i32 to vector<16xi32>
    %add3A_186 = arith.addi %iota3A, %add3A_185 : vector<16xi32>
    %rem3A_187 = arith.constant 200 : i32
    %rem3A_188 = vector.broadcast %rem3A_187 : i32 to vector<16xi32>
    %rem3A_189 = arith.remsi %add3A_186, %rem3A_188 : vector<16xi32>
    %add3A_190 = arith.constant 1 : i32
    %add3A_191 = vector.broadcast %add3A_190 : i32 to vector<16xi32>
    %add3A_192 = arith.addi %rem3A_189, %add3A_191 : vector<16xi32>
    %swap3A_193 = arith.constant 224 : index
    %swap3A_194 = tpu.vector_load %arg6[%swap3A_193] {strides = array<i32>} : memref<3200xi32, #tpu.memory_space<vmem>>, vector<16xi32>,
    %swap3A_195 = vector.shape_cast %swap3A_194 : vector<16xi32> to vector<16xi32>
    %swap3A_196 = vector.shape_cast %add3A_192 : vector<16xi32> to vector<16xi32>
    tpu.vector_store %arg6[%swap3A_193], %swap3A_196 {strides = array<i32>} : memref<3200xi32, #tpu.memory_space<vmem>>, vector<16xi32>,
    %add3A_197 = arith.constant 240 : i32
    %add3A_198 = vector.broadcast %add3A_197 : i32 to vector<16xi32>
    %add3A_199 = arith.addi %iota3A, %add3A_198 : vector<16xi32>
    %rem3A_200 = arith.constant 200 : i32
    %rem3A_201 = vector.broadcast %rem3A_200 : i32 to vector<16xi32>
    %rem3A_202 = arith.remsi %add3A_199, %rem3A_201 : vector<16xi32>
    %add3A_203 = arith.constant 1 : i32
    %add3A_204 = vector.broadcast %add3A_203 : i32 to vector<16xi32>
    %add3A_205 = arith.addi %rem3A_202, %add3A_204 : vector<16xi32>
    %swap3A_206 = arith.constant 240 : index
    %swap3A_207 = tpu.vector_load %arg6[%swap3A_206] {strides = array<i32>} : memref<3200xi32, #tpu.memory_space<vmem>>, vector<16xi32>,
    %swap3A_208 = vector.shape_cast %swap3A_207 : vector<16xi32> to vector<16xi32>
    %swap3A_209 = vector.shape_cast %add3A_205 : vector<16xi32> to vector<16xi32>
    tpu.vector_store %arg6[%swap3A_206], %swap3A_209 {strides = array<i32>} : memref<3200xi32, #tpu.memory_space<vmem>>, vector<16xi32>,
    %add3A_210 = arith.constant 256 : i32
    %add3A_211 = vector.broadcast %add3A_210 : i32 to vector<16xi32>
    %add3A_212 = arith.addi %iota3A, %add3A_211 : vector<16xi32>
    %rem3A_213 = arith.constant 200 : i32
    %rem3A_214 = vector.broadcast %rem3A_213 : i32 to vector<16xi32>
    %rem3A_215 = arith.remsi %add3A_212, %rem3A_214 : vector<16xi32>
    %add3A_216 = arith.constant 1 : i32
    %add3A_217 = vector.broadcast %add3A_216 : i32 to vector<16xi32>
    %add3A_218 = arith.addi %rem3A_215, %add3A_217 : vector<16xi32>
    %swap3A_219 = arith.constant 256 : index
    %swap3A_220 = tpu.vector_load %arg6[%swap3A_219] {strides = array<i32>} : memref<3200xi32, #tpu.memory_space<vmem>>, vector<16xi32>,
    %swap3A_221 = vector.shape_cast %swap3A_220 : vector<16xi32> to vector<16xi32>
    %swap3A_222 = vector.shape_cast %add3A_218 : vector<16xi32> to vector<16xi32>
    tpu.vector_store %arg6[%swap3A_219], %swap3A_222 {strides = array<i32>} : memref<3200xi32, #tpu.memory_space<vmem>>, vector<16xi32>,
    %add3A_223 = arith.constant 272 : i32
    %add3A_224 = vector.broadcast %add3A_223 : i32 to vector<16xi32>
    %add3A_225 = arith.addi %iota3A, %add3A_224 : vector<16xi32>
    %rem3A_226 = arith.constant 200 : i32
    %rem3A_227 = vector.broadcast %rem3A_226 : i32 to vector<16xi32>
    %rem3A_228 = arith.remsi %add3A_225, %rem3A_227 : vector<16xi32>
    %add3A_229 = arith.constant 1 : i32
    %add3A_230 = vector.broadcast %add3A_229 : i32 to vector<16xi32>
    %add3A_231 = arith.addi %rem3A_228, %add3A_230 : vector<16xi32>
    %swap3A_232 = arith.constant 272 : index
    %swap3A_233 = tpu.vector_load %arg6[%swap3A_232] {strides = array<i32>} : memref<3200xi32, #tpu.memory_space<vmem>>, vector<16xi32>,
    %swap3A_234 = vector.shape_cast %swap3A_233 : vector<16xi32> to vector<16xi32>
    %swap3A_235 = vector.shape_cast %add3A_231 : vector<16xi32> to vector<16xi32>
    tpu.vector_store %arg6[%swap3A_232], %swap3A_235 {strides = array<i32>} : memref<3200xi32, #tpu.memory_space<vmem>>, vector<16xi32>,
    %add3A_236 = arith.constant 288 : i32
    %add3A_237 = vector.broadcast %add3A_236 : i32 to vector<16xi32>
    %add3A_238 = arith.addi %iota3A, %add3A_237 : vector<16xi32>
    %rem3A_239 = arith.constant 200 : i32
    %rem3A_240 = vector.broadcast %rem3A_239 : i32 to vector<16xi32>
    %rem3A_241 = arith.remsi %add3A_238, %rem3A_240 : vector<16xi32>
    %add3A_242 = arith.constant 1 : i32
    %add3A_243 = vector.broadcast %add3A_242 : i32 to vector<16xi32>
    %add3A_244 = arith.addi %rem3A_241, %add3A_243 : vector<16xi32>
    %swap3A_245 = arith.constant 288 : index
    %swap3A_246 = tpu.vector_load %arg6[%swap3A_245] {strides = array<i32>} : memref<3200xi32, #tpu.memory_space<vmem>>, vector<16xi32>,
    %swap3A_247 = vector.shape_cast %swap3A_246 : vector<16xi32> to vector<16xi32>
    %swap3A_248 = vector.shape_cast %add3A_244 : vector<16xi32> to vector<16xi32>
    tpu.vector_store %arg6[%swap3A_245], %swap3A_248 {strides = array<i32>} : memref<3200xi32, #tpu.memory_space<vmem>>, vector<16xi32>,
    %add3A_249 = arith.constant 304 : i32
    %add3A_250 = vector.broadcast %add3A_249 : i32 to vector<16xi32>
    %add3A_251 = arith.addi %iota3A, %add3A_250 : vector<16xi32>
    %rem3A_252 = arith.constant 200 : i32
    %rem3A_253 = vector.broadcast %rem3A_252 : i32 to vector<16xi32>
    %rem3A_254 = arith.remsi %add3A_251, %rem3A_253 : vector<16xi32>
    %add3A_255 = arith.constant 1 : i32
    %add3A_256 = vector.broadcast %add3A_255 : i32 to vector<16xi32>
    %add3A_257 = arith.addi %rem3A_254, %add3A_256 : vector<16xi32>
    %swap3A_258 = arith.constant 304 : index
    %swap3A_259 = tpu.vector_load %arg6[%swap3A_258] {strides = array<i32>} : memref<3200xi32, #tpu.memory_space<vmem>>, vector<16xi32>,
    %swap3A_260 = vector.shape_cast %swap3A_259 : vector<16xi32> to vector<16xi32>
    %swap3A_261 = vector.shape_cast %add3A_257 : vector<16xi32> to vector<16xi32>
    tpu.vector_store %arg6[%swap3A_258], %swap3A_261 {strides = array<i32>} : memref<3200xi32, #tpu.memory_space<vmem>>, vector<16xi32>,
    %add3A_262 = arith.constant 320 : i32
    %add3A_263 = vector.broadcast %add3A_262 : i32 to vector<16xi32>
    %add3A_264 = arith.addi %iota3A, %add3A_263 : vector<16xi32>
    %rem3A_265 = arith.constant 200 : i32
    %rem3A_266 = vector.broadcast %rem3A_265 : i32 to vector<16xi32>
    %rem3A_267 = arith.remsi %add3A_264, %rem3A_266 : vector<16xi32>
    %add3A_268 = arith.constant 1 : i32
    %add3A_269 = vector.broadcast %add3A_268 : i32 to vector<16xi32>
    %add3A_270 = arith.addi %rem3A_267, %add3A_269 : vector<16xi32>
    %swap3A_271 = arith.constant 320 : index
    %swap3A_272 = tpu.vector_load %arg6[%swap3A_271] {strides = array<i32>} : memref<3200xi32, #tpu.memory_space<vmem>>, vector<16xi32>,
    %swap3A_273 = vector.shape_cast %swap3A_272 : vector<16xi32> to vector<16xi32>
    %swap3A_274 = vector.shape_cast %add3A_270 : vector<16xi32> to vector<16xi32>
    tpu.vector_store %arg6[%swap3A_271], %swap3A_274 {strides = array<i32>} : memref<3200xi32, #tpu.memory_space<vmem>>, vector<16xi32>,
    %add3A_275 = arith.constant 336 : i32
    %add3A_276 = vector.broadcast %add3A_275 : i32 to vector<16xi32>
    %add3A_277 = arith.addi %iota3A, %add3A_276 : vector<16xi32>
    %rem3A_278 = arith.constant 200 : i32
    %rem3A_279 = vector.broadcast %rem3A_278 : i32 to vector<16xi32>
    %rem3A_280 = arith.remsi %add3A_277, %rem3A_279 : vector<16xi32>
    %add3A_281 = arith.constant 1 : i32
    %add3A_282 = vector.broadcast %add3A_281 : i32 to vector<16xi32>
    %add3A_283 = arith.addi %rem3A_280, %add3A_282 : vector<16xi32>
    %swap3A_284 = arith.constant 336 : index
    %swap3A_285 = tpu.vector_load %arg6[%swap3A_284] {strides = array<i32>} : memref<3200xi32, #tpu.memory_space<vmem>>, vector<16xi32>,
    %swap3A_286 = vector.shape_cast %swap3A_285 : vector<16xi32> to vector<16xi32>
    %swap3A_287 = vector.shape_cast %add3A_283 : vector<16xi32> to vector<16xi32>
    tpu.vector_store %arg6[%swap3A_284], %swap3A_287 {strides = array<i32>} : memref<3200xi32, #tpu.memory_space<vmem>>, vector<16xi32>,
    %add3A_288 = arith.constant 352 : i32
    %add3A_289 = vector.broadcast %add3A_288 : i32 to vector<16xi32>
    %add3A_290 = arith.addi %iota3A, %add3A_289 : vector<16xi32>
    %rem3A_291 = arith.constant 200 : i32
    %rem3A_292 = vector.broadcast %rem3A_291 : i32 to vector<16xi32>
    %rem3A_293 = arith.remsi %add3A_290, %rem3A_292 : vector<16xi32>
    %add3A_294 = arith.constant 1 : i32
    %add3A_295 = vector.broadcast %add3A_294 : i32 to vector<16xi32>
    %add3A_296 = arith.addi %rem3A_293, %add3A_295 : vector<16xi32>
    %swap3A_297 = arith.constant 352 : index
    %swap3A_298 = tpu.vector_load %arg6[%swap3A_297] {strides = array<i32>} : memref<3200xi32, #tpu.memory_space<vmem>>, vector<16xi32>,
    %swap3A_299 = vector.shape_cast %swap3A_298 : vector<16xi32> to vector<16xi32>
    %swap3A_300 = vector.shape_cast %add3A_296 : vector<16xi32> to vector<16xi32>
    tpu.vector_store %arg6[%swap3A_297], %swap3A_300 {strides = array<i32>} : memref<3200xi32, #tpu.memory_space<vmem>>, vector<16xi32>,
    %add3A_301 = arith.constant 368 : i32
    %add3A_302 = vector.broadcast %add3A_301 : i32 to vector<16xi32>
    %add3A_303 = arith.addi %iota3A, %add3A_302 : vector<16xi32>
    %rem3A_304 = arith.constant 200 : i32
    %rem3A_305 = vector.broadcast %rem3A_304 : i32 to vector<16xi32>
    %rem3A_306 = arith.remsi %add3A_303, %rem3A_305 : vector<16xi32>
    %add3A_307 = arith.constant 1 : i32
    %add3A_308 = vector.broadcast %add3A_307 : i32 to vector<16xi32>
    %add3A_309 = arith.addi %rem3A_306, %add3A_308 : vector<16xi32>
    %swap3A_310 = arith.constant 368 : index
    %swap3A_311 = tpu.vector_load %arg6[%swap3A_310] {strides = array<i32>} : memref<3200xi32, #tpu.memory_space<vmem>>, vector<16xi32>,
    %swap3A_312 = vector.shape_cast %swap3A_311 : vector<16xi32> to vector<16xi32>
    %swap3A_313 = vector.shape_cast %add3A_309 : vector<16xi32> to vector<16xi32>
    tpu.vector_store %arg6[%swap3A_310], %swap3A_313 {strides = array<i32>} : memref<3200xi32, #tpu.memory_space<vmem>>, vector<16xi32>,
    %add3A_314 = arith.constant 384 : i32
    %add3A_315 = vector.broadcast %add3A_314 : i32 to vector<16xi32>
    %add3A_316 = arith.addi %iota3A, %add3A_315 : vector<16xi32>
    %rem3A_317 = arith.constant 200 : i32
    %rem3A_318 = vector.broadcast %rem3A_317 : i32 to vector<16xi32>
    %rem3A_319 = arith.remsi %add3A_316, %rem3A_318 : vector<16xi32>
    %add3A_320 = arith.constant 1 : i32
    %add3A_321 = vector.broadcast %add3A_320 : i32 to vector<16xi32>
    %add3A_322 = arith.addi %rem3A_319, %add3A_321 : vector<16xi32>
    %swap3A_323 = arith.constant 384 : index
    %swap3A_324 = tpu.vector_load %arg6[%swap3A_323] {strides = array<i32>} : memref<3200xi32, #tpu.memory_space<vmem>>, vector<16xi32>,
    %swap3A_325 = vector.shape_cast %swap3A_324 : vector<16xi32> to vector<16xi32>
    %swap3A_326 = vector.shape_cast %add3A_322 : vector<16xi32> to vector<16xi32>
    tpu.vector_store %arg6[%swap3A_323], %swap3A_326 {strides = array<i32>} : memref<3200xi32, #tpu.memory_space<vmem>>, vector<16xi32>,
    %add3A_327 = arith.constant 400 : i32
    %add3A_328 = vector.broadcast %add3A_327 : i32 to vector<16xi32>
    %add3A_329 = arith.addi %iota3A, %add3A_328 : vector<16xi32>
    %rem3A_330 = arith.constant 200 : i32
    %rem3A_331 = vector.broadcast %rem3A_330 : i32 to vector<16xi32>
    %rem3A_332 = arith.remsi %add3A_329, %rem3A_331 : vector<16xi32>
    %add3A_333 = arith.constant 1 : i32
    %add3A_334 = vector.broadcast %add3A_333 : i32 to vector<16xi32>
    %add3A_335 = arith.addi %rem3A_332, %add3A_334 : vector<16xi32>
    %swap3A_336 = arith.constant 400 : index
    %swap3A_337 = tpu.vector_load %arg6[%swap3A_336] {strides = array<i32>} : memref<3200xi32, #tpu.memory_space<vmem>>, vector<16xi32>,
    %swap3A_338 = vector.shape_cast %swap3A_337 : vector<16xi32> to vector<16xi32>
    %swap3A_339 = vector.shape_cast %add3A_335 : vector<16xi32> to vector<16xi32>
    tpu.vector_store %arg6[%swap3A_336], %swap3A_339 {strides = array<i32>} : memref<3200xi32, #tpu.memory_space<vmem>>, vector<16xi32>,
    %add3A_340 = arith.constant 416 : i32
    %add3A_341 = vector.broadcast %add3A_340 : i32 to vector<16xi32>
    %add3A_342 = arith.addi %iota3A, %add3A_341 : vector<16xi32>
    %rem3A_343 = arith.constant 200 : i32
    %rem3A_344 = vector.broadcast %rem3A_343 : i32 to vector<16xi32>
    %rem3A_345 = arith.remsi %add3A_342, %rem3A_344 : vector<16xi32>
    %add3A_346 = arith.constant 1 : i32
    %add3A_347 = vector.broadcast %add3A_346 : i32 to vector<16xi32>
    %add3A_348 = arith.addi %rem3A_345, %add3A_347 : vector<16xi32>
    %swap3A_349 = arith.constant 416 : index
    %swap3A_350 = tpu.vector_load %arg6[%swap3A_349] {strides = array<i32>} : memref<3200xi32, #tpu.memory_space<vmem>>, vector<16xi32>,
    %swap3A_351 = vector.shape_cast %swap3A_350 : vector<16xi32> to vector<16xi32>
    %swap3A_352 = vector.shape_cast %add3A_348 : vector<16xi32> to vector<16xi32>
    tpu.vector_store %arg6[%swap3A_349], %swap3A_352 {strides = array<i32>} : memref<3200xi32, #tpu.memory_space<vmem>>, vector<16xi32>,
    %add3A_353 = arith.constant 432 : i32
    %add3A_354 = vector.broadcast %add3A_353 : i32 to vector<16xi32>
    %add3A_355 = arith.addi %iota3A, %add3A_354 : vector<16xi32>
    %rem3A_356 = arith.constant 200 : i32
    %rem3A_357 = vector.broadcast %rem3A_356 : i32 to vector<16xi32>
    %rem3A_358 = arith.remsi %add3A_355, %rem3A_357 : vector<16xi32>
    %add3A_359 = arith.constant 1 : i32
    %add3A_360 = vector.broadcast %add3A_359 : i32 to vector<16xi32>
    %add3A_361 = arith.addi %rem3A_358, %add3A_360 : vector<16xi32>
    %swap3A_362 = arith.constant 432 : index
    %swap3A_363 = tpu.vector_load %arg6[%swap3A_362] {strides = array<i32>} : memref<3200xi32, #tpu.memory_space<vmem>>, vector<16xi32>,
    %swap3A_364 = vector.shape_cast %swap3A_363 : vector<16xi32> to vector<16xi32>
    %swap3A_365 = vector.shape_cast %add3A_361 : vector<16xi32> to vector<16xi32>
    tpu.vector_store %arg6[%swap3A_362], %swap3A_365 {strides = array<i32>} : memref<3200xi32, #tpu.memory_space<vmem>>, vector<16xi32>,
    %add3A_366 = arith.constant 448 : i32
    %add3A_367 = vector.broadcast %add3A_366 : i32 to vector<16xi32>
    %add3A_368 = arith.addi %iota3A, %add3A_367 : vector<16xi32>
    %rem3A_369 = arith.constant 200 : i32
    %rem3A_370 = vector.broadcast %rem3A_369 : i32 to vector<16xi32>
    %rem3A_371 = arith.remsi %add3A_368, %rem3A_370 : vector<16xi32>
    %add3A_372 = arith.constant 1 : i32
    %add3A_373 = vector.broadcast %add3A_372 : i32 to vector<16xi32>
    %add3A_374 = arith.addi %rem3A_371, %add3A_373 : vector<16xi32>
    %swap3A_375 = arith.constant 448 : index
    %swap3A_376 = tpu.vector_load %arg6[%swap3A_375] {strides = array<i32>} : memref<3200xi32, #tpu.memory_space<vmem>>, vector<16xi32>,
    %swap3A_377 = vector.shape_cast %swap3A_376 : vector<16xi32> to vector<16xi32>
    %swap3A_378 = vector.shape_cast %add3A_374 : vector<16xi32> to vector<16xi32>
    tpu.vector_store %arg6[%swap3A_375], %swap3A_378 {strides = array<i32>} : memref<3200xi32, #tpu.memory_space<vmem>>, vector<16xi32>,
    %add3A_379 = arith.constant 464 : i32
    %add3A_380 = vector.broadcast %add3A_379 : i32 to vector<16xi32>
    %add3A_381 = arith.addi %iota3A, %add3A_380 : vector<16xi32>
    %rem3A_382 = arith.constant 200 : i32
    %rem3A_383 = vector.broadcast %rem3A_382 : i32 to vector<16xi32>
    %rem3A_384 = arith.remsi %add3A_381, %rem3A_383 : vector<16xi32>
    %add3A_385 = arith.constant 1 : i32
    %add3A_386 = vector.broadcast %add3A_385 : i32 to vector<16xi32>
    %add3A_387 = arith.addi %rem3A_384, %add3A_386 : vector<16xi32>
    %swap3A_388 = arith.constant 464 : index
    %swap3A_389 = tpu.vector_load %arg6[%swap3A_388] {strides = array<i32>} : memref<3200xi32, #tpu.memory_space<vmem>>, vector<16xi32>,
    %swap3A_390 = vector.shape_cast %swap3A_389 : vector<16xi32> to vector<16xi32>
    %swap3A_391 = vector.shape_cast %add3A_387 : vector<16xi32> to vector<16xi32>
    tpu.vector_store %arg6[%swap3A_388], %swap3A_391 {strides = array<i32>} : memref<3200xi32, #tpu.memory_space<vmem>>, vector<16xi32>,
    %add3A_392 = arith.constant 480 : i32
    %add3A_393 = vector.broadcast %add3A_392 : i32 to vector<16xi32>
    %add3A_394 = arith.addi %iota3A, %add3A_393 : vector<16xi32>
    %rem3A_395 = arith.constant 200 : i32
    %rem3A_396 = vector.broadcast %rem3A_395 : i32 to vector<16xi32>
    %rem3A_397 = arith.remsi %add3A_394, %rem3A_396 : vector<16xi32>
    %add3A_398 = arith.constant 1 : i32
    %add3A_399 = vector.broadcast %add3A_398 : i32 to vector<16xi32>
    %add3A_400 = arith.addi %rem3A_397, %add3A_399 : vector<16xi32>
    %swap3A_401 = arith.constant 480 : index
    %swap3A_402 = tpu.vector_load %arg6[%swap3A_401] {strides = array<i32>} : memref<3200xi32, #tpu.memory_space<vmem>>, vector<16xi32>,
    %swap3A_403 = vector.shape_cast %swap3A_402 : vector<16xi32> to vector<16xi32>
    %swap3A_404 = vector.shape_cast %add3A_400 : vector<16xi32> to vector<16xi32>
    tpu.vector_store %arg6[%swap3A_401], %swap3A_404 {strides = array<i32>} : memref<3200xi32, #tpu.memory_space<vmem>>, vector<16xi32>,
    %add3A_405 = arith.constant 496 : i32
    %add3A_406 = vector.broadcast %add3A_405 : i32 to vector<16xi32>
    %add3A_407 = arith.addi %iota3A, %add3A_406 : vector<16xi32>
    %rem3A_408 = arith.constant 200 : i32
    %rem3A_409 = vector.broadcast %rem3A_408 : i32 to vector<16xi32>
    %rem3A_410 = arith.remsi %add3A_407, %rem3A_409 : vector<16xi32>
    %add3A_411 = arith.constant 1 : i32
    %add3A_412 = vector.broadcast %add3A_411 : i32 to vector<16xi32>
    %add3A_413 = arith.addi %rem3A_410, %add3A_412 : vector<16xi32>
    %swap3A_414 = arith.constant 496 : index
    %swap3A_415 = tpu.vector_load %arg6[%swap3A_414] {strides = array<i32>} : memref<3200xi32, #tpu.memory_space<vmem>>, vector<16xi32>,
    %swap3A_416 = vector.shape_cast %swap3A_415 : vector<16xi32> to vector<16xi32>
    %swap3A_417 = vector.shape_cast %add3A_413 : vector<16xi32> to vector<16xi32>
    tpu.vector_store %arg6[%swap3A_414], %swap3A_417 {strides = array<i32>} : memref<3200xi32, #tpu.memory_space<vmem>>, vector<16xi32>,
    %add3A_418 = arith.constant 512 : i32
    %add3A_419 = vector.broadcast %add3A_418 : i32 to vector<16xi32>
    %add3A_420 = arith.addi %iota3A, %add3A_419 : vector<16xi32>
    %rem3A_421 = arith.constant 200 : i32
    %rem3A_422 = vector.broadcast %rem3A_421 : i32 to vector<16xi32>
    %rem3A_423 = arith.remsi %add3A_420, %rem3A_422 : vector<16xi32>
    %add3A_424 = arith.constant 1 : i32
    %add3A_425 = vector.broadcast %add3A_424 : i32 to vector<16xi32>
    %add3A_426 = arith.addi %rem3A_423, %add3A_425 : vector<16xi32>
    %swap3A_427 = arith.constant 512 : index
    %swap3A_428 = tpu.vector_load %arg6[%swap3A_427] {strides = array<i32>} : memref<3200xi32, #tpu.memory_space<vmem>>, vector<16xi32>,
    %swap3A_429 = vector.shape_cast %swap3A_428 : vector<16xi32> to vector<16xi32>
    %swap3A_430 = vector.shape_cast %add3A_426 : vector<16xi32> to vector<16xi32>
    tpu.vector_store %arg6[%swap3A_427], %swap3A_430 {strides = array<i32>} : memref<3200xi32, #tpu.memory_space<vmem>>, vector<16xi32>,
    %add3A_431 = arith.constant 528 : i32
    %add3A_432 = vector.broadcast %add3A_431 : i32 to vector<16xi32>
    %add3A_433 = arith.addi %iota3A, %add3A_432 : vector<16xi32>
    %rem3A_434 = arith.constant 200 : i32
    %rem3A_435 = vector.broadcast %rem3A_434 : i32 to vector<16xi32>
    %rem3A_436 = arith.remsi %add3A_433, %rem3A_435 : vector<16xi32>
    %add3A_437 = arith.constant 1 : i32
    %add3A_438 = vector.broadcast %add3A_437 : i32 to vector<16xi32>
    %add3A_439 = arith.addi %rem3A_436, %add3A_438 : vector<16xi32>
    %swap3A_440 = arith.constant 528 : index
    %swap3A_441 = tpu.vector_load %arg6[%swap3A_440] {strides = array<i32>} : memref<3200xi32, #tpu.memory_space<vmem>>, vector<16xi32>,
    %swap3A_442 = vector.shape_cast %swap3A_441 : vector<16xi32> to vector<16xi32>
    %swap3A_443 = vector.shape_cast %add3A_439 : vector<16xi32> to vector<16xi32>
    tpu.vector_store %arg6[%swap3A_440], %swap3A_443 {strides = array<i32>} : memref<3200xi32, #tpu.memory_space<vmem>>, vector<16xi32>,
    %add3A_444 = arith.constant 544 : i32
    %add3A_445 = vector.broadcast %add3A_444 : i32 to vector<16xi32>
    %add3A_446 = arith.addi %iota3A, %add3A_445 : vector<16xi32>
    %rem3A_447 = arith.constant 200 : i32
    %rem3A_448 = vector.broadcast %rem3A_447 : i32 to vector<16xi32>
    %rem3A_449 = arith.remsi %add3A_446, %rem3A_448 : vector<16xi32>
    %add3A_450 = arith.constant 1 : i32
    %add3A_451 = vector.broadcast %add3A_450 : i32 to vector<16xi32>
    %add3A_452 = arith.addi %rem3A_449, %add3A_451 : vector<16xi32>
    %swap3A_453 = arith.constant 544 : index
    %swap3A_454 = tpu.vector_load %arg6[%swap3A_453] {strides = array<i32>} : memref<3200xi32, #tpu.memory_space<vmem>>, vector<16xi32>,
    %swap3A_455 = vector.shape_cast %swap3A_454 : vector<16xi32> to vector<16xi32>
    %swap3A_456 = vector.shape_cast %add3A_452 : vector<16xi32> to vector<16xi32>
    tpu.vector_store %arg6[%swap3A_453], %swap3A_456 {strides = array<i32>} : memref<3200xi32, #tpu.memory_space<vmem>>, vector<16xi32>,
    %add3A_457 = arith.constant 560 : i32
    %add3A_458 = vector.broadcast %add3A_457 : i32 to vector<16xi32>
    %add3A_459 = arith.addi %iota3A, %add3A_458 : vector<16xi32>
    %rem3A_460 = arith.constant 200 : i32
    %rem3A_461 = vector.broadcast %rem3A_460 : i32 to vector<16xi32>
    %rem3A_462 = arith.remsi %add3A_459, %rem3A_461 : vector<16xi32>
    %add3A_463 = arith.constant 1 : i32
    %add3A_464 = vector.broadcast %add3A_463 : i32 to vector<16xi32>
    %add3A_465 = arith.addi %rem3A_462, %add3A_464 : vector<16xi32>
    %swap3A_466 = arith.constant 560 : index
    %swap3A_467 = tpu.vector_load %arg6[%swap3A_466] {strides = array<i32>} : memref<3200xi32, #tpu.memory_space<vmem>>, vector<16xi32>,
    %swap3A_468 = vector.shape_cast %swap3A_467 : vector<16xi32> to vector<16xi32>
    %swap3A_469 = vector.shape_cast %add3A_465 : vector<16xi32> to vector<16xi32>
    tpu.vector_store %arg6[%swap3A_466], %swap3A_469 {strides = array<i32>} : memref<3200xi32, #tpu.memory_space<vmem>>, vector<16xi32>,
    %add3A_470 = arith.constant 576 : i32
    %add3A_471 = vector.broadcast %add3A_470 : i32 to vector<16xi32>
    %add3A_472 = arith.addi %iota3A, %add3A_471 : vector<16xi32>
    %rem3A_473 = arith.constant 200 : i32
    %rem3A_474 = vector.broadcast %rem3A_473 : i32 to vector<16xi32>
    %rem3A_475 = arith.remsi %add3A_472, %rem3A_474 : vector<16xi32>
    %add3A_476 = arith.constant 1 : i32
    %add3A_477 = vector.broadcast %add3A_476 : i32 to vector<16xi32>
    %add3A_478 = arith.addi %rem3A_475, %add3A_477 : vector<16xi32>
    %swap3A_479 = arith.constant 576 : index
    %swap3A_480 = tpu.vector_load %arg6[%swap3A_479] {strides = array<i32>} : memref<3200xi32, #tpu.memory_space<vmem>>, vector<16xi32>,
    %swap3A_481 = vector.shape_cast %swap3A_480 : vector<16xi32> to vector<16xi32>
    %swap3A_482 = vector.shape_cast %add3A_478 : vector<16xi32> to vector<16xi32>
    tpu.vector_store %arg6[%swap3A_479], %swap3A_482 {strides = array<i32>} : memref<3200xi32, #tpu.memory_space<vmem>>, vector<16xi32>,
    %add3A_483 = arith.constant 592 : i32
    %add3A_484 = vector.broadcast %add3A_483 : i32 to vector<16xi32>
    %add3A_485 = arith.addi %iota3A, %add3A_484 : vector<16xi32>
    %rem3A_486 = arith.constant 200 : i32
    %rem3A_487 = vector.broadcast %rem3A_486 : i32 to vector<16xi32>
    %rem3A_488 = arith.remsi %add3A_485, %rem3A_487 : vector<16xi32>
    %add3A_489 = arith.constant 1 : i32
    %add3A_490 = vector.broadcast %add3A_489 : i32 to vector<16xi32>
    %add3A_491 = arith.addi %rem3A_488, %add3A_490 : vector<16xi32>
    %swap3A_492 = arith.constant 592 : index
    %swap3A_493 = tpu.vector_load %arg6[%swap3A_492] {strides = array<i32>} : memref<3200xi32, #tpu.memory_space<vmem>>, vector<16xi32>,
    %swap3A_494 = vector.shape_cast %swap3A_493 : vector<16xi32> to vector<16xi32>
    %swap3A_495 = vector.shape_cast %add3A_491 : vector<16xi32> to vector<16xi32>
    tpu.vector_store %arg6[%swap3A_492], %swap3A_495 {strides = array<i32>} : memref<3200xi32, #tpu.memory_space<vmem>>, vector<16xi32>,
    %add3A_496 = arith.constant 608 : i32
    %add3A_497 = vector.broadcast %add3A_496 : i32 to vector<16xi32>
    %add3A_498 = arith.addi %iota3A, %add3A_497 : vector<16xi32>
    %rem3A_499 = arith.constant 200 : i32
    %rem3A_500 = vector.broadcast %rem3A_499 : i32 to vector<16xi32>
    %rem3A_501 = arith.remsi %add3A_498, %rem3A_500 : vector<16xi32>
    %add3A_502 = arith.constant 1 : i32
    %add3A_503 = vector.broadcast %add3A_502 : i32 to vector<16xi32>
    %add3A_504 = arith.addi %rem3A_501, %add3A_503 : vector<16xi32>
    %swap3A_505 = arith.constant 608 : index
    %swap3A_506 = tpu.vector_load %arg6[%swap3A_505] {strides = array<i32>} : memref<3200xi32, #tpu.memory_space<vmem>>, vector<16xi32>,
    %swap3A_507 = vector.shape_cast %swap3A_506 : vector<16xi32> to vector<16xi32>
    %swap3A_508 = vector.shape_cast %add3A_504 : vector<16xi32> to vector<16xi32>
    tpu.vector_store %arg6[%swap3A_505], %swap3A_508 {strides = array<i32>} : memref<3200xi32, #tpu.memory_space<vmem>>, vector<16xi32>,
    %add3A_509 = arith.constant 624 : i32
    %add3A_510 = vector.broadcast %add3A_509 : i32 to vector<16xi32>
    %add3A_511 = arith.addi %iota3A, %add3A_510 : vector<16xi32>
    %rem3A_512 = arith.constant 200 : i32
    %rem3A_513 = vector.broadcast %rem3A_512 : i32 to vector<16xi32>
    %rem3A_514 = arith.remsi %add3A_511, %rem3A_513 : vector<16xi32>
    %add3A_515 = arith.constant 1 : i32
    %add3A_516 = vector.broadcast %add3A_515 : i32 to vector<16xi32>
    %add3A_517 = arith.addi %rem3A_514, %add3A_516 : vector<16xi32>
    %swap3A_518 = arith.constant 624 : index
    %swap3A_519 = tpu.vector_load %arg6[%swap3A_518] {strides = array<i32>} : memref<3200xi32, #tpu.memory_space<vmem>>, vector<16xi32>,
    %swap3A_520 = vector.shape_cast %swap3A_519 : vector<16xi32> to vector<16xi32>
    %swap3A_521 = vector.shape_cast %add3A_517 : vector<16xi32> to vector<16xi32>
    tpu.vector_store %arg6[%swap3A_518], %swap3A_521 {strides = array<i32>} : memref<3200xi32, #tpu.memory_space<vmem>>, vector<16xi32>,
    %add3A_522 = arith.constant 640 : i32
    %add3A_523 = vector.broadcast %add3A_522 : i32 to vector<16xi32>
    %add3A_524 = arith.addi %iota3A, %add3A_523 : vector<16xi32>
    %rem3A_525 = arith.constant 200 : i32
    %rem3A_526 = vector.broadcast %rem3A_525 : i32 to vector<16xi32>
    %rem3A_527 = arith.remsi %add3A_524, %rem3A_526 : vector<16xi32>
    %add3A_528 = arith.constant 1 : i32
    %add3A_529 = vector.broadcast %add3A_528 : i32 to vector<16xi32>
    %add3A_530 = arith.addi %rem3A_527, %add3A_529 : vector<16xi32>
    %swap3A_531 = arith.constant 640 : index
    %swap3A_532 = tpu.vector_load %arg6[%swap3A_531] {strides = array<i32>} : memref<3200xi32, #tpu.memory_space<vmem>>, vector<16xi32>,
    %swap3A_533 = vector.shape_cast %swap3A_532 : vector<16xi32> to vector<16xi32>
    %swap3A_534 = vector.shape_cast %add3A_530 : vector<16xi32> to vector<16xi32>
    tpu.vector_store %arg6[%swap3A_531], %swap3A_534 {strides = array<i32>} : memref<3200xi32, #tpu.memory_space<vmem>>, vector<16xi32>,
    %add3A_535 = arith.constant 656 : i32
    %add3A_536 = vector.broadcast %add3A_535 : i32 to vector<16xi32>
    %add3A_537 = arith.addi %iota3A, %add3A_536 : vector<16xi32>
    %rem3A_538 = arith.constant 200 : i32
    %rem3A_539 = vector.broadcast %rem3A_538 : i32 to vector<16xi32>
    %rem3A_540 = arith.remsi %add3A_537, %rem3A_539 : vector<16xi32>
    %add3A_541 = arith.constant 1 : i32
    %add3A_542 = vector.broadcast %add3A_541 : i32 to vector<16xi32>
    %add3A_543 = arith.addi %rem3A_540, %add3A_542 : vector<16xi32>
    %swap3A_544 = arith.constant 656 : index
    %swap3A_545 = tpu.vector_load %arg6[%swap3A_544] {strides = array<i32>} : memref<3200xi32, #tpu.memory_space<vmem>>, vector<16xi32>,
    %swap3A_546 = vector.shape_cast %swap3A_545 : vector<16xi32> to vector<16xi32>
    %swap3A_547 = vector.shape_cast %add3A_543 : vector<16xi32> to vector<16xi32>
    tpu.vector_store %arg6[%swap3A_544], %swap3A_547 {strides = array<i32>} : memref<3200xi32, #tpu.memory_space<vmem>>, vector<16xi32>,
    %add3A_548 = arith.constant 672 : i32
    %add3A_549 = vector.broadcast %add3A_548 : i32 to vector<16xi32>
    %add3A_550 = arith.addi %iota3A, %add3A_549 : vector<16xi32>
    %rem3A_551 = arith.constant 200 : i32
    %rem3A_552 = vector.broadcast %rem3A_551 : i32 to vector<16xi32>
    %rem3A_553 = arith.remsi %add3A_550, %rem3A_552 : vector<16xi32>
    %add3A_554 = arith.constant 1 : i32
    %add3A_555 = vector.broadcast %add3A_554 : i32 to vector<16xi32>
    %add3A_556 = arith.addi %rem3A_553, %add3A_555 : vector<16xi32>
    %swap3A_557 = arith.constant 672 : index
    %swap3A_558 = tpu.vector_load %arg6[%swap3A_557] {strides = array<i32>} : memref<3200xi32, #tpu.memory_space<vmem>>, vector<16xi32>,
    %swap3A_559 = vector.shape_cast %swap3A_558 : vector<16xi32> to vector<16xi32>
    %swap3A_560 = vector.shape_cast %add3A_556 : vector<16xi32> to vector<16xi32>
    tpu.vector_store %arg6[%swap3A_557], %swap3A_560 {strides = array<i32>} : memref<3200xi32, #tpu.memory_space<vmem>>, vector<16xi32>,
    %add3A_561 = arith.constant 688 : i32
    %add3A_562 = vector.broadcast %add3A_561 : i32 to vector<16xi32>
    %add3A_563 = arith.addi %iota3A, %add3A_562 : vector<16xi32>
    %rem3A_564 = arith.constant 200 : i32
    %rem3A_565 = vector.broadcast %rem3A_564 : i32 to vector<16xi32>
    %rem3A_566 = arith.remsi %add3A_563, %rem3A_565 : vector<16xi32>
    %add3A_567 = arith.constant 1 : i32
    %add3A_568 = vector.broadcast %add3A_567 : i32 to vector<16xi32>
    %add3A_569 = arith.addi %rem3A_566, %add3A_568 : vector<16xi32>
    %swap3A_570 = arith.constant 688 : index
    %swap3A_571 = tpu.vector_load %arg6[%swap3A_570] {strides = array<i32>} : memref<3200xi32, #tpu.memory_space<vmem>>, vector<16xi32>,
    %swap3A_572 = vector.shape_cast %swap3A_571 : vector<16xi32> to vector<16xi32>
    %swap3A_573 = vector.shape_cast %add3A_569 : vector<16xi32> to vector<16xi32>
    tpu.vector_store %arg6[%swap3A_570], %swap3A_573 {strides = array<i32>} : memref<3200xi32, #tpu.memory_space<vmem>>, vector<16xi32>,
    %add3A_574 = arith.constant 704 : i32
    %add3A_575 = vector.broadcast %add3A_574 : i32 to vector<16xi32>
    %add3A_576 = arith.addi %iota3A, %add3A_575 : vector<16xi32>
    %rem3A_577 = arith.constant 200 : i32
    %rem3A_578 = vector.broadcast %rem3A_577 : i32 to vector<16xi32>
    %rem3A_579 = arith.remsi %add3A_576, %rem3A_578 : vector<16xi32>
    %add3A_580 = arith.constant 1 : i32
    %add3A_581 = vector.broadcast %add3A_580 : i32 to vector<16xi32>
    %add3A_582 = arith.addi %rem3A_579, %add3A_581 : vector<16xi32>
    %swap3A_583 = arith.constant 704 : index
    %swap3A_584 = tpu.vector_load %arg6[%swap3A_583] {strides = array<i32>} : memref<3200xi32, #tpu.memory_space<vmem>>, vector<16xi32>,
    %swap3A_585 = vector.shape_cast %swap3A_584 : vector<16xi32> to vector<16xi32>
    %swap3A_586 = vector.shape_cast %add3A_582 : vector<16xi32> to vector<16xi32>
    tpu.vector_store %arg6[%swap3A_583], %swap3A_586 {strides = array<i32>} : memref<3200xi32, #tpu.memory_space<vmem>>, vector<16xi32>,
    %add3A_587 = arith.constant 720 : i32
    %add3A_588 = vector.broadcast %add3A_587 : i32 to vector<16xi32>
    %add3A_589 = arith.addi %iota3A, %add3A_588 : vector<16xi32>
    %rem3A_590 = arith.constant 200 : i32
    %rem3A_591 = vector.broadcast %rem3A_590 : i32 to vector<16xi32>
    %rem3A_592 = arith.remsi %add3A_589, %rem3A_591 : vector<16xi32>
    %add3A_593 = arith.constant 1 : i32
    %add3A_594 = vector.broadcast %add3A_593 : i32 to vector<16xi32>
    %add3A_595 = arith.addi %rem3A_592, %add3A_594 : vector<16xi32>
    %swap3A_596 = arith.constant 720 : index
    %swap3A_597 = tpu.vector_load %arg6[%swap3A_596] {strides = array<i32>} : memref<3200xi32, #tpu.memory_space<vmem>>, vector<16xi32>,
    %swap3A_598 = vector.shape_cast %swap3A_597 : vector<16xi32> to vector<16xi32>
    %swap3A_599 = vector.shape_cast %add3A_595 : vector<16xi32> to vector<16xi32>
    tpu.vector_store %arg6[%swap3A_596], %swap3A_599 {strides = array<i32>} : memref<3200xi32, #tpu.memory_space<vmem>>, vector<16xi32>,
    %add3A_600 = arith.constant 736 : i32
    %add3A_601 = vector.broadcast %add3A_600 : i32 to vector<16xi32>
    %add3A_602 = arith.addi %iota3A, %add3A_601 : vector<16xi32>
    %rem3A_603 = arith.constant 200 : i32
    %rem3A_604 = vector.broadcast %rem3A_603 : i32 to vector<16xi32>
    %rem3A_605 = arith.remsi %add3A_602, %rem3A_604 : vector<16xi32>
    %add3A_606 = arith.constant 1 : i32
    %add3A_607 = vector.broadcast %add3A_606 : i32 to vector<16xi32>
    %add3A_608 = arith.addi %rem3A_605, %add3A_607 : vector<16xi32>
    %swap3A_609 = arith.constant 736 : index
    %swap3A_610 = tpu.vector_load %arg6[%swap3A_609] {strides = array<i32>} : memref<3200xi32, #tpu.memory_space<vmem>>, vector<16xi32>,
    %swap3A_611 = vector.shape_cast %swap3A_610 : vector<16xi32> to vector<16xi32>
    %swap3A_612 = vector.shape_cast %add3A_608 : vector<16xi32> to vector<16xi32>
    tpu.vector_store %arg6[%swap3A_609], %swap3A_612 {strides = array<i32>} : memref<3200xi32, #tpu.memory_space<vmem>>, vector<16xi32>,
    %add3A_613 = arith.constant 752 : i32
    %add3A_614 = vector.broadcast %add3A_613 : i32 to vector<16xi32>
    %add3A_615 = arith.addi %iota3A, %add3A_614 : vector<16xi32>
    %rem3A_616 = arith.constant 200 : i32
    %rem3A_617 = vector.broadcast %rem3A_616 : i32 to vector<16xi32>
    %rem3A_618 = arith.remsi %add3A_615, %rem3A_617 : vector<16xi32>
    %add3A_619 = arith.constant 1 : i32
    %add3A_620 = vector.broadcast %add3A_619 : i32 to vector<16xi32>
    %add3A_621 = arith.addi %rem3A_618, %add3A_620 : vector<16xi32>
    %swap3A_622 = arith.constant 752 : index
    %swap3A_623 = tpu.vector_load %arg6[%swap3A_622] {strides = array<i32>} : memref<3200xi32, #tpu.memory_space<vmem>>, vector<16xi32>,
    %swap3A_624 = vector.shape_cast %swap3A_623 : vector<16xi32> to vector<16xi32>
    %swap3A_625 = vector.shape_cast %add3A_621 : vector<16xi32> to vector<16xi32>
    tpu.vector_store %arg6[%swap3A_622], %swap3A_625 {strides = array<i32>} : memref<3200xi32, #tpu.memory_space<vmem>>, vector<16xi32>,
    %add3A_626 = arith.constant 768 : i32
    %add3A_627 = vector.broadcast %add3A_626 : i32 to vector<16xi32>
    %add3A_628 = arith.addi %iota3A, %add3A_627 : vector<16xi32>
    %rem3A_629 = arith.constant 200 : i32
    %rem3A_630 = vector.broadcast %rem3A_629 : i32 to vector<16xi32>
    %rem3A_631 = arith.remsi %add3A_628, %rem3A_630 : vector<16xi32>
    %add3A_632 = arith.constant 1 : i32
    %add3A_633 = vector.broadcast %add3A_632 : i32 to vector<16xi32>
    %add3A_634 = arith.addi %rem3A_631, %add3A_633 : vector<16xi32>
    %swap3A_635 = arith.constant 768 : index
    %swap3A_636 = tpu.vector_load %arg6[%swap3A_635] {strides = array<i32>} : memref<3200xi32, #tpu.memory_space<vmem>>, vector<16xi32>,
    %swap3A_637 = vector.shape_cast %swap3A_636 : vector<16xi32> to vector<16xi32>
    %swap3A_638 = vector.shape_cast %add3A_634 : vector<16xi32> to vector<16xi32>
    tpu.vector_store %arg6[%swap3A_635], %swap3A_638 {strides = array<i32>} : memref<3200xi32, #tpu.memory_space<vmem>>, vector<16xi32>,
    %add3A_639 = arith.constant 784 : i32
    %add3A_640 = vector.broadcast %add3A_639 : i32 to vector<16xi32>
    %add3A_641 = arith.addi %iota3A, %add3A_640 : vector<16xi32>
    %rem3A_642 = arith.constant 200 : i32
    %rem3A_643 = vector.broadcast %rem3A_642 : i32 to vector<16xi32>
    %rem3A_644 = arith.remsi %add3A_641, %rem3A_643 : vector<16xi32>
    %add3A_645 = arith.constant 1 : i32
    %add3A_646 = vector.broadcast %add3A_645 : i32 to vector<16xi32>
    %add3A_647 = arith.addi %rem3A_644, %add3A_646 : vector<16xi32>
    %swap3A_648 = arith.constant 784 : index
    %swap3A_649 = tpu.vector_load %arg6[%swap3A_648] {strides = array<i32>} : memref<3200xi32, #tpu.memory_space<vmem>>, vector<16xi32>,
    %swap3A_650 = vector.shape_cast %swap3A_649 : vector<16xi32> to vector<16xi32>
    %swap3A_651 = vector.shape_cast %add3A_647 : vector<16xi32> to vector<16xi32>
    tpu.vector_store %arg6[%swap3A_648], %swap3A_651 {strides = array<i32>} : memref<3200xi32, #tpu.memory_space<vmem>>, vector<16xi32>,
    %add3A_652 = arith.constant 800 : i32
    %add3A_653 = vector.broadcast %add3A_652 : i32 to vector<16xi32>
    %add3A_654 = arith.addi %iota3A, %add3A_653 : vector<16xi32>
    %rem3A_655 = arith.constant 200 : i32
    %rem3A_656 = vector.broadcast %rem3A_655 : i32 to vector<16xi32>
    %rem3A_657 = arith.remsi %add3A_654, %rem3A_656 : vector<16xi32>
    %add3A_658 = arith.constant 1 : i32
    %add3A_659 = vector.broadcast %add3A_658 : i32 to vector<16xi32>
    %add3A_660 = arith.addi %rem3A_657, %add3A_659 : vector<16xi32>
    %swap3A_661 = arith.constant 800 : index
    %swap3A_662 = tpu.vector_load %arg6[%swap3A_661] {strides = array<i32>} : memref<3200xi32, #tpu.memory_space<vmem>>, vector<16xi32>,
    %swap3A_663 = vector.shape_cast %swap3A_662 : vector<16xi32> to vector<16xi32>
    %swap3A_664 = vector.shape_cast %add3A_660 : vector<16xi32> to vector<16xi32>
    tpu.vector_store %arg6[%swap3A_661], %swap3A_664 {strides = array<i32>} : memref<3200xi32, #tpu.memory_space<vmem>>, vector<16xi32>,
    %add3A_665 = arith.constant 816 : i32
    %add3A_666 = vector.broadcast %add3A_665 : i32 to vector<16xi32>
    %add3A_667 = arith.addi %iota3A, %add3A_666 : vector<16xi32>
    %rem3A_668 = arith.constant 200 : i32
    %rem3A_669 = vector.broadcast %rem3A_668 : i32 to vector<16xi32>
    %rem3A_670 = arith.remsi %add3A_667, %rem3A_669 : vector<16xi32>
    %add3A_671 = arith.constant 1 : i32
    %add3A_672 = vector.broadcast %add3A_671 : i32 to vector<16xi32>
    %add3A_673 = arith.addi %rem3A_670, %add3A_672 : vector<16xi32>
    %swap3A_674 = arith.constant 816 : index
    %swap3A_675 = tpu.vector_load %arg6[%swap3A_674] {strides = array<i32>} : memref<3200xi32, #tpu.memory_space<vmem>>, vector<16xi32>,
    %swap3A_676 = vector.shape_cast %swap3A_675 : vector<16xi32> to vector<16xi32>
    %swap3A_677 = vector.shape_cast %add3A_673 : vector<16xi32> to vector<16xi32>
    tpu.vector_store %arg6[%swap3A_674], %swap3A_677 {strides = array<i32>} : memref<3200xi32, #tpu.memory_space<vmem>>, vector<16xi32>,
    %add3A_678 = arith.constant 832 : i32
    %add3A_679 = vector.broadcast %add3A_678 : i32 to vector<16xi32>
    %add3A_680 = arith.addi %iota3A, %add3A_679 : vector<16xi32>
    %rem3A_681 = arith.constant 200 : i32
    %rem3A_682 = vector.broadcast %rem3A_681 : i32 to vector<16xi32>
    %rem3A_683 = arith.remsi %add3A_680, %rem3A_682 : vector<16xi32>
    %add3A_684 = arith.constant 1 : i32
    %add3A_685 = vector.broadcast %add3A_684 : i32 to vector<16xi32>
    %add3A_686 = arith.addi %rem3A_683, %add3A_685 : vector<16xi32>
    %swap3A_687 = arith.constant 832 : index
    %swap3A_688 = tpu.vector_load %arg6[%swap3A_687] {strides = array<i32>} : memref<3200xi32, #tpu.memory_space<vmem>>, vector<16xi32>,
    %swap3A_689 = vector.shape_cast %swap3A_688 : vector<16xi32> to vector<16xi32>
    %swap3A_690 = vector.shape_cast %add3A_686 : vector<16xi32> to vector<16xi32>
    tpu.vector_store %arg6[%swap3A_687], %swap3A_690 {strides = array<i32>} : memref<3200xi32, #tpu.memory_space<vmem>>, vector<16xi32>,
    %add3A_691 = arith.constant 848 : i32
    %add3A_692 = vector.broadcast %add3A_691 : i32 to vector<16xi32>
    %add3A_693 = arith.addi %iota3A, %add3A_692 : vector<16xi32>
    %rem3A_694 = arith.constant 200 : i32
    %rem3A_695 = vector.broadcast %rem3A_694 : i32 to vector<16xi32>
    %rem3A_696 = arith.remsi %add3A_693, %rem3A_695 : vector<16xi32>
    %add3A_697 = arith.constant 1 : i32
    %add3A_698 = vector.broadcast %add3A_697 : i32 to vector<16xi32>
    %add3A_699 = arith.addi %rem3A_696, %add3A_698 : vector<16xi32>
    %swap3A_700 = arith.constant 848 : index
    %swap3A_701 = tpu.vector_load %arg6[%swap3A_700] {strides = array<i32>} : memref<3200xi32, #tpu.memory_space<vmem>>, vector<16xi32>,
    %swap3A_702 = vector.shape_cast %swap3A_701 : vector<16xi32> to vector<16xi32>
    %swap3A_703 = vector.shape_cast %add3A_699 : vector<16xi32> to vector<16xi32>
    tpu.vector_store %arg6[%swap3A_700], %swap3A_703 {strides = array<i32>} : memref<3200xi32, #tpu.memory_space<vmem>>, vector<16xi32>,
    %add3A_704 = arith.constant 864 : i32
    %add3A_705 = vector.broadcast %add3A_704 : i32 to vector<16xi32>
    %add3A_706 = arith.addi %iota3A, %add3A_705 : vector<16xi32>
    %rem3A_707 = arith.constant 200 : i32
    %rem3A_708 = vector.broadcast %rem3A_707 : i32 to vector<16xi32>
    %rem3A_709 = arith.remsi %add3A_706, %rem3A_708 : vector<16xi32>
    %add3A_710 = arith.constant 1 : i32
    %add3A_711 = vector.broadcast %add3A_710 : i32 to vector<16xi32>
    %add3A_712 = arith.addi %rem3A_709, %add3A_711 : vector<16xi32>
    %swap3A_713 = arith.constant 864 : index
    %swap3A_714 = tpu.vector_load %arg6[%swap3A_713] {strides = array<i32>} : memref<3200xi32, #tpu.memory_space<vmem>>, vector<16xi32>,
    %swap3A_715 = vector.shape_cast %swap3A_714 : vector<16xi32> to vector<16xi32>
    %swap3A_716 = vector.shape_cast %add3A_712 : vector<16xi32> to vector<16xi32>
    tpu.vector_store %arg6[%swap3A_713], %swap3A_716 {strides = array<i32>} : memref<3200xi32, #tpu.memory_space<vmem>>, vector<16xi32>,
    %add3A_717 = arith.constant 880 : i32
    %add3A_718 = vector.broadcast %add3A_717 : i32 to vector<16xi32>
    %add3A_719 = arith.addi %iota3A, %add3A_718 : vector<16xi32>
    %rem3A_720 = arith.constant 200 : i32
    %rem3A_721 = vector.broadcast %rem3A_720 : i32 to vector<16xi32>
    %rem3A_722 = arith.remsi %add3A_719, %rem3A_721 : vector<16xi32>
    %add3A_723 = arith.constant 1 : i32
    %add3A_724 = vector.broadcast %add3A_723 : i32 to vector<16xi32>
    %add3A_725 = arith.addi %rem3A_722, %add3A_724 : vector<16xi32>
    %swap3A_726 = arith.constant 880 : index
    %swap3A_727 = tpu.vector_load %arg6[%swap3A_726] {strides = array<i32>} : memref<3200xi32, #tpu.memory_space<vmem>>, vector<16xi32>,
    %swap3A_728 = vector.shape_cast %swap3A_727 : vector<16xi32> to vector<16xi32>
    %swap3A_729 = vector.shape_cast %add3A_725 : vector<16xi32> to vector<16xi32>
    tpu.vector_store %arg6[%swap3A_726], %swap3A_729 {strides = array<i32>} : memref<3200xi32, #tpu.memory_space<vmem>>, vector<16xi32>,
    %add3A_730 = arith.constant 896 : i32
    %add3A_731 = vector.broadcast %add3A_730 : i32 to vector<16xi32>
    %add3A_732 = arith.addi %iota3A, %add3A_731 : vector<16xi32>
    %rem3A_733 = arith.constant 200 : i32
    %rem3A_734 = vector.broadcast %rem3A_733 : i32 to vector<16xi32>
    %rem3A_735 = arith.remsi %add3A_732, %rem3A_734 : vector<16xi32>
    %add3A_736 = arith.constant 1 : i32
    %add3A_737 = vector.broadcast %add3A_736 : i32 to vector<16xi32>
    %add3A_738 = arith.addi %rem3A_735, %add3A_737 : vector<16xi32>
    %swap3A_739 = arith.constant 896 : index
    %swap3A_740 = tpu.vector_load %arg6[%swap3A_739] {strides = array<i32>} : memref<3200xi32, #tpu.memory_space<vmem>>, vector<16xi32>,
    %swap3A_741 = vector.shape_cast %swap3A_740 : vector<16xi32> to vector<16xi32>
    %swap3A_742 = vector.shape_cast %add3A_738 : vector<16xi32> to vector<16xi32>
    tpu.vector_store %arg6[%swap3A_739], %swap3A_742 {strides = array<i32>} : memref<3200xi32, #tpu.memory_space<vmem>>, vector<16xi32>,
    %add3A_743 = arith.constant 912 : i32
    %add3A_744 = vector.broadcast %add3A_743 : i32 to vector<16xi32>
    %add3A_745 = arith.addi %iota3A, %add3A_744 : vector<16xi32>
    %rem3A_746 = arith.constant 200 : i32
    %rem3A_747 = vector.broadcast %rem3A_746 : i32 to vector<16xi32>
    %rem3A_748 = arith.remsi %add3A_745, %rem3A_747 : vector<16xi32>
    %add3A_749 = arith.constant 1 : i32
    %add3A_750 = vector.broadcast %add3A_749 : i32 to vector<16xi32>
    %add3A_751 = arith.addi %rem3A_748, %add3A_750 : vector<16xi32>
    %swap3A_752 = arith.constant 912 : index
    %swap3A_753 = tpu.vector_load %arg6[%swap3A_752] {strides = array<i32>} : memref<3200xi32, #tpu.memory_space<vmem>>, vector<16xi32>,
    %swap3A_754 = vector.shape_cast %swap3A_753 : vector<16xi32> to vector<16xi32>
    %swap3A_755 = vector.shape_cast %add3A_751 : vector<16xi32> to vector<16xi32>
    tpu.vector_store %arg6[%swap3A_752], %swap3A_755 {strides = array<i32>} : memref<3200xi32, #tpu.memory_space<vmem>>, vector<16xi32>,
    %add3A_756 = arith.constant 928 : i32
    %add3A_757 = vector.broadcast %add3A_756 : i32 to vector<16xi32>
    %add3A_758 = arith.addi %iota3A, %add3A_757 : vector<16xi32>
    %rem3A_759 = arith.constant 200 : i32
    %rem3A_760 = vector.broadcast %rem3A_759 : i32 to vector<16xi32>
    %rem3A_761 = arith.remsi %add3A_758, %rem3A_760 : vector<16xi32>
    %add3A_762 = arith.constant 1 : i32
    %add3A_763 = vector.broadcast %add3A_762 : i32 to vector<16xi32>
    %add3A_764 = arith.addi %rem3A_761, %add3A_763 : vector<16xi32>
    %swap3A_765 = arith.constant 928 : index
    %swap3A_766 = tpu.vector_load %arg6[%swap3A_765] {strides = array<i32>} : memref<3200xi32, #tpu.memory_space<vmem>>, vector<16xi32>,
    %swap3A_767 = vector.shape_cast %swap3A_766 : vector<16xi32> to vector<16xi32>
    %swap3A_768 = vector.shape_cast %add3A_764 : vector<16xi32> to vector<16xi32>
    tpu.vector_store %arg6[%swap3A_765], %swap3A_768 {strides = array<i32>} : memref<3200xi32, #tpu.memory_space<vmem>>, vector<16xi32>,
    %add3A_769 = arith.constant 944 : i32
    %add3A_770 = vector.broadcast %add3A_769 : i32 to vector<16xi32>
    %add3A_771 = arith.addi %iota3A, %add3A_770 : vector<16xi32>
    %rem3A_772 = arith.constant 200 : i32
    %rem3A_773 = vector.broadcast %rem3A_772 : i32 to vector<16xi32>
    %rem3A_774 = arith.remsi %add3A_771, %rem3A_773 : vector<16xi32>
    %add3A_775 = arith.constant 1 : i32
    %add3A_776 = vector.broadcast %add3A_775 : i32 to vector<16xi32>
    %add3A_777 = arith.addi %rem3A_774, %add3A_776 : vector<16xi32>
    %swap3A_778 = arith.constant 944 : index
    %swap3A_779 = tpu.vector_load %arg6[%swap3A_778] {strides = array<i32>} : memref<3200xi32, #tpu.memory_space<vmem>>, vector<16xi32>,
    %swap3A_780 = vector.shape_cast %swap3A_779 : vector<16xi32> to vector<16xi32>
    %swap3A_781 = vector.shape_cast %add3A_777 : vector<16xi32> to vector<16xi32>
    tpu.vector_store %arg6[%swap3A_778], %swap3A_781 {strides = array<i32>} : memref<3200xi32, #tpu.memory_space<vmem>>, vector<16xi32>,
    %add3A_782 = arith.constant 960 : i32
    %add3A_783 = vector.broadcast %add3A_782 : i32 to vector<16xi32>
    %add3A_784 = arith.addi %iota3A, %add3A_783 : vector<16xi32>
    %rem3A_785 = arith.constant 200 : i32
    %rem3A_786 = vector.broadcast %rem3A_785 : i32 to vector<16xi32>
    %rem3A_787 = arith.remsi %add3A_784, %rem3A_786 : vector<16xi32>
    %add3A_788 = arith.constant 1 : i32
    %add3A_789 = vector.broadcast %add3A_788 : i32 to vector<16xi32>
    %add3A_790 = arith.addi %rem3A_787, %add3A_789 : vector<16xi32>
    %swap3A_791 = arith.constant 960 : index
    %swap3A_792 = tpu.vector_load %arg6[%swap3A_791] {strides = array<i32>} : memref<3200xi32, #tpu.memory_space<vmem>>, vector<16xi32>,
    %swap3A_793 = vector.shape_cast %swap3A_792 : vector<16xi32> to vector<16xi32>
    %swap3A_794 = vector.shape_cast %add3A_790 : vector<16xi32> to vector<16xi32>
    tpu.vector_store %arg6[%swap3A_791], %swap3A_794 {strides = array<i32>} : memref<3200xi32, #tpu.memory_space<vmem>>, vector<16xi32>,
    %add3A_795 = arith.constant 976 : i32
    %add3A_796 = vector.broadcast %add3A_795 : i32 to vector<16xi32>
    %add3A_797 = arith.addi %iota3A, %add3A_796 : vector<16xi32>
    %rem3A_798 = arith.constant 200 : i32
    %rem3A_799 = vector.broadcast %rem3A_798 : i32 to vector<16xi32>
    %rem3A_800 = arith.remsi %add3A_797, %rem3A_799 : vector<16xi32>
    %add3A_801 = arith.constant 1 : i32
    %add3A_802 = vector.broadcast %add3A_801 : i32 to vector<16xi32>
    %add3A_803 = arith.addi %rem3A_800, %add3A_802 : vector<16xi32>
    %swap3A_804 = arith.constant 976 : index
    %swap3A_805 = tpu.vector_load %arg6[%swap3A_804] {strides = array<i32>} : memref<3200xi32, #tpu.memory_space<vmem>>, vector<16xi32>,
    %swap3A_806 = vector.shape_cast %swap3A_805 : vector<16xi32> to vector<16xi32>
    %swap3A_807 = vector.shape_cast %add3A_803 : vector<16xi32> to vector<16xi32>
    tpu.vector_store %arg6[%swap3A_804], %swap3A_807 {strides = array<i32>} : memref<3200xi32, #tpu.memory_space<vmem>>, vector<16xi32>,
    %add3A_808 = arith.constant 992 : i32
    %add3A_809 = vector.broadcast %add3A_808 : i32 to vector<16xi32>
    %add3A_810 = arith.addi %iota3A, %add3A_809 : vector<16xi32>
    %rem3A_811 = arith.constant 200 : i32
    %rem3A_812 = vector.broadcast %rem3A_811 : i32 to vector<16xi32>
    %rem3A_813 = arith.remsi %add3A_810, %rem3A_812 : vector<16xi32>
    %add3A_814 = arith.constant 1 : i32
    %add3A_815 = vector.broadcast %add3A_814 : i32 to vector<16xi32>
    %add3A_816 = arith.addi %rem3A_813, %add3A_815 : vector<16xi32>
    %swap3A_817 = arith.constant 992 : index
    %swap3A_818 = tpu.vector_load %arg6[%swap3A_817] {strides = array<i32>} : memref<3200xi32, #tpu.memory_space<vmem>>, vector<16xi32>,
    %swap3A_819 = vector.shape_cast %swap3A_818 : vector<16xi32> to vector<16xi32>
    %swap3A_820 = vector.shape_cast %add3A_816 : vector<16xi32> to vector<16xi32>
    tpu.vector_store %arg6[%swap3A_817], %swap3A_820 {strides = array<i32>} : memref<3200xi32, #tpu.memory_space<vmem>>, vector<16xi32>,
    %add3A_821 = arith.constant 1008 : i32
    %add3A_822 = vector.broadcast %add3A_821 : i32 to vector<16xi32>
    %add3A_823 = arith.addi %iota3A, %add3A_822 : vector<16xi32>
    %rem3A_824 = arith.constant 200 : i32
    %rem3A_825 = vector.broadcast %rem3A_824 : i32 to vector<16xi32>
    %rem3A_826 = arith.remsi %add3A_823, %rem3A_825 : vector<16xi32>
    %add3A_827 = arith.constant 1 : i32
    %add3A_828 = vector.broadcast %add3A_827 : i32 to vector<16xi32>
    %add3A_829 = arith.addi %rem3A_826, %add3A_828 : vector<16xi32>
    %swap3A_830 = arith.constant 1008 : index
    %swap3A_831 = tpu.vector_load %arg6[%swap3A_830] {strides = array<i32>} : memref<3200xi32, #tpu.memory_space<vmem>>, vector<16xi32>,
    %swap3A_832 = vector.shape_cast %swap3A_831 : vector<16xi32> to vector<16xi32>
    %swap3A_833 = vector.shape_cast %add3A_829 : vector<16xi32> to vector<16xi32>
    tpu.vector_store %arg6[%swap3A_830], %swap3A_833 {strides = array<i32>} : memref<3200xi32, #tpu.memory_space<vmem>>, vector<16xi32>,
    %add3A_834 = arith.constant 1024 : i32
    %add3A_835 = vector.broadcast %add3A_834 : i32 to vector<16xi32>
    %add3A_836 = arith.addi %iota3A, %add3A_835 : vector<16xi32>
    %rem3A_837 = arith.constant 200 : i32
    %rem3A_838 = vector.broadcast %rem3A_837 : i32 to vector<16xi32>
    %rem3A_839 = arith.remsi %add3A_836, %rem3A_838 : vector<16xi32>
    %add3A_840 = arith.constant 1 : i32
    %add3A_841 = vector.broadcast %add3A_840 : i32 to vector<16xi32>
    %add3A_842 = arith.addi %rem3A_839, %add3A_841 : vector<16xi32>
    %swap3A_843 = arith.constant 1024 : index
    %swap3A_844 = tpu.vector_load %arg6[%swap3A_843] {strides = array<i32>} : memref<3200xi32, #tpu.memory_space<vmem>>, vector<16xi32>,
    %swap3A_845 = vector.shape_cast %swap3A_844 : vector<16xi32> to vector<16xi32>
    %swap3A_846 = vector.shape_cast %add3A_842 : vector<16xi32> to vector<16xi32>
    tpu.vector_store %arg6[%swap3A_843], %swap3A_846 {strides = array<i32>} : memref<3200xi32, #tpu.memory_space<vmem>>, vector<16xi32>,
    %add3A_847 = arith.constant 1040 : i32
    %add3A_848 = vector.broadcast %add3A_847 : i32 to vector<16xi32>
    %add3A_849 = arith.addi %iota3A, %add3A_848 : vector<16xi32>
    %rem3A_850 = arith.constant 200 : i32
    %rem3A_851 = vector.broadcast %rem3A_850 : i32 to vector<16xi32>
    %rem3A_852 = arith.remsi %add3A_849, %rem3A_851 : vector<16xi32>
    %add3A_853 = arith.constant 1 : i32
    %add3A_854 = vector.broadcast %add3A_853 : i32 to vector<16xi32>
    %add3A_855 = arith.addi %rem3A_852, %add3A_854 : vector<16xi32>
    %swap3A_856 = arith.constant 1040 : index
    %swap3A_857 = tpu.vector_load %arg6[%swap3A_856] {strides = array<i32>} : memref<3200xi32, #tpu.memory_space<vmem>>, vector<16xi32>,
    %swap3A_858 = vector.shape_cast %swap3A_857 : vector<16xi32> to vector<16xi32>
    %swap3A_859 = vector.shape_cast %add3A_855 : vector<16xi32> to vector<16xi32>
    tpu.vector_store %arg6[%swap3A_856], %swap3A_859 {strides = array<i32>} : memref<3200xi32, #tpu.memory_space<vmem>>, vector<16xi32>,
    %add3A_860 = arith.constant 1056 : i32
    %add3A_861 = vector.broadcast %add3A_860 : i32 to vector<16xi32>
    %add3A_862 = arith.addi %iota3A, %add3A_861 : vector<16xi32>
    %rem3A_863 = arith.constant 200 : i32
    %rem3A_864 = vector.broadcast %rem3A_863 : i32 to vector<16xi32>
    %rem3A_865 = arith.remsi %add3A_862, %rem3A_864 : vector<16xi32>
    %add3A_866 = arith.constant 1 : i32
    %add3A_867 = vector.broadcast %add3A_866 : i32 to vector<16xi32>
    %add3A_868 = arith.addi %rem3A_865, %add3A_867 : vector<16xi32>
    %swap3A_869 = arith.constant 1056 : index
    %swap3A_870 = tpu.vector_load %arg6[%swap3A_869] {strides = array<i32>} : memref<3200xi32, #tpu.memory_space<vmem>>, vector<16xi32>,
    %swap3A_871 = vector.shape_cast %swap3A_870 : vector<16xi32> to vector<16xi32>
    %swap3A_872 = vector.shape_cast %add3A_868 : vector<16xi32> to vector<16xi32>
    tpu.vector_store %arg6[%swap3A_869], %swap3A_872 {strides = array<i32>} : memref<3200xi32, #tpu.memory_space<vmem>>, vector<16xi32>,
    %add3A_873 = arith.constant 1072 : i32
    %add3A_874 = vector.broadcast %add3A_873 : i32 to vector<16xi32>
    %add3A_875 = arith.addi %iota3A, %add3A_874 : vector<16xi32>
    %rem3A_876 = arith.constant 200 : i32
    %rem3A_877 = vector.broadcast %rem3A_876 : i32 to vector<16xi32>
    %rem3A_878 = arith.remsi %add3A_875, %rem3A_877 : vector<16xi32>
    %add3A_879 = arith.constant 1 : i32
    %add3A_880 = vector.broadcast %add3A_879 : i32 to vector<16xi32>
    %add3A_881 = arith.addi %rem3A_878, %add3A_880 : vector<16xi32>
    %swap3A_882 = arith.constant 1072 : index
    %swap3A_883 = tpu.vector_load %arg6[%swap3A_882] {strides = array<i32>} : memref<3200xi32, #tpu.memory_space<vmem>>, vector<16xi32>,
    %swap3A_884 = vector.shape_cast %swap3A_883 : vector<16xi32> to vector<16xi32>
    %swap3A_885 = vector.shape_cast %add3A_881 : vector<16xi32> to vector<16xi32>
    tpu.vector_store %arg6[%swap3A_882], %swap3A_885 {strides = array<i32>} : memref<3200xi32, #tpu.memory_space<vmem>>, vector<16xi32>,
    %add3A_886 = arith.constant 1088 : i32
    %add3A_887 = vector.broadcast %add3A_886 : i32 to vector<16xi32>
    %add3A_888 = arith.addi %iota3A, %add3A_887 : vector<16xi32>
    %rem3A_889 = arith.constant 200 : i32
    %rem3A_890 = vector.broadcast %rem3A_889 : i32 to vector<16xi32>
    %rem3A_891 = arith.remsi %add3A_888, %rem3A_890 : vector<16xi32>
    %add3A_892 = arith.constant 1 : i32
    %add3A_893 = vector.broadcast %add3A_892 : i32 to vector<16xi32>
    %add3A_894 = arith.addi %rem3A_891, %add3A_893 : vector<16xi32>
    %swap3A_895 = arith.constant 1088 : index
    %swap3A_896 = tpu.vector_load %arg6[%swap3A_895] {strides = array<i32>} : memref<3200xi32, #tpu.memory_space<vmem>>, vector<16xi32>,
    %swap3A_897 = vector.shape_cast %swap3A_896 : vector<16xi32> to vector<16xi32>
    %swap3A_898 = vector.shape_cast %add3A_894 : vector<16xi32> to vector<16xi32>
    tpu.vector_store %arg6[%swap3A_895], %swap3A_898 {strides = array<i32>} : memref<3200xi32, #tpu.memory_space<vmem>>, vector<16xi32>,
    %add3A_899 = arith.constant 1104 : i32
    %add3A_900 = vector.broadcast %add3A_899 : i32 to vector<16xi32>
    %add3A_901 = arith.addi %iota3A, %add3A_900 : vector<16xi32>
    %rem3A_902 = arith.constant 200 : i32
    %rem3A_903 = vector.broadcast %rem3A_902 : i32 to vector<16xi32>
    %rem3A_904 = arith.remsi %add3A_901, %rem3A_903 : vector<16xi32>
    %add3A_905 = arith.constant 1 : i32
    %add3A_906 = vector.broadcast %add3A_905 : i32 to vector<16xi32>
    %add3A_907 = arith.addi %rem3A_904, %add3A_906 : vector<16xi32>
    %swap3A_908 = arith.constant 1104 : index
    %swap3A_909 = tpu.vector_load %arg6[%swap3A_908] {strides = array<i32>} : memref<3200xi32, #tpu.memory_space<vmem>>, vector<16xi32>,
    %swap3A_910 = vector.shape_cast %swap3A_909 : vector<16xi32> to vector<16xi32>
    %swap3A_911 = vector.shape_cast %add3A_907 : vector<16xi32> to vector<16xi32>
    tpu.vector_store %arg6[%swap3A_908], %swap3A_911 {strides = array<i32>} : memref<3200xi32, #tpu.memory_space<vmem>>, vector<16xi32>,
    %add3A_912 = arith.constant 1120 : i32
    %add3A_913 = vector.broadcast %add3A_912 : i32 to vector<16xi32>
    %add3A_914 = arith.addi %iota3A, %add3A_913 : vector<16xi32>
    %rem3A_915 = arith.constant 200 : i32
    %rem3A_916 = vector.broadcast %rem3A_915 : i32 to vector<16xi32>
    %rem3A_917 = arith.remsi %add3A_914, %rem3A_916 : vector<16xi32>
    %add3A_918 = arith.constant 1 : i32
    %add3A_919 = vector.broadcast %add3A_918 : i32 to vector<16xi32>
    %add3A_920 = arith.addi %rem3A_917, %add3A_919 : vector<16xi32>
    %swap3A_921 = arith.constant 1120 : index
    %swap3A_922 = tpu.vector_load %arg6[%swap3A_921] {strides = array<i32>} : memref<3200xi32, #tpu.memory_space<vmem>>, vector<16xi32>,
    %swap3A_923 = vector.shape_cast %swap3A_922 : vector<16xi32> to vector<16xi32>
    %swap3A_924 = vector.shape_cast %add3A_920 : vector<16xi32> to vector<16xi32>
    tpu.vector_store %arg6[%swap3A_921], %swap3A_924 {strides = array<i32>} : memref<3200xi32, #tpu.memory_space<vmem>>, vector<16xi32>,
    %add3A_925 = arith.constant 1136 : i32
    %add3A_926 = vector.broadcast %add3A_925 : i32 to vector<16xi32>
    %add3A_927 = arith.addi %iota3A, %add3A_926 : vector<16xi32>
    %rem3A_928 = arith.constant 200 : i32
    %rem3A_929 = vector.broadcast %rem3A_928 : i32 to vector<16xi32>
    %rem3A_930 = arith.remsi %add3A_927, %rem3A_929 : vector<16xi32>
    %add3A_931 = arith.constant 1 : i32
    %add3A_932 = vector.broadcast %add3A_931 : i32 to vector<16xi32>
    %add3A_933 = arith.addi %rem3A_930, %add3A_932 : vector<16xi32>
    %swap3A_934 = arith.constant 1136 : index
    %swap3A_935 = tpu.vector_load %arg6[%swap3A_934] {strides = array<i32>} : memref<3200xi32, #tpu.memory_space<vmem>>, vector<16xi32>,
    %swap3A_936 = vector.shape_cast %swap3A_935 : vector<16xi32> to vector<16xi32>
    %swap3A_937 = vector.shape_cast %add3A_933 : vector<16xi32> to vector<16xi32>
    tpu.vector_store %arg6[%swap3A_934], %swap3A_937 {strides = array<i32>} : memref<3200xi32, #tpu.memory_space<vmem>>, vector<16xi32>,
    %add3A_938 = arith.constant 1152 : i32
    %add3A_939 = vector.broadcast %add3A_938 : i32 to vector<16xi32>
    %add3A_940 = arith.addi %iota3A, %add3A_939 : vector<16xi32>
    %rem3A_941 = arith.constant 200 : i32
    %rem3A_942 = vector.broadcast %rem3A_941 : i32 to vector<16xi32>
    %rem3A_943 = arith.remsi %add3A_940, %rem3A_942 : vector<16xi32>
    %add3A_944 = arith.constant 1 : i32
    %add3A_945 = vector.broadcast %add3A_944 : i32 to vector<16xi32>
    %add3A_946 = arith.addi %rem3A_943, %add3A_945 : vector<16xi32>
    %swap3A_947 = arith.constant 1152 : index
    %swap3A_948 = tpu.vector_load %arg6[%swap3A_947] {strides = array<i32>} : memref<3200xi32, #tpu.memory_space<vmem>>, vector<16xi32>,
    %swap3A_949 = vector.shape_cast %swap3A_948 : vector<16xi32> to vector<16xi32>
    %swap3A_950 = vector.shape_cast %add3A_946 : vector<16xi32> to vector<16xi32>
    tpu.vector_store %arg6[%swap3A_947], %swap3A_950 {strides = array<i32>} : memref<3200xi32, #tpu.memory_space<vmem>>, vector<16xi32>,
    %add3A_951 = arith.constant 1168 : i32
    %add3A_952 = vector.broadcast %add3A_951 : i32 to vector<16xi32>
    %add3A_953 = arith.addi %iota3A, %add3A_952 : vector<16xi32>
    %rem3A_954 = arith.constant 200 : i32
    %rem3A_955 = vector.broadcast %rem3A_954 : i32 to vector<16xi32>
    %rem3A_956 = arith.remsi %add3A_953, %rem3A_955 : vector<16xi32>
    %add3A_957 = arith.constant 1 : i32
    %add3A_958 = vector.broadcast %add3A_957 : i32 to vector<16xi32>
    %add3A_959 = arith.addi %rem3A_956, %add3A_958 : vector<16xi32>
    %swap3A_960 = arith.constant 1168 : index
    %swap3A_961 = tpu.vector_load %arg6[%swap3A_960] {strides = array<i32>} : memref<3200xi32, #tpu.memory_space<vmem>>, vector<16xi32>,
    %swap3A_962 = vector.shape_cast %swap3A_961 : vector<16xi32> to vector<16xi32>
    %swap3A_963 = vector.shape_cast %add3A_959 : vector<16xi32> to vector<16xi32>
    tpu.vector_store %arg6[%swap3A_960], %swap3A_963 {strides = array<i32>} : memref<3200xi32, #tpu.memory_space<vmem>>, vector<16xi32>,
    %add3A_964 = arith.constant 1184 : i32
    %add3A_965 = vector.broadcast %add3A_964 : i32 to vector<16xi32>
    %add3A_966 = arith.addi %iota3A, %add3A_965 : vector<16xi32>
    %rem3A_967 = arith.constant 200 : i32
    %rem3A_968 = vector.broadcast %rem3A_967 : i32 to vector<16xi32>
    %rem3A_969 = arith.remsi %add3A_966, %rem3A_968 : vector<16xi32>
    %add3A_970 = arith.constant 1 : i32
    %add3A_971 = vector.broadcast %add3A_970 : i32 to vector<16xi32>
    %add3A_972 = arith.addi %rem3A_969, %add3A_971 : vector<16xi32>
    %swap3A_973 = arith.constant 1184 : index
    %swap3A_974 = tpu.vector_load %arg6[%swap3A_973] {strides = array<i32>} : memref<3200xi32, #tpu.memory_space<vmem>>, vector<16xi32>,
    %swap3A_975 = vector.shape_cast %swap3A_974 : vector<16xi32> to vector<16xi32>
    %swap3A_976 = vector.shape_cast %add3A_972 : vector<16xi32> to vector<16xi32>
    tpu.vector_store %arg6[%swap3A_973], %swap3A_976 {strides = array<i32>} : memref<3200xi32, #tpu.memory_space<vmem>>, vector<16xi32>,
    %add3A_977 = arith.constant 1200 : i32
    %add3A_978 = vector.broadcast %add3A_977 : i32 to vector<16xi32>
    %add3A_979 = arith.addi %iota3A, %add3A_978 : vector<16xi32>
    %rem3A_980 = arith.constant 200 : i32
    %rem3A_981 = vector.broadcast %rem3A_980 : i32 to vector<16xi32>
    %rem3A_982 = arith.remsi %add3A_979, %rem3A_981 : vector<16xi32>
    %add3A_983 = arith.constant 1 : i32
    %add3A_984 = vector.broadcast %add3A_983 : i32 to vector<16xi32>
    %add3A_985 = arith.addi %rem3A_982, %add3A_984 : vector<16xi32>
    %swap3A_986 = arith.constant 1200 : index
    %swap3A_987 = tpu.vector_load %arg6[%swap3A_986] {strides = array<i32>} : memref<3200xi32, #tpu.memory_space<vmem>>, vector<16xi32>,
    %swap3A_988 = vector.shape_cast %swap3A_987 : vector<16xi32> to vector<16xi32>
    %swap3A_989 = vector.shape_cast %add3A_985 : vector<16xi32> to vector<16xi32>
    tpu.vector_store %arg6[%swap3A_986], %swap3A_989 {strides = array<i32>} : memref<3200xi32, #tpu.memory_space<vmem>>, vector<16xi32>,
    %add3A_990 = arith.constant 1216 : i32
    %add3A_991 = vector.broadcast %add3A_990 : i32 to vector<16xi32>
    %add3A_992 = arith.addi %iota3A, %add3A_991 : vector<16xi32>
    %rem3A_993 = arith.constant 200 : i32
    %rem3A_994 = vector.broadcast %rem3A_993 : i32 to vector<16xi32>
    %rem3A_995 = arith.remsi %add3A_992, %rem3A_994 : vector<16xi32>
    %add3A_996 = arith.constant 1 : i32
    %add3A_997 = vector.broadcast %add3A_996 : i32 to vector<16xi32>
    %add3A_998 = arith.addi %rem3A_995, %add3A_997 : vector<16xi32>
    %swap3A_999 = arith.constant 1216 : index
    %swap3A_1000 = tpu.vector_load %arg6[%swap3A_999] {strides = array<i32>} : memref<3200xi32, #tpu.memory_space<vmem>>, vector<16xi32>,
    %swap3A_1001 = vector.shape_cast %swap3A_1000 : vector<16xi32> to vector<16xi32>
    %swap3A_1002 = vector.shape_cast %add3A_998 : vector<16xi32> to vector<16xi32>
    tpu.vector_store %arg6[%swap3A_999], %swap3A_1002 {strides = array<i32>} : memref<3200xi32, #tpu.memory_space<vmem>>, vector<16xi32>,
    %add3A_1003 = arith.constant 1232 : i32
    %add3A_1004 = vector.broadcast %add3A_1003 : i32 to vector<16xi32>
    %add3A_1005 = arith.addi %iota3A, %add3A_1004 : vector<16xi32>
    %rem3A_1006 = arith.constant 200 : i32
    %rem3A_1007 = vector.broadcast %rem3A_1006 : i32 to vector<16xi32>
    %rem3A_1008 = arith.remsi %add3A_1005, %rem3A_1007 : vector<16xi32>
    %add3A_1009 = arith.constant 1 : i32
    %add3A_1010 = vector.broadcast %add3A_1009 : i32 to vector<16xi32>
    %add3A_1011 = arith.addi %rem3A_1008, %add3A_1010 : vector<16xi32>
    %swap3A_1012 = arith.constant 1232 : index
    %swap3A_1013 = tpu.vector_load %arg6[%swap3A_1012] {strides = array<i32>} : memref<3200xi32, #tpu.memory_space<vmem>>, vector<16xi32>,
    %swap3A_1014 = vector.shape_cast %swap3A_1013 : vector<16xi32> to vector<16xi32>
    %swap3A_1015 = vector.shape_cast %add3A_1011 : vector<16xi32> to vector<16xi32>
    tpu.vector_store %arg6[%swap3A_1012], %swap3A_1015 {strides = array<i32>} : memref<3200xi32, #tpu.memory_space<vmem>>, vector<16xi32>,
    %add3A_1016 = arith.constant 1248 : i32
    %add3A_1017 = vector.broadcast %add3A_1016 : i32 to vector<16xi32>
    %add3A_1018 = arith.addi %iota3A, %add3A_1017 : vector<16xi32>
    %rem3A_1019 = arith.constant 200 : i32
    %rem3A_1020 = vector.broadcast %rem3A_1019 : i32 to vector<16xi32>
    %rem3A_1021 = arith.remsi %add3A_1018, %rem3A_1020 : vector<16xi32>
    %add3A_1022 = arith.constant 1 : i32
    %add3A_1023 = vector.broadcast %add3A_1022 : i32 to vector<16xi32>
    %add3A_1024 = arith.addi %rem3A_1021, %add3A_1023 : vector<16xi32>
    %swap3A_1025 = arith.constant 1248 : index
    %swap3A_1026 = tpu.vector_load %arg6[%swap3A_1025] {strides = array<i32>} : memref<3200xi32, #tpu.memory_space<vmem>>, vector<16xi32>,
    %swap3A_1027 = vector.shape_cast %swap3A_1026 : vector<16xi32> to vector<16xi32>
    %swap3A_1028 = vector.shape_cast %add3A_1024 : vector<16xi32> to vector<16xi32>
    tpu.vector_store %arg6[%swap3A_1025], %swap3A_1028 {strides = array<i32>} : memref<3200xi32, #tpu.memory_space<vmem>>, vector<16xi32>,
    %add3A_1029 = arith.constant 1264 : i32
    %add3A_1030 = vector.broadcast %add3A_1029 : i32 to vector<16xi32>
    %add3A_1031 = arith.addi %iota3A, %add3A_1030 : vector<16xi32>
    %rem3A_1032 = arith.constant 200 : i32
    %rem3A_1033 = vector.broadcast %rem3A_1032 : i32 to vector<16xi32>
    %rem3A_1034 = arith.remsi %add3A_1031, %rem3A_1033 : vector<16xi32>
    %add3A_1035 = arith.constant 1 : i32
    %add3A_1036 = vector.broadcast %add3A_1035 : i32 to vector<16xi32>
    %add3A_1037 = arith.addi %rem3A_1034, %add3A_1036 : vector<16xi32>
    %swap3A_1038 = arith.constant 1264 : index
    %swap3A_1039 = tpu.vector_load %arg6[%swap3A_1038] {strides = array<i32>} : memref<3200xi32, #tpu.memory_space<vmem>>, vector<16xi32>,
    %swap3A_1040 = vector.shape_cast %swap3A_1039 : vector<16xi32> to vector<16xi32>
    %swap3A_1041 = vector.shape_cast %add3A_1037 : vector<16xi32> to vector<16xi32>
    tpu.vector_store %arg6[%swap3A_1038], %swap3A_1041 {strides = array<i32>} : memref<3200xi32, #tpu.memory_space<vmem>>, vector<16xi32>,
    %add3A_1042 = arith.constant 1280 : i32
    %add3A_1043 = vector.broadcast %add3A_1042 : i32 to vector<16xi32>
    %add3A_1044 = arith.addi %iota3A, %add3A_1043 : vector<16xi32>
    %rem3A_1045 = arith.constant 200 : i32
    %rem3A_1046 = vector.broadcast %rem3A_1045 : i32 to vector<16xi32>
    %rem3A_1047 = arith.remsi %add3A_1044, %rem3A_1046 : vector<16xi32>
    %add3A_1048 = arith.constant 1 : i32
    %add3A_1049 = vector.broadcast %add3A_1048 : i32 to vector<16xi32>
    %add3A_1050 = arith.addi %rem3A_1047, %add3A_1049 : vector<16xi32>
    %swap3A_1051 = arith.constant 1280 : index
    %swap3A_1052 = tpu.vector_load %arg6[%swap3A_1051] {strides = array<i32>} : memref<3200xi32, #tpu.memory_space<vmem>>, vector<16xi32>,
    %swap3A_1053 = vector.shape_cast %swap3A_1052 : vector<16xi32> to vector<16xi32>
    %swap3A_1054 = vector.shape_cast %add3A_1050 : vector<16xi32> to vector<16xi32>
    tpu.vector_store %arg6[%swap3A_1051], %swap3A_1054 {strides = array<i32>} : memref<3200xi32, #tpu.memory_space<vmem>>, vector<16xi32>,
    %add3A_1055 = arith.constant 1296 : i32
    %add3A_1056 = vector.broadcast %add3A_1055 : i32 to vector<16xi32>
    %add3A_1057 = arith.addi %iota3A, %add3A_1056 : vector<16xi32>
    %rem3A_1058 = arith.constant 200 : i32
    %rem3A_1059 = vector.broadcast %rem3A_1058 : i32 to vector<16xi32>
    %rem3A_1060 = arith.remsi %add3A_1057, %rem3A_1059 : vector<16xi32>
    %add3A_1061 = arith.constant 1 : i32
    %add3A_1062 = vector.broadcast %add3A_1061 : i32 to vector<16xi32>
    %add3A_1063 = arith.addi %rem3A_1060, %add3A_1062 : vector<16xi32>
    %swap3A_1064 = arith.constant 1296 : index
    %swap3A_1065 = tpu.vector_load %arg6[%swap3A_1064] {strides = array<i32>} : memref<3200xi32, #tpu.memory_space<vmem>>, vector<16xi32>,
    %swap3A_1066 = vector.shape_cast %swap3A_1065 : vector<16xi32> to vector<16xi32>
    %swap3A_1067 = vector.shape_cast %add3A_1063 : vector<16xi32> to vector<16xi32>
    tpu.vector_store %arg6[%swap3A_1064], %swap3A_1067 {strides = array<i32>} : memref<3200xi32, #tpu.memory_space<vmem>>, vector<16xi32>,
    %add3A_1068 = arith.constant 1312 : i32
    %add3A_1069 = vector.broadcast %add3A_1068 : i32 to vector<16xi32>
    %add3A_1070 = arith.addi %iota3A, %add3A_1069 : vector<16xi32>
    %rem3A_1071 = arith.constant 200 : i32
    %rem3A_1072 = vector.broadcast %rem3A_1071 : i32 to vector<16xi32>
    %rem3A_1073 = arith.remsi %add3A_1070, %rem3A_1072 : vector<16xi32>
    %add3A_1074 = arith.constant 1 : i32
    %add3A_1075 = vector.broadcast %add3A_1074 : i32 to vector<16xi32>
    %add3A_1076 = arith.addi %rem3A_1073, %add3A_1075 : vector<16xi32>
    %swap3A_1077 = arith.constant 1312 : index
    %swap3A_1078 = tpu.vector_load %arg6[%swap3A_1077] {strides = array<i32>} : memref<3200xi32, #tpu.memory_space<vmem>>, vector<16xi32>,
    %swap3A_1079 = vector.shape_cast %swap3A_1078 : vector<16xi32> to vector<16xi32>
    %swap3A_1080 = vector.shape_cast %add3A_1076 : vector<16xi32> to vector<16xi32>
    tpu.vector_store %arg6[%swap3A_1077], %swap3A_1080 {strides = array<i32>} : memref<3200xi32, #tpu.memory_space<vmem>>, vector<16xi32>,
    %add3A_1081 = arith.constant 1328 : i32
    %add3A_1082 = vector.broadcast %add3A_1081 : i32 to vector<16xi32>
    %add3A_1083 = arith.addi %iota3A, %add3A_1082 : vector<16xi32>
    %rem3A_1084 = arith.constant 200 : i32
    %rem3A_1085 = vector.broadcast %rem3A_1084 : i32 to vector<16xi32>
    %rem3A_1086 = arith.remsi %add3A_1083, %rem3A_1085 : vector<16xi32>
    %add3A_1087 = arith.constant 1 : i32
    %add3A_1088 = vector.broadcast %add3A_1087 : i32 to vector<16xi32>
    %add3A_1089 = arith.addi %rem3A_1086, %add3A_1088 : vector<16xi32>
    %swap3A_1090 = arith.constant 1328 : index
    %swap3A_1091 = tpu.vector_load %arg6[%swap3A_1090] {strides = array<i32>} : memref<3200xi32, #tpu.memory_space<vmem>>, vector<16xi32>,
    %swap3A_1092 = vector.shape_cast %swap3A_1091 : vector<16xi32> to vector<16xi32>
    %swap3A_1093 = vector.shape_cast %add3A_1089 : vector<16xi32> to vector<16xi32>
    tpu.vector_store %arg6[%swap3A_1090], %swap3A_1093 {strides = array<i32>} : memref<3200xi32, #tpu.memory_space<vmem>>, vector<16xi32>,
    %add3A_1094 = arith.constant 1344 : i32
    %add3A_1095 = vector.broadcast %add3A_1094 : i32 to vector<16xi32>
    %add3A_1096 = arith.addi %iota3A, %add3A_1095 : vector<16xi32>
    %rem3A_1097 = arith.constant 200 : i32
    %rem3A_1098 = vector.broadcast %rem3A_1097 : i32 to vector<16xi32>
    %rem3A_1099 = arith.remsi %add3A_1096, %rem3A_1098 : vector<16xi32>
    %add3A_1100 = arith.constant 1 : i32
    %add3A_1101 = vector.broadcast %add3A_1100 : i32 to vector<16xi32>
    %add3A_1102 = arith.addi %rem3A_1099, %add3A_1101 : vector<16xi32>
    %swap3A_1103 = arith.constant 1344 : index
    %swap3A_1104 = tpu.vector_load %arg6[%swap3A_1103] {strides = array<i32>} : memref<3200xi32, #tpu.memory_space<vmem>>, vector<16xi32>,
    %swap3A_1105 = vector.shape_cast %swap3A_1104 : vector<16xi32> to vector<16xi32>
    %swap3A_1106 = vector.shape_cast %add3A_1102 : vector<16xi32> to vector<16xi32>
    tpu.vector_store %arg6[%swap3A_1103], %swap3A_1106 {strides = array<i32>} : memref<3200xi32, #tpu.memory_space<vmem>>, vector<16xi32>,
    %add3A_1107 = arith.constant 1360 : i32
    %add3A_1108 = vector.broadcast %add3A_1107 : i32 to vector<16xi32>
    %add3A_1109 = arith.addi %iota3A, %add3A_1108 : vector<16xi32>
    %rem3A_1110 = arith.constant 200 : i32
    %rem3A_1111 = vector.broadcast %rem3A_1110 : i32 to vector<16xi32>
    %rem3A_1112 = arith.remsi %add3A_1109, %rem3A_1111 : vector<16xi32>
    %add3A_1113 = arith.constant 1 : i32
    %add3A_1114 = vector.broadcast %add3A_1113 : i32 to vector<16xi32>
    %add3A_1115 = arith.addi %rem3A_1112, %add3A_1114 : vector<16xi32>
    %swap3A_1116 = arith.constant 1360 : index
    %swap3A_1117 = tpu.vector_load %arg6[%swap3A_1116] {strides = array<i32>} : memref<3200xi32, #tpu.memory_space<vmem>>, vector<16xi32>,
    %swap3A_1118 = vector.shape_cast %swap3A_1117 : vector<16xi32> to vector<16xi32>
    %swap3A_1119 = vector.shape_cast %add3A_1115 : vector<16xi32> to vector<16xi32>
    tpu.vector_store %arg6[%swap3A_1116], %swap3A_1119 {strides = array<i32>} : memref<3200xi32, #tpu.memory_space<vmem>>, vector<16xi32>,
    %add3A_1120 = arith.constant 1376 : i32
    %add3A_1121 = vector.broadcast %add3A_1120 : i32 to vector<16xi32>
    %add3A_1122 = arith.addi %iota3A, %add3A_1121 : vector<16xi32>
    %rem3A_1123 = arith.constant 200 : i32
    %rem3A_1124 = vector.broadcast %rem3A_1123 : i32 to vector<16xi32>
    %rem3A_1125 = arith.remsi %add3A_1122, %rem3A_1124 : vector<16xi32>
    %add3A_1126 = arith.constant 1 : i32
    %add3A_1127 = vector.broadcast %add3A_1126 : i32 to vector<16xi32>
    %add3A_1128 = arith.addi %rem3A_1125, %add3A_1127 : vector<16xi32>
    %swap3A_1129 = arith.constant 1376 : index
    %swap3A_1130 = tpu.vector_load %arg6[%swap3A_1129] {strides = array<i32>} : memref<3200xi32, #tpu.memory_space<vmem>>, vector<16xi32>,
    %swap3A_1131 = vector.shape_cast %swap3A_1130 : vector<16xi32> to vector<16xi32>
    %swap3A_1132 = vector.shape_cast %add3A_1128 : vector<16xi32> to vector<16xi32>
    tpu.vector_store %arg6[%swap3A_1129], %swap3A_1132 {strides = array<i32>} : memref<3200xi32, #tpu.memory_space<vmem>>, vector<16xi32>,
    %add3A_1133 = arith.constant 1392 : i32
    %add3A_1134 = vector.broadcast %add3A_1133 : i32 to vector<16xi32>
    %add3A_1135 = arith.addi %iota3A, %add3A_1134 : vector<16xi32>
    %rem3A_1136 = arith.constant 200 : i32
    %rem3A_1137 = vector.broadcast %rem3A_1136 : i32 to vector<16xi32>
    %rem3A_1138 = arith.remsi %add3A_1135, %rem3A_1137 : vector<16xi32>
    %add3A_1139 = arith.constant 1 : i32
    %add3A_1140 = vector.broadcast %add3A_1139 : i32 to vector<16xi32>
    %add3A_1141 = arith.addi %rem3A_1138, %add3A_1140 : vector<16xi32>
    %swap3A_1142 = arith.constant 1392 : index
    %swap3A_1143 = tpu.vector_load %arg6[%swap3A_1142] {strides = array<i32>} : memref<3200xi32, #tpu.memory_space<vmem>>, vector<16xi32>,
    %swap3A_1144 = vector.shape_cast %swap3A_1143 : vector<16xi32> to vector<16xi32>
    %swap3A_1145 = vector.shape_cast %add3A_1141 : vector<16xi32> to vector<16xi32>
    tpu.vector_store %arg6[%swap3A_1142], %swap3A_1145 {strides = array<i32>} : memref<3200xi32, #tpu.memory_space<vmem>>, vector<16xi32>,
    %add3A_1146 = arith.constant 1408 : i32
    %add3A_1147 = vector.broadcast %add3A_1146 : i32 to vector<16xi32>
    %add3A_1148 = arith.addi %iota3A, %add3A_1147 : vector<16xi32>
    %rem3A_1149 = arith.constant 200 : i32
    %rem3A_1150 = vector.broadcast %rem3A_1149 : i32 to vector<16xi32>
    %rem3A_1151 = arith.remsi %add3A_1148, %rem3A_1150 : vector<16xi32>
    %add3A_1152 = arith.constant 1 : i32
    %add3A_1153 = vector.broadcast %add3A_1152 : i32 to vector<16xi32>
    %add3A_1154 = arith.addi %rem3A_1151, %add3A_1153 : vector<16xi32>
    %swap3A_1155 = arith.constant 1408 : index
    %swap3A_1156 = tpu.vector_load %arg6[%swap3A_1155] {strides = array<i32>} : memref<3200xi32, #tpu.memory_space<vmem>>, vector<16xi32>,
    %swap3A_1157 = vector.shape_cast %swap3A_1156 : vector<16xi32> to vector<16xi32>
    %swap3A_1158 = vector.shape_cast %add3A_1154 : vector<16xi32> to vector<16xi32>
    tpu.vector_store %arg6[%swap3A_1155], %swap3A_1158 {strides = array<i32>} : memref<3200xi32, #tpu.memory_space<vmem>>, vector<16xi32>,
    %add3A_1159 = arith.constant 1424 : i32
    %add3A_1160 = vector.broadcast %add3A_1159 : i32 to vector<16xi32>
    %add3A_1161 = arith.addi %iota3A, %add3A_1160 : vector<16xi32>
    %rem3A_1162 = arith.constant 200 : i32
    %rem3A_1163 = vector.broadcast %rem3A_1162 : i32 to vector<16xi32>
    %rem3A_1164 = arith.remsi %add3A_1161, %rem3A_1163 : vector<16xi32>
    %add3A_1165 = arith.constant 1 : i32
    %add3A_1166 = vector.broadcast %add3A_1165 : i32 to vector<16xi32>
    %add3A_1167 = arith.addi %rem3A_1164, %add3A_1166 : vector<16xi32>
    %swap3A_1168 = arith.constant 1424 : index
    %swap3A_1169 = tpu.vector_load %arg6[%swap3A_1168] {strides = array<i32>} : memref<3200xi32, #tpu.memory_space<vmem>>, vector<16xi32>,
    %swap3A_1170 = vector.shape_cast %swap3A_1169 : vector<16xi32> to vector<16xi32>
    %swap3A_1171 = vector.shape_cast %add3A_1167 : vector<16xi32> to vector<16xi32>
    tpu.vector_store %arg6[%swap3A_1168], %swap3A_1171 {strides = array<i32>} : memref<3200xi32, #tpu.memory_space<vmem>>, vector<16xi32>,
    %add3A_1172 = arith.constant 1440 : i32
    %add3A_1173 = vector.broadcast %add3A_1172 : i32 to vector<16xi32>
    %add3A_1174 = arith.addi %iota3A, %add3A_1173 : vector<16xi32>
    %rem3A_1175 = arith.constant 200 : i32
    %rem3A_1176 = vector.broadcast %rem3A_1175 : i32 to vector<16xi32>
    %rem3A_1177 = arith.remsi %add3A_1174, %rem3A_1176 : vector<16xi32>
    %add3A_1178 = arith.constant 1 : i32
    %add3A_1179 = vector.broadcast %add3A_1178 : i32 to vector<16xi32>
    %add3A_1180 = arith.addi %rem3A_1177, %add3A_1179 : vector<16xi32>
    %swap3A_1181 = arith.constant 1440 : index
    %swap3A_1182 = tpu.vector_load %arg6[%swap3A_1181] {strides = array<i32>} : memref<3200xi32, #tpu.memory_space<vmem>>, vector<16xi32>,
    %swap3A_1183 = vector.shape_cast %swap3A_1182 : vector<16xi32> to vector<16xi32>
    %swap3A_1184 = vector.shape_cast %add3A_1180 : vector<16xi32> to vector<16xi32>
    tpu.vector_store %arg6[%swap3A_1181], %swap3A_1184 {strides = array<i32>} : memref<3200xi32, #tpu.memory_space<vmem>>, vector<16xi32>,
    %add3A_1185 = arith.constant 1456 : i32
    %add3A_1186 = vector.broadcast %add3A_1185 : i32 to vector<16xi32>
    %add3A_1187 = arith.addi %iota3A, %add3A_1186 : vector<16xi32>
    %rem3A_1188 = arith.constant 200 : i32
    %rem3A_1189 = vector.broadcast %rem3A_1188 : i32 to vector<16xi32>
    %rem3A_1190 = arith.remsi %add3A_1187, %rem3A_1189 : vector<16xi32>
    %add3A_1191 = arith.constant 1 : i32
    %add3A_1192 = vector.broadcast %add3A_1191 : i32 to vector<16xi32>
    %add3A_1193 = arith.addi %rem3A_1190, %add3A_1192 : vector<16xi32>
    %swap3A_1194 = arith.constant 1456 : index
    %swap3A_1195 = tpu.vector_load %arg6[%swap3A_1194] {strides = array<i32>} : memref<3200xi32, #tpu.memory_space<vmem>>, vector<16xi32>,
    %swap3A_1196 = vector.shape_cast %swap3A_1195 : vector<16xi32> to vector<16xi32>
    %swap3A_1197 = vector.shape_cast %add3A_1193 : vector<16xi32> to vector<16xi32>
    tpu.vector_store %arg6[%swap3A_1194], %swap3A_1197 {strides = array<i32>} : memref<3200xi32, #tpu.memory_space<vmem>>, vector<16xi32>,
    %add3A_1198 = arith.constant 1472 : i32
    %add3A_1199 = vector.broadcast %add3A_1198 : i32 to vector<16xi32>
    %add3A_1200 = arith.addi %iota3A, %add3A_1199 : vector<16xi32>
    %rem3A_1201 = arith.constant 200 : i32
    %rem3A_1202 = vector.broadcast %rem3A_1201 : i32 to vector<16xi32>
    %rem3A_1203 = arith.remsi %add3A_1200, %rem3A_1202 : vector<16xi32>
    %add3A_1204 = arith.constant 1 : i32
    %add3A_1205 = vector.broadcast %add3A_1204 : i32 to vector<16xi32>
    %add3A_1206 = arith.addi %rem3A_1203, %add3A_1205 : vector<16xi32>
    %swap3A_1207 = arith.constant 1472 : index
    %swap3A_1208 = tpu.vector_load %arg6[%swap3A_1207] {strides = array<i32>} : memref<3200xi32, #tpu.memory_space<vmem>>, vector<16xi32>,
    %swap3A_1209 = vector.shape_cast %swap3A_1208 : vector<16xi32> to vector<16xi32>
    %swap3A_1210 = vector.shape_cast %add3A_1206 : vector<16xi32> to vector<16xi32>
    tpu.vector_store %arg6[%swap3A_1207], %swap3A_1210 {strides = array<i32>} : memref<3200xi32, #tpu.memory_space<vmem>>, vector<16xi32>,
    %add3A_1211 = arith.constant 1488 : i32
    %add3A_1212 = vector.broadcast %add3A_1211 : i32 to vector<16xi32>
    %add3A_1213 = arith.addi %iota3A, %add3A_1212 : vector<16xi32>
    %rem3A_1214 = arith.constant 200 : i32
    %rem3A_1215 = vector.broadcast %rem3A_1214 : i32 to vector<16xi32>
    %rem3A_1216 = arith.remsi %add3A_1213, %rem3A_1215 : vector<16xi32>
    %add3A_1217 = arith.constant 1 : i32
    %add3A_1218 = vector.broadcast %add3A_1217 : i32 to vector<16xi32>
    %add3A_1219 = arith.addi %rem3A_1216, %add3A_1218 : vector<16xi32>
    %swap3A_1220 = arith.constant 1488 : index
    %swap3A_1221 = tpu.vector_load %arg6[%swap3A_1220] {strides = array<i32>} : memref<3200xi32, #tpu.memory_space<vmem>>, vector<16xi32>,
    %swap3A_1222 = vector.shape_cast %swap3A_1221 : vector<16xi32> to vector<16xi32>
    %swap3A_1223 = vector.shape_cast %add3A_1219 : vector<16xi32> to vector<16xi32>
    tpu.vector_store %arg6[%swap3A_1220], %swap3A_1223 {strides = array<i32>} : memref<3200xi32, #tpu.memory_space<vmem>>, vector<16xi32>,
    %add3A_1224 = arith.constant 1504 : i32
    %add3A_1225 = vector.broadcast %add3A_1224 : i32 to vector<16xi32>
    %add3A_1226 = arith.addi %iota3A, %add3A_1225 : vector<16xi32>
    %rem3A_1227 = arith.constant 200 : i32
    %rem3A_1228 = vector.broadcast %rem3A_1227 : i32 to vector<16xi32>
    %rem3A_1229 = arith.remsi %add3A_1226, %rem3A_1228 : vector<16xi32>
    %add3A_1230 = arith.constant 1 : i32
    %add3A_1231 = vector.broadcast %add3A_1230 : i32 to vector<16xi32>
    %add3A_1232 = arith.addi %rem3A_1229, %add3A_1231 : vector<16xi32>
    %swap3A_1233 = arith.constant 1504 : index
    %swap3A_1234 = tpu.vector_load %arg6[%swap3A_1233] {strides = array<i32>} : memref<3200xi32, #tpu.memory_space<vmem>>, vector<16xi32>,
    %swap3A_1235 = vector.shape_cast %swap3A_1234 : vector<16xi32> to vector<16xi32>
    %swap3A_1236 = vector.shape_cast %add3A_1232 : vector<16xi32> to vector<16xi32>
    tpu.vector_store %arg6[%swap3A_1233], %swap3A_1236 {strides = array<i32>} : memref<3200xi32, #tpu.memory_space<vmem>>, vector<16xi32>,
    %add3A_1237 = arith.constant 1520 : i32
    %add3A_1238 = vector.broadcast %add3A_1237 : i32 to vector<16xi32>
    %add3A_1239 = arith.addi %iota3A, %add3A_1238 : vector<16xi32>
    %rem3A_1240 = arith.constant 200 : i32
    %rem3A_1241 = vector.broadcast %rem3A_1240 : i32 to vector<16xi32>
    %rem3A_1242 = arith.remsi %add3A_1239, %rem3A_1241 : vector<16xi32>
    %add3A_1243 = arith.constant 1 : i32
    %add3A_1244 = vector.broadcast %add3A_1243 : i32 to vector<16xi32>
    %add3A_1245 = arith.addi %rem3A_1242, %add3A_1244 : vector<16xi32>
    %swap3A_1246 = arith.constant 1520 : index
    %swap3A_1247 = tpu.vector_load %arg6[%swap3A_1246] {strides = array<i32>} : memref<3200xi32, #tpu.memory_space<vmem>>, vector<16xi32>,
    %swap3A_1248 = vector.shape_cast %swap3A_1247 : vector<16xi32> to vector<16xi32>
    %swap3A_1249 = vector.shape_cast %add3A_1245 : vector<16xi32> to vector<16xi32>
    tpu.vector_store %arg6[%swap3A_1246], %swap3A_1249 {strides = array<i32>} : memref<3200xi32, #tpu.memory_space<vmem>>, vector<16xi32>,
    %add3A_1250 = arith.constant 1536 : i32
    %add3A_1251 = vector.broadcast %add3A_1250 : i32 to vector<16xi32>
    %add3A_1252 = arith.addi %iota3A, %add3A_1251 : vector<16xi32>
    %rem3A_1253 = arith.constant 200 : i32
    %rem3A_1254 = vector.broadcast %rem3A_1253 : i32 to vector<16xi32>
    %rem3A_1255 = arith.remsi %add3A_1252, %rem3A_1254 : vector<16xi32>
    %add3A_1256 = arith.constant 1 : i32
    %add3A_1257 = vector.broadcast %add3A_1256 : i32 to vector<16xi32>
    %add3A_1258 = arith.addi %rem3A_1255, %add3A_1257 : vector<16xi32>
    %swap3A_1259 = arith.constant 1536 : index
    %swap3A_1260 = tpu.vector_load %arg6[%swap3A_1259] {strides = array<i32>} : memref<3200xi32, #tpu.memory_space<vmem>>, vector<16xi32>,
    %swap3A_1261 = vector.shape_cast %swap3A_1260 : vector<16xi32> to vector<16xi32>
    %swap3A_1262 = vector.shape_cast %add3A_1258 : vector<16xi32> to vector<16xi32>
    tpu.vector_store %arg6[%swap3A_1259], %swap3A_1262 {strides = array<i32>} : memref<3200xi32, #tpu.memory_space<vmem>>, vector<16xi32>,
    %add3A_1263 = arith.constant 1552 : i32
    %add3A_1264 = vector.broadcast %add3A_1263 : i32 to vector<16xi32>
    %add3A_1265 = arith.addi %iota3A, %add3A_1264 : vector<16xi32>
    %rem3A_1266 = arith.constant 200 : i32
    %rem3A_1267 = vector.broadcast %rem3A_1266 : i32 to vector<16xi32>
    %rem3A_1268 = arith.remsi %add3A_1265, %rem3A_1267 : vector<16xi32>
    %add3A_1269 = arith.constant 1 : i32
    %add3A_1270 = vector.broadcast %add3A_1269 : i32 to vector<16xi32>
    %add3A_1271 = arith.addi %rem3A_1268, %add3A_1270 : vector<16xi32>
    %swap3A_1272 = arith.constant 1552 : index
    %swap3A_1273 = tpu.vector_load %arg6[%swap3A_1272] {strides = array<i32>} : memref<3200xi32, #tpu.memory_space<vmem>>, vector<16xi32>,
    %swap3A_1274 = vector.shape_cast %swap3A_1273 : vector<16xi32> to vector<16xi32>
    %swap3A_1275 = vector.shape_cast %add3A_1271 : vector<16xi32> to vector<16xi32>
    tpu.vector_store %arg6[%swap3A_1272], %swap3A_1275 {strides = array<i32>} : memref<3200xi32, #tpu.memory_space<vmem>>, vector<16xi32>,
    %add3A_1276 = arith.constant 1568 : i32
    %add3A_1277 = vector.broadcast %add3A_1276 : i32 to vector<16xi32>
    %add3A_1278 = arith.addi %iota3A, %add3A_1277 : vector<16xi32>
    %rem3A_1279 = arith.constant 200 : i32
    %rem3A_1280 = vector.broadcast %rem3A_1279 : i32 to vector<16xi32>
    %rem3A_1281 = arith.remsi %add3A_1278, %rem3A_1280 : vector<16xi32>
    %add3A_1282 = arith.constant 1 : i32
    %add3A_1283 = vector.broadcast %add3A_1282 : i32 to vector<16xi32>
    %add3A_1284 = arith.addi %rem3A_1281, %add3A_1283 : vector<16xi32>
    %swap3A_1285 = arith.constant 1568 : index
    %swap3A_1286 = tpu.vector_load %arg6[%swap3A_1285] {strides = array<i32>} : memref<3200xi32, #tpu.memory_space<vmem>>, vector<16xi32>,
    %swap3A_1287 = vector.shape_cast %swap3A_1286 : vector<16xi32> to vector<16xi32>
    %swap3A_1288 = vector.shape_cast %add3A_1284 : vector<16xi32> to vector<16xi32>
    tpu.vector_store %arg6[%swap3A_1285], %swap3A_1288 {strides = array<i32>} : memref<3200xi32, #tpu.memory_space<vmem>>, vector<16xi32>,
    %add3A_1289 = arith.constant 1584 : i32
    %add3A_1290 = vector.broadcast %add3A_1289 : i32 to vector<16xi32>
    %add3A_1291 = arith.addi %iota3A, %add3A_1290 : vector<16xi32>
    %rem3A_1292 = arith.constant 200 : i32
    %rem3A_1293 = vector.broadcast %rem3A_1292 : i32 to vector<16xi32>
    %rem3A_1294 = arith.remsi %add3A_1291, %rem3A_1293 : vector<16xi32>
    %add3A_1295 = arith.constant 1 : i32
    %add3A_1296 = vector.broadcast %add3A_1295 : i32 to vector<16xi32>
    %add3A_1297 = arith.addi %rem3A_1294, %add3A_1296 : vector<16xi32>
    %swap3A_1298 = arith.constant 1584 : index
    %swap3A_1299 = tpu.vector_load %arg6[%swap3A_1298] {strides = array<i32>} : memref<3200xi32, #tpu.memory_space<vmem>>, vector<16xi32>,
    %swap3A_1300 = vector.shape_cast %swap3A_1299 : vector<16xi32> to vector<16xi32>
    %swap3A_1301 = vector.shape_cast %add3A_1297 : vector<16xi32> to vector<16xi32>
    tpu.vector_store %arg6[%swap3A_1298], %swap3A_1301 {strides = array<i32>} : memref<3200xi32, #tpu.memory_space<vmem>>, vector<16xi32>,
    %add3A_1302 = arith.constant 1600 : i32
    %add3A_1303 = vector.broadcast %add3A_1302 : i32 to vector<16xi32>
    %add3A_1304 = arith.addi %iota3A, %add3A_1303 : vector<16xi32>
    %rem3A_1305 = arith.constant 200 : i32
    %rem3A_1306 = vector.broadcast %rem3A_1305 : i32 to vector<16xi32>
    %rem3A_1307 = arith.remsi %add3A_1304, %rem3A_1306 : vector<16xi32>
    %add3A_1308 = arith.constant 1 : i32
    %add3A_1309 = vector.broadcast %add3A_1308 : i32 to vector<16xi32>
    %add3A_1310 = arith.addi %rem3A_1307, %add3A_1309 : vector<16xi32>
    %swap3A_1311 = arith.constant 1600 : index
    %swap3A_1312 = tpu.vector_load %arg6[%swap3A_1311] {strides = array<i32>} : memref<3200xi32, #tpu.memory_space<vmem>>, vector<16xi32>,
    %swap3A_1313 = vector.shape_cast %swap3A_1312 : vector<16xi32> to vector<16xi32>
    %swap3A_1314 = vector.shape_cast %add3A_1310 : vector<16xi32> to vector<16xi32>
    tpu.vector_store %arg6[%swap3A_1311], %swap3A_1314 {strides = array<i32>} : memref<3200xi32, #tpu.memory_space<vmem>>, vector<16xi32>,
    %add3A_1315 = arith.constant 1616 : i32
    %add3A_1316 = vector.broadcast %add3A_1315 : i32 to vector<16xi32>
    %add3A_1317 = arith.addi %iota3A, %add3A_1316 : vector<16xi32>
    %rem3A_1318 = arith.constant 200 : i32
    %rem3A_1319 = vector.broadcast %rem3A_1318 : i32 to vector<16xi32>
    %rem3A_1320 = arith.remsi %add3A_1317, %rem3A_1319 : vector<16xi32>
    %add3A_1321 = arith.constant 1 : i32
    %add3A_1322 = vector.broadcast %add3A_1321 : i32 to vector<16xi32>
    %add3A_1323 = arith.addi %rem3A_1320, %add3A_1322 : vector<16xi32>
    %swap3A_1324 = arith.constant 1616 : index
    %swap3A_1325 = tpu.vector_load %arg6[%swap3A_1324] {strides = array<i32>} : memref<3200xi32, #tpu.memory_space<vmem>>, vector<16xi32>,
    %swap3A_1326 = vector.shape_cast %swap3A_1325 : vector<16xi32> to vector<16xi32>
    %swap3A_1327 = vector.shape_cast %add3A_1323 : vector<16xi32> to vector<16xi32>
    tpu.vector_store %arg6[%swap3A_1324], %swap3A_1327 {strides = array<i32>} : memref<3200xi32, #tpu.memory_space<vmem>>, vector<16xi32>,
    %add3A_1328 = arith.constant 1632 : i32
    %add3A_1329 = vector.broadcast %add3A_1328 : i32 to vector<16xi32>
    %add3A_1330 = arith.addi %iota3A, %add3A_1329 : vector<16xi32>
    %rem3A_1331 = arith.constant 200 : i32
    %rem3A_1332 = vector.broadcast %rem3A_1331 : i32 to vector<16xi32>
    %rem3A_1333 = arith.remsi %add3A_1330, %rem3A_1332 : vector<16xi32>
    %add3A_1334 = arith.constant 1 : i32
    %add3A_1335 = vector.broadcast %add3A_1334 : i32 to vector<16xi32>
    %add3A_1336 = arith.addi %rem3A_1333, %add3A_1335 : vector<16xi32>
    %swap3A_1337 = arith.constant 1632 : index
    %swap3A_1338 = tpu.vector_load %arg6[%swap3A_1337] {strides = array<i32>} : memref<3200xi32, #tpu.memory_space<vmem>>, vector<16xi32>,
    %swap3A_1339 = vector.shape_cast %swap3A_1338 : vector<16xi32> to vector<16xi32>
    %swap3A_1340 = vector.shape_cast %add3A_1336 : vector<16xi32> to vector<16xi32>
    tpu.vector_store %arg6[%swap3A_1337], %swap3A_1340 {strides = array<i32>} : memref<3200xi32, #tpu.memory_space<vmem>>, vector<16xi32>,
    %add3A_1341 = arith.constant 1648 : i32
    %add3A_1342 = vector.broadcast %add3A_1341 : i32 to vector<16xi32>
    %add3A_1343 = arith.addi %iota3A, %add3A_1342 : vector<16xi32>
    %rem3A_1344 = arith.constant 200 : i32
    %rem3A_1345 = vector.broadcast %rem3A_1344 : i32 to vector<16xi32>
    %rem3A_1346 = arith.remsi %add3A_1343, %rem3A_1345 : vector<16xi32>
    %add3A_1347 = arith.constant 1 : i32
    %add3A_1348 = vector.broadcast %add3A_1347 : i32 to vector<16xi32>
    %add3A_1349 = arith.addi %rem3A_1346, %add3A_1348 : vector<16xi32>
    %swap3A_1350 = arith.constant 1648 : index
    %swap3A_1351 = tpu.vector_load %arg6[%swap3A_1350] {strides = array<i32>} : memref<3200xi32, #tpu.memory_space<vmem>>, vector<16xi32>,
    %swap3A_1352 = vector.shape_cast %swap3A_1351 : vector<16xi32> to vector<16xi32>
    %swap3A_1353 = vector.shape_cast %add3A_1349 : vector<16xi32> to vector<16xi32>
    tpu.vector_store %arg6[%swap3A_1350], %swap3A_1353 {strides = array<i32>} : memref<3200xi32, #tpu.memory_space<vmem>>, vector<16xi32>,
    %add3A_1354 = arith.constant 1664 : i32
    %add3A_1355 = vector.broadcast %add3A_1354 : i32 to vector<16xi32>
    %add3A_1356 = arith.addi %iota3A, %add3A_1355 : vector<16xi32>
    %rem3A_1357 = arith.constant 200 : i32
    %rem3A_1358 = vector.broadcast %rem3A_1357 : i32 to vector<16xi32>
    %rem3A_1359 = arith.remsi %add3A_1356, %rem3A_1358 : vector<16xi32>
    %add3A_1360 = arith.constant 1 : i32
    %add3A_1361 = vector.broadcast %add3A_1360 : i32 to vector<16xi32>
    %add3A_1362 = arith.addi %rem3A_1359, %add3A_1361 : vector<16xi32>
    %swap3A_1363 = arith.constant 1664 : index
    %swap3A_1364 = tpu.vector_load %arg6[%swap3A_1363] {strides = array<i32>} : memref<3200xi32, #tpu.memory_space<vmem>>, vector<16xi32>,
    %swap3A_1365 = vector.shape_cast %swap3A_1364 : vector<16xi32> to vector<16xi32>
    %swap3A_1366 = vector.shape_cast %add3A_1362 : vector<16xi32> to vector<16xi32>
    tpu.vector_store %arg6[%swap3A_1363], %swap3A_1366 {strides = array<i32>} : memref<3200xi32, #tpu.memory_space<vmem>>, vector<16xi32>,
    %add3A_1367 = arith.constant 1680 : i32
    %add3A_1368 = vector.broadcast %add3A_1367 : i32 to vector<16xi32>
    %add3A_1369 = arith.addi %iota3A, %add3A_1368 : vector<16xi32>
    %rem3A_1370 = arith.constant 200 : i32
    %rem3A_1371 = vector.broadcast %rem3A_1370 : i32 to vector<16xi32>
    %rem3A_1372 = arith.remsi %add3A_1369, %rem3A_1371 : vector<16xi32>
    %add3A_1373 = arith.constant 1 : i32
    %add3A_1374 = vector.broadcast %add3A_1373 : i32 to vector<16xi32>
    %add3A_1375 = arith.addi %rem3A_1372, %add3A_1374 : vector<16xi32>
    %swap3A_1376 = arith.constant 1680 : index
    %swap3A_1377 = tpu.vector_load %arg6[%swap3A_1376] {strides = array<i32>} : memref<3200xi32, #tpu.memory_space<vmem>>, vector<16xi32>,
    %swap3A_1378 = vector.shape_cast %swap3A_1377 : vector<16xi32> to vector<16xi32>
    %swap3A_1379 = vector.shape_cast %add3A_1375 : vector<16xi32> to vector<16xi32>
    tpu.vector_store %arg6[%swap3A_1376], %swap3A_1379 {strides = array<i32>} : memref<3200xi32, #tpu.memory_space<vmem>>, vector<16xi32>,
    %add3A_1380 = arith.constant 1696 : i32
    %add3A_1381 = vector.broadcast %add3A_1380 : i32 to vector<16xi32>
    %add3A_1382 = arith.addi %iota3A, %add3A_1381 : vector<16xi32>
    %rem3A_1383 = arith.constant 200 : i32
    %rem3A_1384 = vector.broadcast %rem3A_1383 : i32 to vector<16xi32>
    %rem3A_1385 = arith.remsi %add3A_1382, %rem3A_1384 : vector<16xi32>
    %add3A_1386 = arith.constant 1 : i32
    %add3A_1387 = vector.broadcast %add3A_1386 : i32 to vector<16xi32>
    %add3A_1388 = arith.addi %rem3A_1385, %add3A_1387 : vector<16xi32>
    %swap3A_1389 = arith.constant 1696 : index
    %swap3A_1390 = tpu.vector_load %arg6[%swap3A_1389] {strides = array<i32>} : memref<3200xi32, #tpu.memory_space<vmem>>, vector<16xi32>,
    %swap3A_1391 = vector.shape_cast %swap3A_1390 : vector<16xi32> to vector<16xi32>
    %swap3A_1392 = vector.shape_cast %add3A_1388 : vector<16xi32> to vector<16xi32>
    tpu.vector_store %arg6[%swap3A_1389], %swap3A_1392 {strides = array<i32>} : memref<3200xi32, #tpu.memory_space<vmem>>, vector<16xi32>,
    %add3A_1393 = arith.constant 1712 : i32
    %add3A_1394 = vector.broadcast %add3A_1393 : i32 to vector<16xi32>
    %add3A_1395 = arith.addi %iota3A, %add3A_1394 : vector<16xi32>
    %rem3A_1396 = arith.constant 200 : i32
    %rem3A_1397 = vector.broadcast %rem3A_1396 : i32 to vector<16xi32>
    %rem3A_1398 = arith.remsi %add3A_1395, %rem3A_1397 : vector<16xi32>
    %add3A_1399 = arith.constant 1 : i32
    %add3A_1400 = vector.broadcast %add3A_1399 : i32 to vector<16xi32>
    %add3A_1401 = arith.addi %rem3A_1398, %add3A_1400 : vector<16xi32>
    %swap3A_1402 = arith.constant 1712 : index
    %swap3A_1403 = tpu.vector_load %arg6[%swap3A_1402] {strides = array<i32>} : memref<3200xi32, #tpu.memory_space<vmem>>, vector<16xi32>,
    %swap3A_1404 = vector.shape_cast %swap3A_1403 : vector<16xi32> to vector<16xi32>
    %swap3A_1405 = vector.shape_cast %add3A_1401 : vector<16xi32> to vector<16xi32>
    tpu.vector_store %arg6[%swap3A_1402], %swap3A_1405 {strides = array<i32>} : memref<3200xi32, #tpu.memory_space<vmem>>, vector<16xi32>,
    %add3A_1406 = arith.constant 1728 : i32
    %add3A_1407 = vector.broadcast %add3A_1406 : i32 to vector<16xi32>
    %add3A_1408 = arith.addi %iota3A, %add3A_1407 : vector<16xi32>
    %rem3A_1409 = arith.constant 200 : i32
    %rem3A_1410 = vector.broadcast %rem3A_1409 : i32 to vector<16xi32>
    %rem3A_1411 = arith.remsi %add3A_1408, %rem3A_1410 : vector<16xi32>
    %add3A_1412 = arith.constant 1 : i32
    %add3A_1413 = vector.broadcast %add3A_1412 : i32 to vector<16xi32>
    %add3A_1414 = arith.addi %rem3A_1411, %add3A_1413 : vector<16xi32>
    %swap3A_1415 = arith.constant 1728 : index
    %swap3A_1416 = tpu.vector_load %arg6[%swap3A_1415] {strides = array<i32>} : memref<3200xi32, #tpu.memory_space<vmem>>, vector<16xi32>,
    %swap3A_1417 = vector.shape_cast %swap3A_1416 : vector<16xi32> to vector<16xi32>
    %swap3A_1418 = vector.shape_cast %add3A_1414 : vector<16xi32> to vector<16xi32>
    tpu.vector_store %arg6[%swap3A_1415], %swap3A_1418 {strides = array<i32>} : memref<3200xi32, #tpu.memory_space<vmem>>, vector<16xi32>,
    %add3A_1419 = arith.constant 1744 : i32
    %add3A_1420 = vector.broadcast %add3A_1419 : i32 to vector<16xi32>
    %add3A_1421 = arith.addi %iota3A, %add3A_1420 : vector<16xi32>
    %rem3A_1422 = arith.constant 200 : i32
    %rem3A_1423 = vector.broadcast %rem3A_1422 : i32 to vector<16xi32>
    %rem3A_1424 = arith.remsi %add3A_1421, %rem3A_1423 : vector<16xi32>
    %add3A_1425 = arith.constant 1 : i32
    %add3A_1426 = vector.broadcast %add3A_1425 : i32 to vector<16xi32>
    %add3A_1427 = arith.addi %rem3A_1424, %add3A_1426 : vector<16xi32>
    %swap3A_1428 = arith.constant 1744 : index
    %swap3A_1429 = tpu.vector_load %arg6[%swap3A_1428] {strides = array<i32>} : memref<3200xi32, #tpu.memory_space<vmem>>, vector<16xi32>,
    %swap3A_1430 = vector.shape_cast %swap3A_1429 : vector<16xi32> to vector<16xi32>
    %swap3A_1431 = vector.shape_cast %add3A_1427 : vector<16xi32> to vector<16xi32>
    tpu.vector_store %arg6[%swap3A_1428], %swap3A_1431 {strides = array<i32>} : memref<3200xi32, #tpu.memory_space<vmem>>, vector<16xi32>,
    %add3A_1432 = arith.constant 1760 : i32
    %add3A_1433 = vector.broadcast %add3A_1432 : i32 to vector<16xi32>
    %add3A_1434 = arith.addi %iota3A, %add3A_1433 : vector<16xi32>
    %rem3A_1435 = arith.constant 200 : i32
    %rem3A_1436 = vector.broadcast %rem3A_1435 : i32 to vector<16xi32>
    %rem3A_1437 = arith.remsi %add3A_1434, %rem3A_1436 : vector<16xi32>
    %add3A_1438 = arith.constant 1 : i32
    %add3A_1439 = vector.broadcast %add3A_1438 : i32 to vector<16xi32>
    %add3A_1440 = arith.addi %rem3A_1437, %add3A_1439 : vector<16xi32>
    %swap3A_1441 = arith.constant 1760 : index
    %swap3A_1442 = tpu.vector_load %arg6[%swap3A_1441] {strides = array<i32>} : memref<3200xi32, #tpu.memory_space<vmem>>, vector<16xi32>,
    %swap3A_1443 = vector.shape_cast %swap3A_1442 : vector<16xi32> to vector<16xi32>
    %swap3A_1444 = vector.shape_cast %add3A_1440 : vector<16xi32> to vector<16xi32>
    tpu.vector_store %arg6[%swap3A_1441], %swap3A_1444 {strides = array<i32>} : memref<3200xi32, #tpu.memory_space<vmem>>, vector<16xi32>,
    %add3A_1445 = arith.constant 1776 : i32
    %add3A_1446 = vector.broadcast %add3A_1445 : i32 to vector<16xi32>
    %add3A_1447 = arith.addi %iota3A, %add3A_1446 : vector<16xi32>
    %rem3A_1448 = arith.constant 200 : i32
    %rem3A_1449 = vector.broadcast %rem3A_1448 : i32 to vector<16xi32>
    %rem3A_1450 = arith.remsi %add3A_1447, %rem3A_1449 : vector<16xi32>
    %add3A_1451 = arith.constant 1 : i32
    %add3A_1452 = vector.broadcast %add3A_1451 : i32 to vector<16xi32>
    %add3A_1453 = arith.addi %rem3A_1450, %add3A_1452 : vector<16xi32>
    %swap3A_1454 = arith.constant 1776 : index
    %swap3A_1455 = tpu.vector_load %arg6[%swap3A_1454] {strides = array<i32>} : memref<3200xi32, #tpu.memory_space<vmem>>, vector<16xi32>,
    %swap3A_1456 = vector.shape_cast %swap3A_1455 : vector<16xi32> to vector<16xi32>
    %swap3A_1457 = vector.shape_cast %add3A_1453 : vector<16xi32> to vector<16xi32>
    tpu.vector_store %arg6[%swap3A_1454], %swap3A_1457 {strides = array<i32>} : memref<3200xi32, #tpu.memory_space<vmem>>, vector<16xi32>,
    %add3A_1458 = arith.constant 1792 : i32
    %add3A_1459 = vector.broadcast %add3A_1458 : i32 to vector<16xi32>
    %add3A_1460 = arith.addi %iota3A, %add3A_1459 : vector<16xi32>
    %rem3A_1461 = arith.constant 200 : i32
    %rem3A_1462 = vector.broadcast %rem3A_1461 : i32 to vector<16xi32>
    %rem3A_1463 = arith.remsi %add3A_1460, %rem3A_1462 : vector<16xi32>
    %add3A_1464 = arith.constant 1 : i32
    %add3A_1465 = vector.broadcast %add3A_1464 : i32 to vector<16xi32>
    %add3A_1466 = arith.addi %rem3A_1463, %add3A_1465 : vector<16xi32>
    %swap3A_1467 = arith.constant 1792 : index
    %swap3A_1468 = tpu.vector_load %arg6[%swap3A_1467] {strides = array<i32>} : memref<3200xi32, #tpu.memory_space<vmem>>, vector<16xi32>,
    %swap3A_1469 = vector.shape_cast %swap3A_1468 : vector<16xi32> to vector<16xi32>
    %swap3A_1470 = vector.shape_cast %add3A_1466 : vector<16xi32> to vector<16xi32>
    tpu.vector_store %arg6[%swap3A_1467], %swap3A_1470 {strides = array<i32>} : memref<3200xi32, #tpu.memory_space<vmem>>, vector<16xi32>,
    %add3A_1471 = arith.constant 1808 : i32
    %add3A_1472 = vector.broadcast %add3A_1471 : i32 to vector<16xi32>
    %add3A_1473 = arith.addi %iota3A, %add3A_1472 : vector<16xi32>
    %rem3A_1474 = arith.constant 200 : i32
    %rem3A_1475 = vector.broadcast %rem3A_1474 : i32 to vector<16xi32>
    %rem3A_1476 = arith.remsi %add3A_1473, %rem3A_1475 : vector<16xi32>
    %add3A_1477 = arith.constant 1 : i32
    %add3A_1478 = vector.broadcast %add3A_1477 : i32 to vector<16xi32>
    %add3A_1479 = arith.addi %rem3A_1476, %add3A_1478 : vector<16xi32>
    %swap3A_1480 = arith.constant 1808 : index
    %swap3A_1481 = tpu.vector_load %arg6[%swap3A_1480] {strides = array<i32>} : memref<3200xi32, #tpu.memory_space<vmem>>, vector<16xi32>,
    %swap3A_1482 = vector.shape_cast %swap3A_1481 : vector<16xi32> to vector<16xi32>
    %swap3A_1483 = vector.shape_cast %add3A_1479 : vector<16xi32> to vector<16xi32>
    tpu.vector_store %arg6[%swap3A_1480], %swap3A_1483 {strides = array<i32>} : memref<3200xi32, #tpu.memory_space<vmem>>, vector<16xi32>,
    %add3A_1484 = arith.constant 1824 : i32
    %add3A_1485 = vector.broadcast %add3A_1484 : i32 to vector<16xi32>
    %add3A_1486 = arith.addi %iota3A, %add3A_1485 : vector<16xi32>
    %rem3A_1487 = arith.constant 200 : i32
    %rem3A_1488 = vector.broadcast %rem3A_1487 : i32 to vector<16xi32>
    %rem3A_1489 = arith.remsi %add3A_1486, %rem3A_1488 : vector<16xi32>
    %add3A_1490 = arith.constant 1 : i32
    %add3A_1491 = vector.broadcast %add3A_1490 : i32 to vector<16xi32>
    %add3A_1492 = arith.addi %rem3A_1489, %add3A_1491 : vector<16xi32>
    %swap3A_1493 = arith.constant 1824 : index
    %swap3A_1494 = tpu.vector_load %arg6[%swap3A_1493] {strides = array<i32>} : memref<3200xi32, #tpu.memory_space<vmem>>, vector<16xi32>,
    %swap3A_1495 = vector.shape_cast %swap3A_1494 : vector<16xi32> to vector<16xi32>
    %swap3A_1496 = vector.shape_cast %add3A_1492 : vector<16xi32> to vector<16xi32>
    tpu.vector_store %arg6[%swap3A_1493], %swap3A_1496 {strides = array<i32>} : memref<3200xi32, #tpu.memory_space<vmem>>, vector<16xi32>,
    %add3A_1497 = arith.constant 1840 : i32
    %add3A_1498 = vector.broadcast %add3A_1497 : i32 to vector<16xi32>
    %add3A_1499 = arith.addi %iota3A, %add3A_1498 : vector<16xi32>
    %rem3A_1500 = arith.constant 200 : i32
    %rem3A_1501 = vector.broadcast %rem3A_1500 : i32 to vector<16xi32>
    %rem3A_1502 = arith.remsi %add3A_1499, %rem3A_1501 : vector<16xi32>
    %add3A_1503 = arith.constant 1 : i32
    %add3A_1504 = vector.broadcast %add3A_1503 : i32 to vector<16xi32>
    %add3A_1505 = arith.addi %rem3A_1502, %add3A_1504 : vector<16xi32>
    %swap3A_1506 = arith.constant 1840 : index
    %swap3A_1507 = tpu.vector_load %arg6[%swap3A_1506] {strides = array<i32>} : memref<3200xi32, #tpu.memory_space<vmem>>, vector<16xi32>,
    %swap3A_1508 = vector.shape_cast %swap3A_1507 : vector<16xi32> to vector<16xi32>
    %swap3A_1509 = vector.shape_cast %add3A_1505 : vector<16xi32> to vector<16xi32>
    tpu.vector_store %arg6[%swap3A_1506], %swap3A_1509 {strides = array<i32>} : memref<3200xi32, #tpu.memory_space<vmem>>, vector<16xi32>,
    %add3A_1510 = arith.constant 1856 : i32
    %add3A_1511 = vector.broadcast %add3A_1510 : i32 to vector<16xi32>
    %add3A_1512 = arith.addi %iota3A, %add3A_1511 : vector<16xi32>
    %rem3A_1513 = arith.constant 200 : i32
    %rem3A_1514 = vector.broadcast %rem3A_1513 : i32 to vector<16xi32>
    %rem3A_1515 = arith.remsi %add3A_1512, %rem3A_1514 : vector<16xi32>
    %add3A_1516 = arith.constant 1 : i32
    %add3A_1517 = vector.broadcast %add3A_1516 : i32 to vector<16xi32>
    %add3A_1518 = arith.addi %rem3A_1515, %add3A_1517 : vector<16xi32>
    %swap3A_1519 = arith.constant 1856 : index
    %swap3A_1520 = tpu.vector_load %arg6[%swap3A_1519] {strides = array<i32>} : memref<3200xi32, #tpu.memory_space<vmem>>, vector<16xi32>,
    %swap3A_1521 = vector.shape_cast %swap3A_1520 : vector<16xi32> to vector<16xi32>
    %swap3A_1522 = vector.shape_cast %add3A_1518 : vector<16xi32> to vector<16xi32>
    tpu.vector_store %arg6[%swap3A_1519], %swap3A_1522 {strides = array<i32>} : memref<3200xi32, #tpu.memory_space<vmem>>, vector<16xi32>,
    %add3A_1523 = arith.constant 1872 : i32
    %add3A_1524 = vector.broadcast %add3A_1523 : i32 to vector<16xi32>
    %add3A_1525 = arith.addi %iota3A, %add3A_1524 : vector<16xi32>
    %rem3A_1526 = arith.constant 200 : i32
    %rem3A_1527 = vector.broadcast %rem3A_1526 : i32 to vector<16xi32>
    %rem3A_1528 = arith.remsi %add3A_1525, %rem3A_1527 : vector<16xi32>
    %add3A_1529 = arith.constant 1 : i32
    %add3A_1530 = vector.broadcast %add3A_1529 : i32 to vector<16xi32>
    %add3A_1531 = arith.addi %rem3A_1528, %add3A_1530 : vector<16xi32>
    %swap3A_1532 = arith.constant 1872 : index
    %swap3A_1533 = tpu.vector_load %arg6[%swap3A_1532] {strides = array<i32>} : memref<3200xi32, #tpu.memory_space<vmem>>, vector<16xi32>,
    %swap3A_1534 = vector.shape_cast %swap3A_1533 : vector<16xi32> to vector<16xi32>
    %swap3A_1535 = vector.shape_cast %add3A_1531 : vector<16xi32> to vector<16xi32>
    tpu.vector_store %arg6[%swap3A_1532], %swap3A_1535 {strides = array<i32>} : memref<3200xi32, #tpu.memory_space<vmem>>, vector<16xi32>,
    %add3A_1536 = arith.constant 1888 : i32
    %add3A_1537 = vector.broadcast %add3A_1536 : i32 to vector<16xi32>
    %add3A_1538 = arith.addi %iota3A, %add3A_1537 : vector<16xi32>
    %rem3A_1539 = arith.constant 200 : i32
    %rem3A_1540 = vector.broadcast %rem3A_1539 : i32 to vector<16xi32>
    %rem3A_1541 = arith.remsi %add3A_1538, %rem3A_1540 : vector<16xi32>
    %add3A_1542 = arith.constant 1 : i32
    %add3A_1543 = vector.broadcast %add3A_1542 : i32 to vector<16xi32>
    %add3A_1544 = arith.addi %rem3A_1541, %add3A_1543 : vector<16xi32>
    %swap3A_1545 = arith.constant 1888 : index
    %swap3A_1546 = tpu.vector_load %arg6[%swap3A_1545] {strides = array<i32>} : memref<3200xi32, #tpu.memory_space<vmem>>, vector<16xi32>,
    %swap3A_1547 = vector.shape_cast %swap3A_1546 : vector<16xi32> to vector<16xi32>
    %swap3A_1548 = vector.shape_cast %add3A_1544 : vector<16xi32> to vector<16xi32>
    tpu.vector_store %arg6[%swap3A_1545], %swap3A_1548 {strides = array<i32>} : memref<3200xi32, #tpu.memory_space<vmem>>, vector<16xi32>,
    %add3A_1549 = arith.constant 1904 : i32
    %add3A_1550 = vector.broadcast %add3A_1549 : i32 to vector<16xi32>
    %add3A_1551 = arith.addi %iota3A, %add3A_1550 : vector<16xi32>
    %rem3A_1552 = arith.constant 200 : i32
    %rem3A_1553 = vector.broadcast %rem3A_1552 : i32 to vector<16xi32>
    %rem3A_1554 = arith.remsi %add3A_1551, %rem3A_1553 : vector<16xi32>
    %add3A_1555 = arith.constant 1 : i32
    %add3A_1556 = vector.broadcast %add3A_1555 : i32 to vector<16xi32>
    %add3A_1557 = arith.addi %rem3A_1554, %add3A_1556 : vector<16xi32>
    %swap3A_1558 = arith.constant 1904 : index
    %swap3A_1559 = tpu.vector_load %arg6[%swap3A_1558] {strides = array<i32>} : memref<3200xi32, #tpu.memory_space<vmem>>, vector<16xi32>,
    %swap3A_1560 = vector.shape_cast %swap3A_1559 : vector<16xi32> to vector<16xi32>
    %swap3A_1561 = vector.shape_cast %add3A_1557 : vector<16xi32> to vector<16xi32>
    tpu.vector_store %arg6[%swap3A_1558], %swap3A_1561 {strides = array<i32>} : memref<3200xi32, #tpu.memory_space<vmem>>, vector<16xi32>,
    %add3A_1562 = arith.constant 1920 : i32
    %add3A_1563 = vector.broadcast %add3A_1562 : i32 to vector<16xi32>
    %add3A_1564 = arith.addi %iota3A, %add3A_1563 : vector<16xi32>
    %rem3A_1565 = arith.constant 200 : i32
    %rem3A_1566 = vector.broadcast %rem3A_1565 : i32 to vector<16xi32>
    %rem3A_1567 = arith.remsi %add3A_1564, %rem3A_1566 : vector<16xi32>
    %add3A_1568 = arith.constant 1 : i32
    %add3A_1569 = vector.broadcast %add3A_1568 : i32 to vector<16xi32>
    %add3A_1570 = arith.addi %rem3A_1567, %add3A_1569 : vector<16xi32>
    %swap3A_1571 = arith.constant 1920 : index
    %swap3A_1572 = tpu.vector_load %arg6[%swap3A_1571] {strides = array<i32>} : memref<3200xi32, #tpu.memory_space<vmem>>, vector<16xi32>,
    %swap3A_1573 = vector.shape_cast %swap3A_1572 : vector<16xi32> to vector<16xi32>
    %swap3A_1574 = vector.shape_cast %add3A_1570 : vector<16xi32> to vector<16xi32>
    tpu.vector_store %arg6[%swap3A_1571], %swap3A_1574 {strides = array<i32>} : memref<3200xi32, #tpu.memory_space<vmem>>, vector<16xi32>,
    %add3A_1575 = arith.constant 1936 : i32
    %add3A_1576 = vector.broadcast %add3A_1575 : i32 to vector<16xi32>
    %add3A_1577 = arith.addi %iota3A, %add3A_1576 : vector<16xi32>
    %rem3A_1578 = arith.constant 200 : i32
    %rem3A_1579 = vector.broadcast %rem3A_1578 : i32 to vector<16xi32>
    %rem3A_1580 = arith.remsi %add3A_1577, %rem3A_1579 : vector<16xi32>
    %add3A_1581 = arith.constant 1 : i32
    %add3A_1582 = vector.broadcast %add3A_1581 : i32 to vector<16xi32>
    %add3A_1583 = arith.addi %rem3A_1580, %add3A_1582 : vector<16xi32>
    %swap3A_1584 = arith.constant 1936 : index
    %swap3A_1585 = tpu.vector_load %arg6[%swap3A_1584] {strides = array<i32>} : memref<3200xi32, #tpu.memory_space<vmem>>, vector<16xi32>,
    %swap3A_1586 = vector.shape_cast %swap3A_1585 : vector<16xi32> to vector<16xi32>
    %swap3A_1587 = vector.shape_cast %add3A_1583 : vector<16xi32> to vector<16xi32>
    tpu.vector_store %arg6[%swap3A_1584], %swap3A_1587 {strides = array<i32>} : memref<3200xi32, #tpu.memory_space<vmem>>, vector<16xi32>,
    %add3A_1588 = arith.constant 1952 : i32
    %add3A_1589 = vector.broadcast %add3A_1588 : i32 to vector<16xi32>
    %add3A_1590 = arith.addi %iota3A, %add3A_1589 : vector<16xi32>
    %rem3A_1591 = arith.constant 200 : i32
    %rem3A_1592 = vector.broadcast %rem3A_1591 : i32 to vector<16xi32>
    %rem3A_1593 = arith.remsi %add3A_1590, %rem3A_1592 : vector<16xi32>
    %add3A_1594 = arith.constant 1 : i32
    %add3A_1595 = vector.broadcast %add3A_1594 : i32 to vector<16xi32>
    %add3A_1596 = arith.addi %rem3A_1593, %add3A_1595 : vector<16xi32>
    %swap3A_1597 = arith.constant 1952 : index
    %swap3A_1598 = tpu.vector_load %arg6[%swap3A_1597] {strides = array<i32>} : memref<3200xi32, #tpu.memory_space<vmem>>, vector<16xi32>,
    %swap3A_1599 = vector.shape_cast %swap3A_1598 : vector<16xi32> to vector<16xi32>
    %swap3A_1600 = vector.shape_cast %add3A_1596 : vector<16xi32> to vector<16xi32>
    tpu.vector_store %arg6[%swap3A_1597], %swap3A_1600 {strides = array<i32>} : memref<3200xi32, #tpu.memory_space<vmem>>, vector<16xi32>,
    %add3A_1601 = arith.constant 1968 : i32
    %add3A_1602 = vector.broadcast %add3A_1601 : i32 to vector<16xi32>
    %add3A_1603 = arith.addi %iota3A, %add3A_1602 : vector<16xi32>
    %rem3A_1604 = arith.constant 200 : i32
    %rem3A_1605 = vector.broadcast %rem3A_1604 : i32 to vector<16xi32>
    %rem3A_1606 = arith.remsi %add3A_1603, %rem3A_1605 : vector<16xi32>
    %add3A_1607 = arith.constant 1 : i32
    %add3A_1608 = vector.broadcast %add3A_1607 : i32 to vector<16xi32>
    %add3A_1609 = arith.addi %rem3A_1606, %add3A_1608 : vector<16xi32>
    %swap3A_1610 = arith.constant 1968 : index
    %swap3A_1611 = tpu.vector_load %arg6[%swap3A_1610] {strides = array<i32>} : memref<3200xi32, #tpu.memory_space<vmem>>, vector<16xi32>,
    %swap3A_1612 = vector.shape_cast %swap3A_1611 : vector<16xi32> to vector<16xi32>
    %swap3A_1613 = vector.shape_cast %add3A_1609 : vector<16xi32> to vector<16xi32>
    tpu.vector_store %arg6[%swap3A_1610], %swap3A_1613 {strides = array<i32>} : memref<3200xi32, #tpu.memory_space<vmem>>, vector<16xi32>,
    %add3A_1614 = arith.constant 1984 : i32
    %add3A_1615 = vector.broadcast %add3A_1614 : i32 to vector<16xi32>
    %add3A_1616 = arith.addi %iota3A, %add3A_1615 : vector<16xi32>
    %rem3A_1617 = arith.constant 200 : i32
    %rem3A_1618 = vector.broadcast %rem3A_1617 : i32 to vector<16xi32>
    %rem3A_1619 = arith.remsi %add3A_1616, %rem3A_1618 : vector<16xi32>
    %add3A_1620 = arith.constant 1 : i32
    %add3A_1621 = vector.broadcast %add3A_1620 : i32 to vector<16xi32>
    %add3A_1622 = arith.addi %rem3A_1619, %add3A_1621 : vector<16xi32>
    %swap3A_1623 = arith.constant 1984 : index
    %swap3A_1624 = tpu.vector_load %arg6[%swap3A_1623] {strides = array<i32>} : memref<3200xi32, #tpu.memory_space<vmem>>, vector<16xi32>,
    %swap3A_1625 = vector.shape_cast %swap3A_1624 : vector<16xi32> to vector<16xi32>
    %swap3A_1626 = vector.shape_cast %add3A_1622 : vector<16xi32> to vector<16xi32>
    tpu.vector_store %arg6[%swap3A_1623], %swap3A_1626 {strides = array<i32>} : memref<3200xi32, #tpu.memory_space<vmem>>, vector<16xi32>,
    %add3A_1627 = arith.constant 2000 : i32
    %add3A_1628 = vector.broadcast %add3A_1627 : i32 to vector<16xi32>
    %add3A_1629 = arith.addi %iota3A, %add3A_1628 : vector<16xi32>
    %rem3A_1630 = arith.constant 200 : i32
    %rem3A_1631 = vector.broadcast %rem3A_1630 : i32 to vector<16xi32>
    %rem3A_1632 = arith.remsi %add3A_1629, %rem3A_1631 : vector<16xi32>
    %add3A_1633 = arith.constant 1 : i32
    %add3A_1634 = vector.broadcast %add3A_1633 : i32 to vector<16xi32>
    %add3A_1635 = arith.addi %rem3A_1632, %add3A_1634 : vector<16xi32>
    %swap3A_1636 = arith.constant 2000 : index
    %swap3A_1637 = tpu.vector_load %arg6[%swap3A_1636] {strides = array<i32>} : memref<3200xi32, #tpu.memory_space<vmem>>, vector<16xi32>,
    %swap3A_1638 = vector.shape_cast %swap3A_1637 : vector<16xi32> to vector<16xi32>
    %swap3A_1639 = vector.shape_cast %add3A_1635 : vector<16xi32> to vector<16xi32>
    tpu.vector_store %arg6[%swap3A_1636], %swap3A_1639 {strides = array<i32>} : memref<3200xi32, #tpu.memory_space<vmem>>, vector<16xi32>,
    %add3A_1640 = arith.constant 2016 : i32
    %add3A_1641 = vector.broadcast %add3A_1640 : i32 to vector<16xi32>
    %add3A_1642 = arith.addi %iota3A, %add3A_1641 : vector<16xi32>
    %rem3A_1643 = arith.constant 200 : i32
    %rem3A_1644 = vector.broadcast %rem3A_1643 : i32 to vector<16xi32>
    %rem3A_1645 = arith.remsi %add3A_1642, %rem3A_1644 : vector<16xi32>
    %add3A_1646 = arith.constant 1 : i32
    %add3A_1647 = vector.broadcast %add3A_1646 : i32 to vector<16xi32>
    %add3A_1648 = arith.addi %rem3A_1645, %add3A_1647 : vector<16xi32>
    %swap3A_1649 = arith.constant 2016 : index
    %swap3A_1650 = tpu.vector_load %arg6[%swap3A_1649] {strides = array<i32>} : memref<3200xi32, #tpu.memory_space<vmem>>, vector<16xi32>,
    %swap3A_1651 = vector.shape_cast %swap3A_1650 : vector<16xi32> to vector<16xi32>
    %swap3A_1652 = vector.shape_cast %add3A_1648 : vector<16xi32> to vector<16xi32>
    tpu.vector_store %arg6[%swap3A_1649], %swap3A_1652 {strides = array<i32>} : memref<3200xi32, #tpu.memory_space<vmem>>, vector<16xi32>,
    %add3A_1653 = arith.constant 2032 : i32
    %add3A_1654 = vector.broadcast %add3A_1653 : i32 to vector<16xi32>
    %add3A_1655 = arith.addi %iota3A, %add3A_1654 : vector<16xi32>
    %rem3A_1656 = arith.constant 200 : i32
    %rem3A_1657 = vector.broadcast %rem3A_1656 : i32 to vector<16xi32>
    %rem3A_1658 = arith.remsi %add3A_1655, %rem3A_1657 : vector<16xi32>
    %add3A_1659 = arith.constant 1 : i32
    %add3A_1660 = vector.broadcast %add3A_1659 : i32 to vector<16xi32>
    %add3A_1661 = arith.addi %rem3A_1658, %add3A_1660 : vector<16xi32>
    %swap3A_1662 = arith.constant 2032 : index
    %swap3A_1663 = tpu.vector_load %arg6[%swap3A_1662] {strides = array<i32>} : memref<3200xi32, #tpu.memory_space<vmem>>, vector<16xi32>,
    %swap3A_1664 = vector.shape_cast %swap3A_1663 : vector<16xi32> to vector<16xi32>
    %swap3A_1665 = vector.shape_cast %add3A_1661 : vector<16xi32> to vector<16xi32>
    tpu.vector_store %arg6[%swap3A_1662], %swap3A_1665 {strides = array<i32>} : memref<3200xi32, #tpu.memory_space<vmem>>, vector<16xi32>,
    %add3A_1666 = arith.constant 2048 : i32
    %add3A_1667 = vector.broadcast %add3A_1666 : i32 to vector<16xi32>
    %add3A_1668 = arith.addi %iota3A, %add3A_1667 : vector<16xi32>
    %rem3A_1669 = arith.constant 200 : i32
    %rem3A_1670 = vector.broadcast %rem3A_1669 : i32 to vector<16xi32>
    %rem3A_1671 = arith.remsi %add3A_1668, %rem3A_1670 : vector<16xi32>
    %add3A_1672 = arith.constant 1 : i32
    %add3A_1673 = vector.broadcast %add3A_1672 : i32 to vector<16xi32>
    %add3A_1674 = arith.addi %rem3A_1671, %add3A_1673 : vector<16xi32>
    %swap3A_1675 = arith.constant 2048 : index
    %swap3A_1676 = tpu.vector_load %arg6[%swap3A_1675] {strides = array<i32>} : memref<3200xi32, #tpu.memory_space<vmem>>, vector<16xi32>,
    %swap3A_1677 = vector.shape_cast %swap3A_1676 : vector<16xi32> to vector<16xi32>
    %swap3A_1678 = vector.shape_cast %add3A_1674 : vector<16xi32> to vector<16xi32>
    tpu.vector_store %arg6[%swap3A_1675], %swap3A_1678 {strides = array<i32>} : memref<3200xi32, #tpu.memory_space<vmem>>, vector<16xi32>,
    %add3A_1679 = arith.constant 2064 : i32
    %add3A_1680 = vector.broadcast %add3A_1679 : i32 to vector<16xi32>
    %add3A_1681 = arith.addi %iota3A, %add3A_1680 : vector<16xi32>
    %rem3A_1682 = arith.constant 200 : i32
    %rem3A_1683 = vector.broadcast %rem3A_1682 : i32 to vector<16xi32>
    %rem3A_1684 = arith.remsi %add3A_1681, %rem3A_1683 : vector<16xi32>
    %add3A_1685 = arith.constant 1 : i32
    %add3A_1686 = vector.broadcast %add3A_1685 : i32 to vector<16xi32>
    %add3A_1687 = arith.addi %rem3A_1684, %add3A_1686 : vector<16xi32>
    %swap3A_1688 = arith.constant 2064 : index
    %swap3A_1689 = tpu.vector_load %arg6[%swap3A_1688] {strides = array<i32>} : memref<3200xi32, #tpu.memory_space<vmem>>, vector<16xi32>,
    %swap3A_1690 = vector.shape_cast %swap3A_1689 : vector<16xi32> to vector<16xi32>
    %swap3A_1691 = vector.shape_cast %add3A_1687 : vector<16xi32> to vector<16xi32>
    tpu.vector_store %arg6[%swap3A_1688], %swap3A_1691 {strides = array<i32>} : memref<3200xi32, #tpu.memory_space<vmem>>, vector<16xi32>,
    %add3A_1692 = arith.constant 2080 : i32
    %add3A_1693 = vector.broadcast %add3A_1692 : i32 to vector<16xi32>
    %add3A_1694 = arith.addi %iota3A, %add3A_1693 : vector<16xi32>
    %rem3A_1695 = arith.constant 200 : i32
    %rem3A_1696 = vector.broadcast %rem3A_1695 : i32 to vector<16xi32>
    %rem3A_1697 = arith.remsi %add3A_1694, %rem3A_1696 : vector<16xi32>
    %add3A_1698 = arith.constant 1 : i32
    %add3A_1699 = vector.broadcast %add3A_1698 : i32 to vector<16xi32>
    %add3A_1700 = arith.addi %rem3A_1697, %add3A_1699 : vector<16xi32>
    %swap3A_1701 = arith.constant 2080 : index
    %swap3A_1702 = tpu.vector_load %arg6[%swap3A_1701] {strides = array<i32>} : memref<3200xi32, #tpu.memory_space<vmem>>, vector<16xi32>,
    %swap3A_1703 = vector.shape_cast %swap3A_1702 : vector<16xi32> to vector<16xi32>
    %swap3A_1704 = vector.shape_cast %add3A_1700 : vector<16xi32> to vector<16xi32>
    tpu.vector_store %arg6[%swap3A_1701], %swap3A_1704 {strides = array<i32>} : memref<3200xi32, #tpu.memory_space<vmem>>, vector<16xi32>,
    %add3A_1705 = arith.constant 2096 : i32
    %add3A_1706 = vector.broadcast %add3A_1705 : i32 to vector<16xi32>
    %add3A_1707 = arith.addi %iota3A, %add3A_1706 : vector<16xi32>
    %rem3A_1708 = arith.constant 200 : i32
    %rem3A_1709 = vector.broadcast %rem3A_1708 : i32 to vector<16xi32>
    %rem3A_1710 = arith.remsi %add3A_1707, %rem3A_1709 : vector<16xi32>
    %add3A_1711 = arith.constant 1 : i32
    %add3A_1712 = vector.broadcast %add3A_1711 : i32 to vector<16xi32>
    %add3A_1713 = arith.addi %rem3A_1710, %add3A_1712 : vector<16xi32>
    %swap3A_1714 = arith.constant 2096 : index
    %swap3A_1715 = tpu.vector_load %arg6[%swap3A_1714] {strides = array<i32>} : memref<3200xi32, #tpu.memory_space<vmem>>, vector<16xi32>,
    %swap3A_1716 = vector.shape_cast %swap3A_1715 : vector<16xi32> to vector<16xi32>
    %swap3A_1717 = vector.shape_cast %add3A_1713 : vector<16xi32> to vector<16xi32>
    tpu.vector_store %arg6[%swap3A_1714], %swap3A_1717 {strides = array<i32>} : memref<3200xi32, #tpu.memory_space<vmem>>, vector<16xi32>,
    %add3A_1718 = arith.constant 2112 : i32
    %add3A_1719 = vector.broadcast %add3A_1718 : i32 to vector<16xi32>
    %add3A_1720 = arith.addi %iota3A, %add3A_1719 : vector<16xi32>
    %rem3A_1721 = arith.constant 200 : i32
    %rem3A_1722 = vector.broadcast %rem3A_1721 : i32 to vector<16xi32>
    %rem3A_1723 = arith.remsi %add3A_1720, %rem3A_1722 : vector<16xi32>
    %add3A_1724 = arith.constant 1 : i32
    %add3A_1725 = vector.broadcast %add3A_1724 : i32 to vector<16xi32>
    %add3A_1726 = arith.addi %rem3A_1723, %add3A_1725 : vector<16xi32>
    %swap3A_1727 = arith.constant 2112 : index
    %swap3A_1728 = tpu.vector_load %arg6[%swap3A_1727] {strides = array<i32>} : memref<3200xi32, #tpu.memory_space<vmem>>, vector<16xi32>,
    %swap3A_1729 = vector.shape_cast %swap3A_1728 : vector<16xi32> to vector<16xi32>
    %swap3A_1730 = vector.shape_cast %add3A_1726 : vector<16xi32> to vector<16xi32>
    tpu.vector_store %arg6[%swap3A_1727], %swap3A_1730 {strides = array<i32>} : memref<3200xi32, #tpu.memory_space<vmem>>, vector<16xi32>,
    %add3A_1731 = arith.constant 2128 : i32
    %add3A_1732 = vector.broadcast %add3A_1731 : i32 to vector<16xi32>
    %add3A_1733 = arith.addi %iota3A, %add3A_1732 : vector<16xi32>
    %rem3A_1734 = arith.constant 200 : i32
    %rem3A_1735 = vector.broadcast %rem3A_1734 : i32 to vector<16xi32>
    %rem3A_1736 = arith.remsi %add3A_1733, %rem3A_1735 : vector<16xi32>
    %add3A_1737 = arith.constant 1 : i32
    %add3A_1738 = vector.broadcast %add3A_1737 : i32 to vector<16xi32>
    %add3A_1739 = arith.addi %rem3A_1736, %add3A_1738 : vector<16xi32>
    %swap3A_1740 = arith.constant 2128 : index
    %swap3A_1741 = tpu.vector_load %arg6[%swap3A_1740] {strides = array<i32>} : memref<3200xi32, #tpu.memory_space<vmem>>, vector<16xi32>,
    %swap3A_1742 = vector.shape_cast %swap3A_1741 : vector<16xi32> to vector<16xi32>
    %swap3A_1743 = vector.shape_cast %add3A_1739 : vector<16xi32> to vector<16xi32>
    tpu.vector_store %arg6[%swap3A_1740], %swap3A_1743 {strides = array<i32>} : memref<3200xi32, #tpu.memory_space<vmem>>, vector<16xi32>,
    %add3A_1744 = arith.constant 2144 : i32
    %add3A_1745 = vector.broadcast %add3A_1744 : i32 to vector<16xi32>
    %add3A_1746 = arith.addi %iota3A, %add3A_1745 : vector<16xi32>
    %rem3A_1747 = arith.constant 200 : i32
    %rem3A_1748 = vector.broadcast %rem3A_1747 : i32 to vector<16xi32>
    %rem3A_1749 = arith.remsi %add3A_1746, %rem3A_1748 : vector<16xi32>
    %add3A_1750 = arith.constant 1 : i32
    %add3A_1751 = vector.broadcast %add3A_1750 : i32 to vector<16xi32>
    %add3A_1752 = arith.addi %rem3A_1749, %add3A_1751 : vector<16xi32>
    %swap3A_1753 = arith.constant 2144 : index
    %swap3A_1754 = tpu.vector_load %arg6[%swap3A_1753] {strides = array<i32>} : memref<3200xi32, #tpu.memory_space<vmem>>, vector<16xi32>,
    %swap3A_1755 = vector.shape_cast %swap3A_1754 : vector<16xi32> to vector<16xi32>
    %swap3A_1756 = vector.shape_cast %add3A_1752 : vector<16xi32> to vector<16xi32>
    tpu.vector_store %arg6[%swap3A_1753], %swap3A_1756 {strides = array<i32>} : memref<3200xi32, #tpu.memory_space<vmem>>, vector<16xi32>,
    %add3A_1757 = arith.constant 2160 : i32
    %add3A_1758 = vector.broadcast %add3A_1757 : i32 to vector<16xi32>
    %add3A_1759 = arith.addi %iota3A, %add3A_1758 : vector<16xi32>
    %rem3A_1760 = arith.constant 200 : i32
    %rem3A_1761 = vector.broadcast %rem3A_1760 : i32 to vector<16xi32>
    %rem3A_1762 = arith.remsi %add3A_1759, %rem3A_1761 : vector<16xi32>
    %add3A_1763 = arith.constant 1 : i32
    %add3A_1764 = vector.broadcast %add3A_1763 : i32 to vector<16xi32>
    %add3A_1765 = arith.addi %rem3A_1762, %add3A_1764 : vector<16xi32>
    %swap3A_1766 = arith.constant 2160 : index
    %swap3A_1767 = tpu.vector_load %arg6[%swap3A_1766] {strides = array<i32>} : memref<3200xi32, #tpu.memory_space<vmem>>, vector<16xi32>,
    %swap3A_1768 = vector.shape_cast %swap3A_1767 : vector<16xi32> to vector<16xi32>
    %swap3A_1769 = vector.shape_cast %add3A_1765 : vector<16xi32> to vector<16xi32>
    tpu.vector_store %arg6[%swap3A_1766], %swap3A_1769 {strides = array<i32>} : memref<3200xi32, #tpu.memory_space<vmem>>, vector<16xi32>,
    %add3A_1770 = arith.constant 2176 : i32
    %add3A_1771 = vector.broadcast %add3A_1770 : i32 to vector<16xi32>
    %add3A_1772 = arith.addi %iota3A, %add3A_1771 : vector<16xi32>
    %rem3A_1773 = arith.constant 200 : i32
    %rem3A_1774 = vector.broadcast %rem3A_1773 : i32 to vector<16xi32>
    %rem3A_1775 = arith.remsi %add3A_1772, %rem3A_1774 : vector<16xi32>
    %add3A_1776 = arith.constant 1 : i32
    %add3A_1777 = vector.broadcast %add3A_1776 : i32 to vector<16xi32>
    %add3A_1778 = arith.addi %rem3A_1775, %add3A_1777 : vector<16xi32>
    %swap3A_1779 = arith.constant 2176 : index
    %swap3A_1780 = tpu.vector_load %arg6[%swap3A_1779] {strides = array<i32>} : memref<3200xi32, #tpu.memory_space<vmem>>, vector<16xi32>,
    %swap3A_1781 = vector.shape_cast %swap3A_1780 : vector<16xi32> to vector<16xi32>
    %swap3A_1782 = vector.shape_cast %add3A_1778 : vector<16xi32> to vector<16xi32>
    tpu.vector_store %arg6[%swap3A_1779], %swap3A_1782 {strides = array<i32>} : memref<3200xi32, #tpu.memory_space<vmem>>, vector<16xi32>,
    %add3A_1783 = arith.constant 2192 : i32
    %add3A_1784 = vector.broadcast %add3A_1783 : i32 to vector<16xi32>
    %add3A_1785 = arith.addi %iota3A, %add3A_1784 : vector<16xi32>
    %rem3A_1786 = arith.constant 200 : i32
    %rem3A_1787 = vector.broadcast %rem3A_1786 : i32 to vector<16xi32>
    %rem3A_1788 = arith.remsi %add3A_1785, %rem3A_1787 : vector<16xi32>
    %add3A_1789 = arith.constant 1 : i32
    %add3A_1790 = vector.broadcast %add3A_1789 : i32 to vector<16xi32>
    %add3A_1791 = arith.addi %rem3A_1788, %add3A_1790 : vector<16xi32>
    %swap3A_1792 = arith.constant 2192 : index
    %swap3A_1793 = tpu.vector_load %arg6[%swap3A_1792] {strides = array<i32>} : memref<3200xi32, #tpu.memory_space<vmem>>, vector<16xi32>,
    %swap3A_1794 = vector.shape_cast %swap3A_1793 : vector<16xi32> to vector<16xi32>
    %swap3A_1795 = vector.shape_cast %add3A_1791 : vector<16xi32> to vector<16xi32>
    tpu.vector_store %arg6[%swap3A_1792], %swap3A_1795 {strides = array<i32>} : memref<3200xi32, #tpu.memory_space<vmem>>, vector<16xi32>,
    %add3A_1796 = arith.constant 2208 : i32
    %add3A_1797 = vector.broadcast %add3A_1796 : i32 to vector<16xi32>
    %add3A_1798 = arith.addi %iota3A, %add3A_1797 : vector<16xi32>
    %rem3A_1799 = arith.constant 200 : i32
    %rem3A_1800 = vector.broadcast %rem3A_1799 : i32 to vector<16xi32>
    %rem3A_1801 = arith.remsi %add3A_1798, %rem3A_1800 : vector<16xi32>
    %add3A_1802 = arith.constant 1 : i32
    %add3A_1803 = vector.broadcast %add3A_1802 : i32 to vector<16xi32>
    %add3A_1804 = arith.addi %rem3A_1801, %add3A_1803 : vector<16xi32>
    %swap3A_1805 = arith.constant 2208 : index
    %swap3A_1806 = tpu.vector_load %arg6[%swap3A_1805] {strides = array<i32>} : memref<3200xi32, #tpu.memory_space<vmem>>, vector<16xi32>,
    %swap3A_1807 = vector.shape_cast %swap3A_1806 : vector<16xi32> to vector<16xi32>
    %swap3A_1808 = vector.shape_cast %add3A_1804 : vector<16xi32> to vector<16xi32>
    tpu.vector_store %arg6[%swap3A_1805], %swap3A_1808 {strides = array<i32>} : memref<3200xi32, #tpu.memory_space<vmem>>, vector<16xi32>,
    %add3A_1809 = arith.constant 2224 : i32
    %add3A_1810 = vector.broadcast %add3A_1809 : i32 to vector<16xi32>
    %add3A_1811 = arith.addi %iota3A, %add3A_1810 : vector<16xi32>
    %rem3A_1812 = arith.constant 200 : i32
    %rem3A_1813 = vector.broadcast %rem3A_1812 : i32 to vector<16xi32>
    %rem3A_1814 = arith.remsi %add3A_1811, %rem3A_1813 : vector<16xi32>
    %add3A_1815 = arith.constant 1 : i32
    %add3A_1816 = vector.broadcast %add3A_1815 : i32 to vector<16xi32>
    %add3A_1817 = arith.addi %rem3A_1814, %add3A_1816 : vector<16xi32>
    %swap3A_1818 = arith.constant 2224 : index
    %swap3A_1819 = tpu.vector_load %arg6[%swap3A_1818] {strides = array<i32>} : memref<3200xi32, #tpu.memory_space<vmem>>, vector<16xi32>,
    %swap3A_1820 = vector.shape_cast %swap3A_1819 : vector<16xi32> to vector<16xi32>
    %swap3A_1821 = vector.shape_cast %add3A_1817 : vector<16xi32> to vector<16xi32>
    tpu.vector_store %arg6[%swap3A_1818], %swap3A_1821 {strides = array<i32>} : memref<3200xi32, #tpu.memory_space<vmem>>, vector<16xi32>,
    %add3A_1822 = arith.constant 2240 : i32
    %add3A_1823 = vector.broadcast %add3A_1822 : i32 to vector<16xi32>
    %add3A_1824 = arith.addi %iota3A, %add3A_1823 : vector<16xi32>
    %rem3A_1825 = arith.constant 200 : i32
    %rem3A_1826 = vector.broadcast %rem3A_1825 : i32 to vector<16xi32>
    %rem3A_1827 = arith.remsi %add3A_1824, %rem3A_1826 : vector<16xi32>
    %add3A_1828 = arith.constant 1 : i32
    %add3A_1829 = vector.broadcast %add3A_1828 : i32 to vector<16xi32>
    %add3A_1830 = arith.addi %rem3A_1827, %add3A_1829 : vector<16xi32>
    %swap3A_1831 = arith.constant 2240 : index
    %swap3A_1832 = tpu.vector_load %arg6[%swap3A_1831] {strides = array<i32>} : memref<3200xi32, #tpu.memory_space<vmem>>, vector<16xi32>,
    %swap3A_1833 = vector.shape_cast %swap3A_1832 : vector<16xi32> to vector<16xi32>
    %swap3A_1834 = vector.shape_cast %add3A_1830 : vector<16xi32> to vector<16xi32>
    tpu.vector_store %arg6[%swap3A_1831], %swap3A_1834 {strides = array<i32>} : memref<3200xi32, #tpu.memory_space<vmem>>, vector<16xi32>,
    %add3A_1835 = arith.constant 2256 : i32
    %add3A_1836 = vector.broadcast %add3A_1835 : i32 to vector<16xi32>
    %add3A_1837 = arith.addi %iota3A, %add3A_1836 : vector<16xi32>
    %rem3A_1838 = arith.constant 200 : i32
    %rem3A_1839 = vector.broadcast %rem3A_1838 : i32 to vector<16xi32>
    %rem3A_1840 = arith.remsi %add3A_1837, %rem3A_1839 : vector<16xi32>
    %add3A_1841 = arith.constant 1 : i32
    %add3A_1842 = vector.broadcast %add3A_1841 : i32 to vector<16xi32>
    %add3A_1843 = arith.addi %rem3A_1840, %add3A_1842 : vector<16xi32>
    %swap3A_1844 = arith.constant 2256 : index
    %swap3A_1845 = tpu.vector_load %arg6[%swap3A_1844] {strides = array<i32>} : memref<3200xi32, #tpu.memory_space<vmem>>, vector<16xi32>,
    %swap3A_1846 = vector.shape_cast %swap3A_1845 : vector<16xi32> to vector<16xi32>
    %swap3A_1847 = vector.shape_cast %add3A_1843 : vector<16xi32> to vector<16xi32>
    tpu.vector_store %arg6[%swap3A_1844], %swap3A_1847 {strides = array<i32>} : memref<3200xi32, #tpu.memory_space<vmem>>, vector<16xi32>,
    %add3A_1848 = arith.constant 2272 : i32
    %add3A_1849 = vector.broadcast %add3A_1848 : i32 to vector<16xi32>
    %add3A_1850 = arith.addi %iota3A, %add3A_1849 : vector<16xi32>
    %rem3A_1851 = arith.constant 200 : i32
    %rem3A_1852 = vector.broadcast %rem3A_1851 : i32 to vector<16xi32>
    %rem3A_1853 = arith.remsi %add3A_1850, %rem3A_1852 : vector<16xi32>
    %add3A_1854 = arith.constant 1 : i32
    %add3A_1855 = vector.broadcast %add3A_1854 : i32 to vector<16xi32>
    %add3A_1856 = arith.addi %rem3A_1853, %add3A_1855 : vector<16xi32>
    %swap3A_1857 = arith.constant 2272 : index
    %swap3A_1858 = tpu.vector_load %arg6[%swap3A_1857] {strides = array<i32>} : memref<3200xi32, #tpu.memory_space<vmem>>, vector<16xi32>,
    %swap3A_1859 = vector.shape_cast %swap3A_1858 : vector<16xi32> to vector<16xi32>
    %swap3A_1860 = vector.shape_cast %add3A_1856 : vector<16xi32> to vector<16xi32>
    tpu.vector_store %arg6[%swap3A_1857], %swap3A_1860 {strides = array<i32>} : memref<3200xi32, #tpu.memory_space<vmem>>, vector<16xi32>,
    %add3A_1861 = arith.constant 2288 : i32
    %add3A_1862 = vector.broadcast %add3A_1861 : i32 to vector<16xi32>
    %add3A_1863 = arith.addi %iota3A, %add3A_1862 : vector<16xi32>
    %rem3A_1864 = arith.constant 200 : i32
    %rem3A_1865 = vector.broadcast %rem3A_1864 : i32 to vector<16xi32>
    %rem3A_1866 = arith.remsi %add3A_1863, %rem3A_1865 : vector<16xi32>
    %add3A_1867 = arith.constant 1 : i32
    %add3A_1868 = vector.broadcast %add3A_1867 : i32 to vector<16xi32>
    %add3A_1869 = arith.addi %rem3A_1866, %add3A_1868 : vector<16xi32>
    %swap3A_1870 = arith.constant 2288 : index
    %swap3A_1871 = tpu.vector_load %arg6[%swap3A_1870] {strides = array<i32>} : memref<3200xi32, #tpu.memory_space<vmem>>, vector<16xi32>,
    %swap3A_1872 = vector.shape_cast %swap3A_1871 : vector<16xi32> to vector<16xi32>
    %swap3A_1873 = vector.shape_cast %add3A_1869 : vector<16xi32> to vector<16xi32>
    tpu.vector_store %arg6[%swap3A_1870], %swap3A_1873 {strides = array<i32>} : memref<3200xi32, #tpu.memory_space<vmem>>, vector<16xi32>,
    %add3A_1874 = arith.constant 2304 : i32
    %add3A_1875 = vector.broadcast %add3A_1874 : i32 to vector<16xi32>
    %add3A_1876 = arith.addi %iota3A, %add3A_1875 : vector<16xi32>
    %rem3A_1877 = arith.constant 200 : i32
    %rem3A_1878 = vector.broadcast %rem3A_1877 : i32 to vector<16xi32>
    %rem3A_1879 = arith.remsi %add3A_1876, %rem3A_1878 : vector<16xi32>
    %add3A_1880 = arith.constant 1 : i32
    %add3A_1881 = vector.broadcast %add3A_1880 : i32 to vector<16xi32>
    %add3A_1882 = arith.addi %rem3A_1879, %add3A_1881 : vector<16xi32>
    %swap3A_1883 = arith.constant 2304 : index
    %swap3A_1884 = tpu.vector_load %arg6[%swap3A_1883] {strides = array<i32>} : memref<3200xi32, #tpu.memory_space<vmem>>, vector<16xi32>,
    %swap3A_1885 = vector.shape_cast %swap3A_1884 : vector<16xi32> to vector<16xi32>
    %swap3A_1886 = vector.shape_cast %add3A_1882 : vector<16xi32> to vector<16xi32>
    tpu.vector_store %arg6[%swap3A_1883], %swap3A_1886 {strides = array<i32>} : memref<3200xi32, #tpu.memory_space<vmem>>, vector<16xi32>,
    %add3A_1887 = arith.constant 2320 : i32
    %add3A_1888 = vector.broadcast %add3A_1887 : i32 to vector<16xi32>
    %add3A_1889 = arith.addi %iota3A, %add3A_1888 : vector<16xi32>
    %rem3A_1890 = arith.constant 200 : i32
    %rem3A_1891 = vector.broadcast %rem3A_1890 : i32 to vector<16xi32>
    %rem3A_1892 = arith.remsi %add3A_1889, %rem3A_1891 : vector<16xi32>
    %add3A_1893 = arith.constant 1 : i32
    %add3A_1894 = vector.broadcast %add3A_1893 : i32 to vector<16xi32>
    %add3A_1895 = arith.addi %rem3A_1892, %add3A_1894 : vector<16xi32>
    %swap3A_1896 = arith.constant 2320 : index
    %swap3A_1897 = tpu.vector_load %arg6[%swap3A_1896] {strides = array<i32>} : memref<3200xi32, #tpu.memory_space<vmem>>, vector<16xi32>,
    %swap3A_1898 = vector.shape_cast %swap3A_1897 : vector<16xi32> to vector<16xi32>
    %swap3A_1899 = vector.shape_cast %add3A_1895 : vector<16xi32> to vector<16xi32>
    tpu.vector_store %arg6[%swap3A_1896], %swap3A_1899 {strides = array<i32>} : memref<3200xi32, #tpu.memory_space<vmem>>, vector<16xi32>,
    %add3A_1900 = arith.constant 2336 : i32
    %add3A_1901 = vector.broadcast %add3A_1900 : i32 to vector<16xi32>
    %add3A_1902 = arith.addi %iota3A, %add3A_1901 : vector<16xi32>
    %rem3A_1903 = arith.constant 200 : i32
    %rem3A_1904 = vector.broadcast %rem3A_1903 : i32 to vector<16xi32>
    %rem3A_1905 = arith.remsi %add3A_1902, %rem3A_1904 : vector<16xi32>
    %add3A_1906 = arith.constant 1 : i32
    %add3A_1907 = vector.broadcast %add3A_1906 : i32 to vector<16xi32>
    %add3A_1908 = arith.addi %rem3A_1905, %add3A_1907 : vector<16xi32>
    %swap3A_1909 = arith.constant 2336 : index
    %swap3A_1910 = tpu.vector_load %arg6[%swap3A_1909] {strides = array<i32>} : memref<3200xi32, #tpu.memory_space<vmem>>, vector<16xi32>,
    %swap3A_1911 = vector.shape_cast %swap3A_1910 : vector<16xi32> to vector<16xi32>
    %swap3A_1912 = vector.shape_cast %add3A_1908 : vector<16xi32> to vector<16xi32>
    tpu.vector_store %arg6[%swap3A_1909], %swap3A_1912 {strides = array<i32>} : memref<3200xi32, #tpu.memory_space<vmem>>, vector<16xi32>,
    %add3A_1913 = arith.constant 2352 : i32
    %add3A_1914 = vector.broadcast %add3A_1913 : i32 to vector<16xi32>
    %add3A_1915 = arith.addi %iota3A, %add3A_1914 : vector<16xi32>
    %rem3A_1916 = arith.constant 200 : i32
    %rem3A_1917 = vector.broadcast %rem3A_1916 : i32 to vector<16xi32>
    %rem3A_1918 = arith.remsi %add3A_1915, %rem3A_1917 : vector<16xi32>
    %add3A_1919 = arith.constant 1 : i32
    %add3A_1920 = vector.broadcast %add3A_1919 : i32 to vector<16xi32>
    %add3A_1921 = arith.addi %rem3A_1918, %add3A_1920 : vector<16xi32>
    %swap3A_1922 = arith.constant 2352 : index
    %swap3A_1923 = tpu.vector_load %arg6[%swap3A_1922] {strides = array<i32>} : memref<3200xi32, #tpu.memory_space<vmem>>, vector<16xi32>,
    %swap3A_1924 = vector.shape_cast %swap3A_1923 : vector<16xi32> to vector<16xi32>
    %swap3A_1925 = vector.shape_cast %add3A_1921 : vector<16xi32> to vector<16xi32>
    tpu.vector_store %arg6[%swap3A_1922], %swap3A_1925 {strides = array<i32>} : memref<3200xi32, #tpu.memory_space<vmem>>, vector<16xi32>,
    %add3A_1926 = arith.constant 2368 : i32
    %add3A_1927 = vector.broadcast %add3A_1926 : i32 to vector<16xi32>
    %add3A_1928 = arith.addi %iota3A, %add3A_1927 : vector<16xi32>
    %rem3A_1929 = arith.constant 200 : i32
    %rem3A_1930 = vector.broadcast %rem3A_1929 : i32 to vector<16xi32>
    %rem3A_1931 = arith.remsi %add3A_1928, %rem3A_1930 : vector<16xi32>
    %add3A_1932 = arith.constant 1 : i32
    %add3A_1933 = vector.broadcast %add3A_1932 : i32 to vector<16xi32>
    %add3A_1934 = arith.addi %rem3A_1931, %add3A_1933 : vector<16xi32>
    %swap3A_1935 = arith.constant 2368 : index
    %swap3A_1936 = tpu.vector_load %arg6[%swap3A_1935] {strides = array<i32>} : memref<3200xi32, #tpu.memory_space<vmem>>, vector<16xi32>,
    %swap3A_1937 = vector.shape_cast %swap3A_1936 : vector<16xi32> to vector<16xi32>
    %swap3A_1938 = vector.shape_cast %add3A_1934 : vector<16xi32> to vector<16xi32>
    tpu.vector_store %arg6[%swap3A_1935], %swap3A_1938 {strides = array<i32>} : memref<3200xi32, #tpu.memory_space<vmem>>, vector<16xi32>,
    %add3A_1939 = arith.constant 2384 : i32
    %add3A_1940 = vector.broadcast %add3A_1939 : i32 to vector<16xi32>
    %add3A_1941 = arith.addi %iota3A, %add3A_1940 : vector<16xi32>
    %rem3A_1942 = arith.constant 200 : i32
    %rem3A_1943 = vector.broadcast %rem3A_1942 : i32 to vector<16xi32>
    %rem3A_1944 = arith.remsi %add3A_1941, %rem3A_1943 : vector<16xi32>
    %add3A_1945 = arith.constant 1 : i32
    %add3A_1946 = vector.broadcast %add3A_1945 : i32 to vector<16xi32>
    %add3A_1947 = arith.addi %rem3A_1944, %add3A_1946 : vector<16xi32>
    %swap3A_1948 = arith.constant 2384 : index
    %swap3A_1949 = tpu.vector_load %arg6[%swap3A_1948] {strides = array<i32>} : memref<3200xi32, #tpu.memory_space<vmem>>, vector<16xi32>,
    %swap3A_1950 = vector.shape_cast %swap3A_1949 : vector<16xi32> to vector<16xi32>
    %swap3A_1951 = vector.shape_cast %add3A_1947 : vector<16xi32> to vector<16xi32>
    tpu.vector_store %arg6[%swap3A_1948], %swap3A_1951 {strides = array<i32>} : memref<3200xi32, #tpu.memory_space<vmem>>, vector<16xi32>,
    %add3A_1952 = arith.constant 2400 : i32
    %add3A_1953 = vector.broadcast %add3A_1952 : i32 to vector<16xi32>
    %add3A_1954 = arith.addi %iota3A, %add3A_1953 : vector<16xi32>
    %rem3A_1955 = arith.constant 200 : i32
    %rem3A_1956 = vector.broadcast %rem3A_1955 : i32 to vector<16xi32>
    %rem3A_1957 = arith.remsi %add3A_1954, %rem3A_1956 : vector<16xi32>
    %add3A_1958 = arith.constant 1 : i32
    %add3A_1959 = vector.broadcast %add3A_1958 : i32 to vector<16xi32>
    %add3A_1960 = arith.addi %rem3A_1957, %add3A_1959 : vector<16xi32>
    %swap3A_1961 = arith.constant 2400 : index
    %swap3A_1962 = tpu.vector_load %arg6[%swap3A_1961] {strides = array<i32>} : memref<3200xi32, #tpu.memory_space<vmem>>, vector<16xi32>,
    %swap3A_1963 = vector.shape_cast %swap3A_1962 : vector<16xi32> to vector<16xi32>
    %swap3A_1964 = vector.shape_cast %add3A_1960 : vector<16xi32> to vector<16xi32>
    tpu.vector_store %arg6[%swap3A_1961], %swap3A_1964 {strides = array<i32>} : memref<3200xi32, #tpu.memory_space<vmem>>, vector<16xi32>,
    %add3A_1965 = arith.constant 2416 : i32
    %add3A_1966 = vector.broadcast %add3A_1965 : i32 to vector<16xi32>
    %add3A_1967 = arith.addi %iota3A, %add3A_1966 : vector<16xi32>
    %rem3A_1968 = arith.constant 200 : i32
    %rem3A_1969 = vector.broadcast %rem3A_1968 : i32 to vector<16xi32>
    %rem3A_1970 = arith.remsi %add3A_1967, %rem3A_1969 : vector<16xi32>
    %add3A_1971 = arith.constant 1 : i32
    %add3A_1972 = vector.broadcast %add3A_1971 : i32 to vector<16xi32>
    %add3A_1973 = arith.addi %rem3A_1970, %add3A_1972 : vector<16xi32>
    %swap3A_1974 = arith.constant 2416 : index
    %swap3A_1975 = tpu.vector_load %arg6[%swap3A_1974] {strides = array<i32>} : memref<3200xi32, #tpu.memory_space<vmem>>, vector<16xi32>,
    %swap3A_1976 = vector.shape_cast %swap3A_1975 : vector<16xi32> to vector<16xi32>
    %swap3A_1977 = vector.shape_cast %add3A_1973 : vector<16xi32> to vector<16xi32>
    tpu.vector_store %arg6[%swap3A_1974], %swap3A_1977 {strides = array<i32>} : memref<3200xi32, #tpu.memory_space<vmem>>, vector<16xi32>,
    %add3A_1978 = arith.constant 2432 : i32
    %add3A_1979 = vector.broadcast %add3A_1978 : i32 to vector<16xi32>
    %add3A_1980 = arith.addi %iota3A, %add3A_1979 : vector<16xi32>
    %rem3A_1981 = arith.constant 200 : i32
    %rem3A_1982 = vector.broadcast %rem3A_1981 : i32 to vector<16xi32>
    %rem3A_1983 = arith.remsi %add3A_1980, %rem3A_1982 : vector<16xi32>
    %add3A_1984 = arith.constant 1 : i32
    %add3A_1985 = vector.broadcast %add3A_1984 : i32 to vector<16xi32>
    %add3A_1986 = arith.addi %rem3A_1983, %add3A_1985 : vector<16xi32>
    %swap3A_1987 = arith.constant 2432 : index
    %swap3A_1988 = tpu.vector_load %arg6[%swap3A_1987] {strides = array<i32>} : memref<3200xi32, #tpu.memory_space<vmem>>, vector<16xi32>,
    %swap3A_1989 = vector.shape_cast %swap3A_1988 : vector<16xi32> to vector<16xi32>
    %swap3A_1990 = vector.shape_cast %add3A_1986 : vector<16xi32> to vector<16xi32>
    tpu.vector_store %arg6[%swap3A_1987], %swap3A_1990 {strides = array<i32>} : memref<3200xi32, #tpu.memory_space<vmem>>, vector<16xi32>,
    %add3A_1991 = arith.constant 2448 : i32
    %add3A_1992 = vector.broadcast %add3A_1991 : i32 to vector<16xi32>
    %add3A_1993 = arith.addi %iota3A, %add3A_1992 : vector<16xi32>
    %rem3A_1994 = arith.constant 200 : i32
    %rem3A_1995 = vector.broadcast %rem3A_1994 : i32 to vector<16xi32>
    %rem3A_1996 = arith.remsi %add3A_1993, %rem3A_1995 : vector<16xi32>
    %add3A_1997 = arith.constant 1 : i32
    %add3A_1998 = vector.broadcast %add3A_1997 : i32 to vector<16xi32>
    %add3A_1999 = arith.addi %rem3A_1996, %add3A_1998 : vector<16xi32>
    %swap3A_2000 = arith.constant 2448 : index
    %swap3A_2001 = tpu.vector_load %arg6[%swap3A_2000] {strides = array<i32>} : memref<3200xi32, #tpu.memory_space<vmem>>, vector<16xi32>,
    %swap3A_2002 = vector.shape_cast %swap3A_2001 : vector<16xi32> to vector<16xi32>
    %swap3A_2003 = vector.shape_cast %add3A_1999 : vector<16xi32> to vector<16xi32>
    tpu.vector_store %arg6[%swap3A_2000], %swap3A_2003 {strides = array<i32>} : memref<3200xi32, #tpu.memory_space<vmem>>, vector<16xi32>,
    %add3A_2004 = arith.constant 2464 : i32
    %add3A_2005 = vector.broadcast %add3A_2004 : i32 to vector<16xi32>
    %add3A_2006 = arith.addi %iota3A, %add3A_2005 : vector<16xi32>
    %rem3A_2007 = arith.constant 200 : i32
    %rem3A_2008 = vector.broadcast %rem3A_2007 : i32 to vector<16xi32>
    %rem3A_2009 = arith.remsi %add3A_2006, %rem3A_2008 : vector<16xi32>
    %add3A_2010 = arith.constant 1 : i32
    %add3A_2011 = vector.broadcast %add3A_2010 : i32 to vector<16xi32>
    %add3A_2012 = arith.addi %rem3A_2009, %add3A_2011 : vector<16xi32>
    %swap3A_2013 = arith.constant 2464 : index
    %swap3A_2014 = tpu.vector_load %arg6[%swap3A_2013] {strides = array<i32>} : memref<3200xi32, #tpu.memory_space<vmem>>, vector<16xi32>,
    %swap3A_2015 = vector.shape_cast %swap3A_2014 : vector<16xi32> to vector<16xi32>
    %swap3A_2016 = vector.shape_cast %add3A_2012 : vector<16xi32> to vector<16xi32>
    tpu.vector_store %arg6[%swap3A_2013], %swap3A_2016 {strides = array<i32>} : memref<3200xi32, #tpu.memory_space<vmem>>, vector<16xi32>,
    %add3A_2017 = arith.constant 2480 : i32
    %add3A_2018 = vector.broadcast %add3A_2017 : i32 to vector<16xi32>
    %add3A_2019 = arith.addi %iota3A, %add3A_2018 : vector<16xi32>
    %rem3A_2020 = arith.constant 200 : i32
    %rem3A_2021 = vector.broadcast %rem3A_2020 : i32 to vector<16xi32>
    %rem3A_2022 = arith.remsi %add3A_2019, %rem3A_2021 : vector<16xi32>
    %add3A_2023 = arith.constant 1 : i32
    %add3A_2024 = vector.broadcast %add3A_2023 : i32 to vector<16xi32>
    %add3A_2025 = arith.addi %rem3A_2022, %add3A_2024 : vector<16xi32>
    %swap3A_2026 = arith.constant 2480 : index
    %swap3A_2027 = tpu.vector_load %arg6[%swap3A_2026] {strides = array<i32>} : memref<3200xi32, #tpu.memory_space<vmem>>, vector<16xi32>,
    %swap3A_2028 = vector.shape_cast %swap3A_2027 : vector<16xi32> to vector<16xi32>
    %swap3A_2029 = vector.shape_cast %add3A_2025 : vector<16xi32> to vector<16xi32>
    tpu.vector_store %arg6[%swap3A_2026], %swap3A_2029 {strides = array<i32>} : memref<3200xi32, #tpu.memory_space<vmem>>, vector<16xi32>,
    %add3A_2030 = arith.constant 2496 : i32
    %add3A_2031 = vector.broadcast %add3A_2030 : i32 to vector<16xi32>
    %add3A_2032 = arith.addi %iota3A, %add3A_2031 : vector<16xi32>
    %rem3A_2033 = arith.constant 200 : i32
    %rem3A_2034 = vector.broadcast %rem3A_2033 : i32 to vector<16xi32>
    %rem3A_2035 = arith.remsi %add3A_2032, %rem3A_2034 : vector<16xi32>
    %add3A_2036 = arith.constant 1 : i32
    %add3A_2037 = vector.broadcast %add3A_2036 : i32 to vector<16xi32>
    %add3A_2038 = arith.addi %rem3A_2035, %add3A_2037 : vector<16xi32>
    %swap3A_2039 = arith.constant 2496 : index
    %swap3A_2040 = tpu.vector_load %arg6[%swap3A_2039] {strides = array<i32>} : memref<3200xi32, #tpu.memory_space<vmem>>, vector<16xi32>,
    %swap3A_2041 = vector.shape_cast %swap3A_2040 : vector<16xi32> to vector<16xi32>
    %swap3A_2042 = vector.shape_cast %add3A_2038 : vector<16xi32> to vector<16xi32>
    tpu.vector_store %arg6[%swap3A_2039], %swap3A_2042 {strides = array<i32>} : memref<3200xi32, #tpu.memory_space<vmem>>, vector<16xi32>,
    %add3A_2043 = arith.constant 2512 : i32
    %add3A_2044 = vector.broadcast %add3A_2043 : i32 to vector<16xi32>
    %add3A_2045 = arith.addi %iota3A, %add3A_2044 : vector<16xi32>
    %rem3A_2046 = arith.constant 200 : i32
    %rem3A_2047 = vector.broadcast %rem3A_2046 : i32 to vector<16xi32>
    %rem3A_2048 = arith.remsi %add3A_2045, %rem3A_2047 : vector<16xi32>
    %add3A_2049 = arith.constant 1 : i32
    %add3A_2050 = vector.broadcast %add3A_2049 : i32 to vector<16xi32>
    %add3A_2051 = arith.addi %rem3A_2048, %add3A_2050 : vector<16xi32>
    %swap3A_2052 = arith.constant 2512 : index
    %swap3A_2053 = tpu.vector_load %arg6[%swap3A_2052] {strides = array<i32>} : memref<3200xi32, #tpu.memory_space<vmem>>, vector<16xi32>,
    %swap3A_2054 = vector.shape_cast %swap3A_2053 : vector<16xi32> to vector<16xi32>
    %swap3A_2055 = vector.shape_cast %add3A_2051 : vector<16xi32> to vector<16xi32>
    tpu.vector_store %arg6[%swap3A_2052], %swap3A_2055 {strides = array<i32>} : memref<3200xi32, #tpu.memory_space<vmem>>, vector<16xi32>,
    %add3A_2056 = arith.constant 2528 : i32
    %add3A_2057 = vector.broadcast %add3A_2056 : i32 to vector<16xi32>
    %add3A_2058 = arith.addi %iota3A, %add3A_2057 : vector<16xi32>
    %rem3A_2059 = arith.constant 200 : i32
    %rem3A_2060 = vector.broadcast %rem3A_2059 : i32 to vector<16xi32>
    %rem3A_2061 = arith.remsi %add3A_2058, %rem3A_2060 : vector<16xi32>
    %add3A_2062 = arith.constant 1 : i32
    %add3A_2063 = vector.broadcast %add3A_2062 : i32 to vector<16xi32>
    %add3A_2064 = arith.addi %rem3A_2061, %add3A_2063 : vector<16xi32>
    %swap3A_2065 = arith.constant 2528 : index
    %swap3A_2066 = tpu.vector_load %arg6[%swap3A_2065] {strides = array<i32>} : memref<3200xi32, #tpu.memory_space<vmem>>, vector<16xi32>,
    %swap3A_2067 = vector.shape_cast %swap3A_2066 : vector<16xi32> to vector<16xi32>
    %swap3A_2068 = vector.shape_cast %add3A_2064 : vector<16xi32> to vector<16xi32>
    tpu.vector_store %arg6[%swap3A_2065], %swap3A_2068 {strides = array<i32>} : memref<3200xi32, #tpu.memory_space<vmem>>, vector<16xi32>,
    %add3A_2069 = arith.constant 2544 : i32
    %add3A_2070 = vector.broadcast %add3A_2069 : i32 to vector<16xi32>
    %add3A_2071 = arith.addi %iota3A, %add3A_2070 : vector<16xi32>
    %rem3A_2072 = arith.constant 200 : i32
    %rem3A_2073 = vector.broadcast %rem3A_2072 : i32 to vector<16xi32>
    %rem3A_2074 = arith.remsi %add3A_2071, %rem3A_2073 : vector<16xi32>
    %add3A_2075 = arith.constant 1 : i32
    %add3A_2076 = vector.broadcast %add3A_2075 : i32 to vector<16xi32>
    %add3A_2077 = arith.addi %rem3A_2074, %add3A_2076 : vector<16xi32>
    %swap3A_2078 = arith.constant 2544 : index
    %swap3A_2079 = tpu.vector_load %arg6[%swap3A_2078] {strides = array<i32>} : memref<3200xi32, #tpu.memory_space<vmem>>, vector<16xi32>,
    %swap3A_2080 = vector.shape_cast %swap3A_2079 : vector<16xi32> to vector<16xi32>
    %swap3A_2081 = vector.shape_cast %add3A_2077 : vector<16xi32> to vector<16xi32>
    tpu.vector_store %arg6[%swap3A_2078], %swap3A_2081 {strides = array<i32>} : memref<3200xi32, #tpu.memory_space<vmem>>, vector<16xi32>,
    %add3A_2082 = arith.constant 2560 : i32
    %add3A_2083 = vector.broadcast %add3A_2082 : i32 to vector<16xi32>
    %add3A_2084 = arith.addi %iota3A, %add3A_2083 : vector<16xi32>
    %rem3A_2085 = arith.constant 200 : i32
    %rem3A_2086 = vector.broadcast %rem3A_2085 : i32 to vector<16xi32>
    %rem3A_2087 = arith.remsi %add3A_2084, %rem3A_2086 : vector<16xi32>
    %add3A_2088 = arith.constant 1 : i32
    %add3A_2089 = vector.broadcast %add3A_2088 : i32 to vector<16xi32>
    %add3A_2090 = arith.addi %rem3A_2087, %add3A_2089 : vector<16xi32>
    %swap3A_2091 = arith.constant 2560 : index
    %swap3A_2092 = tpu.vector_load %arg6[%swap3A_2091] {strides = array<i32>} : memref<3200xi32, #tpu.memory_space<vmem>>, vector<16xi32>,
    %swap3A_2093 = vector.shape_cast %swap3A_2092 : vector<16xi32> to vector<16xi32>
    %swap3A_2094 = vector.shape_cast %add3A_2090 : vector<16xi32> to vector<16xi32>
    tpu.vector_store %arg6[%swap3A_2091], %swap3A_2094 {strides = array<i32>} : memref<3200xi32, #tpu.memory_space<vmem>>, vector<16xi32>,
    %add3A_2095 = arith.constant 2576 : i32
    %add3A_2096 = vector.broadcast %add3A_2095 : i32 to vector<16xi32>
    %add3A_2097 = arith.addi %iota3A, %add3A_2096 : vector<16xi32>
    %rem3A_2098 = arith.constant 200 : i32
    %rem3A_2099 = vector.broadcast %rem3A_2098 : i32 to vector<16xi32>
    %rem3A_2100 = arith.remsi %add3A_2097, %rem3A_2099 : vector<16xi32>
    %add3A_2101 = arith.constant 1 : i32
    %add3A_2102 = vector.broadcast %add3A_2101 : i32 to vector<16xi32>
    %add3A_2103 = arith.addi %rem3A_2100, %add3A_2102 : vector<16xi32>
    %swap3A_2104 = arith.constant 2576 : index
    %swap3A_2105 = tpu.vector_load %arg6[%swap3A_2104] {strides = array<i32>} : memref<3200xi32, #tpu.memory_space<vmem>>, vector<16xi32>,
    %swap3A_2106 = vector.shape_cast %swap3A_2105 : vector<16xi32> to vector<16xi32>
    %swap3A_2107 = vector.shape_cast %add3A_2103 : vector<16xi32> to vector<16xi32>
    tpu.vector_store %arg6[%swap3A_2104], %swap3A_2107 {strides = array<i32>} : memref<3200xi32, #tpu.memory_space<vmem>>, vector<16xi32>,
    %add3A_2108 = arith.constant 2592 : i32
    %add3A_2109 = vector.broadcast %add3A_2108 : i32 to vector<16xi32>
    %add3A_2110 = arith.addi %iota3A, %add3A_2109 : vector<16xi32>
    %rem3A_2111 = arith.constant 200 : i32
    %rem3A_2112 = vector.broadcast %rem3A_2111 : i32 to vector<16xi32>
    %rem3A_2113 = arith.remsi %add3A_2110, %rem3A_2112 : vector<16xi32>
    %add3A_2114 = arith.constant 1 : i32
    %add3A_2115 = vector.broadcast %add3A_2114 : i32 to vector<16xi32>
    %add3A_2116 = arith.addi %rem3A_2113, %add3A_2115 : vector<16xi32>
    %swap3A_2117 = arith.constant 2592 : index
    %swap3A_2118 = tpu.vector_load %arg6[%swap3A_2117] {strides = array<i32>} : memref<3200xi32, #tpu.memory_space<vmem>>, vector<16xi32>,
    %swap3A_2119 = vector.shape_cast %swap3A_2118 : vector<16xi32> to vector<16xi32>
    %swap3A_2120 = vector.shape_cast %add3A_2116 : vector<16xi32> to vector<16xi32>
    tpu.vector_store %arg6[%swap3A_2117], %swap3A_2120 {strides = array<i32>} : memref<3200xi32, #tpu.memory_space<vmem>>, vector<16xi32>,
    %add3A_2121 = arith.constant 2608 : i32
    %add3A_2122 = vector.broadcast %add3A_2121 : i32 to vector<16xi32>
    %add3A_2123 = arith.addi %iota3A, %add3A_2122 : vector<16xi32>
    %rem3A_2124 = arith.constant 200 : i32
    %rem3A_2125 = vector.broadcast %rem3A_2124 : i32 to vector<16xi32>
    %rem3A_2126 = arith.remsi %add3A_2123, %rem3A_2125 : vector<16xi32>
    %add3A_2127 = arith.constant 1 : i32
    %add3A_2128 = vector.broadcast %add3A_2127 : i32 to vector<16xi32>
    %add3A_2129 = arith.addi %rem3A_2126, %add3A_2128 : vector<16xi32>
    %swap3A_2130 = arith.constant 2608 : index
    %swap3A_2131 = tpu.vector_load %arg6[%swap3A_2130] {strides = array<i32>} : memref<3200xi32, #tpu.memory_space<vmem>>, vector<16xi32>,
    %swap3A_2132 = vector.shape_cast %swap3A_2131 : vector<16xi32> to vector<16xi32>
    %swap3A_2133 = vector.shape_cast %add3A_2129 : vector<16xi32> to vector<16xi32>
    tpu.vector_store %arg6[%swap3A_2130], %swap3A_2133 {strides = array<i32>} : memref<3200xi32, #tpu.memory_space<vmem>>, vector<16xi32>,
    %add3A_2134 = arith.constant 2624 : i32
    %add3A_2135 = vector.broadcast %add3A_2134 : i32 to vector<16xi32>
    %add3A_2136 = arith.addi %iota3A, %add3A_2135 : vector<16xi32>
    %rem3A_2137 = arith.constant 200 : i32
    %rem3A_2138 = vector.broadcast %rem3A_2137 : i32 to vector<16xi32>
    %rem3A_2139 = arith.remsi %add3A_2136, %rem3A_2138 : vector<16xi32>
    %add3A_2140 = arith.constant 1 : i32
    %add3A_2141 = vector.broadcast %add3A_2140 : i32 to vector<16xi32>
    %add3A_2142 = arith.addi %rem3A_2139, %add3A_2141 : vector<16xi32>
    %swap3A_2143 = arith.constant 2624 : index
    %swap3A_2144 = tpu.vector_load %arg6[%swap3A_2143] {strides = array<i32>} : memref<3200xi32, #tpu.memory_space<vmem>>, vector<16xi32>,
    %swap3A_2145 = vector.shape_cast %swap3A_2144 : vector<16xi32> to vector<16xi32>
    %swap3A_2146 = vector.shape_cast %add3A_2142 : vector<16xi32> to vector<16xi32>
    tpu.vector_store %arg6[%swap3A_2143], %swap3A_2146 {strides = array<i32>} : memref<3200xi32, #tpu.memory_space<vmem>>, vector<16xi32>,
    %add3A_2147 = arith.constant 2640 : i32
    %add3A_2148 = vector.broadcast %add3A_2147 : i32 to vector<16xi32>
    %add3A_2149 = arith.addi %iota3A, %add3A_2148 : vector<16xi32>
    %rem3A_2150 = arith.constant 200 : i32
    %rem3A_2151 = vector.broadcast %rem3A_2150 : i32 to vector<16xi32>
    %rem3A_2152 = arith.remsi %add3A_2149, %rem3A_2151 : vector<16xi32>
    %add3A_2153 = arith.constant 1 : i32
    %add3A_2154 = vector.broadcast %add3A_2153 : i32 to vector<16xi32>
    %add3A_2155 = arith.addi %rem3A_2152, %add3A_2154 : vector<16xi32>
    %swap3A_2156 = arith.constant 2640 : index
    %swap3A_2157 = tpu.vector_load %arg6[%swap3A_2156] {strides = array<i32>} : memref<3200xi32, #tpu.memory_space<vmem>>, vector<16xi32>,
    %swap3A_2158 = vector.shape_cast %swap3A_2157 : vector<16xi32> to vector<16xi32>
    %swap3A_2159 = vector.shape_cast %add3A_2155 : vector<16xi32> to vector<16xi32>
    tpu.vector_store %arg6[%swap3A_2156], %swap3A_2159 {strides = array<i32>} : memref<3200xi32, #tpu.memory_space<vmem>>, vector<16xi32>,
    %add3A_2160 = arith.constant 2656 : i32
    %add3A_2161 = vector.broadcast %add3A_2160 : i32 to vector<16xi32>
    %add3A_2162 = arith.addi %iota3A, %add3A_2161 : vector<16xi32>
    %rem3A_2163 = arith.constant 200 : i32
    %rem3A_2164 = vector.broadcast %rem3A_2163 : i32 to vector<16xi32>
    %rem3A_2165 = arith.remsi %add3A_2162, %rem3A_2164 : vector<16xi32>
    %add3A_2166 = arith.constant 1 : i32
    %add3A_2167 = vector.broadcast %add3A_2166 : i32 to vector<16xi32>
    %add3A_2168 = arith.addi %rem3A_2165, %add3A_2167 : vector<16xi32>
    %swap3A_2169 = arith.constant 2656 : index
    %swap3A_2170 = tpu.vector_load %arg6[%swap3A_2169] {strides = array<i32>} : memref<3200xi32, #tpu.memory_space<vmem>>, vector<16xi32>,
    %swap3A_2171 = vector.shape_cast %swap3A_2170 : vector<16xi32> to vector<16xi32>
    %swap3A_2172 = vector.shape_cast %add3A_2168 : vector<16xi32> to vector<16xi32>
    tpu.vector_store %arg6[%swap3A_2169], %swap3A_2172 {strides = array<i32>} : memref<3200xi32, #tpu.memory_space<vmem>>, vector<16xi32>,
    %add3A_2173 = arith.constant 2672 : i32
    %add3A_2174 = vector.broadcast %add3A_2173 : i32 to vector<16xi32>
    %add3A_2175 = arith.addi %iota3A, %add3A_2174 : vector<16xi32>
    %rem3A_2176 = arith.constant 200 : i32
    %rem3A_2177 = vector.broadcast %rem3A_2176 : i32 to vector<16xi32>
    %rem3A_2178 = arith.remsi %add3A_2175, %rem3A_2177 : vector<16xi32>
    %add3A_2179 = arith.constant 1 : i32
    %add3A_2180 = vector.broadcast %add3A_2179 : i32 to vector<16xi32>
    %add3A_2181 = arith.addi %rem3A_2178, %add3A_2180 : vector<16xi32>
    %swap3A_2182 = arith.constant 2672 : index
    %swap3A_2183 = tpu.vector_load %arg6[%swap3A_2182] {strides = array<i32>} : memref<3200xi32, #tpu.memory_space<vmem>>, vector<16xi32>,
    %swap3A_2184 = vector.shape_cast %swap3A_2183 : vector<16xi32> to vector<16xi32>
    %swap3A_2185 = vector.shape_cast %add3A_2181 : vector<16xi32> to vector<16xi32>
    tpu.vector_store %arg6[%swap3A_2182], %swap3A_2185 {strides = array<i32>} : memref<3200xi32, #tpu.memory_space<vmem>>, vector<16xi32>,
    %add3A_2186 = arith.constant 2688 : i32
    %add3A_2187 = vector.broadcast %add3A_2186 : i32 to vector<16xi32>
    %add3A_2188 = arith.addi %iota3A, %add3A_2187 : vector<16xi32>
    %rem3A_2189 = arith.constant 200 : i32
    %rem3A_2190 = vector.broadcast %rem3A_2189 : i32 to vector<16xi32>
    %rem3A_2191 = arith.remsi %add3A_2188, %rem3A_2190 : vector<16xi32>
    %add3A_2192 = arith.constant 1 : i32
    %add3A_2193 = vector.broadcast %add3A_2192 : i32 to vector<16xi32>
    %add3A_2194 = arith.addi %rem3A_2191, %add3A_2193 : vector<16xi32>
    %swap3A_2195 = arith.constant 2688 : index
    %swap3A_2196 = tpu.vector_load %arg6[%swap3A_2195] {strides = array<i32>} : memref<3200xi32, #tpu.memory_space<vmem>>, vector<16xi32>,
    %swap3A_2197 = vector.shape_cast %swap3A_2196 : vector<16xi32> to vector<16xi32>
    %swap3A_2198 = vector.shape_cast %add3A_2194 : vector<16xi32> to vector<16xi32>
    tpu.vector_store %arg6[%swap3A_2195], %swap3A_2198 {strides = array<i32>} : memref<3200xi32, #tpu.memory_space<vmem>>, vector<16xi32>,
    %add3A_2199 = arith.constant 2704 : i32
    %add3A_2200 = vector.broadcast %add3A_2199 : i32 to vector<16xi32>
    %add3A_2201 = arith.addi %iota3A, %add3A_2200 : vector<16xi32>
    %rem3A_2202 = arith.constant 200 : i32
    %rem3A_2203 = vector.broadcast %rem3A_2202 : i32 to vector<16xi32>
    %rem3A_2204 = arith.remsi %add3A_2201, %rem3A_2203 : vector<16xi32>
    %add3A_2205 = arith.constant 1 : i32
    %add3A_2206 = vector.broadcast %add3A_2205 : i32 to vector<16xi32>
    %add3A_2207 = arith.addi %rem3A_2204, %add3A_2206 : vector<16xi32>
    %swap3A_2208 = arith.constant 2704 : index
    %swap3A_2209 = tpu.vector_load %arg6[%swap3A_2208] {strides = array<i32>} : memref<3200xi32, #tpu.memory_space<vmem>>, vector<16xi32>,
    %swap3A_2210 = vector.shape_cast %swap3A_2209 : vector<16xi32> to vector<16xi32>
    %swap3A_2211 = vector.shape_cast %add3A_2207 : vector<16xi32> to vector<16xi32>
    tpu.vector_store %arg6[%swap3A_2208], %swap3A_2211 {strides = array<i32>} : memref<3200xi32, #tpu.memory_space<vmem>>, vector<16xi32>,
    %add3A_2212 = arith.constant 2720 : i32
    %add3A_2213 = vector.broadcast %add3A_2212 : i32 to vector<16xi32>
    %add3A_2214 = arith.addi %iota3A, %add3A_2213 : vector<16xi32>
    %rem3A_2215 = arith.constant 200 : i32
    %rem3A_2216 = vector.broadcast %rem3A_2215 : i32 to vector<16xi32>
    %rem3A_2217 = arith.remsi %add3A_2214, %rem3A_2216 : vector<16xi32>
    %add3A_2218 = arith.constant 1 : i32
    %add3A_2219 = vector.broadcast %add3A_2218 : i32 to vector<16xi32>
    %add3A_2220 = arith.addi %rem3A_2217, %add3A_2219 : vector<16xi32>
    %swap3A_2221 = arith.constant 2720 : index
    %swap3A_2222 = tpu.vector_load %arg6[%swap3A_2221] {strides = array<i32>} : memref<3200xi32, #tpu.memory_space<vmem>>, vector<16xi32>,
    %swap3A_2223 = vector.shape_cast %swap3A_2222 : vector<16xi32> to vector<16xi32>
    %swap3A_2224 = vector.shape_cast %add3A_2220 : vector<16xi32> to vector<16xi32>
    tpu.vector_store %arg6[%swap3A_2221], %swap3A_2224 {strides = array<i32>} : memref<3200xi32, #tpu.memory_space<vmem>>, vector<16xi32>,
    %add3A_2225 = arith.constant 2736 : i32
    %add3A_2226 = vector.broadcast %add3A_2225 : i32 to vector<16xi32>
    %add3A_2227 = arith.addi %iota3A, %add3A_2226 : vector<16xi32>
    %rem3A_2228 = arith.constant 200 : i32
    %rem3A_2229 = vector.broadcast %rem3A_2228 : i32 to vector<16xi32>
    %rem3A_2230 = arith.remsi %add3A_2227, %rem3A_2229 : vector<16xi32>
    %add3A_2231 = arith.constant 1 : i32
    %add3A_2232 = vector.broadcast %add3A_2231 : i32 to vector<16xi32>
    %add3A_2233 = arith.addi %rem3A_2230, %add3A_2232 : vector<16xi32>
    %swap3A_2234 = arith.constant 2736 : index
    %swap3A_2235 = tpu.vector_load %arg6[%swap3A_2234] {strides = array<i32>} : memref<3200xi32, #tpu.memory_space<vmem>>, vector<16xi32>,
    %swap3A_2236 = vector.shape_cast %swap3A_2235 : vector<16xi32> to vector<16xi32>
    %swap3A_2237 = vector.shape_cast %add3A_2233 : vector<16xi32> to vector<16xi32>
    tpu.vector_store %arg6[%swap3A_2234], %swap3A_2237 {strides = array<i32>} : memref<3200xi32, #tpu.memory_space<vmem>>, vector<16xi32>,
    %add3A_2238 = arith.constant 2752 : i32
    %add3A_2239 = vector.broadcast %add3A_2238 : i32 to vector<16xi32>
    %add3A_2240 = arith.addi %iota3A, %add3A_2239 : vector<16xi32>
    %rem3A_2241 = arith.constant 200 : i32
    %rem3A_2242 = vector.broadcast %rem3A_2241 : i32 to vector<16xi32>
    %rem3A_2243 = arith.remsi %add3A_2240, %rem3A_2242 : vector<16xi32>
    %add3A_2244 = arith.constant 1 : i32
    %add3A_2245 = vector.broadcast %add3A_2244 : i32 to vector<16xi32>
    %add3A_2246 = arith.addi %rem3A_2243, %add3A_2245 : vector<16xi32>
    %swap3A_2247 = arith.constant 2752 : index
    %swap3A_2248 = tpu.vector_load %arg6[%swap3A_2247] {strides = array<i32>} : memref<3200xi32, #tpu.memory_space<vmem>>, vector<16xi32>,
    %swap3A_2249 = vector.shape_cast %swap3A_2248 : vector<16xi32> to vector<16xi32>
    %swap3A_2250 = vector.shape_cast %add3A_2246 : vector<16xi32> to vector<16xi32>
    tpu.vector_store %arg6[%swap3A_2247], %swap3A_2250 {strides = array<i32>} : memref<3200xi32, #tpu.memory_space<vmem>>, vector<16xi32>,
    %add3A_2251 = arith.constant 2768 : i32
    %add3A_2252 = vector.broadcast %add3A_2251 : i32 to vector<16xi32>
    %add3A_2253 = arith.addi %iota3A, %add3A_2252 : vector<16xi32>
    %rem3A_2254 = arith.constant 200 : i32
    %rem3A_2255 = vector.broadcast %rem3A_2254 : i32 to vector<16xi32>
    %rem3A_2256 = arith.remsi %add3A_2253, %rem3A_2255 : vector<16xi32>
    %add3A_2257 = arith.constant 1 : i32
    %add3A_2258 = vector.broadcast %add3A_2257 : i32 to vector<16xi32>
    %add3A_2259 = arith.addi %rem3A_2256, %add3A_2258 : vector<16xi32>
    %swap3A_2260 = arith.constant 2768 : index
    %swap3A_2261 = tpu.vector_load %arg6[%swap3A_2260] {strides = array<i32>} : memref<3200xi32, #tpu.memory_space<vmem>>, vector<16xi32>,
    %swap3A_2262 = vector.shape_cast %swap3A_2261 : vector<16xi32> to vector<16xi32>
    %swap3A_2263 = vector.shape_cast %add3A_2259 : vector<16xi32> to vector<16xi32>
    tpu.vector_store %arg6[%swap3A_2260], %swap3A_2263 {strides = array<i32>} : memref<3200xi32, #tpu.memory_space<vmem>>, vector<16xi32>,
    %add3A_2264 = arith.constant 2784 : i32
    %add3A_2265 = vector.broadcast %add3A_2264 : i32 to vector<16xi32>
    %add3A_2266 = arith.addi %iota3A, %add3A_2265 : vector<16xi32>
    %rem3A_2267 = arith.constant 200 : i32
    %rem3A_2268 = vector.broadcast %rem3A_2267 : i32 to vector<16xi32>
    %rem3A_2269 = arith.remsi %add3A_2266, %rem3A_2268 : vector<16xi32>
    %add3A_2270 = arith.constant 1 : i32
    %add3A_2271 = vector.broadcast %add3A_2270 : i32 to vector<16xi32>
    %add3A_2272 = arith.addi %rem3A_2269, %add3A_2271 : vector<16xi32>
    %swap3A_2273 = arith.constant 2784 : index
    %swap3A_2274 = tpu.vector_load %arg6[%swap3A_2273] {strides = array<i32>} : memref<3200xi32, #tpu.memory_space<vmem>>, vector<16xi32>,
    %swap3A_2275 = vector.shape_cast %swap3A_2274 : vector<16xi32> to vector<16xi32>
    %swap3A_2276 = vector.shape_cast %add3A_2272 : vector<16xi32> to vector<16xi32>
    tpu.vector_store %arg6[%swap3A_2273], %swap3A_2276 {strides = array<i32>} : memref<3200xi32, #tpu.memory_space<vmem>>, vector<16xi32>,
    %add3A_2277 = arith.constant 2800 : i32
    %add3A_2278 = vector.broadcast %add3A_2277 : i32 to vector<16xi32>
    %add3A_2279 = arith.addi %iota3A, %add3A_2278 : vector<16xi32>
    %rem3A_2280 = arith.constant 200 : i32
    %rem3A_2281 = vector.broadcast %rem3A_2280 : i32 to vector<16xi32>
    %rem3A_2282 = arith.remsi %add3A_2279, %rem3A_2281 : vector<16xi32>
    %add3A_2283 = arith.constant 1 : i32
    %add3A_2284 = vector.broadcast %add3A_2283 : i32 to vector<16xi32>
    %add3A_2285 = arith.addi %rem3A_2282, %add3A_2284 : vector<16xi32>
    %swap3A_2286 = arith.constant 2800 : index
    %swap3A_2287 = tpu.vector_load %arg6[%swap3A_2286] {strides = array<i32>} : memref<3200xi32, #tpu.memory_space<vmem>>, vector<16xi32>,
    %swap3A_2288 = vector.shape_cast %swap3A_2287 : vector<16xi32> to vector<16xi32>
    %swap3A_2289 = vector.shape_cast %add3A_2285 : vector<16xi32> to vector<16xi32>
    tpu.vector_store %arg6[%swap3A_2286], %swap3A_2289 {strides = array<i32>} : memref<3200xi32, #tpu.memory_space<vmem>>, vector<16xi32>,
    %add3A_2290 = arith.constant 2816 : i32
    %add3A_2291 = vector.broadcast %add3A_2290 : i32 to vector<16xi32>
    %add3A_2292 = arith.addi %iota3A, %add3A_2291 : vector<16xi32>
    %rem3A_2293 = arith.constant 200 : i32
    %rem3A_2294 = vector.broadcast %rem3A_2293 : i32 to vector<16xi32>
    %rem3A_2295 = arith.remsi %add3A_2292, %rem3A_2294 : vector<16xi32>
    %add3A_2296 = arith.constant 1 : i32
    %add3A_2297 = vector.broadcast %add3A_2296 : i32 to vector<16xi32>
    %add3A_2298 = arith.addi %rem3A_2295, %add3A_2297 : vector<16xi32>
    %swap3A_2299 = arith.constant 2816 : index
    %swap3A_2300 = tpu.vector_load %arg6[%swap3A_2299] {strides = array<i32>} : memref<3200xi32, #tpu.memory_space<vmem>>, vector<16xi32>,
    %swap3A_2301 = vector.shape_cast %swap3A_2300 : vector<16xi32> to vector<16xi32>
    %swap3A_2302 = vector.shape_cast %add3A_2298 : vector<16xi32> to vector<16xi32>
    tpu.vector_store %arg6[%swap3A_2299], %swap3A_2302 {strides = array<i32>} : memref<3200xi32, #tpu.memory_space<vmem>>, vector<16xi32>,
    %add3A_2303 = arith.constant 2832 : i32
    %add3A_2304 = vector.broadcast %add3A_2303 : i32 to vector<16xi32>
    %add3A_2305 = arith.addi %iota3A, %add3A_2304 : vector<16xi32>
    %rem3A_2306 = arith.constant 200 : i32
    %rem3A_2307 = vector.broadcast %rem3A_2306 : i32 to vector<16xi32>
    %rem3A_2308 = arith.remsi %add3A_2305, %rem3A_2307 : vector<16xi32>
    %add3A_2309 = arith.constant 1 : i32
    %add3A_2310 = vector.broadcast %add3A_2309 : i32 to vector<16xi32>
    %add3A_2311 = arith.addi %rem3A_2308, %add3A_2310 : vector<16xi32>
    %swap3A_2312 = arith.constant 2832 : index
    %swap3A_2313 = tpu.vector_load %arg6[%swap3A_2312] {strides = array<i32>} : memref<3200xi32, #tpu.memory_space<vmem>>, vector<16xi32>,
    %swap3A_2314 = vector.shape_cast %swap3A_2313 : vector<16xi32> to vector<16xi32>
    %swap3A_2315 = vector.shape_cast %add3A_2311 : vector<16xi32> to vector<16xi32>
    tpu.vector_store %arg6[%swap3A_2312], %swap3A_2315 {strides = array<i32>} : memref<3200xi32, #tpu.memory_space<vmem>>, vector<16xi32>,
    %add3A_2316 = arith.constant 2848 : i32
    %add3A_2317 = vector.broadcast %add3A_2316 : i32 to vector<16xi32>
    %add3A_2318 = arith.addi %iota3A, %add3A_2317 : vector<16xi32>
    %rem3A_2319 = arith.constant 200 : i32
    %rem3A_2320 = vector.broadcast %rem3A_2319 : i32 to vector<16xi32>
    %rem3A_2321 = arith.remsi %add3A_2318, %rem3A_2320 : vector<16xi32>
    %add3A_2322 = arith.constant 1 : i32
    %add3A_2323 = vector.broadcast %add3A_2322 : i32 to vector<16xi32>
    %add3A_2324 = arith.addi %rem3A_2321, %add3A_2323 : vector<16xi32>
    %swap3A_2325 = arith.constant 2848 : index
    %swap3A_2326 = tpu.vector_load %arg6[%swap3A_2325] {strides = array<i32>} : memref<3200xi32, #tpu.memory_space<vmem>>, vector<16xi32>,
    %swap3A_2327 = vector.shape_cast %swap3A_2326 : vector<16xi32> to vector<16xi32>
    %swap3A_2328 = vector.shape_cast %add3A_2324 : vector<16xi32> to vector<16xi32>
    tpu.vector_store %arg6[%swap3A_2325], %swap3A_2328 {strides = array<i32>} : memref<3200xi32, #tpu.memory_space<vmem>>, vector<16xi32>,
    %add3A_2329 = arith.constant 2864 : i32
    %add3A_2330 = vector.broadcast %add3A_2329 : i32 to vector<16xi32>
    %add3A_2331 = arith.addi %iota3A, %add3A_2330 : vector<16xi32>
    %rem3A_2332 = arith.constant 200 : i32
    %rem3A_2333 = vector.broadcast %rem3A_2332 : i32 to vector<16xi32>
    %rem3A_2334 = arith.remsi %add3A_2331, %rem3A_2333 : vector<16xi32>
    %add3A_2335 = arith.constant 1 : i32
    %add3A_2336 = vector.broadcast %add3A_2335 : i32 to vector<16xi32>
    %add3A_2337 = arith.addi %rem3A_2334, %add3A_2336 : vector<16xi32>
    %swap3A_2338 = arith.constant 2864 : index
    %swap3A_2339 = tpu.vector_load %arg6[%swap3A_2338] {strides = array<i32>} : memref<3200xi32, #tpu.memory_space<vmem>>, vector<16xi32>,
    %swap3A_2340 = vector.shape_cast %swap3A_2339 : vector<16xi32> to vector<16xi32>
    %swap3A_2341 = vector.shape_cast %add3A_2337 : vector<16xi32> to vector<16xi32>
    tpu.vector_store %arg6[%swap3A_2338], %swap3A_2341 {strides = array<i32>} : memref<3200xi32, #tpu.memory_space<vmem>>, vector<16xi32>,
    %add3A_2342 = arith.constant 2880 : i32
    %add3A_2343 = vector.broadcast %add3A_2342 : i32 to vector<16xi32>
    %add3A_2344 = arith.addi %iota3A, %add3A_2343 : vector<16xi32>
    %rem3A_2345 = arith.constant 200 : i32
    %rem3A_2346 = vector.broadcast %rem3A_2345 : i32 to vector<16xi32>
    %rem3A_2347 = arith.remsi %add3A_2344, %rem3A_2346 : vector<16xi32>
    %add3A_2348 = arith.constant 1 : i32
    %add3A_2349 = vector.broadcast %add3A_2348 : i32 to vector<16xi32>
    %add3A_2350 = arith.addi %rem3A_2347, %add3A_2349 : vector<16xi32>
    %swap3A_2351 = arith.constant 2880 : index
    %swap3A_2352 = tpu.vector_load %arg6[%swap3A_2351] {strides = array<i32>} : memref<3200xi32, #tpu.memory_space<vmem>>, vector<16xi32>,
    %swap3A_2353 = vector.shape_cast %swap3A_2352 : vector<16xi32> to vector<16xi32>
    %swap3A_2354 = vector.shape_cast %add3A_2350 : vector<16xi32> to vector<16xi32>
    tpu.vector_store %arg6[%swap3A_2351], %swap3A_2354 {strides = array<i32>} : memref<3200xi32, #tpu.memory_space<vmem>>, vector<16xi32>,
    %add3A_2355 = arith.constant 2896 : i32
    %add3A_2356 = vector.broadcast %add3A_2355 : i32 to vector<16xi32>
    %add3A_2357 = arith.addi %iota3A, %add3A_2356 : vector<16xi32>
    %rem3A_2358 = arith.constant 200 : i32
    %rem3A_2359 = vector.broadcast %rem3A_2358 : i32 to vector<16xi32>
    %rem3A_2360 = arith.remsi %add3A_2357, %rem3A_2359 : vector<16xi32>
    %add3A_2361 = arith.constant 1 : i32
    %add3A_2362 = vector.broadcast %add3A_2361 : i32 to vector<16xi32>
    %add3A_2363 = arith.addi %rem3A_2360, %add3A_2362 : vector<16xi32>
    %swap3A_2364 = arith.constant 2896 : index
    %swap3A_2365 = tpu.vector_load %arg6[%swap3A_2364] {strides = array<i32>} : memref<3200xi32, #tpu.memory_space<vmem>>, vector<16xi32>,
    %swap3A_2366 = vector.shape_cast %swap3A_2365 : vector<16xi32> to vector<16xi32>
    %swap3A_2367 = vector.shape_cast %add3A_2363 : vector<16xi32> to vector<16xi32>
    tpu.vector_store %arg6[%swap3A_2364], %swap3A_2367 {strides = array<i32>} : memref<3200xi32, #tpu.memory_space<vmem>>, vector<16xi32>,
    %add3A_2368 = arith.constant 2912 : i32
    %add3A_2369 = vector.broadcast %add3A_2368 : i32 to vector<16xi32>
    %add3A_2370 = arith.addi %iota3A, %add3A_2369 : vector<16xi32>
    %rem3A_2371 = arith.constant 200 : i32
    %rem3A_2372 = vector.broadcast %rem3A_2371 : i32 to vector<16xi32>
    %rem3A_2373 = arith.remsi %add3A_2370, %rem3A_2372 : vector<16xi32>
    %add3A_2374 = arith.constant 1 : i32
    %add3A_2375 = vector.broadcast %add3A_2374 : i32 to vector<16xi32>
    %add3A_2376 = arith.addi %rem3A_2373, %add3A_2375 : vector<16xi32>
    %swap3A_2377 = arith.constant 2912 : index
    %swap3A_2378 = tpu.vector_load %arg6[%swap3A_2377] {strides = array<i32>} : memref<3200xi32, #tpu.memory_space<vmem>>, vector<16xi32>,
    %swap3A_2379 = vector.shape_cast %swap3A_2378 : vector<16xi32> to vector<16xi32>
    %swap3A_2380 = vector.shape_cast %add3A_2376 : vector<16xi32> to vector<16xi32>
    tpu.vector_store %arg6[%swap3A_2377], %swap3A_2380 {strides = array<i32>} : memref<3200xi32, #tpu.memory_space<vmem>>, vector<16xi32>,
    %add3A_2381 = arith.constant 2928 : i32
    %add3A_2382 = vector.broadcast %add3A_2381 : i32 to vector<16xi32>
    %add3A_2383 = arith.addi %iota3A, %add3A_2382 : vector<16xi32>
    %rem3A_2384 = arith.constant 200 : i32
    %rem3A_2385 = vector.broadcast %rem3A_2384 : i32 to vector<16xi32>
    %rem3A_2386 = arith.remsi %add3A_2383, %rem3A_2385 : vector<16xi32>
    %add3A_2387 = arith.constant 1 : i32
    %add3A_2388 = vector.broadcast %add3A_2387 : i32 to vector<16xi32>
    %add3A_2389 = arith.addi %rem3A_2386, %add3A_2388 : vector<16xi32>
    %swap3A_2390 = arith.constant 2928 : index
    %swap3A_2391 = tpu.vector_load %arg6[%swap3A_2390] {strides = array<i32>} : memref<3200xi32, #tpu.memory_space<vmem>>, vector<16xi32>,
    %swap3A_2392 = vector.shape_cast %swap3A_2391 : vector<16xi32> to vector<16xi32>
    %swap3A_2393 = vector.shape_cast %add3A_2389 : vector<16xi32> to vector<16xi32>
    tpu.vector_store %arg6[%swap3A_2390], %swap3A_2393 {strides = array<i32>} : memref<3200xi32, #tpu.memory_space<vmem>>, vector<16xi32>,
    %add3A_2394 = arith.constant 2944 : i32
    %add3A_2395 = vector.broadcast %add3A_2394 : i32 to vector<16xi32>
    %add3A_2396 = arith.addi %iota3A, %add3A_2395 : vector<16xi32>
    %rem3A_2397 = arith.constant 200 : i32
    %rem3A_2398 = vector.broadcast %rem3A_2397 : i32 to vector<16xi32>
    %rem3A_2399 = arith.remsi %add3A_2396, %rem3A_2398 : vector<16xi32>
    %add3A_2400 = arith.constant 1 : i32
    %add3A_2401 = vector.broadcast %add3A_2400 : i32 to vector<16xi32>
    %add3A_2402 = arith.addi %rem3A_2399, %add3A_2401 : vector<16xi32>
    %swap3A_2403 = arith.constant 2944 : index
    %swap3A_2404 = tpu.vector_load %arg6[%swap3A_2403] {strides = array<i32>} : memref<3200xi32, #tpu.memory_space<vmem>>, vector<16xi32>,
    %swap3A_2405 = vector.shape_cast %swap3A_2404 : vector<16xi32> to vector<16xi32>
    %swap3A_2406 = vector.shape_cast %add3A_2402 : vector<16xi32> to vector<16xi32>
    tpu.vector_store %arg6[%swap3A_2403], %swap3A_2406 {strides = array<i32>} : memref<3200xi32, #tpu.memory_space<vmem>>, vector<16xi32>,
    %add3A_2407 = arith.constant 2960 : i32
    %add3A_2408 = vector.broadcast %add3A_2407 : i32 to vector<16xi32>
    %add3A_2409 = arith.addi %iota3A, %add3A_2408 : vector<16xi32>
    %rem3A_2410 = arith.constant 200 : i32
    %rem3A_2411 = vector.broadcast %rem3A_2410 : i32 to vector<16xi32>
    %rem3A_2412 = arith.remsi %add3A_2409, %rem3A_2411 : vector<16xi32>
    %add3A_2413 = arith.constant 1 : i32
    %add3A_2414 = vector.broadcast %add3A_2413 : i32 to vector<16xi32>
    %add3A_2415 = arith.addi %rem3A_2412, %add3A_2414 : vector<16xi32>
    %swap3A_2416 = arith.constant 2960 : index
    %swap3A_2417 = tpu.vector_load %arg6[%swap3A_2416] {strides = array<i32>} : memref<3200xi32, #tpu.memory_space<vmem>>, vector<16xi32>,
    %swap3A_2418 = vector.shape_cast %swap3A_2417 : vector<16xi32> to vector<16xi32>
    %swap3A_2419 = vector.shape_cast %add3A_2415 : vector<16xi32> to vector<16xi32>
    tpu.vector_store %arg6[%swap3A_2416], %swap3A_2419 {strides = array<i32>} : memref<3200xi32, #tpu.memory_space<vmem>>, vector<16xi32>,
    %add3A_2420 = arith.constant 2976 : i32
    %add3A_2421 = vector.broadcast %add3A_2420 : i32 to vector<16xi32>
    %add3A_2422 = arith.addi %iota3A, %add3A_2421 : vector<16xi32>
    %rem3A_2423 = arith.constant 200 : i32
    %rem3A_2424 = vector.broadcast %rem3A_2423 : i32 to vector<16xi32>
    %rem3A_2425 = arith.remsi %add3A_2422, %rem3A_2424 : vector<16xi32>
    %add3A_2426 = arith.constant 1 : i32
    %add3A_2427 = vector.broadcast %add3A_2426 : i32 to vector<16xi32>
    %add3A_2428 = arith.addi %rem3A_2425, %add3A_2427 : vector<16xi32>
    %swap3A_2429 = arith.constant 2976 : index
    %swap3A_2430 = tpu.vector_load %arg6[%swap3A_2429] {strides = array<i32>} : memref<3200xi32, #tpu.memory_space<vmem>>, vector<16xi32>,
    %swap3A_2431 = vector.shape_cast %swap3A_2430 : vector<16xi32> to vector<16xi32>
    %swap3A_2432 = vector.shape_cast %add3A_2428 : vector<16xi32> to vector<16xi32>
    tpu.vector_store %arg6[%swap3A_2429], %swap3A_2432 {strides = array<i32>} : memref<3200xi32, #tpu.memory_space<vmem>>, vector<16xi32>,
    %add3A_2433 = arith.constant 2992 : i32
    %add3A_2434 = vector.broadcast %add3A_2433 : i32 to vector<16xi32>
    %add3A_2435 = arith.addi %iota3A, %add3A_2434 : vector<16xi32>
    %rem3A_2436 = arith.constant 200 : i32
    %rem3A_2437 = vector.broadcast %rem3A_2436 : i32 to vector<16xi32>
    %rem3A_2438 = arith.remsi %add3A_2435, %rem3A_2437 : vector<16xi32>
    %add3A_2439 = arith.constant 1 : i32
    %add3A_2440 = vector.broadcast %add3A_2439 : i32 to vector<16xi32>
    %add3A_2441 = arith.addi %rem3A_2438, %add3A_2440 : vector<16xi32>
    %swap3A_2442 = arith.constant 2992 : index
    %swap3A_2443 = tpu.vector_load %arg6[%swap3A_2442] {strides = array<i32>} : memref<3200xi32, #tpu.memory_space<vmem>>, vector<16xi32>,
    %swap3A_2444 = vector.shape_cast %swap3A_2443 : vector<16xi32> to vector<16xi32>
    %swap3A_2445 = vector.shape_cast %add3A_2441 : vector<16xi32> to vector<16xi32>
    tpu.vector_store %arg6[%swap3A_2442], %swap3A_2445 {strides = array<i32>} : memref<3200xi32, #tpu.memory_space<vmem>>, vector<16xi32>,
    %add3A_2446 = arith.constant 3008 : i32
    %add3A_2447 = vector.broadcast %add3A_2446 : i32 to vector<16xi32>
    %add3A_2448 = arith.addi %iota3A, %add3A_2447 : vector<16xi32>
    %rem3A_2449 = arith.constant 200 : i32
    %rem3A_2450 = vector.broadcast %rem3A_2449 : i32 to vector<16xi32>
    %rem3A_2451 = arith.remsi %add3A_2448, %rem3A_2450 : vector<16xi32>
    %add3A_2452 = arith.constant 1 : i32
    %add3A_2453 = vector.broadcast %add3A_2452 : i32 to vector<16xi32>
    %add3A_2454 = arith.addi %rem3A_2451, %add3A_2453 : vector<16xi32>
    %swap3A_2455 = arith.constant 3008 : index
    %swap3A_2456 = tpu.vector_load %arg6[%swap3A_2455] {strides = array<i32>} : memref<3200xi32, #tpu.memory_space<vmem>>, vector<16xi32>,
    %swap3A_2457 = vector.shape_cast %swap3A_2456 : vector<16xi32> to vector<16xi32>
    %swap3A_2458 = vector.shape_cast %add3A_2454 : vector<16xi32> to vector<16xi32>
    tpu.vector_store %arg6[%swap3A_2455], %swap3A_2458 {strides = array<i32>} : memref<3200xi32, #tpu.memory_space<vmem>>, vector<16xi32>,
    %add3A_2459 = arith.constant 3024 : i32
    %add3A_2460 = vector.broadcast %add3A_2459 : i32 to vector<16xi32>
    %add3A_2461 = arith.addi %iota3A, %add3A_2460 : vector<16xi32>
    %rem3A_2462 = arith.constant 200 : i32
    %rem3A_2463 = vector.broadcast %rem3A_2462 : i32 to vector<16xi32>
    %rem3A_2464 = arith.remsi %add3A_2461, %rem3A_2463 : vector<16xi32>
    %add3A_2465 = arith.constant 1 : i32
    %add3A_2466 = vector.broadcast %add3A_2465 : i32 to vector<16xi32>
    %add3A_2467 = arith.addi %rem3A_2464, %add3A_2466 : vector<16xi32>
    %swap3A_2468 = arith.constant 3024 : index
    %swap3A_2469 = tpu.vector_load %arg6[%swap3A_2468] {strides = array<i32>} : memref<3200xi32, #tpu.memory_space<vmem>>, vector<16xi32>,
    %swap3A_2470 = vector.shape_cast %swap3A_2469 : vector<16xi32> to vector<16xi32>
    %swap3A_2471 = vector.shape_cast %add3A_2467 : vector<16xi32> to vector<16xi32>
    tpu.vector_store %arg6[%swap3A_2468], %swap3A_2471 {strides = array<i32>} : memref<3200xi32, #tpu.memory_space<vmem>>, vector<16xi32>,
    %add3A_2472 = arith.constant 3040 : i32
    %add3A_2473 = vector.broadcast %add3A_2472 : i32 to vector<16xi32>
    %add3A_2474 = arith.addi %iota3A, %add3A_2473 : vector<16xi32>
    %rem3A_2475 = arith.constant 200 : i32
    %rem3A_2476 = vector.broadcast %rem3A_2475 : i32 to vector<16xi32>
    %rem3A_2477 = arith.remsi %add3A_2474, %rem3A_2476 : vector<16xi32>
    %add3A_2478 = arith.constant 1 : i32
    %add3A_2479 = vector.broadcast %add3A_2478 : i32 to vector<16xi32>
    %add3A_2480 = arith.addi %rem3A_2477, %add3A_2479 : vector<16xi32>
    %swap3A_2481 = arith.constant 3040 : index
    %swap3A_2482 = tpu.vector_load %arg6[%swap3A_2481] {strides = array<i32>} : memref<3200xi32, #tpu.memory_space<vmem>>, vector<16xi32>,
    %swap3A_2483 = vector.shape_cast %swap3A_2482 : vector<16xi32> to vector<16xi32>
    %swap3A_2484 = vector.shape_cast %add3A_2480 : vector<16xi32> to vector<16xi32>
    tpu.vector_store %arg6[%swap3A_2481], %swap3A_2484 {strides = array<i32>} : memref<3200xi32, #tpu.memory_space<vmem>>, vector<16xi32>,
    %add3A_2485 = arith.constant 3056 : i32
    %add3A_2486 = vector.broadcast %add3A_2485 : i32 to vector<16xi32>
    %add3A_2487 = arith.addi %iota3A, %add3A_2486 : vector<16xi32>
    %rem3A_2488 = arith.constant 200 : i32
    %rem3A_2489 = vector.broadcast %rem3A_2488 : i32 to vector<16xi32>
    %rem3A_2490 = arith.remsi %add3A_2487, %rem3A_2489 : vector<16xi32>
    %add3A_2491 = arith.constant 1 : i32
    %add3A_2492 = vector.broadcast %add3A_2491 : i32 to vector<16xi32>
    %add3A_2493 = arith.addi %rem3A_2490, %add3A_2492 : vector<16xi32>
    %swap3A_2494 = arith.constant 3056 : index
    %swap3A_2495 = tpu.vector_load %arg6[%swap3A_2494] {strides = array<i32>} : memref<3200xi32, #tpu.memory_space<vmem>>, vector<16xi32>,
    %swap3A_2496 = vector.shape_cast %swap3A_2495 : vector<16xi32> to vector<16xi32>
    %swap3A_2497 = vector.shape_cast %add3A_2493 : vector<16xi32> to vector<16xi32>
    tpu.vector_store %arg6[%swap3A_2494], %swap3A_2497 {strides = array<i32>} : memref<3200xi32, #tpu.memory_space<vmem>>, vector<16xi32>,
    %add3A_2498 = arith.constant 3072 : i32
    %add3A_2499 = vector.broadcast %add3A_2498 : i32 to vector<16xi32>
    %add3A_2500 = arith.addi %iota3A, %add3A_2499 : vector<16xi32>
    %rem3A_2501 = arith.constant 200 : i32
    %rem3A_2502 = vector.broadcast %rem3A_2501 : i32 to vector<16xi32>
    %rem3A_2503 = arith.remsi %add3A_2500, %rem3A_2502 : vector<16xi32>
    %add3A_2504 = arith.constant 1 : i32
    %add3A_2505 = vector.broadcast %add3A_2504 : i32 to vector<16xi32>
    %add3A_2506 = arith.addi %rem3A_2503, %add3A_2505 : vector<16xi32>
    %swap3A_2507 = arith.constant 3072 : index
    %swap3A_2508 = tpu.vector_load %arg6[%swap3A_2507] {strides = array<i32>} : memref<3200xi32, #tpu.memory_space<vmem>>, vector<16xi32>,
    %swap3A_2509 = vector.shape_cast %swap3A_2508 : vector<16xi32> to vector<16xi32>
    %swap3A_2510 = vector.shape_cast %add3A_2506 : vector<16xi32> to vector<16xi32>
    tpu.vector_store %arg6[%swap3A_2507], %swap3A_2510 {strides = array<i32>} : memref<3200xi32, #tpu.memory_space<vmem>>, vector<16xi32>,
    %add3A_2511 = arith.constant 3088 : i32
    %add3A_2512 = vector.broadcast %add3A_2511 : i32 to vector<16xi32>
    %add3A_2513 = arith.addi %iota3A, %add3A_2512 : vector<16xi32>
    %rem3A_2514 = arith.constant 200 : i32
    %rem3A_2515 = vector.broadcast %rem3A_2514 : i32 to vector<16xi32>
    %rem3A_2516 = arith.remsi %add3A_2513, %rem3A_2515 : vector<16xi32>
    %add3A_2517 = arith.constant 1 : i32
    %add3A_2518 = vector.broadcast %add3A_2517 : i32 to vector<16xi32>
    %add3A_2519 = arith.addi %rem3A_2516, %add3A_2518 : vector<16xi32>
    %swap3A_2520 = arith.constant 3088 : index
    %swap3A_2521 = tpu.vector_load %arg6[%swap3A_2520] {strides = array<i32>} : memref<3200xi32, #tpu.memory_space<vmem>>, vector<16xi32>,
    %swap3A_2522 = vector.shape_cast %swap3A_2521 : vector<16xi32> to vector<16xi32>
    %swap3A_2523 = vector.shape_cast %add3A_2519 : vector<16xi32> to vector<16xi32>
    tpu.vector_store %arg6[%swap3A_2520], %swap3A_2523 {strides = array<i32>} : memref<3200xi32, #tpu.memory_space<vmem>>, vector<16xi32>,
    %add3A_2524 = arith.constant 3104 : i32
    %add3A_2525 = vector.broadcast %add3A_2524 : i32 to vector<16xi32>
    %add3A_2526 = arith.addi %iota3A, %add3A_2525 : vector<16xi32>
    %rem3A_2527 = arith.constant 200 : i32
    %rem3A_2528 = vector.broadcast %rem3A_2527 : i32 to vector<16xi32>
    %rem3A_2529 = arith.remsi %add3A_2526, %rem3A_2528 : vector<16xi32>
    %add3A_2530 = arith.constant 1 : i32
    %add3A_2531 = vector.broadcast %add3A_2530 : i32 to vector<16xi32>
    %add3A_2532 = arith.addi %rem3A_2529, %add3A_2531 : vector<16xi32>
    %swap3A_2533 = arith.constant 3104 : index
    %swap3A_2534 = tpu.vector_load %arg6[%swap3A_2533] {strides = array<i32>} : memref<3200xi32, #tpu.memory_space<vmem>>, vector<16xi32>,
    %swap3A_2535 = vector.shape_cast %swap3A_2534 : vector<16xi32> to vector<16xi32>
    %swap3A_2536 = vector.shape_cast %add3A_2532 : vector<16xi32> to vector<16xi32>
    tpu.vector_store %arg6[%swap3A_2533], %swap3A_2536 {strides = array<i32>} : memref<3200xi32, #tpu.memory_space<vmem>>, vector<16xi32>,
    %add3A_2537 = arith.constant 3120 : i32
    %add3A_2538 = vector.broadcast %add3A_2537 : i32 to vector<16xi32>
    %add3A_2539 = arith.addi %iota3A, %add3A_2538 : vector<16xi32>
    %rem3A_2540 = arith.constant 200 : i32
    %rem3A_2541 = vector.broadcast %rem3A_2540 : i32 to vector<16xi32>
    %rem3A_2542 = arith.remsi %add3A_2539, %rem3A_2541 : vector<16xi32>
    %add3A_2543 = arith.constant 1 : i32
    %add3A_2544 = vector.broadcast %add3A_2543 : i32 to vector<16xi32>
    %add3A_2545 = arith.addi %rem3A_2542, %add3A_2544 : vector<16xi32>
    %swap3A_2546 = arith.constant 3120 : index
    %swap3A_2547 = tpu.vector_load %arg6[%swap3A_2546] {strides = array<i32>} : memref<3200xi32, #tpu.memory_space<vmem>>, vector<16xi32>,
    %swap3A_2548 = vector.shape_cast %swap3A_2547 : vector<16xi32> to vector<16xi32>
    %swap3A_2549 = vector.shape_cast %add3A_2545 : vector<16xi32> to vector<16xi32>
    tpu.vector_store %arg6[%swap3A_2546], %swap3A_2549 {strides = array<i32>} : memref<3200xi32, #tpu.memory_space<vmem>>, vector<16xi32>,
    %add3A_2550 = arith.constant 3136 : i32
    %add3A_2551 = vector.broadcast %add3A_2550 : i32 to vector<16xi32>
    %add3A_2552 = arith.addi %iota3A, %add3A_2551 : vector<16xi32>
    %rem3A_2553 = arith.constant 200 : i32
    %rem3A_2554 = vector.broadcast %rem3A_2553 : i32 to vector<16xi32>
    %rem3A_2555 = arith.remsi %add3A_2552, %rem3A_2554 : vector<16xi32>
    %add3A_2556 = arith.constant 1 : i32
    %add3A_2557 = vector.broadcast %add3A_2556 : i32 to vector<16xi32>
    %add3A_2558 = arith.addi %rem3A_2555, %add3A_2557 : vector<16xi32>
    %swap3A_2559 = arith.constant 3136 : index
    %swap3A_2560 = tpu.vector_load %arg6[%swap3A_2559] {strides = array<i32>} : memref<3200xi32, #tpu.memory_space<vmem>>, vector<16xi32>,
    %swap3A_2561 = vector.shape_cast %swap3A_2560 : vector<16xi32> to vector<16xi32>
    %swap3A_2562 = vector.shape_cast %add3A_2558 : vector<16xi32> to vector<16xi32>
    tpu.vector_store %arg6[%swap3A_2559], %swap3A_2562 {strides = array<i32>} : memref<3200xi32, #tpu.memory_space<vmem>>, vector<16xi32>,
    %add3A_2563 = arith.constant 3152 : i32
    %add3A_2564 = vector.broadcast %add3A_2563 : i32 to vector<16xi32>
    %add3A_2565 = arith.addi %iota3A, %add3A_2564 : vector<16xi32>
    %rem3A_2566 = arith.constant 200 : i32
    %rem3A_2567 = vector.broadcast %rem3A_2566 : i32 to vector<16xi32>
    %rem3A_2568 = arith.remsi %add3A_2565, %rem3A_2567 : vector<16xi32>
    %add3A_2569 = arith.constant 1 : i32
    %add3A_2570 = vector.broadcast %add3A_2569 : i32 to vector<16xi32>
    %add3A_2571 = arith.addi %rem3A_2568, %add3A_2570 : vector<16xi32>
    %swap3A_2572 = arith.constant 3152 : index
    %swap3A_2573 = tpu.vector_load %arg6[%swap3A_2572] {strides = array<i32>} : memref<3200xi32, #tpu.memory_space<vmem>>, vector<16xi32>,
    %swap3A_2574 = vector.shape_cast %swap3A_2573 : vector<16xi32> to vector<16xi32>
    %swap3A_2575 = vector.shape_cast %add3A_2571 : vector<16xi32> to vector<16xi32>
    tpu.vector_store %arg6[%swap3A_2572], %swap3A_2575 {strides = array<i32>} : memref<3200xi32, #tpu.memory_space<vmem>>, vector<16xi32>,
    %add3A_2576 = arith.constant 3168 : i32
    %add3A_2577 = vector.broadcast %add3A_2576 : i32 to vector<16xi32>
    %add3A_2578 = arith.addi %iota3A, %add3A_2577 : vector<16xi32>
    %rem3A_2579 = arith.constant 200 : i32
    %rem3A_2580 = vector.broadcast %rem3A_2579 : i32 to vector<16xi32>
    %rem3A_2581 = arith.remsi %add3A_2578, %rem3A_2580 : vector<16xi32>
    %add3A_2582 = arith.constant 1 : i32
    %add3A_2583 = vector.broadcast %add3A_2582 : i32 to vector<16xi32>
    %add3A_2584 = arith.addi %rem3A_2581, %add3A_2583 : vector<16xi32>
    %swap3A_2585 = arith.constant 3168 : index
    %swap3A_2586 = tpu.vector_load %arg6[%swap3A_2585] {strides = array<i32>} : memref<3200xi32, #tpu.memory_space<vmem>>, vector<16xi32>,
    %swap3A_2587 = vector.shape_cast %swap3A_2586 : vector<16xi32> to vector<16xi32>
    %swap3A_2588 = vector.shape_cast %add3A_2584 : vector<16xi32> to vector<16xi32>
    tpu.vector_store %arg6[%swap3A_2585], %swap3A_2588 {strides = array<i32>} : memref<3200xi32, #tpu.memory_space<vmem>>, vector<16xi32>,
    %add3A_2589 = arith.constant 3184 : i32
    %add3A_2590 = vector.broadcast %add3A_2589 : i32 to vector<16xi32>
    %add3A_2591 = arith.addi %iota3A, %add3A_2590 : vector<16xi32>
    %rem3A_2592 = arith.constant 200 : i32
    %rem3A_2593 = vector.broadcast %rem3A_2592 : i32 to vector<16xi32>
    %rem3A_2594 = arith.remsi %add3A_2591, %rem3A_2593 : vector<16xi32>
    %add3A_2595 = arith.constant 1 : i32
    %add3A_2596 = vector.broadcast %add3A_2595 : i32 to vector<16xi32>
    %add3A_2597 = arith.addi %rem3A_2594, %add3A_2596 : vector<16xi32>
    %swap3A_2598 = arith.constant 3184 : index
    %swap3A_2599 = tpu.vector_load %arg6[%swap3A_2598] {strides = array<i32>} : memref<3200xi32, #tpu.memory_space<vmem>>, vector<16xi32>,
    %swap3A_2600 = vector.shape_cast %swap3A_2599 : vector<16xi32> to vector<16xi32>
    %swap3A_2601 = vector.shape_cast %add3A_2597 : vector<16xi32> to vector<16xi32>
    tpu.vector_store %arg6[%swap3A_2598], %swap3A_2601 {strides = array<i32>} : memref<3200xi32, #tpu.memory_space<vmem>>, vector<16xi32>,
    "tpu.region"() ({
      %run_scoped3A = tpu.sem_alloc : memref<!tpu.dma_semaphore, #tpu.memory_space<semaphore_mem>>
      %dma_start3A_2655 = tpu.memref_slice %arg2[%mul3A_2] : memref<819200xi32, #tpu.memory_space<hbm>> -> memref<25600xi32, #tpu.memory_space<hbm>>
      %dma_start3A_2656 = tpu.memref_slice %arg2[%mul3A_2] : memref<819200xi32, #tpu.memory_space<hbm>> -> memref<25600xi32, #tpu.memory_space<hbm>>
      tpu.enqueue_dma source(%dma_start3A_2656 : memref<25600xi32, #tpu.memory_space<hbm>>) target(%arg5 : memref<25600xi32, #tpu.memory_space<vmem>>) target_semaphore(%run_scoped3A : memref<!tpu.dma_semaphore, #tpu.memory_space<semaphore_mem>>)
      %dma_wait3A_2657 = tpu.memref_slice %arg2[%mul3A_2] : memref<819200xi32, #tpu.memory_space<hbm>> -> memref<25600xi32, #tpu.memory_space<hbm>>
      %dma_wait3A_2658 = tpu.memref_slice %arg2[%mul3A_2] : memref<819200xi32, #tpu.memory_space<hbm>> -> memref<25600xi32, #tpu.memory_space<hbm>>
      tpu.wait_dma2 semaphore(%run_scoped3A : memref<!tpu.dma_semaphore, #tpu.memory_space<semaphore_mem>>) src(%dma_wait3A_2658 : memref<25600xi32, #tpu.memory_space<hbm>>) dst(%arg5 : memref<25600xi32, #tpu.memory_space<vmem>>)
      tpu.yield
    }) : () -> ()
    %scan3A = arith.constant 0 : i32
    %scan3A_2602 = arith.constant 0 : i32
    %scan3A_2603 = arith.constant 50 : i32
    %scan3A_2604 = arith.addi %scan3A_2602, %scan3A_2603 : i32
    %scan3A_2605 = arith.constant 1 : i32
    scf.for %scan3A_2655 = %scan3A_2602 to %scan3A_2604 step %scan3A_2605  : i32 {
      %mul3A_2656 = arith.constant 4 : i32
      %mul3A_2657 = arith.muli %scan3A_2655, %mul3A_2656 : i32
      %add3A_2658 = arith.constant 0 : i32
      %add3A_2659 = arith.addi %mul3A_2657, %add3A_2658 : i32
      %gt3A = arith.constant 0 : i32
      %gt3A_2660 = arith.cmpi sgt, %scan3A_2655, %gt3A : i32
      %convert_element_type3A = arith.extui %gt3A_2660 : i1 to i32
      %cond3A = arith.constant 0 : i32
      %cond3A_2661 = arith.cmpi ne, %convert_element_type3A, %cond3A : i32
      scf.if %cond3A_2661 {
        %sub3A_3475 = arith.constant 4 : i32
        %sub3A_3476 = arith.subi %add3A_2659, %sub3A_3475 : i32
        %mul3A_3477 = arith.constant 128 : i32
        %mul3A_3478 = arith.muli %sub3A_3476, %mul3A_3477 : i32
        %add3A_3479 = arith.addi %mul3A_2, %mul3A_3478 : i32
        %dma_wait3A_3480 = arith.constant 0 : i32
        %dma_wait3A_3481 = tpu.memref_slice %arg4[%add3A_3479, %dma_wait3A_3480] : memref<819200x32xf32, #tpu.memory_space<hbm>> -> memref<128x32xf32, #tpu.memory_space<hbm>>
        %dma_wait3A_3482 = arith.constant 0 : i32
        %dma_wait3A_3483 = tpu.memref_slice %arg4[%add3A_3479, %dma_wait3A_3482] : memref<819200x32xf32, #tpu.memory_space<hbm>> -> memref<128x32xf32, #tpu.memory_space<hbm>>
        tpu.wait_dma2 semaphore(%arg13 : memref<!tpu.dma_semaphore, #tpu.memory_space<semaphore_mem>>) src(%arg8 : memref<128x32xf32, #tpu.memory_space<vmem>>) dst(%dma_wait3A_3483 : memref<128x32xf32, #tpu.memory_space<hbm>>)
      } else {
      }
      %rem3A_2662 = arith.constant 25 : i32
      %rem3A_2663 = arith.remsi %add3A_2659, %rem3A_2662 : i32
      %mul3A_2664 = arith.constant 128 : i32
      %mul3A_2665 = arith.muli %rem3A_2663, %mul3A_2664 : i32
      %mul3A_2666 = arith.constant 128 : i32
      %mul3A_2667 = arith.muli %add3A_2659, %mul3A_2666 : i32
      %add3A_2668 = arith.constant 0 : i32
      %add3A_2669 = arith.addi %mul3A_2667, %add3A_2668 : i32
      %get3A = arith.index_cast %add3A_2669 : i32 to index
      %get3A_2670 = tpu.vector_load %arg5[%get3A] {strides = array<i32>} : memref<25600xi32, #tpu.memory_space<vmem>>, vector<16xi32>,
      %get3A_2671 = vector.shape_cast %get3A_2670 : vector<16xi32> to vector<16xi32>
      %add3A_2672 = arith.constant 0 : i32
      %add3A_2673 = arith.addi %mul3A_2665, %add3A_2672 : i32
      %get3A_2674 = arith.index_cast %add3A_2673 : i32 to index
      %get3A_2675 = tpu.vector_load %arg6[%get3A_2674] {strides = array<i32>} : memref<3200xi32, #tpu.memory_space<vmem>>, vector<16xi32>,
      %get3A_2676 = vector.shape_cast %get3A_2675 : vector<16xi32> to vector<16xi32>
      %ne3A = arith.constant 0 : i32
      %ne3A_2677 = vector.broadcast %ne3A : i32 to vector<16xi32>
      %ne3A_2678 = arith.cmpi ne, %get3A_2671, %ne3A_2677 : vector<16xi32>
      %select_n3A = arith.select %ne3A_2678, %get3A_2676, %broadcast_in_dim3A_3 : vector<16xi1>, vector<16xi32>
      %swap3A_2679 = arith.constant 0 : i32
      %swap3A_2680 = arith.index_cast %swap3A_2679 : i32 to index
      %swap3A_2681 = arith.constant 0 : index
      %swap3A_2682 = tpu.vector_load %arg7[%swap3A_2680, %swap3A_2681] {strides = array<i32>} : memref<4x128xi32, #tpu.memory_space<vmem>>, vector<1x16xi32>,
      %swap3A_2683 = vector.shape_cast %swap3A_2682 : vector<1x16xi32> to vector<16xi32>
      %swap3A_2684 = vector.shape_cast %select_n3A : vector<16xi32> to vector<1x16xi32>
      tpu.vector_store %arg7[%swap3A_2680, %swap3A_2681], %swap3A_2684 {strides = array<i32>} : memref<4x128xi32, #tpu.memory_space<vmem>>, vector<1x16xi32>,
      %mul3A_2685 = arith.constant 128 : i32
      %mul3A_2686 = arith.muli %add3A_2659, %mul3A_2685 : i32
      %add3A_2687 = arith.constant 16 : i32
      %add3A_2688 = arith.addi %mul3A_2686, %add3A_2687 : i32
      %get3A_2689 = arith.index_cast %add3A_2688 : i32 to index
      %get3A_2690 = tpu.vector_load %arg5[%get3A_2689] {strides = array<i32>} : memref<25600xi32, #tpu.memory_space<vmem>>, vector<16xi32>,
      %get3A_2691 = vector.shape_cast %get3A_2690 : vector<16xi32> to vector<16xi32>
      %add3A_2692 = arith.constant 16 : i32
      %add3A_2693 = arith.addi %mul3A_2665, %add3A_2692 : i32
      %get3A_2694 = arith.index_cast %add3A_2693 : i32 to index
      %get3A_2695 = tpu.vector_load %arg6[%get3A_2694] {strides = array<i32>} : memref<3200xi32, #tpu.memory_space<vmem>>, vector<16xi32>,
      %get3A_2696 = vector.shape_cast %get3A_2695 : vector<16xi32> to vector<16xi32>
      %ne3A_2697 = arith.constant 0 : i32
      %ne3A_2698 = vector.broadcast %ne3A_2697 : i32 to vector<16xi32>
      %ne3A_2699 = arith.cmpi ne, %get3A_2691, %ne3A_2698 : vector<16xi32>
      %select_n3A_2700 = arith.select %ne3A_2699, %get3A_2696, %broadcast_in_dim3A_3 : vector<16xi1>, vector<16xi32>
      %swap3A_2701 = arith.constant 0 : i32
      %swap3A_2702 = arith.index_cast %swap3A_2701 : i32 to index
      %swap3A_2703 = arith.constant 16 : index
      %swap3A_2704 = tpu.vector_load %arg7[%swap3A_2702, %swap3A_2703] {strides = array<i32>} : memref<4x128xi32, #tpu.memory_space<vmem>>, vector<1x16xi32>,
      %swap3A_2705 = vector.shape_cast %swap3A_2704 : vector<1x16xi32> to vector<16xi32>
      %swap3A_2706 = vector.shape_cast %select_n3A_2700 : vector<16xi32> to vector<1x16xi32>
      tpu.vector_store %arg7[%swap3A_2702, %swap3A_2703], %swap3A_2706 {strides = array<i32>} : memref<4x128xi32, #tpu.memory_space<vmem>>, vector<1x16xi32>,
      %mul3A_2707 = arith.constant 128 : i32
      %mul3A_2708 = arith.muli %add3A_2659, %mul3A_2707 : i32
      %add3A_2709 = arith.constant 32 : i32
      %add3A_2710 = arith.addi %mul3A_2708, %add3A_2709 : i32
      %get3A_2711 = arith.index_cast %add3A_2710 : i32 to index
      %get3A_2712 = tpu.vector_load %arg5[%get3A_2711] {strides = array<i32>} : memref<25600xi32, #tpu.memory_space<vmem>>, vector<16xi32>,
      %get3A_2713 = vector.shape_cast %get3A_2712 : vector<16xi32> to vector<16xi32>
      %add3A_2714 = arith.constant 32 : i32
      %add3A_2715 = arith.addi %mul3A_2665, %add3A_2714 : i32
      %get3A_2716 = arith.index_cast %add3A_2715 : i32 to index
      %get3A_2717 = tpu.vector_load %arg6[%get3A_2716] {strides = array<i32>} : memref<3200xi32, #tpu.memory_space<vmem>>, vector<16xi32>,
      %get3A_2718 = vector.shape_cast %get3A_2717 : vector<16xi32> to vector<16xi32>
      %ne3A_2719 = arith.constant 0 : i32
      %ne3A_2720 = vector.broadcast %ne3A_2719 : i32 to vector<16xi32>
      %ne3A_2721 = arith.cmpi ne, %get3A_2713, %ne3A_2720 : vector<16xi32>
      %select_n3A_2722 = arith.select %ne3A_2721, %get3A_2718, %broadcast_in_dim3A_3 : vector<16xi1>, vector<16xi32>
      %swap3A_2723 = arith.constant 0 : i32
      %swap3A_2724 = arith.index_cast %swap3A_2723 : i32 to index
      %swap3A_2725 = arith.constant 32 : index
      %swap3A_2726 = tpu.vector_load %arg7[%swap3A_2724, %swap3A_2725] {strides = array<i32>} : memref<4x128xi32, #tpu.memory_space<vmem>>, vector<1x16xi32>,
      %swap3A_2727 = vector.shape_cast %swap3A_2726 : vector<1x16xi32> to vector<16xi32>
      %swap3A_2728 = vector.shape_cast %select_n3A_2722 : vector<16xi32> to vector<1x16xi32>
      tpu.vector_store %arg7[%swap3A_2724, %swap3A_2725], %swap3A_2728 {strides = array<i32>} : memref<4x128xi32, #tpu.memory_space<vmem>>, vector<1x16xi32>,
      %mul3A_2729 = arith.constant 128 : i32
      %mul3A_2730 = arith.muli %add3A_2659, %mul3A_2729 : i32
      %add3A_2731 = arith.constant 48 : i32
      %add3A_2732 = arith.addi %mul3A_2730, %add3A_2731 : i32
      %get3A_2733 = arith.index_cast %add3A_2732 : i32 to index
      %get3A_2734 = tpu.vector_load %arg5[%get3A_2733] {strides = array<i32>} : memref<25600xi32, #tpu.memory_space<vmem>>, vector<16xi32>,
      %get3A_2735 = vector.shape_cast %get3A_2734 : vector<16xi32> to vector<16xi32>
      %add3A_2736 = arith.constant 48 : i32
      %add3A_2737 = arith.addi %mul3A_2665, %add3A_2736 : i32
      %get3A_2738 = arith.index_cast %add3A_2737 : i32 to index
      %get3A_2739 = tpu.vector_load %arg6[%get3A_2738] {strides = array<i32>} : memref<3200xi32, #tpu.memory_space<vmem>>, vector<16xi32>,
      %get3A_2740 = vector.shape_cast %get3A_2739 : vector<16xi32> to vector<16xi32>
      %ne3A_2741 = arith.constant 0 : i32
      %ne3A_2742 = vector.broadcast %ne3A_2741 : i32 to vector<16xi32>
      %ne3A_2743 = arith.cmpi ne, %get3A_2735, %ne3A_2742 : vector<16xi32>
      %select_n3A_2744 = arith.select %ne3A_2743, %get3A_2740, %broadcast_in_dim3A_3 : vector<16xi1>, vector<16xi32>
      %swap3A_2745 = arith.constant 0 : i32
      %swap3A_2746 = arith.index_cast %swap3A_2745 : i32 to index
      %swap3A_2747 = arith.constant 48 : index
      %swap3A_2748 = tpu.vector_load %arg7[%swap3A_2746, %swap3A_2747] {strides = array<i32>} : memref<4x128xi32, #tpu.memory_space<vmem>>, vector<1x16xi32>,
      %swap3A_2749 = vector.shape_cast %swap3A_2748 : vector<1x16xi32> to vector<16xi32>
      %swap3A_2750 = vector.shape_cast %select_n3A_2744 : vector<16xi32> to vector<1x16xi32>
      tpu.vector_store %arg7[%swap3A_2746, %swap3A_2747], %swap3A_2750 {strides = array<i32>} : memref<4x128xi32, #tpu.memory_space<vmem>>, vector<1x16xi32>,
      %mul3A_2751 = arith.constant 128 : i32
      %mul3A_2752 = arith.muli %add3A_2659, %mul3A_2751 : i32
      %add3A_2753 = arith.constant 64 : i32
      %add3A_2754 = arith.addi %mul3A_2752, %add3A_2753 : i32
      %get3A_2755 = arith.index_cast %add3A_2754 : i32 to index
      %get3A_2756 = tpu.vector_load %arg5[%get3A_2755] {strides = array<i32>} : memref<25600xi32, #tpu.memory_space<vmem>>, vector<16xi32>,
      %get3A_2757 = vector.shape_cast %get3A_2756 : vector<16xi32> to vector<16xi32>
      %add3A_2758 = arith.constant 64 : i32
      %add3A_2759 = arith.addi %mul3A_2665, %add3A_2758 : i32
      %get3A_2760 = arith.index_cast %add3A_2759 : i32 to index
      %get3A_2761 = tpu.vector_load %arg6[%get3A_2760] {strides = array<i32>} : memref<3200xi32, #tpu.memory_space<vmem>>, vector<16xi32>,
      %get3A_2762 = vector.shape_cast %get3A_2761 : vector<16xi32> to vector<16xi32>
      %ne3A_2763 = arith.constant 0 : i32
      %ne3A_2764 = vector.broadcast %ne3A_2763 : i32 to vector<16xi32>
      %ne3A_2765 = arith.cmpi ne, %get3A_2757, %ne3A_2764 : vector<16xi32>
      %select_n3A_2766 = arith.select %ne3A_2765, %get3A_2762, %broadcast_in_dim3A_3 : vector<16xi1>, vector<16xi32>
      %swap3A_2767 = arith.constant 0 : i32
      %swap3A_2768 = arith.index_cast %swap3A_2767 : i32 to index
      %swap3A_2769 = arith.constant 64 : index
      %swap3A_2770 = tpu.vector_load %arg7[%swap3A_2768, %swap3A_2769] {strides = array<i32>} : memref<4x128xi32, #tpu.memory_space<vmem>>, vector<1x16xi32>,
      %swap3A_2771 = vector.shape_cast %swap3A_2770 : vector<1x16xi32> to vector<16xi32>
      %swap3A_2772 = vector.shape_cast %select_n3A_2766 : vector<16xi32> to vector<1x16xi32>
      tpu.vector_store %arg7[%swap3A_2768, %swap3A_2769], %swap3A_2772 {strides = array<i32>} : memref<4x128xi32, #tpu.memory_space<vmem>>, vector<1x16xi32>,
      %mul3A_2773 = arith.constant 128 : i32
      %mul3A_2774 = arith.muli %add3A_2659, %mul3A_2773 : i32
      %add3A_2775 = arith.constant 80 : i32
      %add3A_2776 = arith.addi %mul3A_2774, %add3A_2775 : i32
      %get3A_2777 = arith.index_cast %add3A_2776 : i32 to index
      %get3A_2778 = tpu.vector_load %arg5[%get3A_2777] {strides = array<i32>} : memref<25600xi32, #tpu.memory_space<vmem>>, vector<16xi32>,
      %get3A_2779 = vector.shape_cast %get3A_2778 : vector<16xi32> to vector<16xi32>
      %add3A_2780 = arith.constant 80 : i32
      %add3A_2781 = arith.addi %mul3A_2665, %add3A_2780 : i32
      %get3A_2782 = arith.index_cast %add3A_2781 : i32 to index
      %get3A_2783 = tpu.vector_load %arg6[%get3A_2782] {strides = array<i32>} : memref<3200xi32, #tpu.memory_space<vmem>>, vector<16xi32>,
      %get3A_2784 = vector.shape_cast %get3A_2783 : vector<16xi32> to vector<16xi32>
      %ne3A_2785 = arith.constant 0 : i32
      %ne3A_2786 = vector.broadcast %ne3A_2785 : i32 to vector<16xi32>
      %ne3A_2787 = arith.cmpi ne, %get3A_2779, %ne3A_2786 : vector<16xi32>
      %select_n3A_2788 = arith.select %ne3A_2787, %get3A_2784, %broadcast_in_dim3A_3 : vector<16xi1>, vector<16xi32>
      %swap3A_2789 = arith.constant 0 : i32
      %swap3A_2790 = arith.index_cast %swap3A_2789 : i32 to index
      %swap3A_2791 = arith.constant 80 : index
      %swap3A_2792 = tpu.vector_load %arg7[%swap3A_2790, %swap3A_2791] {strides = array<i32>} : memref<4x128xi32, #tpu.memory_space<vmem>>, vector<1x16xi32>,
      %swap3A_2793 = vector.shape_cast %swap3A_2792 : vector<1x16xi32> to vector<16xi32>
      %swap3A_2794 = vector.shape_cast %select_n3A_2788 : vector<16xi32> to vector<1x16xi32>
      tpu.vector_store %arg7[%swap3A_2790, %swap3A_2791], %swap3A_2794 {strides = array<i32>} : memref<4x128xi32, #tpu.memory_space<vmem>>, vector<1x16xi32>,
      %mul3A_2795 = arith.constant 128 : i32
      %mul3A_2796 = arith.muli %add3A_2659, %mul3A_2795 : i32
      %add3A_2797 = arith.constant 96 : i32
      %add3A_2798 = arith.addi %mul3A_2796, %add3A_2797 : i32
      %get3A_2799 = arith.index_cast %add3A_2798 : i32 to index
      %get3A_2800 = tpu.vector_load %arg5[%get3A_2799] {strides = array<i32>} : memref<25600xi32, #tpu.memory_space<vmem>>, vector<16xi32>,
      %get3A_2801 = vector.shape_cast %get3A_2800 : vector<16xi32> to vector<16xi32>
      %add3A_2802 = arith.constant 96 : i32
      %add3A_2803 = arith.addi %mul3A_2665, %add3A_2802 : i32
      %get3A_2804 = arith.index_cast %add3A_2803 : i32 to index
      %get3A_2805 = tpu.vector_load %arg6[%get3A_2804] {strides = array<i32>} : memref<3200xi32, #tpu.memory_space<vmem>>, vector<16xi32>,
      %get3A_2806 = vector.shape_cast %get3A_2805 : vector<16xi32> to vector<16xi32>
      %ne3A_2807 = arith.constant 0 : i32
      %ne3A_2808 = vector.broadcast %ne3A_2807 : i32 to vector<16xi32>
      %ne3A_2809 = arith.cmpi ne, %get3A_2801, %ne3A_2808 : vector<16xi32>
      %select_n3A_2810 = arith.select %ne3A_2809, %get3A_2806, %broadcast_in_dim3A_3 : vector<16xi1>, vector<16xi32>
      %swap3A_2811 = arith.constant 0 : i32
      %swap3A_2812 = arith.index_cast %swap3A_2811 : i32 to index
      %swap3A_2813 = arith.constant 96 : index
      %swap3A_2814 = tpu.vector_load %arg7[%swap3A_2812, %swap3A_2813] {strides = array<i32>} : memref<4x128xi32, #tpu.memory_space<vmem>>, vector<1x16xi32>,
      %swap3A_2815 = vector.shape_cast %swap3A_2814 : vector<1x16xi32> to vector<16xi32>
      %swap3A_2816 = vector.shape_cast %select_n3A_2810 : vector<16xi32> to vector<1x16xi32>
      tpu.vector_store %arg7[%swap3A_2812, %swap3A_2813], %swap3A_2816 {strides = array<i32>} : memref<4x128xi32, #tpu.memory_space<vmem>>, vector<1x16xi32>,
      %mul3A_2817 = arith.constant 128 : i32
      %mul3A_2818 = arith.muli %add3A_2659, %mul3A_2817 : i32
      %add3A_2819 = arith.constant 112 : i32
      %add3A_2820 = arith.addi %mul3A_2818, %add3A_2819 : i32
      %get3A_2821 = arith.index_cast %add3A_2820 : i32 to index
      %get3A_2822 = tpu.vector_load %arg5[%get3A_2821] {strides = array<i32>} : memref<25600xi32, #tpu.memory_space<vmem>>, vector<16xi32>,
      %get3A_2823 = vector.shape_cast %get3A_2822 : vector<16xi32> to vector<16xi32>
      %add3A_2824 = arith.constant 112 : i32
      %add3A_2825 = arith.addi %mul3A_2665, %add3A_2824 : i32
      %get3A_2826 = arith.index_cast %add3A_2825 : i32 to index
      %get3A_2827 = tpu.vector_load %arg6[%get3A_2826] {strides = array<i32>} : memref<3200xi32, #tpu.memory_space<vmem>>, vector<16xi32>,
      %get3A_2828 = vector.shape_cast %get3A_2827 : vector<16xi32> to vector<16xi32>
      %ne3A_2829 = arith.constant 0 : i32
      %ne3A_2830 = vector.broadcast %ne3A_2829 : i32 to vector<16xi32>
      %ne3A_2831 = arith.cmpi ne, %get3A_2823, %ne3A_2830 : vector<16xi32>
      %select_n3A_2832 = arith.select %ne3A_2831, %get3A_2828, %broadcast_in_dim3A_3 : vector<16xi1>, vector<16xi32>
      %swap3A_2833 = arith.constant 0 : i32
      %swap3A_2834 = arith.index_cast %swap3A_2833 : i32 to index
      %swap3A_2835 = arith.constant 112 : index
      %swap3A_2836 = tpu.vector_load %arg7[%swap3A_2834, %swap3A_2835] {strides = array<i32>} : memref<4x128xi32, #tpu.memory_space<vmem>>, vector<1x16xi32>,
      %swap3A_2837 = vector.shape_cast %swap3A_2836 : vector<1x16xi32> to vector<16xi32>
      %swap3A_2838 = vector.shape_cast %select_n3A_2832 : vector<16xi32> to vector<1x16xi32>
      tpu.vector_store %arg7[%swap3A_2834, %swap3A_2835], %swap3A_2838 {strides = array<i32>} : memref<4x128xi32, #tpu.memory_space<vmem>>, vector<1x16xi32>,
      %dma_start3A_2839 = arith.constant 0 : i32
      %dma_start3A_2840 = arith.constant 0 : i32
      %dma_start3A_2841 = tpu.memref_slice %arg7[%dma_start3A_2839, %dma_start3A_2840] : memref<4x128xi32, #tpu.memory_space<vmem>> -> memref<1x128xi32, #tpu.memory_space<vmem>>
      %dma_start3A_2842 = tpu.memref_squeeze %dma_start3A_2841 : memref<1x128xi32, #tpu.memory_space<vmem>> -> memref<128xi32, #tpu.memory_space<vmem>>
      %dma_start3A_2843 = arith.constant 0 : i32
      %dma_start3A_2844 = arith.constant 0 : i32
      %dma_start3A_2845 = tpu.memref_slice %arg3[%dma_start3A_2843, %dma_start3A_2844] : memref<201x32xf32, #tpu.memory_space<hbm>> -> memref<201x32xf32, #tpu.memory_space<hbm>>
      tpu.enqueue_indirect_dma source(%dma_start3A_2845 : memref<201x32xf32, #tpu.memory_space<hbm>>) target(%arg8 : memref<128x32xf32, #tpu.memory_space<vmem>>) offsets(%dma_start3A_2842 : memref<128xi32, #tpu.memory_space<vmem>>) semaphore(%arg12 : memref<!tpu.dma_semaphore, #tpu.memory_space<semaphore_mem>>)
      %gt3A_2846 = arith.constant 0 : i32
      %gt3A_2847 = arith.cmpi sgt, %scan3A_2655, %gt3A_2846 : i32
      %convert_element_type3A_2848 = arith.extui %gt3A_2847 : i1 to i32
      %cond3A_2849 = arith.constant 0 : i32
      %cond3A_2850 = arith.cmpi ne, %convert_element_type3A_2848, %cond3A_2849 : i32
      scf.if %cond3A_2850 {
        %dma_wait3A_3475 = arith.constant 2 : i32
        %dma_wait3A_3476 = arith.constant 0 : i32
        %dma_wait3A_3477 = tpu.memref_slice %arg7[%dma_wait3A_3475, %dma_wait3A_3476] : memref<4x128xi32, #tpu.memory_space<vmem>> -> memref<1x128xi32, #tpu.memory_space<vmem>>
        %dma_wait3A_3478 = tpu.memref_squeeze %dma_wait3A_3477 : memref<1x128xi32, #tpu.memory_space<vmem>> -> memref<128xi32, #tpu.memory_space<vmem>>
        %dma_wait3A_3479 = arith.constant 0 : i32
        %dma_wait3A_3480 = arith.constant 0 : i32
        %dma_wait3A_3481 = tpu.memref_slice %arg3[%dma_wait3A_3479, %dma_wait3A_3480] : memref<201x32xf32, #tpu.memory_space<hbm>> -> memref<201x32xf32, #tpu.memory_space<hbm>>
        tpu.wait_indirect_dma semaphore(%arg12 : memref<!tpu.dma_semaphore, #tpu.memory_space<semaphore_mem>>) src(%dma_wait3A_3481 : memref<201x32xf32, #tpu.memory_space<hbm>>) dst(%arg10 : memref<128x32xf32, #tpu.memory_space<vmem>>)
        %sub3A_3482 = arith.constant 2 : i32
        %sub3A_3483 = arith.subi %add3A_2659, %sub3A_3482 : i32
        %mul3A_3484 = arith.constant 128 : i32
        %mul3A_3485 = arith.muli %sub3A_3483, %mul3A_3484 : i32
        %add3A_3486 = arith.addi %mul3A_2, %mul3A_3485 : i32
        %dma_start3A_3487 = arith.constant 0 : i32
        %dma_start3A_3488 = tpu.memref_slice %arg4[%add3A_3486, %dma_start3A_3487] : memref<819200x32xf32, #tpu.memory_space<hbm>> -> memref<128x32xf32, #tpu.memory_space<hbm>>
        %dma_start3A_3489 = arith.constant 0 : i32
        %dma_start3A_3490 = tpu.memref_slice %arg4[%add3A_3486, %dma_start3A_3489] : memref<819200x32xf32, #tpu.memory_space<hbm>> -> memref<128x32xf32, #tpu.memory_space<hbm>>
        tpu.enqueue_dma source(%arg10 : memref<128x32xf32, #tpu.memory_space<vmem>>) target(%dma_start3A_3490 : memref<128x32xf32, #tpu.memory_space<hbm>>) target_semaphore(%arg13 : memref<!tpu.dma_semaphore, #tpu.memory_space<semaphore_mem>>)
      } else {
      }
      %mul3A_2851 = arith.constant 4 : i32
      %mul3A_2852 = arith.muli %scan3A_2655, %mul3A_2851 : i32
      %add3A_2853 = arith.constant 1 : i32
      %add3A_2854 = arith.addi %mul3A_2852, %add3A_2853 : i32
      %gt3A_2855 = arith.constant 0 : i32
      %gt3A_2856 = arith.cmpi sgt, %scan3A_2655, %gt3A_2855 : i32
      %convert_element_type3A_2857 = arith.extui %gt3A_2856 : i1 to i32
      %cond3A_2858 = arith.constant 0 : i32
      %cond3A_2859 = arith.cmpi ne, %convert_element_type3A_2857, %cond3A_2858 : i32
      scf.if %cond3A_2859 {
        %sub3A_3475 = arith.constant 4 : i32
        %sub3A_3476 = arith.subi %add3A_2854, %sub3A_3475 : i32
        %mul3A_3477 = arith.constant 128 : i32
        %mul3A_3478 = arith.muli %sub3A_3476, %mul3A_3477 : i32
        %add3A_3479 = arith.addi %mul3A_2, %mul3A_3478 : i32
        %dma_wait3A_3480 = arith.constant 0 : i32
        %dma_wait3A_3481 = tpu.memref_slice %arg4[%add3A_3479, %dma_wait3A_3480] : memref<819200x32xf32, #tpu.memory_space<hbm>> -> memref<128x32xf32, #tpu.memory_space<hbm>>
        %dma_wait3A_3482 = arith.constant 0 : i32
        %dma_wait3A_3483 = tpu.memref_slice %arg4[%add3A_3479, %dma_wait3A_3482] : memref<819200x32xf32, #tpu.memory_space<hbm>> -> memref<128x32xf32, #tpu.memory_space<hbm>>
        tpu.wait_dma2 semaphore(%arg13 : memref<!tpu.dma_semaphore, #tpu.memory_space<semaphore_mem>>) src(%arg9 : memref<128x32xf32, #tpu.memory_space<vmem>>) dst(%dma_wait3A_3483 : memref<128x32xf32, #tpu.memory_space<hbm>>)
      } else {
      }
      %rem3A_2860 = arith.constant 25 : i32
      %rem3A_2861 = arith.remsi %add3A_2854, %rem3A_2860 : i32
      %mul3A_2862 = arith.constant 128 : i32
      %mul3A_2863 = arith.muli %rem3A_2861, %mul3A_2862 : i32
      %mul3A_2864 = arith.constant 128 : i32
      %mul3A_2865 = arith.muli %add3A_2854, %mul3A_2864 : i32
      %add3A_2866 = arith.constant 0 : i32
      %add3A_2867 = arith.addi %mul3A_2865, %add3A_2866 : i32
      %get3A_2868 = arith.index_cast %add3A_2867 : i32 to index
      %get3A_2869 = tpu.vector_load %arg5[%get3A_2868] {strides = array<i32>} : memref<25600xi32, #tpu.memory_space<vmem>>, vector<16xi32>,
      %get3A_2870 = vector.shape_cast %get3A_2869 : vector<16xi32> to vector<16xi32>
      %add3A_2871 = arith.constant 0 : i32
      %add3A_2872 = arith.addi %mul3A_2863, %add3A_2871 : i32
      %get3A_2873 = arith.index_cast %add3A_2872 : i32 to index
      %get3A_2874 = tpu.vector_load %arg6[%get3A_2873] {strides = array<i32>} : memref<3200xi32, #tpu.memory_space<vmem>>, vector<16xi32>,
      %get3A_2875 = vector.shape_cast %get3A_2874 : vector<16xi32> to vector<16xi32>
      %ne3A_2876 = arith.constant 0 : i32
      %ne3A_2877 = vector.broadcast %ne3A_2876 : i32 to vector<16xi32>
      %ne3A_2878 = arith.cmpi ne, %get3A_2870, %ne3A_2877 : vector<16xi32>
      %select_n3A_2879 = arith.select %ne3A_2878, %get3A_2875, %broadcast_in_dim3A_3 : vector<16xi1>, vector<16xi32>
      %swap3A_2880 = arith.constant 1 : i32
      %swap3A_2881 = arith.index_cast %swap3A_2880 : i32 to index
      %swap3A_2882 = arith.constant 0 : index
      %swap3A_2883 = tpu.vector_load %arg7[%swap3A_2881, %swap3A_2882] {strides = array<i32>} : memref<4x128xi32, #tpu.memory_space<vmem>>, vector<1x16xi32>,
      %swap3A_2884 = vector.shape_cast %swap3A_2883 : vector<1x16xi32> to vector<16xi32>
      %swap3A_2885 = vector.shape_cast %select_n3A_2879 : vector<16xi32> to vector<1x16xi32>
      tpu.vector_store %arg7[%swap3A_2881, %swap3A_2882], %swap3A_2885 {strides = array<i32>} : memref<4x128xi32, #tpu.memory_space<vmem>>, vector<1x16xi32>,
      %mul3A_2886 = arith.constant 128 : i32
      %mul3A_2887 = arith.muli %add3A_2854, %mul3A_2886 : i32
      %add3A_2888 = arith.constant 16 : i32
      %add3A_2889 = arith.addi %mul3A_2887, %add3A_2888 : i32
      %get3A_2890 = arith.index_cast %add3A_2889 : i32 to index
      %get3A_2891 = tpu.vector_load %arg5[%get3A_2890] {strides = array<i32>} : memref<25600xi32, #tpu.memory_space<vmem>>, vector<16xi32>,
      %get3A_2892 = vector.shape_cast %get3A_2891 : vector<16xi32> to vector<16xi32>
      %add3A_2893 = arith.constant 16 : i32
      %add3A_2894 = arith.addi %mul3A_2863, %add3A_2893 : i32
      %get3A_2895 = arith.index_cast %add3A_2894 : i32 to index
      %get3A_2896 = tpu.vector_load %arg6[%get3A_2895] {strides = array<i32>} : memref<3200xi32, #tpu.memory_space<vmem>>, vector<16xi32>,
      %get3A_2897 = vector.shape_cast %get3A_2896 : vector<16xi32> to vector<16xi32>
      %ne3A_2898 = arith.constant 0 : i32
      %ne3A_2899 = vector.broadcast %ne3A_2898 : i32 to vector<16xi32>
      %ne3A_2900 = arith.cmpi ne, %get3A_2892, %ne3A_2899 : vector<16xi32>
      %select_n3A_2901 = arith.select %ne3A_2900, %get3A_2897, %broadcast_in_dim3A_3 : vector<16xi1>, vector<16xi32>
      %swap3A_2902 = arith.constant 1 : i32
      %swap3A_2903 = arith.index_cast %swap3A_2902 : i32 to index
      %swap3A_2904 = arith.constant 16 : index
      %swap3A_2905 = tpu.vector_load %arg7[%swap3A_2903, %swap3A_2904] {strides = array<i32>} : memref<4x128xi32, #tpu.memory_space<vmem>>, vector<1x16xi32>,
      %swap3A_2906 = vector.shape_cast %swap3A_2905 : vector<1x16xi32> to vector<16xi32>
      %swap3A_2907 = vector.shape_cast %select_n3A_2901 : vector<16xi32> to vector<1x16xi32>
      tpu.vector_store %arg7[%swap3A_2903, %swap3A_2904], %swap3A_2907 {strides = array<i32>} : memref<4x128xi32, #tpu.memory_space<vmem>>, vector<1x16xi32>,
      %mul3A_2908 = arith.constant 128 : i32
      %mul3A_2909 = arith.muli %add3A_2854, %mul3A_2908 : i32
      %add3A_2910 = arith.constant 32 : i32
      %add3A_2911 = arith.addi %mul3A_2909, %add3A_2910 : i32
      %get3A_2912 = arith.index_cast %add3A_2911 : i32 to index
      %get3A_2913 = tpu.vector_load %arg5[%get3A_2912] {strides = array<i32>} : memref<25600xi32, #tpu.memory_space<vmem>>, vector<16xi32>,
      %get3A_2914 = vector.shape_cast %get3A_2913 : vector<16xi32> to vector<16xi32>
      %add3A_2915 = arith.constant 32 : i32
      %add3A_2916 = arith.addi %mul3A_2863, %add3A_2915 : i32
      %get3A_2917 = arith.index_cast %add3A_2916 : i32 to index
      %get3A_2918 = tpu.vector_load %arg6[%get3A_2917] {strides = array<i32>} : memref<3200xi32, #tpu.memory_space<vmem>>, vector<16xi32>,
      %get3A_2919 = vector.shape_cast %get3A_2918 : vector<16xi32> to vector<16xi32>
      %ne3A_2920 = arith.constant 0 : i32
      %ne3A_2921 = vector.broadcast %ne3A_2920 : i32 to vector<16xi32>
      %ne3A_2922 = arith.cmpi ne, %get3A_2914, %ne3A_2921 : vector<16xi32>
      %select_n3A_2923 = arith.select %ne3A_2922, %get3A_2919, %broadcast_in_dim3A_3 : vector<16xi1>, vector<16xi32>
      %swap3A_2924 = arith.constant 1 : i32
      %swap3A_2925 = arith.index_cast %swap3A_2924 : i32 to index
      %swap3A_2926 = arith.constant 32 : index
      %swap3A_2927 = tpu.vector_load %arg7[%swap3A_2925, %swap3A_2926] {strides = array<i32>} : memref<4x128xi32, #tpu.memory_space<vmem>>, vector<1x16xi32>,
      %swap3A_2928 = vector.shape_cast %swap3A_2927 : vector<1x16xi32> to vector<16xi32>
      %swap3A_2929 = vector.shape_cast %select_n3A_2923 : vector<16xi32> to vector<1x16xi32>
      tpu.vector_store %arg7[%swap3A_2925, %swap3A_2926], %swap3A_2929 {strides = array<i32>} : memref<4x128xi32, #tpu.memory_space<vmem>>, vector<1x16xi32>,
      %mul3A_2930 = arith.constant 128 : i32
      %mul3A_2931 = arith.muli %add3A_2854, %mul3A_2930 : i32
      %add3A_2932 = arith.constant 48 : i32
      %add3A_2933 = arith.addi %mul3A_2931, %add3A_2932 : i32
      %get3A_2934 = arith.index_cast %add3A_2933 : i32 to index
      %get3A_2935 = tpu.vector_load %arg5[%get3A_2934] {strides = array<i32>} : memref<25600xi32, #tpu.memory_space<vmem>>, vector<16xi32>,
      %get3A_2936 = vector.shape_cast %get3A_2935 : vector<16xi32> to vector<16xi32>
      %add3A_2937 = arith.constant 48 : i32
      %add3A_2938 = arith.addi %mul3A_2863, %add3A_2937 : i32
      %get3A_2939 = arith.index_cast %add3A_2938 : i32 to index
      %get3A_2940 = tpu.vector_load %arg6[%get3A_2939] {strides = array<i32>} : memref<3200xi32, #tpu.memory_space<vmem>>, vector<16xi32>,
      %get3A_2941 = vector.shape_cast %get3A_2940 : vector<16xi32> to vector<16xi32>
      %ne3A_2942 = arith.constant 0 : i32
      %ne3A_2943 = vector.broadcast %ne3A_2942 : i32 to vector<16xi32>
      %ne3A_2944 = arith.cmpi ne, %get3A_2936, %ne3A_2943 : vector<16xi32>
      %select_n3A_2945 = arith.select %ne3A_2944, %get3A_2941, %broadcast_in_dim3A_3 : vector<16xi1>, vector<16xi32>
      %swap3A_2946 = arith.constant 1 : i32
      %swap3A_2947 = arith.index_cast %swap3A_2946 : i32 to index
      %swap3A_2948 = arith.constant 48 : index
      %swap3A_2949 = tpu.vector_load %arg7[%swap3A_2947, %swap3A_2948] {strides = array<i32>} : memref<4x128xi32, #tpu.memory_space<vmem>>, vector<1x16xi32>,
      %swap3A_2950 = vector.shape_cast %swap3A_2949 : vector<1x16xi32> to vector<16xi32>
      %swap3A_2951 = vector.shape_cast %select_n3A_2945 : vector<16xi32> to vector<1x16xi32>
      tpu.vector_store %arg7[%swap3A_2947, %swap3A_2948], %swap3A_2951 {strides = array<i32>} : memref<4x128xi32, #tpu.memory_space<vmem>>, vector<1x16xi32>,
      %mul3A_2952 = arith.constant 128 : i32
      %mul3A_2953 = arith.muli %add3A_2854, %mul3A_2952 : i32
      %add3A_2954 = arith.constant 64 : i32
      %add3A_2955 = arith.addi %mul3A_2953, %add3A_2954 : i32
      %get3A_2956 = arith.index_cast %add3A_2955 : i32 to index
      %get3A_2957 = tpu.vector_load %arg5[%get3A_2956] {strides = array<i32>} : memref<25600xi32, #tpu.memory_space<vmem>>, vector<16xi32>,
      %get3A_2958 = vector.shape_cast %get3A_2957 : vector<16xi32> to vector<16xi32>
      %add3A_2959 = arith.constant 64 : i32
      %add3A_2960 = arith.addi %mul3A_2863, %add3A_2959 : i32
      %get3A_2961 = arith.index_cast %add3A_2960 : i32 to index
      %get3A_2962 = tpu.vector_load %arg6[%get3A_2961] {strides = array<i32>} : memref<3200xi32, #tpu.memory_space<vmem>>, vector<16xi32>,
      %get3A_2963 = vector.shape_cast %get3A_2962 : vector<16xi32> to vector<16xi32>
      %ne3A_2964 = arith.constant 0 : i32
      %ne3A_2965 = vector.broadcast %ne3A_2964 : i32 to vector<16xi32>
      %ne3A_2966 = arith.cmpi ne, %get3A_2958, %ne3A_2965 : vector<16xi32>
      %select_n3A_2967 = arith.select %ne3A_2966, %get3A_2963, %broadcast_in_dim3A_3 : vector<16xi1>, vector<16xi32>
      %swap3A_2968 = arith.constant 1 : i32
      %swap3A_2969 = arith.index_cast %swap3A_2968 : i32 to index
      %swap3A_2970 = arith.constant 64 : index
      %swap3A_2971 = tpu.vector_load %arg7[%swap3A_2969, %swap3A_2970] {strides = array<i32>} : memref<4x128xi32, #tpu.memory_space<vmem>>, vector<1x16xi32>,
      %swap3A_2972 = vector.shape_cast %swap3A_2971 : vector<1x16xi32> to vector<16xi32>
      %swap3A_2973 = vector.shape_cast %select_n3A_2967 : vector<16xi32> to vector<1x16xi32>
      tpu.vector_store %arg7[%swap3A_2969, %swap3A_2970], %swap3A_2973 {strides = array<i32>} : memref<4x128xi32, #tpu.memory_space<vmem>>, vector<1x16xi32>,
      %mul3A_2974 = arith.constant 128 : i32
      %mul3A_2975 = arith.muli %add3A_2854, %mul3A_2974 : i32
      %add3A_2976 = arith.constant 80 : i32
      %add3A_2977 = arith.addi %mul3A_2975, %add3A_2976 : i32
      %get3A_2978 = arith.index_cast %add3A_2977 : i32 to index
      %get3A_2979 = tpu.vector_load %arg5[%get3A_2978] {strides = array<i32>} : memref<25600xi32, #tpu.memory_space<vmem>>, vector<16xi32>,
      %get3A_2980 = vector.shape_cast %get3A_2979 : vector<16xi32> to vector<16xi32>
      %add3A_2981 = arith.constant 80 : i32
      %add3A_2982 = arith.addi %mul3A_2863, %add3A_2981 : i32
      %get3A_2983 = arith.index_cast %add3A_2982 : i32 to index
      %get3A_2984 = tpu.vector_load %arg6[%get3A_2983] {strides = array<i32>} : memref<3200xi32, #tpu.memory_space<vmem>>, vector<16xi32>,
      %get3A_2985 = vector.shape_cast %get3A_2984 : vector<16xi32> to vector<16xi32>
      %ne3A_2986 = arith.constant 0 : i32
      %ne3A_2987 = vector.broadcast %ne3A_2986 : i32 to vector<16xi32>
      %ne3A_2988 = arith.cmpi ne, %get3A_2980, %ne3A_2987 : vector<16xi32>
      %select_n3A_2989 = arith.select %ne3A_2988, %get3A_2985, %broadcast_in_dim3A_3 : vector<16xi1>, vector<16xi32>
      %swap3A_2990 = arith.constant 1 : i32
      %swap3A_2991 = arith.index_cast %swap3A_2990 : i32 to index
      %swap3A_2992 = arith.constant 80 : index
      %swap3A_2993 = tpu.vector_load %arg7[%swap3A_2991, %swap3A_2992] {strides = array<i32>} : memref<4x128xi32, #tpu.memory_space<vmem>>, vector<1x16xi32>,
      %swap3A_2994 = vector.shape_cast %swap3A_2993 : vector<1x16xi32> to vector<16xi32>
      %swap3A_2995 = vector.shape_cast %select_n3A_2989 : vector<16xi32> to vector<1x16xi32>
      tpu.vector_store %arg7[%swap3A_2991, %swap3A_2992], %swap3A_2995 {strides = array<i32>} : memref<4x128xi32, #tpu.memory_space<vmem>>, vector<1x16xi32>,
      %mul3A_2996 = arith.constant 128 : i32
      %mul3A_2997 = arith.muli %add3A_2854, %mul3A_2996 : i32
      %add3A_2998 = arith.constant 96 : i32
      %add3A_2999 = arith.addi %mul3A_2997, %add3A_2998 : i32
      %get3A_3000 = arith.index_cast %add3A_2999 : i32 to index
      %get3A_3001 = tpu.vector_load %arg5[%get3A_3000] {strides = array<i32>} : memref<25600xi32, #tpu.memory_space<vmem>>, vector<16xi32>,
      %get3A_3002 = vector.shape_cast %get3A_3001 : vector<16xi32> to vector<16xi32>
      %add3A_3003 = arith.constant 96 : i32
      %add3A_3004 = arith.addi %mul3A_2863, %add3A_3003 : i32
      %get3A_3005 = arith.index_cast %add3A_3004 : i32 to index
      %get3A_3006 = tpu.vector_load %arg6[%get3A_3005] {strides = array<i32>} : memref<3200xi32, #tpu.memory_space<vmem>>, vector<16xi32>,
      %get3A_3007 = vector.shape_cast %get3A_3006 : vector<16xi32> to vector<16xi32>
      %ne3A_3008 = arith.constant 0 : i32
      %ne3A_3009 = vector.broadcast %ne3A_3008 : i32 to vector<16xi32>
      %ne3A_3010 = arith.cmpi ne, %get3A_3002, %ne3A_3009 : vector<16xi32>
      %select_n3A_3011 = arith.select %ne3A_3010, %get3A_3007, %broadcast_in_dim3A_3 : vector<16xi1>, vector<16xi32>
      %swap3A_3012 = arith.constant 1 : i32
      %swap3A_3013 = arith.index_cast %swap3A_3012 : i32 to index
      %swap3A_3014 = arith.constant 96 : index
      %swap3A_3015 = tpu.vector_load %arg7[%swap3A_3013, %swap3A_3014] {strides = array<i32>} : memref<4x128xi32, #tpu.memory_space<vmem>>, vector<1x16xi32>,
      %swap3A_3016 = vector.shape_cast %swap3A_3015 : vector<1x16xi32> to vector<16xi32>
      %swap3A_3017 = vector.shape_cast %select_n3A_3011 : vector<16xi32> to vector<1x16xi32>
      tpu.vector_store %arg7[%swap3A_3013, %swap3A_3014], %swap3A_3017 {strides = array<i32>} : memref<4x128xi32, #tpu.memory_space<vmem>>, vector<1x16xi32>,
      %mul3A_3018 = arith.constant 128 : i32
      %mul3A_3019 = arith.muli %add3A_2854, %mul3A_3018 : i32
      %add3A_3020 = arith.constant 112 : i32
      %add3A_3021 = arith.addi %mul3A_3019, %add3A_3020 : i32
      %get3A_3022 = arith.index_cast %add3A_3021 : i32 to index
      %get3A_3023 = tpu.vector_load %arg5[%get3A_3022] {strides = array<i32>} : memref<25600xi32, #tpu.memory_space<vmem>>, vector<16xi32>,
      %get3A_3024 = vector.shape_cast %get3A_3023 : vector<16xi32> to vector<16xi32>
      %add3A_3025 = arith.constant 112 : i32
      %add3A_3026 = arith.addi %mul3A_2863, %add3A_3025 : i32
      %get3A_3027 = arith.index_cast %add3A_3026 : i32 to index
      %get3A_3028 = tpu.vector_load %arg6[%get3A_3027] {strides = array<i32>} : memref<3200xi32, #tpu.memory_space<vmem>>, vector<16xi32>,
      %get3A_3029 = vector.shape_cast %get3A_3028 : vector<16xi32> to vector<16xi32>
      %ne3A_3030 = arith.constant 0 : i32
      %ne3A_3031 = vector.broadcast %ne3A_3030 : i32 to vector<16xi32>
      %ne3A_3032 = arith.cmpi ne, %get3A_3024, %ne3A_3031 : vector<16xi32>
      %select_n3A_3033 = arith.select %ne3A_3032, %get3A_3029, %broadcast_in_dim3A_3 : vector<16xi1>, vector<16xi32>
      %swap3A_3034 = arith.constant 1 : i32
      %swap3A_3035 = arith.index_cast %swap3A_3034 : i32 to index
      %swap3A_3036 = arith.constant 112 : index
      %swap3A_3037 = tpu.vector_load %arg7[%swap3A_3035, %swap3A_3036] {strides = array<i32>} : memref<4x128xi32, #tpu.memory_space<vmem>>, vector<1x16xi32>,
      %swap3A_3038 = vector.shape_cast %swap3A_3037 : vector<1x16xi32> to vector<16xi32>
      %swap3A_3039 = vector.shape_cast %select_n3A_3033 : vector<16xi32> to vector<1x16xi32>
      tpu.vector_store %arg7[%swap3A_3035, %swap3A_3036], %swap3A_3039 {strides = array<i32>} : memref<4x128xi32, #tpu.memory_space<vmem>>, vector<1x16xi32>,
      %dma_start3A_3040 = arith.constant 1 : i32
      %dma_start3A_3041 = arith.constant 0 : i32
      %dma_start3A_3042 = tpu.memref_slice %arg7[%dma_start3A_3040, %dma_start3A_3041] : memref<4x128xi32, #tpu.memory_space<vmem>> -> memref<1x128xi32, #tpu.memory_space<vmem>>
      %dma_start3A_3043 = tpu.memref_squeeze %dma_start3A_3042 : memref<1x128xi32, #tpu.memory_space<vmem>> -> memref<128xi32, #tpu.memory_space<vmem>>
      %dma_start3A_3044 = arith.constant 0 : i32
      %dma_start3A_3045 = arith.constant 0 : i32
      %dma_start3A_3046 = tpu.memref_slice %arg3[%dma_start3A_3044, %dma_start3A_3045] : memref<201x32xf32, #tpu.memory_space<hbm>> -> memref<201x32xf32, #tpu.memory_space<hbm>>
      tpu.enqueue_indirect_dma source(%dma_start3A_3046 : memref<201x32xf32, #tpu.memory_space<hbm>>) target(%arg9 : memref<128x32xf32, #tpu.memory_space<vmem>>) offsets(%dma_start3A_3043 : memref<128xi32, #tpu.memory_space<vmem>>) semaphore(%arg12 : memref<!tpu.dma_semaphore, #tpu.memory_space<semaphore_mem>>)
      %gt3A_3047 = arith.constant 0 : i32
      %gt3A_3048 = arith.cmpi sgt, %scan3A_2655, %gt3A_3047 : i32
      %convert_element_type3A_3049 = arith.extui %gt3A_3048 : i1 to i32
      %cond3A_3050 = arith.constant 0 : i32
      %cond3A_3051 = arith.cmpi ne, %convert_element_type3A_3049, %cond3A_3050 : i32
      scf.if %cond3A_3051 {
        %dma_wait3A_3475 = arith.constant 3 : i32
        %dma_wait3A_3476 = arith.constant 0 : i32
        %dma_wait3A_3477 = tpu.memref_slice %arg7[%dma_wait3A_3475, %dma_wait3A_3476] : memref<4x128xi32, #tpu.memory_space<vmem>> -> memref<1x128xi32, #tpu.memory_space<vmem>>
        %dma_wait3A_3478 = tpu.memref_squeeze %dma_wait3A_3477 : memref<1x128xi32, #tpu.memory_space<vmem>> -> memref<128xi32, #tpu.memory_space<vmem>>
        %dma_wait3A_3479 = arith.constant 0 : i32
        %dma_wait3A_3480 = arith.constant 0 : i32
        %dma_wait3A_3481 = tpu.memref_slice %arg3[%dma_wait3A_3479, %dma_wait3A_3480] : memref<201x32xf32, #tpu.memory_space<hbm>> -> memref<201x32xf32, #tpu.memory_space<hbm>>
        tpu.wait_indirect_dma semaphore(%arg12 : memref<!tpu.dma_semaphore, #tpu.memory_space<semaphore_mem>>) src(%dma_wait3A_3481 : memref<201x32xf32, #tpu.memory_space<hbm>>) dst(%arg11 : memref<128x32xf32, #tpu.memory_space<vmem>>)
        %sub3A_3482 = arith.constant 2 : i32
        %sub3A_3483 = arith.subi %add3A_2854, %sub3A_3482 : i32
        %mul3A_3484 = arith.constant 128 : i32
        %mul3A_3485 = arith.muli %sub3A_3483, %mul3A_3484 : i32
        %add3A_3486 = arith.addi %mul3A_2, %mul3A_3485 : i32
        %dma_start3A_3487 = arith.constant 0 : i32
        %dma_start3A_3488 = tpu.memref_slice %arg4[%add3A_3486, %dma_start3A_3487] : memref<819200x32xf32, #tpu.memory_space<hbm>> -> memref<128x32xf32, #tpu.memory_space<hbm>>
        %dma_start3A_3489 = arith.constant 0 : i32
        %dma_start3A_3490 = tpu.memref_slice %arg4[%add3A_3486, %dma_start3A_3489] : memref<819200x32xf32, #tpu.memory_space<hbm>> -> memref<128x32xf32, #tpu.memory_space<hbm>>
        tpu.enqueue_dma source(%arg11 : memref<128x32xf32, #tpu.memory_space<vmem>>) target(%dma_start3A_3490 : memref<128x32xf32, #tpu.memory_space<hbm>>) target_semaphore(%arg13 : memref<!tpu.dma_semaphore, #tpu.memory_space<semaphore_mem>>)
      } else {
      }
      %mul3A_3052 = arith.constant 4 : i32
      %mul3A_3053 = arith.muli %scan3A_2655, %mul3A_3052 : i32
      %add3A_3054 = arith.constant 2 : i32
      %add3A_3055 = arith.addi %mul3A_3053, %add3A_3054 : i32
      %gt3A_3056 = arith.constant 0 : i32
      %gt3A_3057 = arith.cmpi sgt, %scan3A_2655, %gt3A_3056 : i32
      %convert_element_type3A_3058 = arith.extui %gt3A_3057 : i1 to i32
      %cond3A_3059 = arith.constant 0 : i32
      %cond3A_3060 = arith.cmpi ne, %convert_element_type3A_3058, %cond3A_3059 : i32
      scf.if %cond3A_3060 {
        %sub3A_3475 = arith.constant 4 : i32
        %sub3A_3476 = arith.subi %add3A_3055, %sub3A_3475 : i32
        %mul3A_3477 = arith.constant 128 : i32
        %mul3A_3478 = arith.muli %sub3A_3476, %mul3A_3477 : i32
        %add3A_3479 = arith.addi %mul3A_2, %mul3A_3478 : i32
        %dma_wait3A_3480 = arith.constant 0 : i32
        %dma_wait3A_3481 = tpu.memref_slice %arg4[%add3A_3479, %dma_wait3A_3480] : memref<819200x32xf32, #tpu.memory_space<hbm>> -> memref<128x32xf32, #tpu.memory_space<hbm>>
        %dma_wait3A_3482 = arith.constant 0 : i32
        %dma_wait3A_3483 = tpu.memref_slice %arg4[%add3A_3479, %dma_wait3A_3482] : memref<819200x32xf32, #tpu.memory_space<hbm>> -> memref<128x32xf32, #tpu.memory_space<hbm>>
        tpu.wait_dma2 semaphore(%arg13 : memref<!tpu.dma_semaphore, #tpu.memory_space<semaphore_mem>>) src(%arg10 : memref<128x32xf32, #tpu.memory_space<vmem>>) dst(%dma_wait3A_3483 : memref<128x32xf32, #tpu.memory_space<hbm>>)
      } else {
      }
      %rem3A_3061 = arith.constant 25 : i32
      %rem3A_3062 = arith.remsi %add3A_3055, %rem3A_3061 : i32
      %mul3A_3063 = arith.constant 128 : i32
      %mul3A_3064 = arith.muli %rem3A_3062, %mul3A_3063 : i32
      %mul3A_3065 = arith.constant 128 : i32
      %mul3A_3066 = arith.muli %add3A_3055, %mul3A_3065 : i32
      %add3A_3067 = arith.constant 0 : i32
      %add3A_3068 = arith.addi %mul3A_3066, %add3A_3067 : i32
      %get3A_3069 = arith.index_cast %add3A_3068 : i32 to index
      %get3A_3070 = tpu.vector_load %arg5[%get3A_3069] {strides = array<i32>} : memref<25600xi32, #tpu.memory_space<vmem>>, vector<16xi32>,
      %get3A_3071 = vector.shape_cast %get3A_3070 : vector<16xi32> to vector<16xi32>
      %add3A_3072 = arith.constant 0 : i32
      %add3A_3073 = arith.addi %mul3A_3064, %add3A_3072 : i32
      %get3A_3074 = arith.index_cast %add3A_3073 : i32 to index
      %get3A_3075 = tpu.vector_load %arg6[%get3A_3074] {strides = array<i32>} : memref<3200xi32, #tpu.memory_space<vmem>>, vector<16xi32>,
      %get3A_3076 = vector.shape_cast %get3A_3075 : vector<16xi32> to vector<16xi32>
      %ne3A_3077 = arith.constant 0 : i32
      %ne3A_3078 = vector.broadcast %ne3A_3077 : i32 to vector<16xi32>
      %ne3A_3079 = arith.cmpi ne, %get3A_3071, %ne3A_3078 : vector<16xi32>
      %select_n3A_3080 = arith.select %ne3A_3079, %get3A_3076, %broadcast_in_dim3A_3 : vector<16xi1>, vector<16xi32>
      %swap3A_3081 = arith.constant 2 : i32
      %swap3A_3082 = arith.index_cast %swap3A_3081 : i32 to index
      %swap3A_3083 = arith.constant 0 : index
      %swap3A_3084 = tpu.vector_load %arg7[%swap3A_3082, %swap3A_3083] {strides = array<i32>} : memref<4x128xi32, #tpu.memory_space<vmem>>, vector<1x16xi32>,
      %swap3A_3085 = vector.shape_cast %swap3A_3084 : vector<1x16xi32> to vector<16xi32>
      %swap3A_3086 = vector.shape_cast %select_n3A_3080 : vector<16xi32> to vector<1x16xi32>
      tpu.vector_store %arg7[%swap3A_3082, %swap3A_3083], %swap3A_3086 {strides = array<i32>} : memref<4x128xi32, #tpu.memory_space<vmem>>, vector<1x16xi32>,
      %mul3A_3087 = arith.constant 128 : i32
      %mul3A_3088 = arith.muli %add3A_3055, %mul3A_3087 : i32
      %add3A_3089 = arith.constant 16 : i32
      %add3A_3090 = arith.addi %mul3A_3088, %add3A_3089 : i32
      %get3A_3091 = arith.index_cast %add3A_3090 : i32 to index
      %get3A_3092 = tpu.vector_load %arg5[%get3A_3091] {strides = array<i32>} : memref<25600xi32, #tpu.memory_space<vmem>>, vector<16xi32>,
      %get3A_3093 = vector.shape_cast %get3A_3092 : vector<16xi32> to vector<16xi32>
      %add3A_3094 = arith.constant 16 : i32
      %add3A_3095 = arith.addi %mul3A_3064, %add3A_3094 : i32
      %get3A_3096 = arith.index_cast %add3A_3095 : i32 to index
      %get3A_3097 = tpu.vector_load %arg6[%get3A_3096] {strides = array<i32>} : memref<3200xi32, #tpu.memory_space<vmem>>, vector<16xi32>,
      %get3A_3098 = vector.shape_cast %get3A_3097 : vector<16xi32> to vector<16xi32>
      %ne3A_3099 = arith.constant 0 : i32
      %ne3A_3100 = vector.broadcast %ne3A_3099 : i32 to vector<16xi32>
      %ne3A_3101 = arith.cmpi ne, %get3A_3093, %ne3A_3100 : vector<16xi32>
      %select_n3A_3102 = arith.select %ne3A_3101, %get3A_3098, %broadcast_in_dim3A_3 : vector<16xi1>, vector<16xi32>
      %swap3A_3103 = arith.constant 2 : i32
      %swap3A_3104 = arith.index_cast %swap3A_3103 : i32 to index
      %swap3A_3105 = arith.constant 16 : index
      %swap3A_3106 = tpu.vector_load %arg7[%swap3A_3104, %swap3A_3105] {strides = array<i32>} : memref<4x128xi32, #tpu.memory_space<vmem>>, vector<1x16xi32>,
      %swap3A_3107 = vector.shape_cast %swap3A_3106 : vector<1x16xi32> to vector<16xi32>
      %swap3A_3108 = vector.shape_cast %select_n3A_3102 : vector<16xi32> to vector<1x16xi32>
      tpu.vector_store %arg7[%swap3A_3104, %swap3A_3105], %swap3A_3108 {strides = array<i32>} : memref<4x128xi32, #tpu.memory_space<vmem>>, vector<1x16xi32>,
      %mul3A_3109 = arith.constant 128 : i32
      %mul3A_3110 = arith.muli %add3A_3055, %mul3A_3109 : i32
      %add3A_3111 = arith.constant 32 : i32
      %add3A_3112 = arith.addi %mul3A_3110, %add3A_3111 : i32
      %get3A_3113 = arith.index_cast %add3A_3112 : i32 to index
      %get3A_3114 = tpu.vector_load %arg5[%get3A_3113] {strides = array<i32>} : memref<25600xi32, #tpu.memory_space<vmem>>, vector<16xi32>,
      %get3A_3115 = vector.shape_cast %get3A_3114 : vector<16xi32> to vector<16xi32>
      %add3A_3116 = arith.constant 32 : i32
      %add3A_3117 = arith.addi %mul3A_3064, %add3A_3116 : i32
      %get3A_3118 = arith.index_cast %add3A_3117 : i32 to index
      %get3A_3119 = tpu.vector_load %arg6[%get3A_3118] {strides = array<i32>} : memref<3200xi32, #tpu.memory_space<vmem>>, vector<16xi32>,
      %get3A_3120 = vector.shape_cast %get3A_3119 : vector<16xi32> to vector<16xi32>
      %ne3A_3121 = arith.constant 0 : i32
      %ne3A_3122 = vector.broadcast %ne3A_3121 : i32 to vector<16xi32>
      %ne3A_3123 = arith.cmpi ne, %get3A_3115, %ne3A_3122 : vector<16xi32>
      %select_n3A_3124 = arith.select %ne3A_3123, %get3A_3120, %broadcast_in_dim3A_3 : vector<16xi1>, vector<16xi32>
      %swap3A_3125 = arith.constant 2 : i32
      %swap3A_3126 = arith.index_cast %swap3A_3125 : i32 to index
      %swap3A_3127 = arith.constant 32 : index
      %swap3A_3128 = tpu.vector_load %arg7[%swap3A_3126, %swap3A_3127] {strides = array<i32>} : memref<4x128xi32, #tpu.memory_space<vmem>>, vector<1x16xi32>,
      %swap3A_3129 = vector.shape_cast %swap3A_3128 : vector<1x16xi32> to vector<16xi32>
      %swap3A_3130 = vector.shape_cast %select_n3A_3124 : vector<16xi32> to vector<1x16xi32>
      tpu.vector_store %arg7[%swap3A_3126, %swap3A_3127], %swap3A_3130 {strides = array<i32>} : memref<4x128xi32, #tpu.memory_space<vmem>>, vector<1x16xi32>,
      %mul3A_3131 = arith.constant 128 : i32
      %mul3A_3132 = arith.muli %add3A_3055, %mul3A_3131 : i32
      %add3A_3133 = arith.constant 48 : i32
      %add3A_3134 = arith.addi %mul3A_3132, %add3A_3133 : i32
      %get3A_3135 = arith.index_cast %add3A_3134 : i32 to index
      %get3A_3136 = tpu.vector_load %arg5[%get3A_3135] {strides = array<i32>} : memref<25600xi32, #tpu.memory_space<vmem>>, vector<16xi32>,
      %get3A_3137 = vector.shape_cast %get3A_3136 : vector<16xi32> to vector<16xi32>
      %add3A_3138 = arith.constant 48 : i32
      %add3A_3139 = arith.addi %mul3A_3064, %add3A_3138 : i32
      %get3A_3140 = arith.index_cast %add3A_3139 : i32 to index
      %get3A_3141 = tpu.vector_load %arg6[%get3A_3140] {strides = array<i32>} : memref<3200xi32, #tpu.memory_space<vmem>>, vector<16xi32>,
      %get3A_3142 = vector.shape_cast %get3A_3141 : vector<16xi32> to vector<16xi32>
      %ne3A_3143 = arith.constant 0 : i32
      %ne3A_3144 = vector.broadcast %ne3A_3143 : i32 to vector<16xi32>
      %ne3A_3145 = arith.cmpi ne, %get3A_3137, %ne3A_3144 : vector<16xi32>
      %select_n3A_3146 = arith.select %ne3A_3145, %get3A_3142, %broadcast_in_dim3A_3 : vector<16xi1>, vector<16xi32>
      %swap3A_3147 = arith.constant 2 : i32
      %swap3A_3148 = arith.index_cast %swap3A_3147 : i32 to index
      %swap3A_3149 = arith.constant 48 : index
      %swap3A_3150 = tpu.vector_load %arg7[%swap3A_3148, %swap3A_3149] {strides = array<i32>} : memref<4x128xi32, #tpu.memory_space<vmem>>, vector<1x16xi32>,
      %swap3A_3151 = vector.shape_cast %swap3A_3150 : vector<1x16xi32> to vector<16xi32>
      %swap3A_3152 = vector.shape_cast %select_n3A_3146 : vector<16xi32> to vector<1x16xi32>
      tpu.vector_store %arg7[%swap3A_3148, %swap3A_3149], %swap3A_3152 {strides = array<i32>} : memref<4x128xi32, #tpu.memory_space<vmem>>, vector<1x16xi32>,
      %mul3A_3153 = arith.constant 128 : i32
      %mul3A_3154 = arith.muli %add3A_3055, %mul3A_3153 : i32
      %add3A_3155 = arith.constant 64 : i32
      %add3A_3156 = arith.addi %mul3A_3154, %add3A_3155 : i32
      %get3A_3157 = arith.index_cast %add3A_3156 : i32 to index
      %get3A_3158 = tpu.vector_load %arg5[%get3A_3157] {strides = array<i32>} : memref<25600xi32, #tpu.memory_space<vmem>>, vector<16xi32>,
      %get3A_3159 = vector.shape_cast %get3A_3158 : vector<16xi32> to vector<16xi32>
      %add3A_3160 = arith.constant 64 : i32
      %add3A_3161 = arith.addi %mul3A_3064, %add3A_3160 : i32
      %get3A_3162 = arith.index_cast %add3A_3161 : i32 to index
      %get3A_3163 = tpu.vector_load %arg6[%get3A_3162] {strides = array<i32>} : memref<3200xi32, #tpu.memory_space<vmem>>, vector<16xi32>,
      %get3A_3164 = vector.shape_cast %get3A_3163 : vector<16xi32> to vector<16xi32>
      %ne3A_3165 = arith.constant 0 : i32
      %ne3A_3166 = vector.broadcast %ne3A_3165 : i32 to vector<16xi32>
      %ne3A_3167 = arith.cmpi ne, %get3A_3159, %ne3A_3166 : vector<16xi32>
      %select_n3A_3168 = arith.select %ne3A_3167, %get3A_3164, %broadcast_in_dim3A_3 : vector<16xi1>, vector<16xi32>
      %swap3A_3169 = arith.constant 2 : i32
      %swap3A_3170 = arith.index_cast %swap3A_3169 : i32 to index
      %swap3A_3171 = arith.constant 64 : index
      %swap3A_3172 = tpu.vector_load %arg7[%swap3A_3170, %swap3A_3171] {strides = array<i32>} : memref<4x128xi32, #tpu.memory_space<vmem>>, vector<1x16xi32>,
      %swap3A_3173 = vector.shape_cast %swap3A_3172 : vector<1x16xi32> to vector<16xi32>
      %swap3A_3174 = vector.shape_cast %select_n3A_3168 : vector<16xi32> to vector<1x16xi32>
      tpu.vector_store %arg7[%swap3A_3170, %swap3A_3171], %swap3A_3174 {strides = array<i32>} : memref<4x128xi32, #tpu.memory_space<vmem>>, vector<1x16xi32>,
      %mul3A_3175 = arith.constant 128 : i32
      %mul3A_3176 = arith.muli %add3A_3055, %mul3A_3175 : i32
      %add3A_3177 = arith.constant 80 : i32
      %add3A_3178 = arith.addi %mul3A_3176, %add3A_3177 : i32
      %get3A_3179 = arith.index_cast %add3A_3178 : i32 to index
      %get3A_3180 = tpu.vector_load %arg5[%get3A_3179] {strides = array<i32>} : memref<25600xi32, #tpu.memory_space<vmem>>, vector<16xi32>,
      %get3A_3181 = vector.shape_cast %get3A_3180 : vector<16xi32> to vector<16xi32>
      %add3A_3182 = arith.constant 80 : i32
      %add3A_3183 = arith.addi %mul3A_3064, %add3A_3182 : i32
      %get3A_3184 = arith.index_cast %add3A_3183 : i32 to index
      %get3A_3185 = tpu.vector_load %arg6[%get3A_3184] {strides = array<i32>} : memref<3200xi32, #tpu.memory_space<vmem>>, vector<16xi32>,
      %get3A_3186 = vector.shape_cast %get3A_3185 : vector<16xi32> to vector<16xi32>
      %ne3A_3187 = arith.constant 0 : i32
      %ne3A_3188 = vector.broadcast %ne3A_3187 : i32 to vector<16xi32>
      %ne3A_3189 = arith.cmpi ne, %get3A_3181, %ne3A_3188 : vector<16xi32>
      %select_n3A_3190 = arith.select %ne3A_3189, %get3A_3186, %broadcast_in_dim3A_3 : vector<16xi1>, vector<16xi32>
      %swap3A_3191 = arith.constant 2 : i32
      %swap3A_3192 = arith.index_cast %swap3A_3191 : i32 to index
      %swap3A_3193 = arith.constant 80 : index
      %swap3A_3194 = tpu.vector_load %arg7[%swap3A_3192, %swap3A_3193] {strides = array<i32>} : memref<4x128xi32, #tpu.memory_space<vmem>>, vector<1x16xi32>,
      %swap3A_3195 = vector.shape_cast %swap3A_3194 : vector<1x16xi32> to vector<16xi32>
      %swap3A_3196 = vector.shape_cast %select_n3A_3190 : vector<16xi32> to vector<1x16xi32>
      tpu.vector_store %arg7[%swap3A_3192, %swap3A_3193], %swap3A_3196 {strides = array<i32>} : memref<4x128xi32, #tpu.memory_space<vmem>>, vector<1x16xi32>,
      %mul3A_3197 = arith.constant 128 : i32
      %mul3A_3198 = arith.muli %add3A_3055, %mul3A_3197 : i32
      %add3A_3199 = arith.constant 96 : i32
      %add3A_3200 = arith.addi %mul3A_3198, %add3A_3199 : i32
      %get3A_3201 = arith.index_cast %add3A_3200 : i32 to index
      %get3A_3202 = tpu.vector_load %arg5[%get3A_3201] {strides = array<i32>} : memref<25600xi32, #tpu.memory_space<vmem>>, vector<16xi32>,
      %get3A_3203 = vector.shape_cast %get3A_3202 : vector<16xi32> to vector<16xi32>
      %add3A_3204 = arith.constant 96 : i32
      %add3A_3205 = arith.addi %mul3A_3064, %add3A_3204 : i32
      %get3A_3206 = arith.index_cast %add3A_3205 : i32 to index
      %get3A_3207 = tpu.vector_load %arg6[%get3A_3206] {strides = array<i32>} : memref<3200xi32, #tpu.memory_space<vmem>>, vector<16xi32>,
      %get3A_3208 = vector.shape_cast %get3A_3207 : vector<16xi32> to vector<16xi32>
      %ne3A_3209 = arith.constant 0 : i32
      %ne3A_3210 = vector.broadcast %ne3A_3209 : i32 to vector<16xi32>
      %ne3A_3211 = arith.cmpi ne, %get3A_3203, %ne3A_3210 : vector<16xi32>
      %select_n3A_3212 = arith.select %ne3A_3211, %get3A_3208, %broadcast_in_dim3A_3 : vector<16xi1>, vector<16xi32>
      %swap3A_3213 = arith.constant 2 : i32
      %swap3A_3214 = arith.index_cast %swap3A_3213 : i32 to index
      %swap3A_3215 = arith.constant 96 : index
      %swap3A_3216 = tpu.vector_load %arg7[%swap3A_3214, %swap3A_3215] {strides = array<i32>} : memref<4x128xi32, #tpu.memory_space<vmem>>, vector<1x16xi32>,
      %swap3A_3217 = vector.shape_cast %swap3A_3216 : vector<1x16xi32> to vector<16xi32>
      %swap3A_3218 = vector.shape_cast %select_n3A_3212 : vector<16xi32> to vector<1x16xi32>
      tpu.vector_store %arg7[%swap3A_3214, %swap3A_3215], %swap3A_3218 {strides = array<i32>} : memref<4x128xi32, #tpu.memory_space<vmem>>, vector<1x16xi32>,
      %mul3A_3219 = arith.constant 128 : i32
      %mul3A_3220 = arith.muli %add3A_3055, %mul3A_3219 : i32
      %add3A_3221 = arith.constant 112 : i32
      %add3A_3222 = arith.addi %mul3A_3220, %add3A_3221 : i32
      %get3A_3223 = arith.index_cast %add3A_3222 : i32 to index
      %get3A_3224 = tpu.vector_load %arg5[%get3A_3223] {strides = array<i32>} : memref<25600xi32, #tpu.memory_space<vmem>>, vector<16xi32>,
      %get3A_3225 = vector.shape_cast %get3A_3224 : vector<16xi32> to vector<16xi32>
      %add3A_3226 = arith.constant 112 : i32
      %add3A_3227 = arith.addi %mul3A_3064, %add3A_3226 : i32
      %get3A_3228 = arith.index_cast %add3A_3227 : i32 to index
      %get3A_3229 = tpu.vector_load %arg6[%get3A_3228] {strides = array<i32>} : memref<3200xi32, #tpu.memory_space<vmem>>, vector<16xi32>,
      %get3A_3230 = vector.shape_cast %get3A_3229 : vector<16xi32> to vector<16xi32>
      %ne3A_3231 = arith.constant 0 : i32
      %ne3A_3232 = vector.broadcast %ne3A_3231 : i32 to vector<16xi32>
      %ne3A_3233 = arith.cmpi ne, %get3A_3225, %ne3A_3232 : vector<16xi32>
      %select_n3A_3234 = arith.select %ne3A_3233, %get3A_3230, %broadcast_in_dim3A_3 : vector<16xi1>, vector<16xi32>
      %swap3A_3235 = arith.constant 2 : i32
      %swap3A_3236 = arith.index_cast %swap3A_3235 : i32 to index
      %swap3A_3237 = arith.constant 112 : index
      %swap3A_3238 = tpu.vector_load %arg7[%swap3A_3236, %swap3A_3237] {strides = array<i32>} : memref<4x128xi32, #tpu.memory_space<vmem>>, vector<1x16xi32>,
      %swap3A_3239 = vector.shape_cast %swap3A_3238 : vector<1x16xi32> to vector<16xi32>
      %swap3A_3240 = vector.shape_cast %select_n3A_3234 : vector<16xi32> to vector<1x16xi32>
      tpu.vector_store %arg7[%swap3A_3236, %swap3A_3237], %swap3A_3240 {strides = array<i32>} : memref<4x128xi32, #tpu.memory_space<vmem>>, vector<1x16xi32>,
      %dma_start3A_3241 = arith.constant 2 : i32
      %dma_start3A_3242 = arith.constant 0 : i32
      %dma_start3A_3243 = tpu.memref_slice %arg7[%dma_start3A_3241, %dma_start3A_3242] : memref<4x128xi32, #tpu.memory_space<vmem>> -> memref<1x128xi32, #tpu.memory_space<vmem>>
      %dma_start3A_3244 = tpu.memref_squeeze %dma_start3A_3243 : memref<1x128xi32, #tpu.memory_space<vmem>> -> memref<128xi32, #tpu.memory_space<vmem>>
      %dma_start3A_3245 = arith.constant 0 : i32
      %dma_start3A_3246 = arith.constant 0 : i32
      %dma_start3A_3247 = tpu.memref_slice %arg3[%dma_start3A_3245, %dma_start3A_3246] : memref<201x32xf32, #tpu.memory_space<hbm>> -> memref<201x32xf32, #tpu.memory_space<hbm>>
      tpu.enqueue_indirect_dma source(%dma_start3A_3247 : memref<201x32xf32, #tpu.memory_space<hbm>>) target(%arg10 : memref<128x32xf32, #tpu.memory_space<vmem>>) offsets(%dma_start3A_3244 : memref<128xi32, #tpu.memory_space<vmem>>) semaphore(%arg12 : memref<!tpu.dma_semaphore, #tpu.memory_space<semaphore_mem>>)
      %dma_wait3A_3248 = arith.constant 0 : i32
      %dma_wait3A_3249 = arith.constant 0 : i32
      %dma_wait3A_3250 = tpu.memref_slice %arg7[%dma_wait3A_3248, %dma_wait3A_3249] : memref<4x128xi32, #tpu.memory_space<vmem>> -> memref<1x128xi32, #tpu.memory_space<vmem>>
      %dma_wait3A_3251 = tpu.memref_squeeze %dma_wait3A_3250 : memref<1x128xi32, #tpu.memory_space<vmem>> -> memref<128xi32, #tpu.memory_space<vmem>>
      %dma_wait3A_3252 = arith.constant 0 : i32
      %dma_wait3A_3253 = arith.constant 0 : i32
      %dma_wait3A_3254 = tpu.memref_slice %arg3[%dma_wait3A_3252, %dma_wait3A_3253] : memref<201x32xf32, #tpu.memory_space<hbm>> -> memref<201x32xf32, #tpu.memory_space<hbm>>
      tpu.wait_indirect_dma semaphore(%arg12 : memref<!tpu.dma_semaphore, #tpu.memory_space<semaphore_mem>>) src(%dma_wait3A_3254 : memref<201x32xf32, #tpu.memory_space<hbm>>) dst(%arg8 : memref<128x32xf32, #tpu.memory_space<vmem>>)
      %sub3A = arith.constant 2 : i32
      %sub3A_3255 = arith.subi %add3A_3055, %sub3A : i32
      %mul3A_3256 = arith.constant 128 : i32
      %mul3A_3257 = arith.muli %sub3A_3255, %mul3A_3256 : i32
      %add3A_3258 = arith.addi %mul3A_2, %mul3A_3257 : i32
      %dma_start3A_3259 = arith.constant 0 : i32
      %dma_start3A_3260 = tpu.memref_slice %arg4[%add3A_3258, %dma_start3A_3259] : memref<819200x32xf32, #tpu.memory_space<hbm>> -> memref<128x32xf32, #tpu.memory_space<hbm>>
      %dma_start3A_3261 = arith.constant 0 : i32
      %dma_start3A_3262 = tpu.memref_slice %arg4[%add3A_3258, %dma_start3A_3261] : memref<819200x32xf32, #tpu.memory_space<hbm>> -> memref<128x32xf32, #tpu.memory_space<hbm>>
      tpu.enqueue_dma source(%arg8 : memref<128x32xf32, #tpu.memory_space<vmem>>) target(%dma_start3A_3262 : memref<128x32xf32, #tpu.memory_space<hbm>>) target_semaphore(%arg13 : memref<!tpu.dma_semaphore, #tpu.memory_space<semaphore_mem>>)
      %mul3A_3263 = arith.constant 4 : i32
      %mul3A_3264 = arith.muli %scan3A_2655, %mul3A_3263 : i32
      %add3A_3265 = arith.constant 3 : i32
      %add3A_3266 = arith.addi %mul3A_3264, %add3A_3265 : i32
      %gt3A_3267 = arith.constant 0 : i32
      %gt3A_3268 = arith.cmpi sgt, %scan3A_2655, %gt3A_3267 : i32
      %convert_element_type3A_3269 = arith.extui %gt3A_3268 : i1 to i32
      %cond3A_3270 = arith.constant 0 : i32
      %cond3A_3271 = arith.cmpi ne, %convert_element_type3A_3269, %cond3A_3270 : i32
      scf.if %cond3A_3271 {
        %sub3A_3475 = arith.constant 4 : i32
        %sub3A_3476 = arith.subi %add3A_3266, %sub3A_3475 : i32
        %mul3A_3477 = arith.constant 128 : i32
        %mul3A_3478 = arith.muli %sub3A_3476, %mul3A_3477 : i32
        %add3A_3479 = arith.addi %mul3A_2, %mul3A_3478 : i32
        %dma_wait3A_3480 = arith.constant 0 : i32
        %dma_wait3A_3481 = tpu.memref_slice %arg4[%add3A_3479, %dma_wait3A_3480] : memref<819200x32xf32, #tpu.memory_space<hbm>> -> memref<128x32xf32, #tpu.memory_space<hbm>>
        %dma_wait3A_3482 = arith.constant 0 : i32
        %dma_wait3A_3483 = tpu.memref_slice %arg4[%add3A_3479, %dma_wait3A_3482] : memref<819200x32xf32, #tpu.memory_space<hbm>> -> memref<128x32xf32, #tpu.memory_space<hbm>>
        tpu.wait_dma2 semaphore(%arg13 : memref<!tpu.dma_semaphore, #tpu.memory_space<semaphore_mem>>) src(%arg11 : memref<128x32xf32, #tpu.memory_space<vmem>>) dst(%dma_wait3A_3483 : memref<128x32xf32, #tpu.memory_space<hbm>>)
      } else {
      }
      %rem3A_3272 = arith.constant 25 : i32
      %rem3A_3273 = arith.remsi %add3A_3266, %rem3A_3272 : i32
      %mul3A_3274 = arith.constant 128 : i32
      %mul3A_3275 = arith.muli %rem3A_3273, %mul3A_3274 : i32
      %mul3A_3276 = arith.constant 128 : i32
      %mul3A_3277 = arith.muli %add3A_3266, %mul3A_3276 : i32
      %add3A_3278 = arith.constant 0 : i32
      %add3A_3279 = arith.addi %mul3A_3277, %add3A_3278 : i32
      %get3A_3280 = arith.index_cast %add3A_3279 : i32 to index
      %get3A_3281 = tpu.vector_load %arg5[%get3A_3280] {strides = array<i32>} : memref<25600xi32, #tpu.memory_space<vmem>>, vector<16xi32>,
      %get3A_3282 = vector.shape_cast %get3A_3281 : vector<16xi32> to vector<16xi32>
      %add3A_3283 = arith.constant 0 : i32
      %add3A_3284 = arith.addi %mul3A_3275, %add3A_3283 : i32
      %get3A_3285 = arith.index_cast %add3A_3284 : i32 to index
      %get3A_3286 = tpu.vector_load %arg6[%get3A_3285] {strides = array<i32>} : memref<3200xi32, #tpu.memory_space<vmem>>, vector<16xi32>,
      %get3A_3287 = vector.shape_cast %get3A_3286 : vector<16xi32> to vector<16xi32>
      %ne3A_3288 = arith.constant 0 : i32
      %ne3A_3289 = vector.broadcast %ne3A_3288 : i32 to vector<16xi32>
      %ne3A_3290 = arith.cmpi ne, %get3A_3282, %ne3A_3289 : vector<16xi32>
      %select_n3A_3291 = arith.select %ne3A_3290, %get3A_3287, %broadcast_in_dim3A_3 : vector<16xi1>, vector<16xi32>
      %swap3A_3292 = arith.constant 3 : i32
      %swap3A_3293 = arith.index_cast %swap3A_3292 : i32 to index
      %swap3A_3294 = arith.constant 0 : index
      %swap3A_3295 = tpu.vector_load %arg7[%swap3A_3293, %swap3A_3294] {strides = array<i32>} : memref<4x128xi32, #tpu.memory_space<vmem>>, vector<1x16xi32>,
      %swap3A_3296 = vector.shape_cast %swap3A_3295 : vector<1x16xi32> to vector<16xi32>
      %swap3A_3297 = vector.shape_cast %select_n3A_3291 : vector<16xi32> to vector<1x16xi32>
      tpu.vector_store %arg7[%swap3A_3293, %swap3A_3294], %swap3A_3297 {strides = array<i32>} : memref<4x128xi32, #tpu.memory_space<vmem>>, vector<1x16xi32>,
      %mul3A_3298 = arith.constant 128 : i32
      %mul3A_3299 = arith.muli %add3A_3266, %mul3A_3298 : i32
      %add3A_3300 = arith.constant 16 : i32
      %add3A_3301 = arith.addi %mul3A_3299, %add3A_3300 : i32
      %get3A_3302 = arith.index_cast %add3A_3301 : i32 to index
      %get3A_3303 = tpu.vector_load %arg5[%get3A_3302] {strides = array<i32>} : memref<25600xi32, #tpu.memory_space<vmem>>, vector<16xi32>,
      %get3A_3304 = vector.shape_cast %get3A_3303 : vector<16xi32> to vector<16xi32>
      %add3A_3305 = arith.constant 16 : i32
      %add3A_3306 = arith.addi %mul3A_3275, %add3A_3305 : i32
      %get3A_3307 = arith.index_cast %add3A_3306 : i32 to index
      %get3A_3308 = tpu.vector_load %arg6[%get3A_3307] {strides = array<i32>} : memref<3200xi32, #tpu.memory_space<vmem>>, vector<16xi32>,
      %get3A_3309 = vector.shape_cast %get3A_3308 : vector<16xi32> to vector<16xi32>
      %ne3A_3310 = arith.constant 0 : i32
      %ne3A_3311 = vector.broadcast %ne3A_3310 : i32 to vector<16xi32>
      %ne3A_3312 = arith.cmpi ne, %get3A_3304, %ne3A_3311 : vector<16xi32>
      %select_n3A_3313 = arith.select %ne3A_3312, %get3A_3309, %broadcast_in_dim3A_3 : vector<16xi1>, vector<16xi32>
      %swap3A_3314 = arith.constant 3 : i32
      %swap3A_3315 = arith.index_cast %swap3A_3314 : i32 to index
      %swap3A_3316 = arith.constant 16 : index
      %swap3A_3317 = tpu.vector_load %arg7[%swap3A_3315, %swap3A_3316] {strides = array<i32>} : memref<4x128xi32, #tpu.memory_space<vmem>>, vector<1x16xi32>,
      %swap3A_3318 = vector.shape_cast %swap3A_3317 : vector<1x16xi32> to vector<16xi32>
      %swap3A_3319 = vector.shape_cast %select_n3A_3313 : vector<16xi32> to vector<1x16xi32>
      tpu.vector_store %arg7[%swap3A_3315, %swap3A_3316], %swap3A_3319 {strides = array<i32>} : memref<4x128xi32, #tpu.memory_space<vmem>>, vector<1x16xi32>,
      %mul3A_3320 = arith.constant 128 : i32
      %mul3A_3321 = arith.muli %add3A_3266, %mul3A_3320 : i32
      %add3A_3322 = arith.constant 32 : i32
      %add3A_3323 = arith.addi %mul3A_3321, %add3A_3322 : i32
      %get3A_3324 = arith.index_cast %add3A_3323 : i32 to index
      %get3A_3325 = tpu.vector_load %arg5[%get3A_3324] {strides = array<i32>} : memref<25600xi32, #tpu.memory_space<vmem>>, vector<16xi32>,
      %get3A_3326 = vector.shape_cast %get3A_3325 : vector<16xi32> to vector<16xi32>
      %add3A_3327 = arith.constant 32 : i32
      %add3A_3328 = arith.addi %mul3A_3275, %add3A_3327 : i32
      %get3A_3329 = arith.index_cast %add3A_3328 : i32 to index
      %get3A_3330 = tpu.vector_load %arg6[%get3A_3329] {strides = array<i32>} : memref<3200xi32, #tpu.memory_space<vmem>>, vector<16xi32>,
      %get3A_3331 = vector.shape_cast %get3A_3330 : vector<16xi32> to vector<16xi32>
      %ne3A_3332 = arith.constant 0 : i32
      %ne3A_3333 = vector.broadcast %ne3A_3332 : i32 to vector<16xi32>
      %ne3A_3334 = arith.cmpi ne, %get3A_3326, %ne3A_3333 : vector<16xi32>
      %select_n3A_3335 = arith.select %ne3A_3334, %get3A_3331, %broadcast_in_dim3A_3 : vector<16xi1>, vector<16xi32>
      %swap3A_3336 = arith.constant 3 : i32
      %swap3A_3337 = arith.index_cast %swap3A_3336 : i32 to index
      %swap3A_3338 = arith.constant 32 : index
      %swap3A_3339 = tpu.vector_load %arg7[%swap3A_3337, %swap3A_3338] {strides = array<i32>} : memref<4x128xi32, #tpu.memory_space<vmem>>, vector<1x16xi32>,
      %swap3A_3340 = vector.shape_cast %swap3A_3339 : vector<1x16xi32> to vector<16xi32>
      %swap3A_3341 = vector.shape_cast %select_n3A_3335 : vector<16xi32> to vector<1x16xi32>
      tpu.vector_store %arg7[%swap3A_3337, %swap3A_3338], %swap3A_3341 {strides = array<i32>} : memref<4x128xi32, #tpu.memory_space<vmem>>, vector<1x16xi32>,
      %mul3A_3342 = arith.constant 128 : i32
      %mul3A_3343 = arith.muli %add3A_3266, %mul3A_3342 : i32
      %add3A_3344 = arith.constant 48 : i32
      %add3A_3345 = arith.addi %mul3A_3343, %add3A_3344 : i32
      %get3A_3346 = arith.index_cast %add3A_3345 : i32 to index
      %get3A_3347 = tpu.vector_load %arg5[%get3A_3346] {strides = array<i32>} : memref<25600xi32, #tpu.memory_space<vmem>>, vector<16xi32>,
      %get3A_3348 = vector.shape_cast %get3A_3347 : vector<16xi32> to vector<16xi32>
      %add3A_3349 = arith.constant 48 : i32
      %add3A_3350 = arith.addi %mul3A_3275, %add3A_3349 : i32
      %get3A_3351 = arith.index_cast %add3A_3350 : i32 to index
      %get3A_3352 = tpu.vector_load %arg6[%get3A_3351] {strides = array<i32>} : memref<3200xi32, #tpu.memory_space<vmem>>, vector<16xi32>,
      %get3A_3353 = vector.shape_cast %get3A_3352 : vector<16xi32> to vector<16xi32>
      %ne3A_3354 = arith.constant 0 : i32
      %ne3A_3355 = vector.broadcast %ne3A_3354 : i32 to vector<16xi32>
      %ne3A_3356 = arith.cmpi ne, %get3A_3348, %ne3A_3355 : vector<16xi32>
      %select_n3A_3357 = arith.select %ne3A_3356, %get3A_3353, %broadcast_in_dim3A_3 : vector<16xi1>, vector<16xi32>
      %swap3A_3358 = arith.constant 3 : i32
      %swap3A_3359 = arith.index_cast %swap3A_3358 : i32 to index
      %swap3A_3360 = arith.constant 48 : index
      %swap3A_3361 = tpu.vector_load %arg7[%swap3A_3359, %swap3A_3360] {strides = array<i32>} : memref<4x128xi32, #tpu.memory_space<vmem>>, vector<1x16xi32>,
      %swap3A_3362 = vector.shape_cast %swap3A_3361 : vector<1x16xi32> to vector<16xi32>
      %swap3A_3363 = vector.shape_cast %select_n3A_3357 : vector<16xi32> to vector<1x16xi32>
      tpu.vector_store %arg7[%swap3A_3359, %swap3A_3360], %swap3A_3363 {strides = array<i32>} : memref<4x128xi32, #tpu.memory_space<vmem>>, vector<1x16xi32>,
      %mul3A_3364 = arith.constant 128 : i32
      %mul3A_3365 = arith.muli %add3A_3266, %mul3A_3364 : i32
      %add3A_3366 = arith.constant 64 : i32
      %add3A_3367 = arith.addi %mul3A_3365, %add3A_3366 : i32
      %get3A_3368 = arith.index_cast %add3A_3367 : i32 to index
      %get3A_3369 = tpu.vector_load %arg5[%get3A_3368] {strides = array<i32>} : memref<25600xi32, #tpu.memory_space<vmem>>, vector<16xi32>,
      %get3A_3370 = vector.shape_cast %get3A_3369 : vector<16xi32> to vector<16xi32>
      %add3A_3371 = arith.constant 64 : i32
      %add3A_3372 = arith.addi %mul3A_3275, %add3A_3371 : i32
      %get3A_3373 = arith.index_cast %add3A_3372 : i32 to index
      %get3A_3374 = tpu.vector_load %arg6[%get3A_3373] {strides = array<i32>} : memref<3200xi32, #tpu.memory_space<vmem>>, vector<16xi32>,
      %get3A_3375 = vector.shape_cast %get3A_3374 : vector<16xi32> to vector<16xi32>
      %ne3A_3376 = arith.constant 0 : i32
      %ne3A_3377 = vector.broadcast %ne3A_3376 : i32 to vector<16xi32>
      %ne3A_3378 = arith.cmpi ne, %get3A_3370, %ne3A_3377 : vector<16xi32>
      %select_n3A_3379 = arith.select %ne3A_3378, %get3A_3375, %broadcast_in_dim3A_3 : vector<16xi1>, vector<16xi32>
      %swap3A_3380 = arith.constant 3 : i32
      %swap3A_3381 = arith.index_cast %swap3A_3380 : i32 to index
      %swap3A_3382 = arith.constant 64 : index
      %swap3A_3383 = tpu.vector_load %arg7[%swap3A_3381, %swap3A_3382] {strides = array<i32>} : memref<4x128xi32, #tpu.memory_space<vmem>>, vector<1x16xi32>,
      %swap3A_3384 = vector.shape_cast %swap3A_3383 : vector<1x16xi32> to vector<16xi32>
      %swap3A_3385 = vector.shape_cast %select_n3A_3379 : vector<16xi32> to vector<1x16xi32>
      tpu.vector_store %arg7[%swap3A_3381, %swap3A_3382], %swap3A_3385 {strides = array<i32>} : memref<4x128xi32, #tpu.memory_space<vmem>>, vector<1x16xi32>,
      %mul3A_3386 = arith.constant 128 : i32
      %mul3A_3387 = arith.muli %add3A_3266, %mul3A_3386 : i32
      %add3A_3388 = arith.constant 80 : i32
      %add3A_3389 = arith.addi %mul3A_3387, %add3A_3388 : i32
      %get3A_3390 = arith.index_cast %add3A_3389 : i32 to index
      %get3A_3391 = tpu.vector_load %arg5[%get3A_3390] {strides = array<i32>} : memref<25600xi32, #tpu.memory_space<vmem>>, vector<16xi32>,
      %get3A_3392 = vector.shape_cast %get3A_3391 : vector<16xi32> to vector<16xi32>
      %add3A_3393 = arith.constant 80 : i32
      %add3A_3394 = arith.addi %mul3A_3275, %add3A_3393 : i32
      %get3A_3395 = arith.index_cast %add3A_3394 : i32 to index
      %get3A_3396 = tpu.vector_load %arg6[%get3A_3395] {strides = array<i32>} : memref<3200xi32, #tpu.memory_space<vmem>>, vector<16xi32>,
      %get3A_3397 = vector.shape_cast %get3A_3396 : vector<16xi32> to vector<16xi32>
      %ne3A_3398 = arith.constant 0 : i32
      %ne3A_3399 = vector.broadcast %ne3A_3398 : i32 to vector<16xi32>
      %ne3A_3400 = arith.cmpi ne, %get3A_3392, %ne3A_3399 : vector<16xi32>
      %select_n3A_3401 = arith.select %ne3A_3400, %get3A_3397, %broadcast_in_dim3A_3 : vector<16xi1>, vector<16xi32>
      %swap3A_3402 = arith.constant 3 : i32
      %swap3A_3403 = arith.index_cast %swap3A_3402 : i32 to index
      %swap3A_3404 = arith.constant 80 : index
      %swap3A_3405 = tpu.vector_load %arg7[%swap3A_3403, %swap3A_3404] {strides = array<i32>} : memref<4x128xi32, #tpu.memory_space<vmem>>, vector<1x16xi32>,
      %swap3A_3406 = vector.shape_cast %swap3A_3405 : vector<1x16xi32> to vector<16xi32>
      %swap3A_3407 = vector.shape_cast %select_n3A_3401 : vector<16xi32> to vector<1x16xi32>
      tpu.vector_store %arg7[%swap3A_3403, %swap3A_3404], %swap3A_3407 {strides = array<i32>} : memref<4x128xi32, #tpu.memory_space<vmem>>, vector<1x16xi32>,
      %mul3A_3408 = arith.constant 128 : i32
      %mul3A_3409 = arith.muli %add3A_3266, %mul3A_3408 : i32
      %add3A_3410 = arith.constant 96 : i32
      %add3A_3411 = arith.addi %mul3A_3409, %add3A_3410 : i32
      %get3A_3412 = arith.index_cast %add3A_3411 : i32 to index
      %get3A_3413 = tpu.vector_load %arg5[%get3A_3412] {strides = array<i32>} : memref<25600xi32, #tpu.memory_space<vmem>>, vector<16xi32>,
      %get3A_3414 = vector.shape_cast %get3A_3413 : vector<16xi32> to vector<16xi32>
      %add3A_3415 = arith.constant 96 : i32
      %add3A_3416 = arith.addi %mul3A_3275, %add3A_3415 : i32
      %get3A_3417 = arith.index_cast %add3A_3416 : i32 to index
      %get3A_3418 = tpu.vector_load %arg6[%get3A_3417] {strides = array<i32>} : memref<3200xi32, #tpu.memory_space<vmem>>, vector<16xi32>,
      %get3A_3419 = vector.shape_cast %get3A_3418 : vector<16xi32> to vector<16xi32>
      %ne3A_3420 = arith.constant 0 : i32
      %ne3A_3421 = vector.broadcast %ne3A_3420 : i32 to vector<16xi32>
      %ne3A_3422 = arith.cmpi ne, %get3A_3414, %ne3A_3421 : vector<16xi32>
      %select_n3A_3423 = arith.select %ne3A_3422, %get3A_3419, %broadcast_in_dim3A_3 : vector<16xi1>, vector<16xi32>
      %swap3A_3424 = arith.constant 3 : i32
      %swap3A_3425 = arith.index_cast %swap3A_3424 : i32 to index
      %swap3A_3426 = arith.constant 96 : index
      %swap3A_3427 = tpu.vector_load %arg7[%swap3A_3425, %swap3A_3426] {strides = array<i32>} : memref<4x128xi32, #tpu.memory_space<vmem>>, vector<1x16xi32>,
      %swap3A_3428 = vector.shape_cast %swap3A_3427 : vector<1x16xi32> to vector<16xi32>
      %swap3A_3429 = vector.shape_cast %select_n3A_3423 : vector<16xi32> to vector<1x16xi32>
      tpu.vector_store %arg7[%swap3A_3425, %swap3A_3426], %swap3A_3429 {strides = array<i32>} : memref<4x128xi32, #tpu.memory_space<vmem>>, vector<1x16xi32>,
      %mul3A_3430 = arith.constant 128 : i32
      %mul3A_3431 = arith.muli %add3A_3266, %mul3A_3430 : i32
      %add3A_3432 = arith.constant 112 : i32
      %add3A_3433 = arith.addi %mul3A_3431, %add3A_3432 : i32
      %get3A_3434 = arith.index_cast %add3A_3433 : i32 to index
      %get3A_3435 = tpu.vector_load %arg5[%get3A_3434] {strides = array<i32>} : memref<25600xi32, #tpu.memory_space<vmem>>, vector<16xi32>,
      %get3A_3436 = vector.shape_cast %get3A_3435 : vector<16xi32> to vector<16xi32>
      %add3A_3437 = arith.constant 112 : i32
      %add3A_3438 = arith.addi %mul3A_3275, %add3A_3437 : i32
      %get3A_3439 = arith.index_cast %add3A_3438 : i32 to index
      %get3A_3440 = tpu.vector_load %arg6[%get3A_3439] {strides = array<i32>} : memref<3200xi32, #tpu.memory_space<vmem>>, vector<16xi32>,
      %get3A_3441 = vector.shape_cast %get3A_3440 : vector<16xi32> to vector<16xi32>
      %ne3A_3442 = arith.constant 0 : i32
      %ne3A_3443 = vector.broadcast %ne3A_3442 : i32 to vector<16xi32>
      %ne3A_3444 = arith.cmpi ne, %get3A_3436, %ne3A_3443 : vector<16xi32>
      %select_n3A_3445 = arith.select %ne3A_3444, %get3A_3441, %broadcast_in_dim3A_3 : vector<16xi1>, vector<16xi32>
      %swap3A_3446 = arith.constant 3 : i32
      %swap3A_3447 = arith.index_cast %swap3A_3446 : i32 to index
      %swap3A_3448 = arith.constant 112 : index
      %swap3A_3449 = tpu.vector_load %arg7[%swap3A_3447, %swap3A_3448] {strides = array<i32>} : memref<4x128xi32, #tpu.memory_space<vmem>>, vector<1x16xi32>,
      %swap3A_3450 = vector.shape_cast %swap3A_3449 : vector<1x16xi32> to vector<16xi32>
      %swap3A_3451 = vector.shape_cast %select_n3A_3445 : vector<16xi32> to vector<1x16xi32>
      tpu.vector_store %arg7[%swap3A_3447, %swap3A_3448], %swap3A_3451 {strides = array<i32>} : memref<4x128xi32, #tpu.memory_space<vmem>>, vector<1x16xi32>,
      %dma_start3A_3452 = arith.constant 3 : i32
      %dma_start3A_3453 = arith.constant 0 : i32
      %dma_start3A_3454 = tpu.memref_slice %arg7[%dma_start3A_3452, %dma_start3A_3453] : memref<4x128xi32, #tpu.memory_space<vmem>> -> memref<1x128xi32, #tpu.memory_space<vmem>>
      %dma_start3A_3455 = tpu.memref_squeeze %dma_start3A_3454 : memref<1x128xi32, #tpu.memory_space<vmem>> -> memref<128xi32, #tpu.memory_space<vmem>>
      %dma_start3A_3456 = arith.constant 0 : i32
      %dma_start3A_3457 = arith.constant 0 : i32
      %dma_start3A_3458 = tpu.memref_slice %arg3[%dma_start3A_3456, %dma_start3A_3457] : memref<201x32xf32, #tpu.memory_space<hbm>> -> memref<201x32xf32, #tpu.memory_space<hbm>>
      tpu.enqueue_indirect_dma source(%dma_start3A_3458 : memref<201x32xf32, #tpu.memory_space<hbm>>) target(%arg11 : memref<128x32xf32, #tpu.memory_space<vmem>>) offsets(%dma_start3A_3455 : memref<128xi32, #tpu.memory_space<vmem>>) semaphore(%arg12 : memref<!tpu.dma_semaphore, #tpu.memory_space<semaphore_mem>>)
      %dma_wait3A_3459 = arith.constant 1 : i32
      %dma_wait3A_3460 = arith.constant 0 : i32
      %dma_wait3A_3461 = tpu.memref_slice %arg7[%dma_wait3A_3459, %dma_wait3A_3460] : memref<4x128xi32, #tpu.memory_space<vmem>> -> memref<1x128xi32, #tpu.memory_space<vmem>>
      %dma_wait3A_3462 = tpu.memref_squeeze %dma_wait3A_3461 : memref<1x128xi32, #tpu.memory_space<vmem>> -> memref<128xi32, #tpu.memory_space<vmem>>
      %dma_wait3A_3463 = arith.constant 0 : i32
      %dma_wait3A_3464 = arith.constant 0 : i32
      %dma_wait3A_3465 = tpu.memref_slice %arg3[%dma_wait3A_3463, %dma_wait3A_3464] : memref<201x32xf32, #tpu.memory_space<hbm>> -> memref<201x32xf32, #tpu.memory_space<hbm>>
      tpu.wait_indirect_dma semaphore(%arg12 : memref<!tpu.dma_semaphore, #tpu.memory_space<semaphore_mem>>) src(%dma_wait3A_3465 : memref<201x32xf32, #tpu.memory_space<hbm>>) dst(%arg9 : memref<128x32xf32, #tpu.memory_space<vmem>>)
      %sub3A_3466 = arith.constant 2 : i32
      %sub3A_3467 = arith.subi %add3A_3266, %sub3A_3466 : i32
      %mul3A_3468 = arith.constant 128 : i32
      %mul3A_3469 = arith.muli %sub3A_3467, %mul3A_3468 : i32
      %add3A_3470 = arith.addi %mul3A_2, %mul3A_3469 : i32
      %dma_start3A_3471 = arith.constant 0 : i32
      %dma_start3A_3472 = tpu.memref_slice %arg4[%add3A_3470, %dma_start3A_3471] : memref<819200x32xf32, #tpu.memory_space<hbm>> -> memref<128x32xf32, #tpu.memory_space<hbm>>
      %dma_start3A_3473 = arith.constant 0 : i32
      %dma_start3A_3474 = tpu.memref_slice %arg4[%add3A_3470, %dma_start3A_3473] : memref<819200x32xf32, #tpu.memory_space<hbm>> -> memref<128x32xf32, #tpu.memory_space<hbm>>
      tpu.enqueue_dma source(%arg9 : memref<128x32xf32, #tpu.memory_space<vmem>>) target(%dma_start3A_3474 : memref<128x32xf32, #tpu.memory_space<hbm>>) target_semaphore(%arg13 : memref<!tpu.dma_semaphore, #tpu.memory_space<semaphore_mem>>)
    }
    %scan3A_2606 = arith.constant 50 : i32
    %dma_wait3A = arith.constant 2 : i32
    %dma_wait3A_2607 = arith.constant 0 : i32
    %dma_wait3A_2608 = tpu.memref_slice %arg7[%dma_wait3A, %dma_wait3A_2607] : memref<4x128xi32, #tpu.memory_space<vmem>> -> memref<1x128xi32, #tpu.memory_space<vmem>>
    %dma_wait3A_2609 = tpu.memref_squeeze %dma_wait3A_2608 : memref<1x128xi32, #tpu.memory_space<vmem>> -> memref<128xi32, #tpu.memory_space<vmem>>
    %dma_wait3A_2610 = arith.constant 0 : i32
    %dma_wait3A_2611 = arith.constant 0 : i32
    %dma_wait3A_2612 = tpu.memref_slice %arg3[%dma_wait3A_2610, %dma_wait3A_2611] : memref<201x32xf32, #tpu.memory_space<hbm>> -> memref<201x32xf32, #tpu.memory_space<hbm>>
    tpu.wait_indirect_dma semaphore(%arg12 : memref<!tpu.dma_semaphore, #tpu.memory_space<semaphore_mem>>) src(%dma_wait3A_2612 : memref<201x32xf32, #tpu.memory_space<hbm>>) dst(%arg10 : memref<128x32xf32, #tpu.memory_space<vmem>>)
    %add3A_2613 = arith.constant 25344 : i32
    %add3A_2614 = arith.addi %mul3A_2, %add3A_2613 : i32
    %dma_start3A = arith.constant 0 : i32
    %dma_start3A_2615 = tpu.memref_slice %arg4[%add3A_2614, %dma_start3A] : memref<819200x32xf32, #tpu.memory_space<hbm>> -> memref<128x32xf32, #tpu.memory_space<hbm>>
    %dma_start3A_2616 = arith.constant 0 : i32
    %dma_start3A_2617 = tpu.memref_slice %arg4[%add3A_2614, %dma_start3A_2616] : memref<819200x32xf32, #tpu.memory_space<hbm>> -> memref<128x32xf32, #tpu.memory_space<hbm>>
    tpu.enqueue_dma source(%arg10 : memref<128x32xf32, #tpu.memory_space<vmem>>) target(%dma_start3A_2617 : memref<128x32xf32, #tpu.memory_space<hbm>>) target_semaphore(%arg13 : memref<!tpu.dma_semaphore, #tpu.memory_space<semaphore_mem>>)
    %dma_wait3A_2618 = arith.constant 3 : i32
    %dma_wait3A_2619 = arith.constant 0 : i32
    %dma_wait3A_2620 = tpu.memref_slice %arg7[%dma_wait3A_2618, %dma_wait3A_2619] : memref<4x128xi32, #tpu.memory_space<vmem>> -> memref<1x128xi32, #tpu.memory_space<vmem>>
    %dma_wait3A_2621 = tpu.memref_squeeze %dma_wait3A_2620 : memref<1x128xi32, #tpu.memory_space<vmem>> -> memref<128xi32, #tpu.memory_space<vmem>>
    %dma_wait3A_2622 = arith.constant 0 : i32
    %dma_wait3A_2623 = arith.constant 0 : i32
    %dma_wait3A_2624 = tpu.memref_slice %arg3[%dma_wait3A_2622, %dma_wait3A_2623] : memref<201x32xf32, #tpu.memory_space<hbm>> -> memref<201x32xf32, #tpu.memory_space<hbm>>
    tpu.wait_indirect_dma semaphore(%arg12 : memref<!tpu.dma_semaphore, #tpu.memory_space<semaphore_mem>>) src(%dma_wait3A_2624 : memref<201x32xf32, #tpu.memory_space<hbm>>) dst(%arg11 : memref<128x32xf32, #tpu.memory_space<vmem>>)
    %add3A_2625 = arith.constant 25472 : i32
    %add3A_2626 = arith.addi %mul3A_2, %add3A_2625 : i32
    %dma_start3A_2627 = arith.constant 0 : i32
    %dma_start3A_2628 = tpu.memref_slice %arg4[%add3A_2626, %dma_start3A_2627] : memref<819200x32xf32, #tpu.memory_space<hbm>> -> memref<128x32xf32, #tpu.memory_space<hbm>>
    %dma_start3A_2629 = arith.constant 0 : i32
    %dma_start3A_2630 = tpu.memref_slice %arg4[%add3A_2626, %dma_start3A_2629] : memref<819200x32xf32, #tpu.memory_space<hbm>> -> memref<128x32xf32, #tpu.memory_space<hbm>>
    tpu.enqueue_dma source(%arg11 : memref<128x32xf32, #tpu.memory_space<vmem>>) target(%dma_start3A_2630 : memref<128x32xf32, #tpu.memory_space<hbm>>) target_semaphore(%arg13 : memref<!tpu.dma_semaphore, #tpu.memory_space<semaphore_mem>>)
    %add3A_2631 = arith.constant 25088 : i32
    %add3A_2632 = arith.addi %mul3A_2, %add3A_2631 : i32
    %dma_wait3A_2633 = arith.constant 0 : i32
    %dma_wait3A_2634 = tpu.memref_slice %arg4[%add3A_2632, %dma_wait3A_2633] : memref<819200x32xf32, #tpu.memory_space<hbm>> -> memref<128x32xf32, #tpu.memory_space<hbm>>
    %dma_wait3A_2635 = arith.constant 0 : i32
    %dma_wait3A_2636 = tpu.memref_slice %arg4[%add3A_2632, %dma_wait3A_2635] : memref<819200x32xf32, #tpu.memory_space<hbm>> -> memref<128x32xf32, #tpu.memory_space<hbm>>
    tpu.wait_dma2 semaphore(%arg13 : memref<!tpu.dma_semaphore, #tpu.memory_space<semaphore_mem>>) src(%arg8 : memref<128x32xf32, #tpu.memory_space<vmem>>) dst(%dma_wait3A_2636 : memref<128x32xf32, #tpu.memory_space<hbm>>)
    %add3A_2637 = arith.constant 25216 : i32
    %add3A_2638 = arith.addi %mul3A_2, %add3A_2637 : i32
    %dma_wait3A_2639 = arith.constant 0 : i32
    %dma_wait3A_2640 = tpu.memref_slice %arg4[%add3A_2638, %dma_wait3A_2639] : memref<819200x32xf32, #tpu.memory_space<hbm>> -> memref<128x32xf32, #tpu.memory_space<hbm>>
    %dma_wait3A_2641 = arith.constant 0 : i32
    %dma_wait3A_2642 = tpu.memref_slice %arg4[%add3A_2638, %dma_wait3A_2641] : memref<819200x32xf32, #tpu.memory_space<hbm>> -> memref<128x32xf32, #tpu.memory_space<hbm>>
    tpu.wait_dma2 semaphore(%arg13 : memref<!tpu.dma_semaphore, #tpu.memory_space<semaphore_mem>>) src(%arg9 : memref<128x32xf32, #tpu.memory_space<vmem>>) dst(%dma_wait3A_2642 : memref<128x32xf32, #tpu.memory_space<hbm>>)
    %add3A_2643 = arith.constant 25344 : i32
    %add3A_2644 = arith.addi %mul3A_2, %add3A_2643 : i32
    %dma_wait3A_2645 = arith.constant 0 : i32
    %dma_wait3A_2646 = tpu.memref_slice %arg4[%add3A_2644, %dma_wait3A_2645] : memref<819200x32xf32, #tpu.memory_space<hbm>> -> memref<128x32xf32, #tpu.memory_space<hbm>>
    %dma_wait3A_2647 = arith.constant 0 : i32
    %dma_wait3A_2648 = tpu.memref_slice %arg4[%add3A_2644, %dma_wait3A_2647] : memref<819200x32xf32, #tpu.memory_space<hbm>> -> memref<128x32xf32, #tpu.memory_space<hbm>>
    tpu.wait_dma2 semaphore(%arg13 : memref<!tpu.dma_semaphore, #tpu.memory_space<semaphore_mem>>) src(%arg10 : memref<128x32xf32, #tpu.memory_space<vmem>>) dst(%dma_wait3A_2648 : memref<128x32xf32, #tpu.memory_space<hbm>>)
    %add3A_2649 = arith.constant 25472 : i32
    %add3A_2650 = arith.addi %mul3A_2, %add3A_2649 : i32
    %dma_wait3A_2651 = arith.constant 0 : i32
    %dma_wait3A_2652 = tpu.memref_slice %arg4[%add3A_2650, %dma_wait3A_2651] : memref<819200x32xf32, #tpu.memory_space<hbm>> -> memref<128x32xf32, #tpu.memory_space<hbm>>
    %dma_wait3A_2653 = arith.constant 0 : i32
    %dma_wait3A_2654 = tpu.memref_slice %arg4[%add3A_2650, %dma_wait3A_2653] : memref<819200x32xf32, #tpu.memory_space<hbm>> -> memref<128x32xf32, #tpu.memory_space<hbm>>
    tpu.wait_dma2 semaphore(%arg13 : memref<!tpu.dma_semaphore, #tpu.memory_space<semaphore_mem>>) src(%arg11 : memref<128x32xf32, #tpu.memory_space<vmem>>) dst(%dma_wait3A_2654 : memref<128x32xf32, #tpu.memory_space<hbm>>)
    return
  }
}

</mosaic_0001>

<sc_bundles>
// kernel: kernel.3.cloned.1.call-start
scs
__scs_entry_jumppad:
0x0: {  	(pc) =	sbr.rel $0x88, $3  }
0x1: {  	(tag) =	ssettag $0x0;
	lr =	simm.s32 $0x1  }
0x2: {  	[smem:$0x3F9F] =	sst lr;
	_ =	strace $0xD0000000  }
0x3: {  	_ = 	snop  }
0x4: {  	_ = 	snop  }
0x5: {  	_ = 	snop  }
0x6: {  	_ = 	snop  }
0x7: {  	_ = 	snop  }
__scs_overlays_trampoline_lowered:
0x8: {  	[smem:$0x3FAE] =	sst s0  }
0x9: {  	[smem:$0x3FAF] =	sst s1  }
0xa: {  	[smem:$0x3FB0] =	sst s2  }
0xb: {  	[smem:$0x3FB1] =	sst s3  }
0xc: {  	[smem:$0x3FB2] =	sst s4  }
0xd: {  	[smem:$0x3FB3] =	sst s5  }
0xe: {  	[smem:$0x3FB4] =	sst s6  }
0xf: {  	[smem:$0x3FB5] =	sst s7  }
0x10: {  	[smem:$0x3FB6] =	sst s8  }
0x11: {  	[smem:$0x3FB7] =	sst s9;
	s0 =	simm.s32 @!p0 $0x0  }
0x12: {  	s1 =	sld [smem:$0x3F9D];
	s0 =	simm.s32 @p0 $0x1  }
0x13: {  	[smem:$0x3FB8] =	sst s0;
	s0 =	simm.s32 @!p1 $0x0  }
0x14: {  	s2 =	sld [smem:$0x3F9C];
	s0 =	simm.s32 @p1 $0x1  }
0x15: {  	[smem:$0x3FB9] =	sst s0;
	s0 =	simm.s32 @!p2 $0x0  }
0x16: {  	s3 =	sld [smem:$0x3FDB];
	s0 =	simm.s32 @p2 $0x1  }
0x17: {  	s4 =	simm.s32 $0x1BF5;
	[smem:$0x3FBB] =	sst s0  }
0x18: {  	s0 =	sld [smem:$0x3F9E];
	_ =	swait.ge [sflag:s4], $0x0  }
0x19: {  	s7 =	sld [smem:$0x3F9F]  }
0x1a: {  	s8 =	sadd.s32 $0xFFFFE003, lr  }
0x1b: {  	s9 =	sadd.s32 $0xFFFFFEF7, lr;
	s5 =	simm.s32 $0xFFFFFFFF;
	p2 =	slt.u32 s8, $0xFFFFF086  }
0x1c: {  	p1 =	slt.u32 s9, $0xF7A;
	s5 =	simm.s32 @!p2 $0x0  }
0x1d: {  	s5 =	simm.s32 @p1 $0x1;
	p0 =	seq.s32 s7, s2  }
0x1e: {  	s7 =	smul.u32 @!p0 $0xF7A, s2;
	p2 =	seq.s32 @!p0 s5, $0x0  }
0x1f: {  	s9 =	smul.u32 $0xF7A, s1;
	s8 =	simm.s32 @!p0 $0x1BF5;
	p2 =	por !p2, p0  }
0x20: {  	[sflag:s8] =	ssyncset.s32 @!p0 $0xFFFFF086;
	s6 =	sadd.s32 @!p0 s3, s7;
	s7 =	simm.s32 @!p0 $0x108  }
0x21: {  	s3 =	sadd.s32 s3, s9;
	s6 =	sadd.s32 @!p0 $0x88, s6;
	s7 =	simm.s32 @p2 $0x1082  }
0x22: {  	[simem:s7], [sflag:s8] =	dma.local @!p0 [hbm:s6], $0xF7A  }
0x23: {  	s9 =	sor.u32 $0xD0000000, s2;
	s6 =	simm.s32 $0x108;
	_ =	swait.ge @!p0 [sflag:s8], $0x0  }
0x24: {  	s3 =	sadd.s32 $0x88, s3;
	s6 =	simm.s32 @!p1 $0x1082;
	[sflag:s4] =	ssyncset.s32 $0xFFFFF086  }
0x25: {  	[simem:s6], [sflag:s4] =	dma.local [hbm:s3], $0xF7A  }
0x26: {  	[smem:$0x3F9F] =	sst s1;
	(tag) =	ssettag s2;
	_ =	strace s9  }
0x27: {  	s1 =	sld [smem:$0x3FAF]  }
0x28: {  	s2 =	sld [smem:$0x3FB0]  }
0x29: {  	s4 =	sld [smem:$0x3FB2]  }
0x2a: {  	p0 =	seq.s32 s5, $0x0;
	s5 =	sld [smem:$0x3FB3]  }
0x2b: {  	s6 =	sld [smem:$0x3FB4]  }
0x2c: {  	s7 =	sld [smem:$0x3FB5]  }
0x2d: {  	s3 =	simm.s32 $0x108;
	s8 =	sld [smem:$0x3FB6]  }
0x2e: {  	s3 =	simm.s32 @!p0 $0x1082;
	s9 =	sld [smem:$0x3FB7]  }
0x2f: {  	lr =	sadd.s32 s0, s3;
	s0 =	sld [smem:$0x3FAE]  }
0x30: {  	s3 =	sld [smem:$0x3FB1]  }
0x31: {  	[smem:$0x3FBA] =	sst s10  }
0x32: {  	s10 =	sld [smem:$0x3FB8];
	_ =	sdelay $0x3  }
0x33: {  	p0 =	seq.s32 s10, $0x1;
	s10 =	sld [smem:$0x3FBA];
	_ =	sdelay $0x3  }
0x34: {  	[smem:$0x3FBA] =	sst s10  }
0x35: {  	s10 =	sld [smem:$0x3FB9];
	_ =	sdelay $0x3  }
0x36: {  	p1 =	seq.s32 s10, $0x1;
	s10 =	sld [smem:$0x3FBA];
	_ =	sdelay $0x3  }
0x37: {  	[smem:$0x3FBA] =	sst s10  }
0x38: {  	s10 =	sld [smem:$0x3FBB]  }
0x39: {  	_ = 	snop;
	(pc) =	sbr.ind lr, $3  }
0x3a: {  	_ = 	snop  }
0x3b: {  	_ = 	snop  }
0x3c: {  	p2 =	seq.s32 s10, $0x1;
	s10 =	sld [smem:$0x3FBA]  }
0x3d: {  	_ =	shalt  }
0x3e: {  	_ =	shalt  }
0x3f: {  	_ =	shalt  }
0x40: {  	_ =	shalt  }
0x41: {  	_ =	shalt  }
0x42: {  	_ =	shalt  }
0x43: {  	_ =	shalt  }
0x44: {  	_ =	shalt  }
0x45: {  	_ =	shalt  }
0x46: {  	_ =	shalt  }
0x47: {  	_ =	shalt  }
0x48: {  	_ =	shalt  }
0x49: {  	_ =	shalt  }
0x4a: {  	_ =	shalt  }
0x4b: {  	_ =	shalt  }
0x4c: {  	_ =	shalt  }
0x4d: {  	_ =	shalt  }
0x4e: {  	_ =	shalt  }
0x4f: {  	_ =	shalt  }
0x50: {  	_ =	shalt  }
0x51: {  	_ =	shalt  }
0x52: {  	_ =	shalt  }
0x53: {  	_ =	shalt  }
0x54: {  	_ =	shalt  }
0x55: {  	_ =	shalt  }
0x56: {  	_ =	shalt  }
0x57: {  	_ =	shalt  }
0x58: {  	_ =	shalt  }
0x59: {  	_ =	shalt  }
0x5a: {  	_ =	shalt  }
0x5b: {  	_ =	shalt  }
0x5c: {  	_ =	shalt  }
0x5d: {  	_ =	shalt  }
0x5e: {  	_ =	shalt  }
0x5f: {  	_ =	shalt  }
0x60: {  	_ =	shalt  }
0x61: {  	_ =	shalt  }
0x62: {  	_ =	shalt  }
0x63: {  	_ =	shalt  }
0x64: {  	_ =	shalt  }
0x65: {  	_ =	shalt  }
0x66: {  	_ =	shalt  }
0x67: {  	_ =	shalt  }
0x68: {  	_ =	shalt  }
0x69: {  	_ =	shalt  }
0x6a: {  	_ =	shalt  }
0x6b: {  	_ =	shalt  }
0x6c: {  	_ =	shalt  }
0x6d: {  	_ =	shalt  }
0x6e: {  	_ =	shalt  }
0x6f: {  	_ =	shalt  }
0x70: {  	_ =	shalt  }
0x71: {  	_ =	shalt  }
0x72: {  	_ =	shalt  }
0x73: {  	_ =	shalt  }
0x74: {  	_ =	shalt  }
0x75: {  	_ =	shalt  }
0x76: {  	_ =	shalt  }
0x77: {  	_ =	shalt  }
0x78: {  	_ =	shalt  }
0x79: {  	_ =	shalt  }
0x7a: {  	_ =	shalt  }
0x7b: {  	_ =	shalt  }
0x7c: {  	_ =	shalt  }
0x7d: {  	_ =	shalt  }
0x7e: {  	_ =	shalt  }
0x7f: {  	_ =	shalt  }
0x80: {  	_ =	shalt  }
0x81: {  	_ =	shalt  }
0x82: {  	_ =	shalt  }
0x83: {  	_ =	shalt  }
0x84: {  	_ =	shalt  }
0x85: {  	_ =	shalt  }
0x86: {  	_ =	shalt  }
0x87: {  	_ =	shalt  }
.Lfunc_end0:
.L_simem_size_0:
called_computation.1_lowered:
.L_overlay_start_0:
0x88: {  	s2 =	sld [smem:$0x3FD9]  }
0x89: {  	s3 =	sld [smem:$0x3FFE];
	_ =	sdelay $0x1  }
0x8a: {  	s1 =	srdreg.scid  }
0x8b: {  	s0 =	sand.u32 $0x1, s1  }
0x8c: {  	s17 =	sshll.u32 s0, $0xA;
	s2 =	sadd.s32 s3, s2  }
0x8d: {  	s2 =	sadd.s32 s2, s17  }
0x8e: {  	[smem:$0x3FC6] =	sst s2  }
0x8f: {  	_ = 	snop  }
0x90: {  	s2 =	sld [smem:$0x3FD0];
	(tm) =	ssettm $0x1  }
0x91: {  	s18 =	sld [smem:$0x3FFB];
	_ =	sdelay $0x3  }
0x92: {  	_ =	strace s18  }
0x93: {  	s3 =	sld [smem:$0x3FFC];
	_ =	sdelay $0x3  }
0x94: {  	_ =	strace s3  }
0x95: {  	s3 =	sld [smem:$0x3FFD];
	_ =	sdelay $0x3  }
0x96: {  	_ =	strace s3  }
0x97: {  	_ =	strace $0x8FFFFFFF  }
0x98: {  	s19 =	sld [smem:$0x3FDB];
	_ =	sdelay $0x1  }
0x99: {  	s4 =	simm.s32 $_scs_section_size  }
0x9a: {  	s5 =	simm.s32 $_size__tile_overlayer_lowered;
	s6 =	simm.s32 $_tile_overlayer_lowered  }
0x9b: {  	s22 =	simm.s32 $0x1BFF;
	s21 =	sshll.u32 s6, $0x1;
	s3 =	sadd.s32 s4, s19  }
0x9c: {  	s7 =	simm.s32 $0x0;
	s20 =	sshll.u32 s5, $0x1;
	s5 =	sadd.s32 s21, s3  }
0x9d: {  	[timem:s7], [sflag:s22] =	dma.local [hbm:s5], s20  }
0x9e: {  	_ =	swait.ge [sflag:s22], s20  }
0x9f: {  	s4 =	ssub.s32 $0x0, s20;
	[sflag:s22] =	ssyncset.done $0x0  }
0xa0: {  	[sflag:s22] =	ssyncadd.s32 s4;
	_ =	sdelay $0x1  }
0xa1: {  	s23 =	simm.s32 $0x1B8B  }
0xa2: {  	_ =	swait.ge [sflag:s23], $0x1  }
0xa3: {  	[sflag:s23] =	ssyncset.done $0x0  }
0xa4: {  	s25 =	simm.s32 $0x1B8E;
	s24 =	sld [smem:$0x3FFE];
	[sflag:s23] =	ssyncadd.s32 $0xFFFFFFFF  }
0xa5: {  	s26 =	simm.s32 $execute0_lowered;
	[smem:$0x3FD2] =	sst s25  }
0xa6: {  	s5 =	sshll.u32 s26, $0x1;
	_ =	strace $0x80000046;
	[dreg:$0x1] =	wrdreg $0xFFFFFFFF  }
0xa7: {  	s28 =	simm.s32 $_size_execute0_lowered;
	s3 =	sadd.s32 s3, s5;
	[dreg:$0x0] =	wrdreg $0x0  }
0xa8: {  	s5 =	sshll.u32 s28, $0x1;
	[dreg:$0x2] =	wrdreg s3  }
0xa9: {  	[dreg:$0x3] =	wrdreg s5  }
0xaa: {  	[dreg:$0x4] =	wrdreg $0xC0  }
0xab: {  	_ =	task [dreg:s7], $0x5FFFF  }
0xac: {  	[dreg:$0x1] =	wrdreg $0xFFFFFFFF  }
0xad: {  	[dreg:$0x0] =	wrdreg $0x60  }
0xae: {  	[dreg:$0x2] =	wrdreg s24  }
0xaf: {  	[dreg:$0x3] =	wrdreg s2  }
0xb0: {  	[dreg:$0x4] =	wrdreg $0x9  }
0xb1: {  	_ =	task.clear_ibuf [dreg:s7], $0x5FFFF;
	_ =	strace $0x90000046  }
0xb2: {  	s29 =	simm.s32 $0x9;
	_ =	strace $0x80000048  }
0xb3: {  	_ =	swait.ge [sflag:s29], $0x1  }
0xb4: {  	[sflag:s29] =	ssyncadd.s32 $0xFFFFFFFF  }
0xb5: {  	_ =	strace $0x90000048  }
0xb6: {  	_ =	sfence  }
0xb7: {  	s30 =	sld [smem:$0x0];
	_ =	sdelay $0x2  }
0xb8: {  	s31 =	sshll.u32 s1, $0xD;
	s1 =	sshrl.u32 s1, $0x2  }
0xb9: {  	s3 =	sand.u32 $0x4000, s31;
	s1 =	sadd.s32 s1, s30  }
0xba: {  	s0 =	sor.u32 s3, s0;
	s1 =	sshll.u32 s1, $0x11  }
0xbb: {  	s0 =	sor.u32 s1, s0  }
0xbc: {  	s0 =	sadd.s32 $0x8F2B, s0  }
0xbd: {  	[sflag:s0] =	ssyncadd.remote.s32 $0x1  }
0xbe: {  	_ =	sfence.sel $0xFFFF  }
0xbf: {  	[dreg:$0x0] =	wrdreg $0xFFFFFFFF;
	(pc) =	sbr.abs _section_cstart, $3  }
0xc0: {  	[dreg:$0x1] =	wrdreg $0xFFFFFFFF  }
0xc1: {  	_ =	task.clear_ibuf [dreg:s7], $0x2FFFF;
	_ =	strace $0x9FFFFFFF  }
0xc2: {  	(tm) =	ssettm $0x7FFFFFFF  }
0xc3: {  	_ =	shalt  }
tec
execute0_lowered:
.L_overlay_start_1:
0x0: {  	(tag) =	ssettag $0x1  }
0x1: {  	s0 =	rddreg [dreg:$0x0];
	s1 =	srdreg.scid  }
0x2: {  	s9 =	stileid.u32;
	s2 =	rddreg [dreg:$0x1];
	s3 =	simm.s32 $0x0  }
0x3: {  	s28 =	simm.s32 $0x7080;
	s12 =	simm.s32 $0x80;
	s29 =	simm.s32 $0x7100  }
0x4: {  	v1 =	vimm.s32 $0x87654321;
	s13 =	simm.s32 $0x7280;
	s30 =	simm.s32 $0x7180;
	s1 =	sand.u32 $0x1, s1  }
0x5: {  	v24 =	vlaneseq.u32;
	v3 =	vimm.s32 $0xC4C3C2C1;
	v4 =	vimm.s32 $0xC8C7C6C5;
	s4 =	sshll.u32 s9, $0x1;
	[smem:$0x7FF] =	sst s3;
	s24 =	smul.u32 $0x32000, s9  }
0x6: {  	vm0 =	vcmask $0x1F10;
	v0 =	vadd.s32 $0x1, v24;
	v2 =	vunpack.c.l.s4.s8 v1;
	s5 =	sor.u32 s1, s4;
	_ =	strace $0x80000047;
	[dreg:$0x3] =	wrdreg s28  }
0x7: {  	v1 =	vadd.s32 $0x11, v24;
	v5 =	vunpack.c.0.s8.s32 v3;
	v6 =	vunpack.c.0.s8.s32 v4;
	s7 =	ssub.s32 $0x2, s1;
	s1 =	smul.u32 $0x19000, s1;
	[dreg:$0x4] =	wrdreg s29  }
0x8: {  	s31 =	simm.s32 $0x7200;
	v3 =	vadd.s32 $0x31, v24;
	v4 =	vadd.s32 $0x41, v24;
	v9 =	vadd.s32 $0x91, v24;
	[dreg:$0x5] =	wrdreg s30;
	s4 =	smul.u32 $0x6400, s5  }
0x9: {  	s14 =	simm.s32 $0x1;
	v10 =	vadd.s32 $0xA1, v24;
	v11 =	vadd.s32 $0xB1, v24;
	v13 =	vadd.s32 $0x9, v24;
	[dreg:$0x6] =	wrdreg s31;
	s8 =	smul.u32 $0xC8000, s5  }
0xa: {  	v14 =	vadd.s32 $0x19, v24;
	v15 =	vadd.s32 $0x29, v24;
	v16 =	vadd.s32 $0x39, v24;
	s5 =	sadd.s32 $0x800, s0;
	s22 =	sshrl.u32 s7, $0x1;
	s6 =	sshrl.u32 s4, $0x3  }
0xb: {  	v17 =	vadd.s32 $0x49, v24;
	v18 =	vadd.s32 $0x59, v24;
	v7 =	vunpack.c.0.s8.s32 v2;
	s26 =	sadd.s32 s1, s24;
	s23 =	sshrl.u32 s8, $0x3;
	s6 =	sadd.s32 s6, s0  }
0xc: {  	v19 =	vadd.s32 $0x69, v24;
	v20 =	vadd.s32 $0x79, v24;
	v21 =	vadd.s32 $0x89, v24;
	[dreg:$0xb] =	wrdreg s26;
	s25 =	sadd.s32 s2, s23;
	s6 =	sadd.s32 $0xC00, s6  }
0xd: {  	v22 =	vadd.s32 $0x99, v24;
	v8 =	vsel vm0, v6, v5;
	v7 =	vand.u32 $0xF, v7;
	s0 =	ssub.s32 s7, s22;
	s7 =	sadd.s32 $0x18C00, s25;
	[dreg:$0x7] =	wrdreg s6  }
0xe: {  	s15 =	simm.s32 $0x8280;
	v23 =	vadd.s32 $0xA9, v24;
	v2 =	vadd.s32 $0x21, v24;
	v12 =	vcombine.low v8, v7;
	s0 =	smax.u32 s0, $0x1;
	[dreg:$0x8] =	wrdreg s7  }
0xf: {  	s18 =	simm.s32 $0x9280;
	v5 =	vadd.s32 $0x51, v24;
	v6 =	vadd.s32 $0x61, v24;
	v7 =	vadd.s32 $0x71, v24;
	s6 =	sadd.s32 $0x18E00, s25;
	[dreg:$0xa] =	wrdreg s0  }
0x10: {  	s17 =	simm.s32 $0xA280;
	v8 =	vadd.s32 $0x81, v24;
	v24 =	vadd.s32 $0xB9, v24;
	v12 =	vand.u32 $0xFF, v12;
	[dreg:$0x9] =	wrdreg s6;
	s6 =	simm.s32 $0x0  }
.LBB2_1:
0x11: {  	[tilespmem:$0x6400] =	vst v0  }
0x12: {  	[tilespmem:$0x6410] =	vst v1  }
0x13: {  	[tilespmem:$0x6420] =	vst v2  }
0x14: {  	[tilespmem:$0x6430] =	vst v3  }
0x15: {  	[tilespmem:$0x6440] =	vst v4  }
0x16: {  	[tilespmem:$0x6450] =	vst v5  }
0x17: {  	[tilespmem:$0x6460] =	vst v6  }
0x18: {  	[tilespmem:$0x6470] =	vst v7  }
0x19: {  	[tilespmem:$0x6480] =	vst v8  }
0x1a: {  	[tilespmem:$0x6490] =	vst v9  }
0x1b: {  	[tilespmem:$0x64A0] =	vst v10  }
0x1c: {  	[tilespmem:$0x64B0] =	vst v11  }
0x1d: {  	[tilespmem:$0x64C0] =	vst v12  }
0x1e: {  	[tilespmem:$0x64D0] =	vst v13  }
0x1f: {  	[tilespmem:$0x64E0] =	vst v14  }
0x20: {  	[tilespmem:$0x64F0] =	vst v15  }
0x21: {  	[tilespmem:$0x6500] =	vst v16  }
0x22: {  	[tilespmem:$0x6510] =	vst v17  }
0x23: {  	[tilespmem:$0x6520] =	vst v18  }
0x24: {  	[tilespmem:$0x6530] =	vst v19  }
0x25: {  	[tilespmem:$0x6540] =	vst v20  }
0x26: {  	[tilespmem:$0x6550] =	vst v21  }
0x27: {  	[tilespmem:$0x6560] =	vst v22  }
0x28: {  	[tilespmem:$0x6570] =	vst v23  }
0x29: {  	[tilespmem:$0x6580] =	vst v24  }
0x2a: {  	[tilespmem:$0x6590] =	vst v0  }
0x2b: {  	[tilespmem:$0x65A0] =	vst v1  }
0x2c: {  	[tilespmem:$0x65B0] =	vst v2  }
0x2d: {  	[tilespmem:$0x65C0] =	vst v3  }
0x2e: {  	[tilespmem:$0x65D0] =	vst v4  }
0x2f: {  	[tilespmem:$0x65E0] =	vst v5  }
0x30: {  	[tilespmem:$0x65F0] =	vst v6  }
0x31: {  	[tilespmem:$0x6600] =	vst v7  }
0x32: {  	[tilespmem:$0x6610] =	vst v8  }
0x33: {  	[tilespmem:$0x6620] =	vst v9  }
0x34: {  	[tilespmem:$0x6630] =	vst v10  }
0x35: {  	[tilespmem:$0x6640] =	vst v11  }
0x36: {  	[tilespmem:$0x6650] =	vst v12  }
0x37: {  	[tilespmem:$0x6660] =	vst v13  }
0x38: {  	[tilespmem:$0x6670] =	vst v14  }
0x39: {  	[tilespmem:$0x6680] =	vst v15  }
0x3a: {  	[tilespmem:$0x6690] =	vst v16  }
0x3b: {  	[tilespmem:$0x66A0] =	vst v17  }
0x3c: {  	[tilespmem:$0x66B0] =	vst v18  }
0x3d: {  	[tilespmem:$0x66C0] =	vst v19  }
0x3e: {  	[tilespmem:$0x66D0] =	vst v20  }
0x3f: {  	[tilespmem:$0x66E0] =	vst v21  }
0x40: {  	[tilespmem:$0x66F0] =	vst v22  }
0x41: {  	[tilespmem:$0x6700] =	vst v23  }
0x42: {  	[tilespmem:$0x6710] =	vst v24  }
0x43: {  	[tilespmem:$0x6720] =	vst v0  }
0x44: {  	[tilespmem:$0x6730] =	vst v1  }
0x45: {  	[tilespmem:$0x6740] =	vst v2  }
0x46: {  	[tilespmem:$0x6750] =	vst v3  }
0x47: {  	[tilespmem:$0x6760] =	vst v4  }
0x48: {  	[tilespmem:$0x6770] =	vst v5  }
0x49: {  	[tilespmem:$0x6780] =	vst v6  }
0x4a: {  	[tilespmem:$0x6790] =	vst v7  }
0x4b: {  	[tilespmem:$0x67A0] =	vst v8  }
0x4c: {  	[tilespmem:$0x67B0] =	vst v9  }
0x4d: {  	[tilespmem:$0x67C0] =	vst v10  }
0x4e: {  	[tilespmem:$0x67D0] =	vst v11  }
0x4f: {  	[tilespmem:$0x67E0] =	vst v12  }
0x50: {  	[tilespmem:$0x67F0] =	vst v13  }
0x51: {  	[tilespmem:$0x6800] =	vst v14  }
0x52: {  	[tilespmem:$0x6810] =	vst v15  }
0x53: {  	[tilespmem:$0x6820] =	vst v16  }
0x54: {  	[tilespmem:$0x6830] =	vst v17  }
0x55: {  	[tilespmem:$0x6840] =	vst v18  }
0x56: {  	[tilespmem:$0x6850] =	vst v19  }
0x57: {  	[tilespmem:$0x6860] =	vst v20  }
0x58: {  	[tilespmem:$0x6870] =	vst v21  }
0x59: {  	[tilespmem:$0x6880] =	vst v22  }
0x5a: {  	[tilespmem:$0x6890] =	vst v23  }
0x5b: {  	[tilespmem:$0x68A0] =	vst v24  }
0x5c: {  	[tilespmem:$0x68B0] =	vst v0  }
0x5d: {  	[tilespmem:$0x68C0] =	vst v1  }
0x5e: {  	[tilespmem:$0x68D0] =	vst v2  }
0x5f: {  	[tilespmem:$0x68E0] =	vst v3  }
0x60: {  	[tilespmem:$0x68F0] =	vst v4  }
0x61: {  	[tilespmem:$0x6900] =	vst v5  }
0x62: {  	[tilespmem:$0x6910] =	vst v6  }
0x63: {  	[tilespmem:$0x6920] =	vst v7  }
0x64: {  	[tilespmem:$0x6930] =	vst v8  }
0x65: {  	[tilespmem:$0x6940] =	vst v9  }
0x66: {  	[tilespmem:$0x6950] =	vst v10  }
0x67: {  	[tilespmem:$0x6960] =	vst v11  }
0x68: {  	[tilespmem:$0x6970] =	vst v12  }
0x69: {  	[tilespmem:$0x6980] =	vst v13  }
0x6a: {  	[tilespmem:$0x6990] =	vst v14  }
0x6b: {  	[tilespmem:$0x69A0] =	vst v15  }
0x6c: {  	[tilespmem:$0x69B0] =	vst v16  }
0x6d: {  	[tilespmem:$0x69C0] =	vst v17  }
0x6e: {  	[tilespmem:$0x69D0] =	vst v18  }
0x6f: {  	[tilespmem:$0x69E0] =	vst v19  }
0x70: {  	[tilespmem:$0x69F0] =	vst v20  }
0x71: {  	[tilespmem:$0x6A00] =	vst v21  }
0x72: {  	[tilespmem:$0x6A10] =	vst v22  }
0x73: {  	[tilespmem:$0x6A20] =	vst v23  }
0x74: {  	[tilespmem:$0x6A30] =	vst v24  }
0x75: {  	[tilespmem:$0x6A40] =	vst v0  }
0x76: {  	[tilespmem:$0x6A50] =	vst v1  }
0x77: {  	[tilespmem:$0x6A60] =	vst v2  }
0x78: {  	[tilespmem:$0x6A70] =	vst v3  }
0x79: {  	[tilespmem:$0x6A80] =	vst v4  }
0x7a: {  	[tilespmem:$0x6A90] =	vst v5  }
0x7b: {  	[tilespmem:$0x6AA0] =	vst v6  }
0x7c: {  	[tilespmem:$0x6AB0] =	vst v7  }
0x7d: {  	[tilespmem:$0x6AC0] =	vst v8  }
0x7e: {  	[tilespmem:$0x6AD0] =	vst v9  }
0x7f: {  	[tilespmem:$0x6AE0] =	vst v10  }
0x80: {  	[tilespmem:$0x6AF0] =	vst v11  }
0x81: {  	[tilespmem:$0x6B00] =	vst v12  }
0x82: {  	[tilespmem:$0x6B10] =	vst v13  }
0x83: {  	[tilespmem:$0x6B20] =	vst v14  }
0x84: {  	[tilespmem:$0x6B30] =	vst v15  }
0x85: {  	[tilespmem:$0x6B40] =	vst v16  }
0x86: {  	[tilespmem:$0x6B50] =	vst v17  }
0x87: {  	[tilespmem:$0x6B60] =	vst v18  }
0x88: {  	[tilespmem:$0x6B70] =	vst v19  }
0x89: {  	[tilespmem:$0x6B80] =	vst v20  }
0x8a: {  	[tilespmem:$0x6B90] =	vst v21  }
0x8b: {  	[tilespmem:$0x6BA0] =	vst v22  }
0x8c: {  	[tilespmem:$0x6BB0] =	vst v23  }
0x8d: {  	[tilespmem:$0x6BC0] =	vst v24  }
0x8e: {  	[tilespmem:$0x6BD0] =	vst v0  }
0x8f: {  	[tilespmem:$0x6BE0] =	vst v1  }
0x90: {  	[tilespmem:$0x6BF0] =	vst v2  }
0x91: {  	[tilespmem:$0x6C00] =	vst v3  }
0x92: {  	[tilespmem:$0x6C10] =	vst v4  }
0x93: {  	[tilespmem:$0x6C20] =	vst v5  }
0x94: {  	[tilespmem:$0x6C30] =	vst v6  }
0x95: {  	[tilespmem:$0x6C40] =	vst v7  }
0x96: {  	[tilespmem:$0x6C50] =	vst v8  }
0x97: {  	[tilespmem:$0x6C60] =	vst v9  }
0x98: {  	[tilespmem:$0x6C70] =	vst v10  }
0x99: {  	[tilespmem:$0x6C80] =	vst v11  }
0x9a: {  	[tilespmem:$0x6C90] =	vst v12  }
0x9b: {  	[tilespmem:$0x6CA0] =	vst v13  }
0x9c: {  	[tilespmem:$0x6CB0] =	vst v14  }
0x9d: {  	[tilespmem:$0x6CC0] =	vst v15  }
0x9e: {  	[tilespmem:$0x6CD0] =	vst v16  }
0x9f: {  	[tilespmem:$0x6CE0] =	vst v17  }
0xa0: {  	[tilespmem:$0x6CF0] =	vst v18  }
0xa1: {  	[tilespmem:$0x6D00] =	vst v19  }
0xa2: {  	[tilespmem:$0x6D10] =	vst v20  }
0xa3: {  	[tilespmem:$0x6D20] =	vst v21  }
0xa4: {  	[tilespmem:$0x6D30] =	vst v22  }
0xa5: {  	[tilespmem:$0x6D40] =	vst v23  }
0xa6: {  	[tilespmem:$0x6D50] =	vst v24  }
0xa7: {  	[tilespmem:$0x6D60] =	vst v0  }
0xa8: {  	[tilespmem:$0x6D70] =	vst v1  }
0xa9: {  	[tilespmem:$0x6D80] =	vst v2  }
0xaa: {  	[tilespmem:$0x6D90] =	vst v3  }
0xab: {  	[tilespmem:$0x6DA0] =	vst v4  }
0xac: {  	[tilespmem:$0x6DB0] =	vst v5  }
0xad: {  	[tilespmem:$0x6DC0] =	vst v6  }
0xae: {  	[tilespmem:$0x6DD0] =	vst v7  }
0xaf: {  	[tilespmem:$0x6DE0] =	vst v8  }
0xb0: {  	[tilespmem:$0x6DF0] =	vst v9  }
0xb1: {  	[tilespmem:$0x6E00] =	vst v10  }
0xb2: {  	[tilespmem:$0x6E10] =	vst v11  }
0xb3: {  	[tilespmem:$0x6E20] =	vst v12  }
0xb4: {  	[tilespmem:$0x6E30] =	vst v13  }
0xb5: {  	[tilespmem:$0x6E40] =	vst v14  }
0xb6: {  	[tilespmem:$0x6E50] =	vst v15  }
0xb7: {  	[tilespmem:$0x6E60] =	vst v16  }
0xb8: {  	[tilespmem:$0x6E70] =	vst v17  }
0xb9: {  	[tilespmem:$0x6E80] =	vst v18  }
0xba: {  	[tilespmem:$0x6E90] =	vst v19  }
0xbb: {  	[tilespmem:$0x6EA0] =	vst v20  }
0xbc: {  	[tilespmem:$0x6EB0] =	vst v21  }
0xbd: {  	[tilespmem:$0x6EC0] =	vst v22  }
0xbe: {  	[tilespmem:$0x6ED0] =	vst v23  }
0xbf: {  	[tilespmem:$0x6EE0] =	vst v24  }
0xc0: {  	[tilespmem:$0x6EF0] =	vst v0  }
0xc1: {  	[tilespmem:$0x6F00] =	vst v1  }
0xc2: {  	[tilespmem:$0x6F10] =	vst v2  }
0xc3: {  	[tilespmem:$0x6F20] =	vst v3  }
0xc4: {  	[tilespmem:$0x6F30] =	vst v4  }
0xc5: {  	[tilespmem:$0x6F40] =	vst v5  }
0xc6: {  	[tilespmem:$0x6F50] =	vst v6  }
0xc7: {  	[tilespmem:$0x6F60] =	vst v7  }
0xc8: {  	[tilespmem:$0x6F70] =	vst v8  }
0xc9: {  	[tilespmem:$0x6F80] =	vst v9  }
0xca: {  	[tilespmem:$0x6F90] =	vst v10  }
0xcb: {  	[tilespmem:$0x6FA0] =	vst v11  }
0xcc: {  	[tilespmem:$0x6FB0] =	vst v12  }
0xcd: {  	[tilespmem:$0x6FC0] =	vst v13  }
0xce: {  	[tilespmem:$0x6FD0] =	vst v14  }
0xcf: {  	[tilespmem:$0x6FE0] =	vst v15  }
0xd0: {  	[tilespmem:$0x6FF0] =	vst v16  }
0xd1: {  	[tilespmem:$0x7000] =	vst v17  }
0xd2: {  	[tilespmem:$0x7010] =	vst v18  }
0xd3: {  	[tilespmem:$0x7020] =	vst v19  }
0xd4: {  	[tilespmem:$0x7030] =	vst v20  }
0xd5: {  	[tilespmem:$0x7040] =	vst v21  }
0xd6: {  	[tilespmem:$0x7050] =	vst v22  }
0xd7: {  	[dreg:$0xc] =	wrdreg s6;
	[tilespmem:$0x7060] =	vst v23  }
0xd8: {  	[tilespmem:$0x7070] =	vst v24;
	s0 =	smul.u32 $0x29, s3;
	s1 =	rddreg [dreg:$0x7];
	s9 =	simm.s32 $0x3  }
0xd9: {  	[tilespmem:s3], [sflag:$0x3] =	stream.linear.gather [hbm4b:s1+s3], $0x6400, $0x38;
	[tilespmem:$0xB280] =	vst v63  }
0xda: {  	p1 =	por $0x1, $0x1;
	_ =	swait.ge [sflag:s9], $0x6400;
	s0 =	sshrl.u32 s0, $0xA  }
0xdb: {  	p0 =	por p1, p1;
	[sflag:s9] =	ssyncset.done $0x0;
	s10 =	sand.u32 $0x3F, s0  }
0xdc: {  	s0 =	simm.s32 @!p0 $0x2;
	[sflag:s9] =	ssyncadd.s32 $0xFFFF9C00;
	s1 =	smul.u32 $0x19, s10  }
0xdd: {  	_ =	swait.ge @!p0 [sflag:s0], $0x1000  }
0xde: {  	[sflag:s0] =	ssyncset.done @!p0 $0x0;
	s1 =	ssub.s32 $0x0, s1  }
0xdf: {  	s20 =	simm.s32 $0x1F0;
	[sflag:s0] =	ssyncadd.s32 @!p0 $0xFFFFF000;
	s1 =	sand.u32 $0xFF, s1  }
0xe0: {  	v25 =	vld [tilespmem:s20+$0xFFFFFE10];
	s1 =	sshll.u32 s1, $0x7  }
0xe1: {  	v26 =	vld [tilespmem:s1+$0x6400];
	_ =	sdelay $0x3  }
0xe2: {  	vm0 =	veq.s32 v25, $0x0  }
0xe3: {  	v25 =	vsel vm0, $0x0, v26  }
0xe4: {  	[tilespmem:$0x7080] =	vst v25  }
0xe5: {  	v25 =	vld [tilespmem:s20+$0xFFFFFE20]  }
0xe6: {  	v26 =	vld [tilespmem:s1+$0x6410];
	_ =	sdelay $0x3  }
0xe7: {  	vm10 =	veq.s32 v25, $0x0  }
0xe8: {  	v25 =	vsel vm10, $0x0, v26  }
0xe9: {  	[tilespmem:$0x7090] =	vst v25  }
0xea: {  	v25 =	vld [tilespmem:s20+$0xFFFFFE30]  }
0xeb: {  	v26 =	vld [tilespmem:s1+$0x6420];
	_ =	sdelay $0x3  }
0xec: {  	vm11 =	veq.s32 v25, $0x0  }
0xed: {  	v25 =	vsel vm11, $0x0, v26  }
0xee: {  	[tilespmem:$0x70A0] =	vst v25  }
0xef: {  	v25 =	vld [tilespmem:s20+$0xFFFFFE40]  }
0xf0: {  	v26 =	vld [tilespmem:s1+$0x6430];
	_ =	sdelay $0x3  }
0xf1: {  	vm12 =	veq.s32 v25, $0x0  }
0xf2: {  	v25 =	vsel vm12, $0x0, v26  }
0xf3: {  	[tilespmem:$0x70B0] =	vst v25  }
0xf4: {  	v25 =	vld [tilespmem:s20+$0xFFFFFE50]  }
0xf5: {  	v26 =	vld [tilespmem:s1+$0x6440];
	_ =	sdelay $0x3  }
0xf6: {  	vm13 =	veq.s32 v25, $0x0  }
0xf7: {  	v25 =	vsel vm13, $0x0, v26  }
0xf8: {  	[tilespmem:$0x70C0] =	vst v25  }
0xf9: {  	v25 =	vld [tilespmem:s20+$0xFFFFFE60]  }
0xfa: {  	v26 =	vld [tilespmem:s1+$0x6450];
	_ =	sdelay $0x3  }
0xfb: {  	vm14 =	veq.s32 v25, $0x0  }
0xfc: {  	v25 =	vsel vm14, $0x0, v26  }
0xfd: {  	[tilespmem:$0x70D0] =	vst v25  }
0xfe: {  	v25 =	vld [tilespmem:s20+$0xFFFFFE70]  }
0xff: {  	v26 =	vld [tilespmem:s1+$0x6460];
	_ =	sdelay $0x3  }
0x100: {  	vm15 =	veq.s32 v25, $0x0  }
0x101: {  	v25 =	vsel vm15, $0x0, v26  }
0x102: {  	[tilespmem:$0x70E0] =	vst v25  }
0x103: {  	v25 =	vld [tilespmem:s20+$0xFFFFFE80]  }
0x104: {  	v26 =	vld [tilespmem:s1+$0x6470];
	_ =	sdelay $0x2  }
0x105: {  	s1 =	simm.s32 @!p1 $0x1  }
0x106: {  	s1 =	simm.s32 @p1 $0x1;
	vm4 =	veq.s32 v25, $0x0  }
0x107: {  	s6 =	simm.s32 @!p0 $0x1;
	s7 =	rddreg [dreg:$0x3];
	s11 =	sand.u32 $0xFF, s1;
	v25 =	vsel vm4, $0x0, v26  }
0x108: {  	s10 =	simm.s32 @!p0 $0x9280;
	s16 =	rddreg [dreg:$0xb];
	s9 =	smul.u32 $0x29, s11;
	[tilespmem:$0x70F0] =	vst v25  }
0x109: {  	[tilespmem:s13], [sflag:$0x1] =	stream.indirect.gather [hbm4b:s5+s12], $0x20, s7, s12, $0xb8;
	[tilespmem:$0xB280] =	vst v63  }
0x10a: {  	s8 =	sadd.s32 @!p1 $0x1FFFFC00, s16;
	s19 =	sshrl.u32 s9, $0xA;
	_ =	swait.ge @!p0 [sflag:s6], $0x1000  }
0x10b: {  	s7 =	sand.u32 @!p1 $0x1FFFFC00, s8;
	s8 =	smul.u32 $0x19, s19;
	[sflag:s6] =	ssyncset.done @!p0 $0x0  }
0x10c: {  	s9 =	sadd.s32 @!p1 s2, s7;
	s7 =	simm.s32 @!p0 $0x0;
	[sflag:s6] =	ssyncadd.s32 @!p0 $0xFFFFF000  }
0x10d: {  	[hbm4b:s9+s7] =	stream.linear.scatter @!p0 [tilespmem:s10], [sflag:$0x2], $0x1000, $0x38;
	[tilespmem:$0xB280] =	vst v63  }
0x10e: {  	_ =	swait.ge @!p0 [sflag:s0], $0x1000  }
0x10f: {  	s8 =	ssub.s32 s1, s8;
	[sflag:s0] =	ssyncset.done @!p0 $0x0  }
0x110: {  	s1 =	sshll.u32 s1, $0x7;
	s8 =	sand.u32 $0xFF, s8;
	[sflag:s0] =	ssyncadd.s32 @!p0 $0xFFFFF000  }
0x111: {  	s8 =	sshll.u32 s8, $0x7;
	v25 =	vld [tilespmem:s1+$0x0]  }
0x112: {  	v26 =	vld [tilespmem:s8+$0x6400];
	_ =	sdelay $0x3  }
0x113: {  	vm5 =	veq.s32 v25, $0x0  }
0x114: {  	v25 =	vsel vm5, $0x0, v26  }
0x115: {  	[tilespmem:$0x7100] =	vst v25  }
0x116: {  	v25 =	vld [tilespmem:s1+$0x10]  }
0x117: {  	v26 =	vld [tilespmem:s8+$0x6410];
	_ =	sdelay $0x3  }
0x118: {  	vm6 =	veq.s32 v25, $0x0  }
0x119: {  	v25 =	vsel vm6, $0x0, v26  }
0x11a: {  	[tilespmem:$0x7110] =	vst v25  }
0x11b: {  	v25 =	vld [tilespmem:s1+$0x20]  }
0x11c: {  	v26 =	vld [tilespmem:s8+$0x6420];
	_ =	sdelay $0x3  }
0x11d: {  	vm7 =	veq.s32 v25, $0x0  }
0x11e: {  	v25 =	vsel vm7, $0x0, v26  }
0x11f: {  	[tilespmem:$0x7120] =	vst v25  }
0x120: {  	v25 =	vld [tilespmem:s1+$0x30]  }
0x121: {  	v26 =	vld [tilespmem:s8+$0x6430];
	_ =	sdelay $0x3  }
0x122: {  	vm8 =	veq.s32 v25, $0x0  }
0x123: {  	v25 =	vsel vm8, $0x0, v26  }
0x124: {  	[tilespmem:$0x7130] =	vst v25  }
0x125: {  	v25 =	vld [tilespmem:s1+$0x40]  }
0x126: {  	v26 =	vld [tilespmem:s8+$0x6440];
	_ =	sdelay $0x3  }
0x127: {  	vm9 =	veq.s32 v25, $0x0  }
0x128: {  	v25 =	vsel vm9, $0x0, v26  }
0x129: {  	[tilespmem:$0x7140] =	vst v25  }
0x12a: {  	v25 =	vld [tilespmem:s1+$0x50]  }
0x12b: {  	v26 =	vld [tilespmem:s8+$0x6450];
	_ =	sdelay $0x3  }
0x12c: {  	vm10 =	veq.s32 v25, $0x0  }
0x12d: {  	v25 =	vsel vm10, $0x0, v26  }
0x12e: {  	[tilespmem:$0x7150] =	vst v25  }
0x12f: {  	v25 =	vld [tilespmem:s1+$0x60]  }
0x130: {  	v26 =	vld [tilespmem:s8+$0x6460];
	_ =	sdelay $0x3  }
0x131: {  	vm11 =	veq.s32 v25, $0x0  }
0x132: {  	v25 =	vsel vm11, $0x0, v26  }
0x133: {  	[tilespmem:$0x7160] =	vst v25  }
0x134: {  	v25 =	vld [tilespmem:s1+$0x70]  }
0x135: {  	v26 =	vld [tilespmem:s8+$0x6470];
	_ =	sdelay $0x2  }
0x136: {  	s8 =	simm.s32 @!p1 $0x2  }
0x137: {  	s8 =	simm.s32 @p1 $0x2;
	vm12 =	veq.s32 v25, $0x0  }
0x138: {  	s22 =	sand.u32 $0xFF, s8;
	v25 =	vsel vm12, $0x0, v26  }
0x139: {  	s11 =	sadd.s32 @!p1 $0x1FFFFE00, s16;
	s21 =	rddreg [dreg:$0x4];
	s10 =	smul.u32 $0x29, s22;
	[tilespmem:$0x7170] =	vst v25  }
0x13a: {  	[tilespmem:s15], [sflag:$0x1] =	stream.indirect.gather [hbm4b:s5+s12], $0x20, s21, s12, $0xb8;
	[tilespmem:$0xB280] =	vst v63  }
0x13b: {  	s9 =	sand.u32 @!p1 $0x1FFFFE00, s11;
	_ =	swait.ge @!p0 [sflag:s6], $0x1000  }
0x13c: {  	s9 =	sadd.s32 @!p1 s2, s9;
	s10 =	sshrl.u32 s10, $0xA;
	[sflag:s6] =	ssyncset.done @!p0 $0x0  }
0x13d: {  	s10 =	smul.u32 $0x19, s10;
	[sflag:s6] =	ssyncadd.s32 @!p0 $0xFFFFF000;
	s6 =	simm.s32 @!p0 $0xA280  }
0x13e: {  	[hbm4b:s9+s7] =	stream.linear.scatter @!p0 [tilespmem:s6], [sflag:$0x2], $0x1000, $0x38;
	[tilespmem:$0xB280] =	vst v63  }
0x13f: {  	_ =	swait.ge @!p0 [sflag:s0], $0x1000  }
0x140: {  	s23 =	sshll.u32 s8, $0x9;
	s24 =	ssub.s32 s8, s10;
	[sflag:s0] =	ssyncset.done @!p0 $0x0  }
0x141: {  	s7 =	sand.u32 $0xFF, s24;
	s6 =	sshra.s32 s23, $0x2;
	[sflag:s0] =	ssyncadd.s32 @!p0 $0xFFFFF000  }
0x142: {  	s7 =	sshll.u32 s7, $0x7;
	v25 =	vld [tilespmem:s6+$0x0]  }
0x143: {  	v26 =	vld [tilespmem:s7+$0x6400];
	_ =	sdelay $0x3  }
0x144: {  	vm13 =	veq.s32 v25, $0x0  }
0x145: {  	v25 =	vsel vm13, $0x0, v26  }
0x146: {  	[tilespmem:$0x7180] =	vst v25  }
0x147: {  	v25 =	vld [tilespmem:s6+$0x10]  }
0x148: {  	v26 =	vld [tilespmem:s7+$0x6410];
	_ =	sdelay $0x3  }
0x149: {  	vm14 =	veq.s32 v25, $0x0  }
0x14a: {  	v25 =	vsel vm14, $0x0, v26  }
0x14b: {  	[tilespmem:$0x7190] =	vst v25  }
0x14c: {  	v25 =	vld [tilespmem:s6+$0x20]  }
0x14d: {  	v26 =	vld [tilespmem:s7+$0x6420];
	_ =	sdelay $0x3  }
0x14e: {  	vm15 =	veq.s32 v25, $0x0  }
0x14f: {  	v25 =	vsel vm15, $0x0, v26  }
0x150: {  	[tilespmem:$0x71A0] =	vst v25  }
0x151: {  	v25 =	vld [tilespmem:s6+$0x30]  }
0x152: {  	v26 =	vld [tilespmem:s7+$0x6430];
	_ =	sdelay $0x3  }
0x153: {  	vm4 =	veq.s32 v25, $0x0  }
0x154: {  	v25 =	vsel vm4, $0x0, v26  }
0x155: {  	[tilespmem:$0x71B0] =	vst v25  }
0x156: {  	v25 =	vld [tilespmem:s6+$0x40]  }
0x157: {  	v26 =	vld [tilespmem:s7+$0x6440];
	_ =	sdelay $0x3  }
0x158: {  	vm5 =	veq.s32 v25, $0x0  }
0x159: {  	v25 =	vsel vm5, $0x0, v26  }
0x15a: {  	[tilespmem:$0x71C0] =	vst v25  }
0x15b: {  	v25 =	vld [tilespmem:s6+$0x50]  }
0x15c: {  	v26 =	vld [tilespmem:s7+$0x6450];
	_ =	sdelay $0x3  }
0x15d: {  	vm6 =	veq.s32 v25, $0x0  }
0x15e: {  	v25 =	vsel vm6, $0x0, v26  }
0x15f: {  	[tilespmem:$0x71D0] =	vst v25  }
0x160: {  	v25 =	vld [tilespmem:s6+$0x60]  }
0x161: {  	v26 =	vld [tilespmem:s7+$0x6460];
	_ =	sdelay $0x3  }
0x162: {  	vm7 =	veq.s32 v25, $0x0  }
0x163: {  	v25 =	vsel vm7, $0x0, v26  }
0x164: {  	[tilespmem:$0x71E0] =	vst v25  }
0x165: {  	v25 =	vld [tilespmem:s6+$0x70]  }
0x166: {  	v26 =	vld [tilespmem:s7+$0x6470];
	_ =	sdelay $0x3  }
0x167: {  	vm8 =	veq.s32 v25, $0x0  }
0x168: {  	s26 =	simm.s32 $0x3;
	v25 =	vsel vm8, $0x0, v26  }
0x169: {  	s25 =	rddreg [dreg:$0x5];
	s7 =	smul.u32 $0x29, s26;
	[tilespmem:$0x71F0] =	vst v25  }
0x16a: {  	[tilespmem:s18], [sflag:$0x1] =	stream.indirect.gather [hbm4b:s5+s12], $0x20, s25, s12, $0xb8;
	[tilespmem:$0xB280] =	vst v63  }
0x16b: {  	s8 =	sshrl.u32 s7, $0xA;
	_ =	swait.ge [sflag:s14], $0x1000  }
0x16c: {  	s6 =	sand.u32 $0x3F, s8;
	[sflag:s14] =	ssyncset.done $0x0  }
0x16d: {  	s9 =	sadd.s32 s16, s2;
	s6 =	smul.u32 $0x19, s6;
	[sflag:s14] =	ssyncadd.s32 $0xFFFFF000  }
0x16e: {  	[hbm4b:s9+s3] =	stream.linear.scatter [tilespmem:s13], [sflag:$0x2], $0x1000, $0x38;
	[tilespmem:$0xB280] =	vst v63  }
0x16f: {  	_ =	swait.ge @!p0 [sflag:s0], $0x1000  }
0x170: {  	s6 =	ssub.s32 $0x3, s6;
	[sflag:s0] =	ssyncset.done @!p0 $0x0  }
0x171: {  	s6 =	sand.u32 $0xFF, s6;
	[sflag:s0] =	ssyncadd.s32 @!p0 $0xFFFFF000  }
0x172: {  	s0 =	sshll.u32 s6, $0x7;
	v25 =	vld [tilespmem:s20+$0xFFFFFF90]  }
0x173: {  	v26 =	vld [tilespmem:s0+$0x6400];
	_ =	sdelay $0x3  }
0x174: {  	vm9 =	veq.s32 v25, $0x0  }
0x175: {  	v25 =	vsel vm9, $0x0, v26  }
0x176: {  	[tilespmem:$0x7200] =	vst v25  }
0x177: {  	v25 =	vld [tilespmem:s20+$0xFFFFFFA0]  }
0x178: {  	v26 =	vld [tilespmem:s0+$0x6410];
	_ =	sdelay $0x3  }
0x179: {  	vm10 =	veq.s32 v25, $0x0  }
0x17a: {  	v25 =	vsel vm10, $0x0, v26  }
0x17b: {  	[tilespmem:$0x7210] =	vst v25  }
0x17c: {  	v25 =	vld [tilespmem:s20+$0xFFFFFFB0]  }
0x17d: {  	v26 =	vld [tilespmem:s0+$0x6420];
	_ =	sdelay $0x3  }
0x17e: {  	vm11 =	veq.s32 v25, $0x0  }
0x17f: {  	v25 =	vsel vm11, $0x0, v26  }
0x180: {  	[tilespmem:$0x7220] =	vst v25  }
0x181: {  	v25 =	vld [tilespmem:s20+$0xFFFFFFC0]  }
0x182: {  	v26 =	vld [tilespmem:s0+$0x6430];
	_ =	sdelay $0x3  }
0x183: {  	vm12 =	veq.s32 v25, $0x0  }
0x184: {  	v25 =	vsel vm12, $0x0, v26  }
0x185: {  	[tilespmem:$0x7230] =	vst v25  }
0x186: {  	v25 =	vld [tilespmem:s20+$0xFFFFFFD0]  }
0x187: {  	v26 =	vld [tilespmem:s0+$0x6440];
	_ =	sdelay $0x3  }
0x188: {  	vm13 =	veq.s32 v25, $0x0  }
0x189: {  	v25 =	vsel vm13, $0x0, v26  }
0x18a: {  	[tilespmem:$0x7240] =	vst v25  }
0x18b: {  	v25 =	vld [tilespmem:s20+$0xFFFFFFE0]  }
0x18c: {  	v26 =	vld [tilespmem:s0+$0x6450];
	_ =	sdelay $0x3  }
0x18d: {  	p0 =	por $0x0, $0x0;
	vm14 =	veq.s32 v25, $0x0  }
0x18e: {  	s31 =	simm.s32 $0x8;
	s6 =	simm.s32 @!p0 $0x6;
	v25 =	vsel vm14, $0x0, v26  }
0x18f: {  	s30 =	sadd.s32 $0x800, s16;
	s26 =	simm.s32 @!p0 $0x5;
	s6 =	simm.s32 @p0 $0x2;
	[tilespmem:$0x7250] =	vst v25  }
0x190: {  	s1 =	sadd.s32 s4, s1;
	s26 =	simm.s32 @p0 $0x1;
	s10 =	sand.u32 $0xFF, s6;
	v25 =	vld [tilespmem:s20+$0xFFFFFFF0]  }
0x191: {  	s1 =	sshll.u32 s1, $0x2;
	s11 =	sand.u32 $0xFF, s26;
	s8 =	smul.u32 $0x29, s10;
	v26 =	vld [tilespmem:s0+$0x6460]  }
0x192: {  	s1 =	sand.u32 $0x1FFFFA00, s1;
	s21 =	simm.s32 $0x4;
	s9 =	smul.u32 $0x29, s11  }
0x193: {  	s19 =	smul.u32 $0x29, s21;
	s7 =	sadd.s32 @!p0 $0x1FFFFC00, s30;
	s8 =	sshrl.u32 s8, $0xA  }
0x194: {  	s7 =	sand.u32 @!p0 $0x1FFFFC00, s7;
	s16 =	sshrl.u32 s9, $0xA;
	s8 =	smul.u32 $0x19, s8  }
0x195: {  	s28 =	sadd.s32 @!p0 s2, s7;
	s10 =	sadd.s32 @!p0 $0x1FFFFE00, s30;
	s7 =	smul.u32 $0x19, s16;
	vm15 =	veq.s32 v25, $0x0  }
0x196: {  	s22 =	sshrl.u32 s19, $0xA;
	s23 =	sshll.u32 s6, $0x9;
	s10 =	sand.u32 @!p0 $0x1FFFFE00, s10;
	v25 =	vsel vm15, $0x0, v26  }
0x197: {  	s24 =	sadd.s32 @!p0 s2, s10;
	s6 =	ssub.s32 s6, s8;
	s7 =	ssub.s32 s26, s7;
	[tilespmem:$0x7260] =	vst v25  }
0x198: {  	p0 =	por p0, p0;
	s25 =	sand.u32 $0xFF, s6;
	s29 =	sand.u32 $0xFF, s7;
	v26 =	vld [tilespmem:s20+$0x0]  }
0x199: {  	s7 =	sadd.s32 s2, s1;
	s6 =	sand.u32 $0x3F, s22;
	s22 =	smov.u32 s30;
	v25 =	vld [tilespmem:s0+$0x6470]  }
.LBB2_2:
0x19a: {  	_ =	sdelay $0x2  }
0x19b: {  	vm0 =	veq.s32 v26, $0x0  }
0x19c: {  	v25 =	vsel vm0, $0x0, v25  }
0x19d: {  	s8 =	rddreg [dreg:$0x6];
	[tilespmem:$0x7270] =	vst v25  }
0x19e: {  	[tilespmem:s17], [sflag:$0x1] =	stream.indirect.gather [hbm4b:s5+s12], $0x20, s8, s12, $0xb8;
	[tilespmem:$0xB280] =	vst v63  }
0x19f: {  	s1 =	simm.s32 @!p0 $0x2;
	_ =	swait.ge [sflag:s14], $0x1000  }
0x1a0: {  	s0 =	smov.u32 s31;
	s30 =	sadd.s32 $0x800, s30;
	[sflag:s14] =	ssyncset.done $0x0  }
0x1a1: {  	s19 =	smul.u32 $0x19, s6;
	p2 =	seq.s32 s0, $0x0;
	[sflag:s14] =	ssyncadd.s32 $0xFFFFF000  }
0x1a2: {  	[hbm4b:s7+s3] =	stream.linear.scatter [tilespmem:s15], [sflag:$0x2], $0x1000, $0x38;
	[tilespmem:$0xB280] =	vst v63  }
0x1a3: {  	s20 =	sadd.s32 $0x200, s20;
	s16 =	sadd.s32 @!p2 $0x1FFFFE00, s30;
	_ =	swait.ge @!p0 [sflag:s1], $0x1000  }
0x1a4: {  	s19 =	ssub.s32 s21, s19;
	s16 =	sand.u32 @!p2 $0x1FFFFE00, s16;
	[sflag:s1] =	ssyncset.done @!p0 $0x0  }
0x1a5: {  	s7 =	sadd.s32 @!p2 s2, s16;
	s16 =	sand.u32 $0xFF, s19;
	[sflag:s1] =	ssyncadd.s32 @!p0 $0xFFFFF000  }
0x1a6: {  	s16 =	sshll.u32 s16, $0x7;
	v25 =	vld [tilespmem:s20+$0xFFFFFE10]  }
0x1a7: {  	v26 =	vld [tilespmem:s16+$0x6400];
	_ =	sdelay $0x3  }
0x1a8: {  	vm9 =	veq.s32 v25, $0x0  }
0x1a9: {  	v25 =	vsel vm9, $0x0, v26  }
0x1aa: {  	[tilespmem:$0x7080] =	vst v25  }
0x1ab: {  	v25 =	vld [tilespmem:s20+$0xFFFFFE20]  }
0x1ac: {  	v26 =	vld [tilespmem:s16+$0x6410];
	_ =	sdelay $0x3  }
0x1ad: {  	vm10 =	veq.s32 v25, $0x0  }
0x1ae: {  	v25 =	vsel vm10, $0x0, v26  }
0x1af: {  	[tilespmem:$0x7090] =	vst v25  }
0x1b0: {  	v25 =	vld [tilespmem:s20+$0xFFFFFE30]  }
0x1b1: {  	v26 =	vld [tilespmem:s16+$0x6420];
	_ =	sdelay $0x3  }
0x1b2: {  	vm11 =	veq.s32 v25, $0x0  }
0x1b3: {  	v25 =	vsel vm11, $0x0, v26  }
0x1b4: {  	[tilespmem:$0x70A0] =	vst v25  }
0x1b5: {  	v25 =	vld [tilespmem:s20+$0xFFFFFE40]  }
0x1b6: {  	v26 =	vld [tilespmem:s16+$0x6430];
	_ =	sdelay $0x3  }
0x1b7: {  	vm12 =	veq.s32 v25, $0x0  }
0x1b8: {  	v25 =	vsel vm12, $0x0, v26  }
0x1b9: {  	[tilespmem:$0x70B0] =	vst v25  }
0x1ba: {  	v25 =	vld [tilespmem:s20+$0xFFFFFE50]  }
0x1bb: {  	v26 =	vld [tilespmem:s16+$0x6440];
	_ =	sdelay $0x3  }
0x1bc: {  	vm13 =	veq.s32 v25, $0x0  }
0x1bd: {  	v25 =	vsel vm13, $0x0, v26  }
0x1be: {  	[tilespmem:$0x70C0] =	vst v25  }
0x1bf: {  	v25 =	vld [tilespmem:s20+$0xFFFFFE60]  }
0x1c0: {  	v26 =	vld [tilespmem:s16+$0x6450];
	_ =	sdelay $0x3  }
0x1c1: {  	vm14 =	veq.s32 v25, $0x0  }
0x1c2: {  	v25 =	vsel vm14, $0x0, v26  }
0x1c3: {  	[tilespmem:$0x70D0] =	vst v25  }
0x1c4: {  	v25 =	vld [tilespmem:s20+$0xFFFFFE70]  }
0x1c5: {  	v26 =	vld [tilespmem:s16+$0x6460];
	_ =	sdelay $0x3  }
0x1c6: {  	vm15 =	veq.s32 v25, $0x0  }
0x1c7: {  	s10 =	sadd.s32 @!p2 $0x2, s0;
	v25 =	vsel vm15, $0x0, v26  }
0x1c8: {  	s9 =	sadd.s32 @!p2 $0x1FFFFC00, s30;
	s11 =	sadd.s32 @!p2 $0x1, s0;
	s10 =	simm.s32 @p2 $0x2;
	[tilespmem:$0x70E0] =	vst v25  }
0x1c9: {  	s9 =	sand.u32 @!p2 $0x1FFFFC00, s9;
	s11 =	simm.s32 @p2 $0x1;
	s17 =	sand.u32 $0xFF, s10;
	v25 =	vld [tilespmem:s20+$0xFFFFFE80]  }
0x1ca: {  	s6 =	sadd.s32 @!p2 s2, s9;
	s8 =	sand.u32 $0xFF, s11;
	s9 =	smul.u32 $0x29, s17;
	v26 =	vld [tilespmem:s16+$0x6470]  }
0x1cb: {  	s8 =	smul.u32 $0x29, s8  }
0x1cc: {  	s9 =	sshrl.u32 s9, $0xA  }
0x1cd: {  	s8 =	sshrl.u32 s8, $0xA;
	s9 =	smul.u32 $0x19, s9  }
0x1ce: {  	s17 =	smul.u32 $0x19, s8;
	vm4 =	veq.s32 v25, $0x0  }
0x1cf: {  	s8 =	sshll.u32 s10, $0x9;
	s9 =	ssub.s32 s10, s9;
	v25 =	vsel vm4, $0x0, v26  }
0x1d0: {  	s19 =	ssub.s32 s11, s17;
	s10 =	simm.s32 @!p0 $0x1;
	s17 =	rddreg [dreg:$0x3];
	[tilespmem:$0x70F0] =	vst v25  }
0x1d1: {  	[tilespmem:s13], [sflag:$0x1] =	stream.indirect.gather [hbm4b:s5+s12], $0x20, s17, s12, $0xb8;
	[tilespmem:$0xB280] =	vst v63  }
0x1d2: {  	_ =	swait.ge @!p0 [sflag:s10], $0x1000  }
0x1d3: {  	[sflag:s10] =	ssyncset.done @!p0 $0x0  }
0x1d4: {  	s16 =	simm.s32 @!p0 $0x0;
	s17 =	simm.s32 @!p0 $0x9280;
	[sflag:s10] =	ssyncadd.s32 @!p0 $0xFFFFF000  }
0x1d5: {  	[hbm4b:s28+s16] =	stream.linear.scatter @!p0 [tilespmem:s17], [sflag:$0x2], $0x1000, $0x38;
	[tilespmem:$0xB280] =	vst v63  }
0x1d6: {  	_ =	swait.ge @!p0 [sflag:s1], $0x1000  }
0x1d7: {  	[sflag:s1] =	ssyncset.done @!p0 $0x0  }
0x1d8: {  	s28 =	smov.u32 s6;
	s6 =	sshll.u32 s26, $0x7;
	[sflag:s1] =	ssyncadd.s32 @!p0 $0xFFFFF000  }
0x1d9: {  	s26 =	smov.u32 s11;
	s11 =	sshll.u32 s29, $0x7;
	v25 =	vld [tilespmem:s6+$0x0]  }
0x1da: {  	v26 =	vld [tilespmem:s11+$0x6400];
	_ =	sdelay $0x3  }
0x1db: {  	vm5 =	veq.s32 v25, $0x0  }
0x1dc: {  	v25 =	vsel vm5, $0x0, v26  }
0x1dd: {  	[tilespmem:$0x7100] =	vst v25  }
0x1de: {  	v25 =	vld [tilespmem:s6+$0x10]  }
0x1df: {  	v26 =	vld [tilespmem:s11+$0x6410];
	_ =	sdelay $0x3  }
0x1e0: {  	vm6 =	veq.s32 v25, $0x0  }
0x1e1: {  	v25 =	vsel vm6, $0x0, v26  }
0x1e2: {  	[tilespmem:$0x7110] =	vst v25  }
0x1e3: {  	v25 =	vld [tilespmem:s6+$0x20]  }
0x1e4: {  	v26 =	vld [tilespmem:s11+$0x6420];
	_ =	sdelay $0x3  }
0x1e5: {  	vm7 =	veq.s32 v25, $0x0  }
0x1e6: {  	v25 =	vsel vm7, $0x0, v26  }
0x1e7: {  	[tilespmem:$0x7120] =	vst v25  }
0x1e8: {  	v25 =	vld [tilespmem:s6+$0x30]  }
0x1e9: {  	v26 =	vld [tilespmem:s11+$0x6430];
	_ =	sdelay $0x3  }
0x1ea: {  	vm8 =	veq.s32 v25, $0x0  }
0x1eb: {  	v25 =	vsel vm8, $0x0, v26  }
0x1ec: {  	[tilespmem:$0x7130] =	vst v25  }
0x1ed: {  	v25 =	vld [tilespmem:s6+$0x40]  }
0x1ee: {  	v26 =	vld [tilespmem:s11+$0x6440];
	_ =	sdelay $0x3  }
0x1ef: {  	vm9 =	veq.s32 v25, $0x0  }
0x1f0: {  	v25 =	vsel vm9, $0x0, v26  }
0x1f1: {  	[tilespmem:$0x7140] =	vst v25  }
0x1f2: {  	v25 =	vld [tilespmem:s6+$0x50]  }
0x1f3: {  	v26 =	vld [tilespmem:s11+$0x6450];
	_ =	sdelay $0x3  }
0x1f4: {  	vm10 =	veq.s32 v25, $0x0  }
0x1f5: {  	v25 =	vsel vm10, $0x0, v26  }
0x1f6: {  	[tilespmem:$0x7150] =	vst v25  }
0x1f7: {  	v25 =	vld [tilespmem:s6+$0x60]  }
0x1f8: {  	v26 =	vld [tilespmem:s11+$0x6460];
	_ =	sdelay $0x3  }
0x1f9: {  	vm11 =	veq.s32 v25, $0x0  }
0x1fa: {  	v25 =	vsel vm11, $0x0, v26  }
0x1fb: {  	[tilespmem:$0x7160] =	vst v25  }
0x1fc: {  	v25 =	vld [tilespmem:s6+$0x70]  }
0x1fd: {  	v26 =	vld [tilespmem:s11+$0x6470];
	_ =	sdelay $0x3  }
0x1fe: {  	vm12 =	veq.s32 v25, $0x0  }
0x1ff: {  	s19 =	sand.u32 $0xFF, s19;
	v25 =	vsel vm12, $0x0, v26  }
0x200: {  	s29 =	smov.u32 s19;
	s19 =	rddreg [dreg:$0x4];
	[tilespmem:$0x7170] =	vst v25  }
0x201: {  	[tilespmem:s15], [sflag:$0x1] =	stream.indirect.gather [hbm4b:s5+s12], $0x20, s19, s12, $0xb8;
	[tilespmem:$0xB280] =	vst v63  }
0x202: {  	_ =	swait.ge @!p0 [sflag:s10], $0x1000  }
0x203: {  	[sflag:s10] =	ssyncset.done @!p0 $0x0  }
0x204: {  	[sflag:s10] =	ssyncadd.s32 @!p0 $0xFFFFF000;
	s10 =	simm.s32 @!p0 $0xA280  }
0x205: {  	[hbm4b:s24+s16] =	stream.linear.scatter @!p0 [tilespmem:s10], [sflag:$0x2], $0x1000, $0x38;
	[tilespmem:$0xB280] =	vst v63  }
0x206: {  	_ =	swait.ge @!p0 [sflag:s1], $0x1000  }
0x207: {  	[sflag:s1] =	ssyncset.done @!p0 $0x0  }
0x208: {  	s11 =	sshra.s32 s23, $0x2;
	[sflag:s1] =	ssyncadd.s32 @!p0 $0xFFFFF000  }
0x209: {  	s16 =	sshll.u32 s25, $0x7;
	v25 =	vld [tilespmem:s11+$0x0]  }
0x20a: {  	v26 =	vld [tilespmem:s16+$0x6400];
	_ =	sdelay $0x3  }
0x20b: {  	vm13 =	veq.s32 v25, $0x0  }
0x20c: {  	v25 =	vsel vm13, $0x0, v26  }
0x20d: {  	[tilespmem:$0x7180] =	vst v25  }
0x20e: {  	v25 =	vld [tilespmem:s11+$0x10]  }
0x20f: {  	v26 =	vld [tilespmem:s16+$0x6410];
	_ =	sdelay $0x3  }
0x210: {  	vm14 =	veq.s32 v25, $0x0  }
0x211: {  	v25 =	vsel vm14, $0x0, v26  }
0x212: {  	[tilespmem:$0x7190] =	vst v25  }
0x213: {  	v25 =	vld [tilespmem:s11+$0x20]  }
0x214: {  	v26 =	vld [tilespmem:s16+$0x6420];
	_ =	sdelay $0x3  }
0x215: {  	vm15 =	veq.s32 v25, $0x0  }
0x216: {  	v25 =	vsel vm15, $0x0, v26  }
0x217: {  	[tilespmem:$0x71A0] =	vst v25  }
0x218: {  	v25 =	vld [tilespmem:s11+$0x30]  }
0x219: {  	v26 =	vld [tilespmem:s16+$0x6430];
	_ =	sdelay $0x3  }
0x21a: {  	vm4 =	veq.s32 v25, $0x0  }
0x21b: {  	v25 =	vsel vm4, $0x0, v26  }
0x21c: {  	[tilespmem:$0x71B0] =	vst v25  }
0x21d: {  	v25 =	vld [tilespmem:s11+$0x40]  }
0x21e: {  	v26 =	vld [tilespmem:s16+$0x6440];
	_ =	sdelay $0x3  }
0x21f: {  	vm5 =	veq.s32 v25, $0x0  }
0x220: {  	v25 =	vsel vm5, $0x0, v26  }
0x221: {  	[tilespmem:$0x71C0] =	vst v25  }
0x222: {  	v25 =	vld [tilespmem:s11+$0x50]  }
0x223: {  	v26 =	vld [tilespmem:s16+$0x6450];
	_ =	sdelay $0x3  }
0x224: {  	vm6 =	veq.s32 v25, $0x0  }
0x225: {  	v25 =	vsel vm6, $0x0, v26  }
0x226: {  	[tilespmem:$0x71D0] =	vst v25  }
0x227: {  	v25 =	vld [tilespmem:s11+$0x60]  }
0x228: {  	v26 =	vld [tilespmem:s16+$0x6460];
	_ =	sdelay $0x3  }
0x229: {  	vm7 =	veq.s32 v25, $0x0  }
0x22a: {  	v25 =	vsel vm7, $0x0, v26  }
0x22b: {  	[tilespmem:$0x71E0] =	vst v25  }
0x22c: {  	v25 =	vld [tilespmem:s11+$0x70]  }
0x22d: {  	v26 =	vld [tilespmem:s16+$0x6470];
	_ =	sdelay $0x3  }
0x22e: {  	vm8 =	veq.s32 v25, $0x0  }
0x22f: {  	s9 =	sand.u32 $0xFF, s9;
	s23 =	smov.u32 s8;
	s19 =	sadd.s32 $0x3, s21;
	v25 =	vsel vm8, $0x0, v26  }
0x230: {  	s8 =	smul.u32 $0x29, s19;
	s25 =	smov.u32 s9;
	s9 =	rddreg [dreg:$0x5];
	[tilespmem:$0x71F0] =	vst v25  }
0x231: {  	[tilespmem:s18], [sflag:$0x1] =	stream.indirect.gather [hbm4b:s5+s12], $0x20, s9, s12, $0xb8;
	[tilespmem:$0xB280] =	vst v63  }
0x232: {  	s21 =	smov.u32 s0;
	s0 =	sshrl.u32 s8, $0xA;
	_ =	swait.ge [sflag:s14], $0x1000  }
0x233: {  	s0 =	sand.u32 $0x3F, s0;
	[sflag:s14] =	ssyncset.done $0x0  }
0x234: {  	s10 =	sadd.s32 s22, s2;
	s0 =	smul.u32 $0x19, s0;
	[sflag:s14] =	ssyncadd.s32 $0xFFFFF000  }
0x235: {  	[hbm4b:s10+s3] =	stream.linear.scatter [tilespmem:s13], [sflag:$0x2], $0x1000, $0x38;
	[tilespmem:$0xB280] =	vst v63  }
0x236: {  	_ =	swait.ge @!p0 [sflag:s1], $0x1000  }
0x237: {  	s0 =	ssub.s32 s19, s0;
	[sflag:s1] =	ssyncset.done @!p0 $0x0  }
0x238: {  	s0 =	sand.u32 $0xFF, s0;
	[sflag:s1] =	ssyncadd.s32 @!p0 $0xFFFFF000  }
0x239: {  	s0 =	sshll.u32 s0, $0x7;
	v25 =	vld [tilespmem:s20+$0xFFFFFF90]  }
0x23a: {  	v26 =	vld [tilespmem:s0+$0x6400];
	_ =	sdelay $0x3  }
0x23b: {  	vm9 =	veq.s32 v25, $0x0  }
0x23c: {  	v25 =	vsel vm9, $0x0, v26  }
0x23d: {  	[tilespmem:$0x7200] =	vst v25  }
0x23e: {  	v25 =	vld [tilespmem:s20+$0xFFFFFFA0]  }
0x23f: {  	v26 =	vld [tilespmem:s0+$0x6410];
	_ =	sdelay $0x3  }
0x240: {  	vm10 =	veq.s32 v25, $0x0  }
0x241: {  	v25 =	vsel vm10, $0x0, v26  }
0x242: {  	[tilespmem:$0x7210] =	vst v25  }
0x243: {  	v25 =	vld [tilespmem:s20+$0xFFFFFFB0]  }
0x244: {  	v26 =	vld [tilespmem:s0+$0x6420];
	_ =	sdelay $0x3  }
0x245: {  	vm11 =	veq.s32 v25, $0x0  }
0x246: {  	v25 =	vsel vm11, $0x0, v26  }
0x247: {  	[tilespmem:$0x7220] =	vst v25  }
0x248: {  	v25 =	vld [tilespmem:s20+$0xFFFFFFC0]  }
0x249: {  	v26 =	vld [tilespmem:s0+$0x6430];
	_ =	sdelay $0x3  }
0x24a: {  	vm12 =	veq.s32 v25, $0x0  }
0x24b: {  	v25 =	vsel vm12, $0x0, v26  }
0x24c: {  	[tilespmem:$0x7230] =	vst v25  }
0x24d: {  	v25 =	vld [tilespmem:s20+$0xFFFFFFD0]  }
0x24e: {  	v26 =	vld [tilespmem:s0+$0x6440];
	_ =	sdelay $0x3  }
0x24f: {  	vm13 =	veq.s32 v25, $0x0  }
0x250: {  	v25 =	vsel vm13, $0x0, v26  }
0x251: {  	[tilespmem:$0x7240] =	vst v25  }
0x252: {  	v25 =	vld [tilespmem:s20+$0xFFFFFFE0]  }
0x253: {  	v26 =	vld [tilespmem:s0+$0x6450];
	_ =	sdelay $0x3  }
0x254: {  	vm14 =	veq.s32 v25, $0x0  }
0x255: {  	v25 =	vsel vm14, $0x0, v26  }
0x256: {  	[tilespmem:$0x7250] =	vst v25  }
0x257: {  	v25 =	vld [tilespmem:s20+$0xFFFFFFF0]  }
0x258: {  	v26 =	vld [tilespmem:s0+$0x6460];
	_ =	sdelay $0x1  }
0x259: {  	s31 =	sadd.s32 $0x4, s31  }
0x25a: {  	p1 =	sne.s32 s31, $0xC8  }
.Ltmp0:
0x25b: {  	vm15 =	veq.s32 v25, $0x0;
	(pc) =	sbr.rel @p1 .LBB2_2-.Ltmp0, $4  }
0x25c: {  	s11 =	sadd.s32 s4, s6;
	s16 =	smul.u32 $0x29, s21;
	v25 =	vsel vm15, $0x0, v26  }
0x25d: {  	s17 =	simm.s32 $0xA280;
	s24 =	smov.u32 s7;
	s1 =	sshll.u32 s11, $0x2;
	[tilespmem:$0x7260] =	vst v25  }
0x25e: {  	s22 =	smov.u32 s30;
	s19 =	sshrl.u32 s16, $0xA;
	s1 =	sand.u32 $0x1FFFFA00, s1;
	v26 =	vld [tilespmem:s20+$0x0]  }
0x25f: {  	s6 =	sand.u32 $0x3F, s19;
	p0 =	por p2, p2;
	s7 =	sadd.s32 s2, s1;
	v25 =	vld [tilespmem:s0+$0x6470]  }
0x260: {  	_ =	sdelay $0x2  }
0x261: {  	vm0 =	veq.s32 v26, $0x0  }
0x262: {  	v25 =	vsel vm0, $0x0, v25  }
0x263: {  	s0 =	rddreg [dreg:$0x6];
	[tilespmem:$0x7270] =	vst v25  }
0x264: {  	[tilespmem:s17], [sflag:$0x1] =	stream.indirect.gather [hbm4b:s5+s12], $0x20, s0, s12, $0xb8;
	[tilespmem:$0xB280] =	vst v63  }
0x265: {  	_ =	swait.ge [sflag:s14], $0x1000  }
0x266: {  	[sflag:s14] =	ssyncset.done $0x0  }
0x267: {  	s1 =	simm.s32 @!p0 $0x2;
	s19 =	smul.u32 $0x19, s6;
	[sflag:s14] =	ssyncadd.s32 $0xFFFFF000  }
0x268: {  	[hbm4b:s7+s3] =	stream.linear.scatter [tilespmem:s15], [sflag:$0x2], $0x1000, $0x38;
	[tilespmem:$0xB280] =	vst v63  }
0x269: {  	_ =	swait.ge @!p0 [sflag:s1], $0x1000  }
0x26a: {  	s6 =	ssub.s32 s21, s19;
	[sflag:s1] =	ssyncset.done @!p0 $0x0  }
0x26b: {  	s6 =	sand.u32 $0xFF, s6;
	s0 =	sadd.s32 $0x200, s20;
	[sflag:s1] =	ssyncadd.s32 @!p0 $0xFFFFF000  }
0x26c: {  	s6 =	sshll.u32 s6, $0x7;
	v25 =	vld [tilespmem:s0+$0xFFFFFE10]  }
0x26d: {  	v26 =	vld [tilespmem:s6+$0x6400];
	_ =	sdelay $0x3  }
0x26e: {  	vm8 =	veq.s32 v25, $0x0  }
0x26f: {  	v25 =	vsel vm8, $0x0, v26  }
0x270: {  	[tilespmem:$0x7080] =	vst v25  }
0x271: {  	v25 =	vld [tilespmem:s0+$0xFFFFFE20]  }
0x272: {  	v26 =	vld [tilespmem:s6+$0x6410];
	_ =	sdelay $0x3  }
0x273: {  	vm9 =	veq.s32 v25, $0x0  }
0x274: {  	v25 =	vsel vm9, $0x0, v26  }
0x275: {  	[tilespmem:$0x7090] =	vst v25  }
0x276: {  	v25 =	vld [tilespmem:s0+$0xFFFFFE30]  }
0x277: {  	v26 =	vld [tilespmem:s6+$0x6420];
	_ =	sdelay $0x3  }
0x278: {  	vm10 =	veq.s32 v25, $0x0  }
0x279: {  	v25 =	vsel vm10, $0x0, v26  }
0x27a: {  	[tilespmem:$0x70A0] =	vst v25  }
0x27b: {  	v25 =	vld [tilespmem:s0+$0xFFFFFE40]  }
0x27c: {  	v26 =	vld [tilespmem:s6+$0x6430];
	_ =	sdelay $0x3  }
0x27d: {  	vm11 =	veq.s32 v25, $0x0  }
0x27e: {  	v25 =	vsel vm11, $0x0, v26  }
0x27f: {  	[tilespmem:$0x70B0] =	vst v25  }
0x280: {  	v25 =	vld [tilespmem:s0+$0xFFFFFE50]  }
0x281: {  	v26 =	vld [tilespmem:s6+$0x6440];
	_ =	sdelay $0x3  }
0x282: {  	vm12 =	veq.s32 v25, $0x0  }
0x283: {  	v25 =	vsel vm12, $0x0, v26  }
0x284: {  	[tilespmem:$0x70C0] =	vst v25  }
0x285: {  	v25 =	vld [tilespmem:s0+$0xFFFFFE60]  }
0x286: {  	v26 =	vld [tilespmem:s6+$0x6450];
	_ =	sdelay $0x3  }
0x287: {  	vm13 =	veq.s32 v25, $0x0  }
0x288: {  	v25 =	vsel vm13, $0x0, v26  }
0x289: {  	[tilespmem:$0x70D0] =	vst v25  }
0x28a: {  	v25 =	vld [tilespmem:s0+$0xFFFFFE70]  }
0x28b: {  	v26 =	vld [tilespmem:s6+$0x6460];
	_ =	sdelay $0x3  }
0x28c: {  	vm14 =	veq.s32 v25, $0x0  }
0x28d: {  	v25 =	vsel vm14, $0x0, v26  }
0x28e: {  	[tilespmem:$0x70E0] =	vst v25  }
0x28f: {  	v25 =	vld [tilespmem:s0+$0xFFFFFE80]  }
0x290: {  	v26 =	vld [tilespmem:s6+$0x6470];
	_ =	sdelay $0x3  }
0x291: {  	vm15 =	veq.s32 v25, $0x0  }
0x292: {  	v25 =	vsel vm15, $0x0, v26  }
0x293: {  	s7 =	simm.s32 @!p0 $0x1;
	s30 =	rddreg [dreg:$0x3];
	[tilespmem:$0x70F0] =	vst v25  }
0x294: {  	[tilespmem:s13], [sflag:$0x1] =	stream.indirect.gather [hbm4b:s5+s12], $0x20, s30, s12, $0xb8;
	[tilespmem:$0xB280] =	vst v63  }
0x295: {  	_ =	swait.ge @!p0 [sflag:s7], $0x1000  }
0x296: {  	[sflag:s7] =	ssyncset.done @!p0 $0x0  }
0x297: {  	s8 =	simm.s32 @!p0 $0x0;
	s6 =	simm.s32 @!p0 $0x9280;
	[sflag:s7] =	ssyncadd.s32 @!p0 $0xFFFFF000  }
0x298: {  	[hbm4b:s28+s8] =	stream.linear.scatter @!p0 [tilespmem:s6], [sflag:$0x2], $0x1000, $0x38;
	[tilespmem:$0xB280] =	vst v63  }
0x299: {  	_ =	swait.ge @!p0 [sflag:s1], $0x1000  }
0x29a: {  	[sflag:s1] =	ssyncset.done @!p0 $0x0  }
0x29b: {  	s31 =	sshll.u32 s26, $0x7;
	[sflag:s1] =	ssyncadd.s32 @!p0 $0xFFFFF000  }
0x29c: {  	s9 =	sshll.u32 s29, $0x7;
	v25 =	vld [tilespmem:s31+$0x0]  }
0x29d: {  	v26 =	vld [tilespmem:s9+$0x6400];
	_ =	sdelay $0x3  }
0x29e: {  	vm4 =	veq.s32 v25, $0x0  }
0x29f: {  	v25 =	vsel vm4, $0x0, v26  }
0x2a0: {  	[tilespmem:$0x7100] =	vst v25  }
0x2a1: {  	v25 =	vld [tilespmem:s31+$0x10]  }
0x2a2: {  	v26 =	vld [tilespmem:s9+$0x6410];
	_ =	sdelay $0x3  }
0x2a3: {  	vm5 =	veq.s32 v25, $0x0  }
0x2a4: {  	v25 =	vsel vm5, $0x0, v26  }
0x2a5: {  	[tilespmem:$0x7110] =	vst v25  }
0x2a6: {  	v25 =	vld [tilespmem:s31+$0x20]  }
0x2a7: {  	v26 =	vld [tilespmem:s9+$0x6420];
	_ =	sdelay $0x3  }
0x2a8: {  	vm6 =	veq.s32 v25, $0x0  }
0x2a9: {  	v25 =	vsel vm6, $0x0, v26  }
0x2aa: {  	[tilespmem:$0x7120] =	vst v25  }
0x2ab: {  	v25 =	vld [tilespmem:s31+$0x30]  }
0x2ac: {  	v26 =	vld [tilespmem:s9+$0x6430];
	_ =	sdelay $0x3  }
0x2ad: {  	vm7 =	veq.s32 v25, $0x0  }
0x2ae: {  	v25 =	vsel vm7, $0x0, v26  }
0x2af: {  	[tilespmem:$0x7130] =	vst v25  }
0x2b0: {  	v25 =	vld [tilespmem:s31+$0x40]  }
0x2b1: {  	v26 =	vld [tilespmem:s9+$0x6440];
	_ =	sdelay $0x3  }
0x2b2: {  	vm8 =	veq.s32 v25, $0x0  }
0x2b3: {  	v25 =	vsel vm8, $0x0, v26  }
0x2b4: {  	[tilespmem:$0x7140] =	vst v25  }
0x2b5: {  	v25 =	vld [tilespmem:s31+$0x50]  }
0x2b6: {  	v26 =	vld [tilespmem:s9+$0x6450];
	_ =	sdelay $0x3  }
0x2b7: {  	vm9 =	veq.s32 v25, $0x0  }
0x2b8: {  	v25 =	vsel vm9, $0x0, v26  }
0x2b9: {  	[tilespmem:$0x7150] =	vst v25  }
0x2ba: {  	v25 =	vld [tilespmem:s31+$0x60]  }
0x2bb: {  	v26 =	vld [tilespmem:s9+$0x6460];
	_ =	sdelay $0x3  }
0x2bc: {  	vm10 =	veq.s32 v25, $0x0  }
0x2bd: {  	v25 =	vsel vm10, $0x0, v26  }
0x2be: {  	[tilespmem:$0x7160] =	vst v25  }
0x2bf: {  	v25 =	vld [tilespmem:s31+$0x70]  }
0x2c0: {  	v26 =	vld [tilespmem:s9+$0x6470];
	_ =	sdelay $0x3  }
0x2c1: {  	vm11 =	veq.s32 v25, $0x0  }
0x2c2: {  	v25 =	vsel vm11, $0x0, v26  }
0x2c3: {  	s11 =	rddreg [dreg:$0x4];
	[tilespmem:$0x7170] =	vst v25  }
0x2c4: {  	[tilespmem:s15], [sflag:$0x1] =	stream.indirect.gather [hbm4b:s5+s12], $0x20, s11, s12, $0xb8;
	[tilespmem:$0xB280] =	vst v63  }
0x2c5: {  	_ =	swait.ge @!p0 [sflag:s7], $0x1000  }
0x2c6: {  	[sflag:s7] =	ssyncset.done @!p0 $0x0  }
0x2c7: {  	[sflag:s7] =	ssyncadd.s32 @!p0 $0xFFFFF000;
	s7 =	simm.s32 @!p0 $0xA280  }
0x2c8: {  	[hbm4b:s24+s8] =	stream.linear.scatter @!p0 [tilespmem:s7], [sflag:$0x2], $0x1000, $0x38;
	[tilespmem:$0xB280] =	vst v63  }
0x2c9: {  	_ =	swait.ge @!p0 [sflag:s1], $0x1000  }
0x2ca: {  	[sflag:s1] =	ssyncset.done @!p0 $0x0  }
0x2cb: {  	s16 =	sshra.s32 s23, $0x2;
	[sflag:s1] =	ssyncadd.s32 @!p0 $0xFFFFF000  }
0x2cc: {  	s18 =	sshll.u32 s25, $0x7;
	v25 =	vld [tilespmem:s16+$0x0]  }
0x2cd: {  	v26 =	vld [tilespmem:s18+$0x6400];
	_ =	sdelay $0x3  }
0x2ce: {  	vm12 =	veq.s32 v25, $0x0  }
0x2cf: {  	v25 =	vsel vm12, $0x0, v26  }
0x2d0: {  	[tilespmem:$0x7180] =	vst v25  }
0x2d1: {  	v25 =	vld [tilespmem:s16+$0x10]  }
0x2d2: {  	v26 =	vld [tilespmem:s18+$0x6410];
	_ =	sdelay $0x3  }
0x2d3: {  	vm13 =	veq.s32 v25, $0x0  }
0x2d4: {  	v25 =	vsel vm13, $0x0, v26  }
0x2d5: {  	[tilespmem:$0x7190] =	vst v25  }
0x2d6: {  	v25 =	vld [tilespmem:s16+$0x20]  }
0x2d7: {  	v26 =	vld [tilespmem:s18+$0x6420];
	_ =	sdelay $0x3  }
0x2d8: {  	vm14 =	veq.s32 v25, $0x0  }
0x2d9: {  	v25 =	vsel vm14, $0x0, v26  }
0x2da: {  	[tilespmem:$0x71A0] =	vst v25  }
0x2db: {  	v25 =	vld [tilespmem:s16+$0x30]  }
0x2dc: {  	v26 =	vld [tilespmem:s18+$0x6430];
	_ =	sdelay $0x3  }
0x2dd: {  	vm15 =	veq.s32 v25, $0x0  }
0x2de: {  	v25 =	vsel vm15, $0x0, v26  }
0x2df: {  	[tilespmem:$0x71B0] =	vst v25  }
0x2e0: {  	v25 =	vld [tilespmem:s16+$0x40]  }
0x2e1: {  	v26 =	vld [tilespmem:s18+$0x6440];
	_ =	sdelay $0x3  }
0x2e2: {  	vm4 =	veq.s32 v25, $0x0  }
0x2e3: {  	v25 =	vsel vm4, $0x0, v26  }
0x2e4: {  	[tilespmem:$0x71C0] =	vst v25  }
0x2e5: {  	v25 =	vld [tilespmem:s16+$0x50]  }
0x2e6: {  	v26 =	vld [tilespmem:s18+$0x6450];
	_ =	sdelay $0x3  }
0x2e7: {  	vm5 =	veq.s32 v25, $0x0  }
0x2e8: {  	v25 =	vsel vm5, $0x0, v26  }
0x2e9: {  	[tilespmem:$0x71D0] =	vst v25  }
0x2ea: {  	v25 =	vld [tilespmem:s16+$0x60]  }
0x2eb: {  	v26 =	vld [tilespmem:s18+$0x6460];
	_ =	sdelay $0x3  }
0x2ec: {  	vm6 =	veq.s32 v25, $0x0  }
0x2ed: {  	v25 =	vsel vm6, $0x0, v26  }
0x2ee: {  	[tilespmem:$0x71E0] =	vst v25  }
0x2ef: {  	v25 =	vld [tilespmem:s16+$0x70]  }
0x2f0: {  	v26 =	vld [tilespmem:s18+$0x6470];
	_ =	sdelay $0x3  }
0x2f1: {  	vm7 =	veq.s32 v25, $0x0  }
0x2f2: {  	s20 =	sadd.s32 $0x3, s21;
	v25 =	vsel vm7, $0x0, v26  }
0x2f3: {  	s10 =	simm.s32 $0x9280;
	s21 =	smul.u32 $0x29, s20;
	s19 =	rddreg [dreg:$0x5];
	[tilespmem:$0x71F0] =	vst v25  }
0x2f4: {  	[tilespmem:s10], [sflag:$0x1] =	stream.indirect.gather [hbm4b:s5+s12], $0x20, s19, s12, $0xb8;
	[tilespmem:$0xB280] =	vst v63  }
0x2f5: {  	s8 =	sshrl.u32 s21, $0xA;
	_ =	swait.ge [sflag:s14], $0x1000  }
0x2f6: {  	s8 =	sand.u32 $0x3F, s8;
	[sflag:s14] =	ssyncset.done $0x0  }
0x2f7: {  	s22 =	sadd.s32 s22, s2;
	s8 =	smul.u32 $0x19, s8;
	[sflag:s14] =	ssyncadd.s32 $0xFFFFF000  }
0x2f8: {  	[hbm4b:s22+s3] =	stream.linear.scatter [tilespmem:s13], [sflag:$0x2], $0x1000, $0x38;
	[tilespmem:$0xB280] =	vst v63  }
0x2f9: {  	_ =	swait.ge @!p0 [sflag:s1], $0x1000  }
0x2fa: {  	s7 =	ssub.s32 s20, s8;
	[sflag:s1] =	ssyncset.done @!p0 $0x0  }
0x2fb: {  	s23 =	sand.u32 $0xFF, s7;
	[sflag:s1] =	ssyncadd.s32 @!p0 $0xFFFFF000  }
0x2fc: {  	s1 =	sshll.u32 s23, $0x7;
	v25 =	vld [tilespmem:s0+$0xFFFFFF90]  }
0x2fd: {  	v26 =	vld [tilespmem:s1+$0x6400];
	_ =	sdelay $0x3  }
0x2fe: {  	vm8 =	veq.s32 v25, $0x0  }
0x2ff: {  	v25 =	vsel vm8, $0x0, v26  }
0x300: {  	[tilespmem:$0x7200] =	vst v25  }
0x301: {  	v25 =	vld [tilespmem:s0+$0xFFFFFFA0]  }
0x302: {  	v26 =	vld [tilespmem:s1+$0x6410];
	_ =	sdelay $0x3  }
0x303: {  	vm9 =	veq.s32 v25, $0x0  }
0x304: {  	v25 =	vsel vm9, $0x0, v26  }
0x305: {  	[tilespmem:$0x7210] =	vst v25  }
0x306: {  	v25 =	vld [tilespmem:s0+$0xFFFFFFB0]  }
0x307: {  	v26 =	vld [tilespmem:s1+$0x6420];
	_ =	sdelay $0x3  }
0x308: {  	vm10 =	veq.s32 v25, $0x0  }
0x309: {  	v25 =	vsel vm10, $0x0, v26  }
0x30a: {  	[tilespmem:$0x7220] =	vst v25  }
0x30b: {  	v25 =	vld [tilespmem:s0+$0xFFFFFFC0]  }
0x30c: {  	v26 =	vld [tilespmem:s1+$0x6430];
	_ =	sdelay $0x3  }
0x30d: {  	vm11 =	veq.s32 v25, $0x0  }
0x30e: {  	v25 =	vsel vm11, $0x0, v26  }
0x30f: {  	[tilespmem:$0x7230] =	vst v25  }
0x310: {  	v25 =	vld [tilespmem:s0+$0xFFFFFFD0]  }
0x311: {  	v26 =	vld [tilespmem:s1+$0x6440];
	_ =	sdelay $0x3  }
0x312: {  	vm12 =	veq.s32 v25, $0x0  }
0x313: {  	v25 =	vsel vm12, $0x0, v26  }
0x314: {  	[tilespmem:$0x7240] =	vst v25  }
0x315: {  	v25 =	vld [tilespmem:s0+$0xFFFFFFE0]  }
0x316: {  	v26 =	vld [tilespmem:s1+$0x6450];
	_ =	sdelay $0x3  }
0x317: {  	vm13 =	veq.s32 v25, $0x0  }
0x318: {  	v25 =	vsel vm13, $0x0, v26  }
0x319: {  	[tilespmem:$0x7250] =	vst v25  }
0x31a: {  	v25 =	vld [tilespmem:s0+$0xFFFFFFF0]  }
0x31b: {  	v26 =	vld [tilespmem:s1+$0x6460];
	_ =	sdelay $0x3  }
0x31c: {  	vm14 =	veq.s32 v25, $0x0  }
0x31d: {  	v25 =	vsel vm14, $0x0, v26  }
0x31e: {  	[tilespmem:$0x7260] =	vst v25  }
0x31f: {  	v25 =	vld [tilespmem:s0+$0x0]  }
0x320: {  	v26 =	vld [tilespmem:s1+$0x6470];
	_ =	sdelay $0x3  }
0x321: {  	vm15 =	veq.s32 v25, $0x0  }
0x322: {  	v25 =	vsel vm15, $0x0, v26  }
0x323: {  	s25 =	sadd.s32 s4, s31;
	s24 =	rddreg [dreg:$0x6];
	[tilespmem:$0x7270] =	vst v25  }
0x324: {  	[tilespmem:s17], [sflag:$0x1] =	stream.indirect.gather [hbm4b:s5+s12], $0x20, s24, s12, $0xb8;
	[tilespmem:$0xB280] =	vst v63  }
0x325: {  	s0 =	sshll.u32 s25, $0x2;
	_ =	swait.ge [sflag:s14], $0x1000  }
0x326: {  	s0 =	sand.u32 $0x1FFFFA00, s0;
	[sflag:s14] =	ssyncset.done $0x0  }
0x327: {  	s0 =	sadd.s32 s2, s0;
	[sflag:s14] =	ssyncadd.s32 $0xFFFFF000  }
0x328: {  	[hbm4b:s0+s3] =	stream.linear.scatter [tilespmem:s15], [sflag:$0x2], $0x1000, $0x38;
	[tilespmem:$0xB280] =	vst v63  }
0x329: {  	_ =	swait.ge [sflag:s14], $0x1000  }
0x32a: {  	[sflag:s14] =	ssyncset.done $0x0  }
0x32b: {  	s26 =	rddreg [dreg:$0x8];
	[sflag:s14] =	ssyncadd.s32 $0xFFFFF000  }
0x32c: {  	[hbm4b:s26+s3] =	stream.linear.scatter [tilespmem:s10], [sflag:$0x2], $0x1000, $0x38;
	[tilespmem:$0xB280] =	vst v63  }
0x32d: {  	_ =	swait.ge [sflag:s14], $0x1000  }
0x32e: {  	[sflag:s14] =	ssyncset.done $0x0  }
0x32f: {  	s29 =	simm.s32 $0x2;
	s28 =	rddreg [dreg:$0x9];
	[sflag:s14] =	ssyncadd.s32 $0xFFFFF000  }
0x330: {  	[hbm4b:s28+s3] =	stream.linear.scatter [tilespmem:s17], [sflag:$0x2], $0x1000, $0x38;
	[tilespmem:$0xB280] =	vst v63  }
0x331: {  	_ =	swait.ge [sflag:s29], $0x1000  }
0x332: {  	[sflag:s29] =	ssyncset.done $0x0  }
0x333: {  	[sflag:s29] =	ssyncadd.s32 $0xFFFFF000  }
0x334: {  	_ =	swait.ge [sflag:s29], $0x1000  }
0x335: {  	[sflag:s29] =	ssyncset.done $0x0  }
0x336: {  	[sflag:s29] =	ssyncadd.s32 $0xFFFFF000  }
0x337: {  	_ =	swait.ge [sflag:s29], $0x1000  }
0x338: {  	[sflag:s29] =	ssyncset.done $0x0  }
0x339: {  	[sflag:s29] =	ssyncadd.s32 $0xFFFFF000  }
0x33a: {  	_ =	swait.ge [sflag:s29], $0x1000  }
0x33b: {  	s30 =	rddreg [dreg:$0xc]  }
0x33c: {  	s31 =	rddreg [dreg:$0xa];
	s6 =	sadd.s32 $0x1, s30  }
0x33d: {  	p0 =	sne.s32 s6, s31  }
.Ltmp1:
0x33e: {  	_ = 	snop;
	(pc) =	sbr.rel @p0 .LBB2_1-.Ltmp1, $3  }
0x33f: {  	_ =	sdelay $0x1  }
0x340: {  	[sflag:s29] =	ssyncset.done $0x0  }
0x341: {  	s18 =	simm.s32 $0x9280;
	[sflag:s29] =	ssyncadd.s32 $0xFFFFF000  }
0x342: {  	_ =	sfence.sel $0x180000  }
0x343: {  	[bflag:$0x0] =	sbarrier.arrive $0xFFFF  }
0x344: {  	_ =	strace $0x90000047  }
0x345: {  	s0 =	stileid.u32;
	[bflag:$0x2] =	sbarrier.arrive $0xFFFF  }
0x346: {  	p0 =	sne.s32 s0, $0x0;
	s0 =	rddreg [dreg:$0x2]  }
0x347: {  	s0 =	sadd.s32 @!p0 $0x100000, s0  }
0x348: {  	[sflag:s0] =	ssyncadd.tile.s32 @!p0 $0x1;
	_ =	shalt  }
.Lfunc_end2:
_tile_overlayer_lowered:
.L_overlay_start_2:
0x349: {  	(tag) =	ssettag $0x2  }
0x34a: {  	s0 =	rddreg [dreg:$0x0];
	s2 =	stileid.u32  }
0x34b: {  	s1 =	rddreg [dreg:$0x1];
	p0 =	sne.s32 s2, $0x0  }
0x34c: {  	s3 =	rddreg [dreg:$0x2];
	[bflag:$0x3] =	sbarrier.arrive $0xFFFF;
	s2 =	simm.s32 @!p0 $0x1C03  }
0x34d: {  	[timem:s3], [sflag:s2] =	dma.local @!p0 [hbm:s0], s1  }
0x34e: {  	s0 =	simm.s32 @!p0 $0x3  }
0x34f: {  	_ =	swait.ge @!p0 [sflag:s0], s1  }
0x350: {  	s1 =	ssub.s32 @!p0 $0x0, s1;
	[sflag:s0] =	ssyncset.done @!p0 $0x0  }
0x351: {  	[sflag:s0] =	ssyncadd.s32 @!p0 s1  }
0x352: {  	[bflag:$0x3] =	sbarrier.arrive $0xFFFF  }
0x353: {  	_ =	shalt  }

// kernel: sparse-core-data-format-call.cloned.1.call-start
scs
called_computation_lowered:
.L_overlay_start_0:
0x0: {  	s2 =	sld [smem:$0x3FD9]  }
0x1: {  	s3 =	sld [smem:$0x3FFE];
	_ =	sdelay $0x1  }
0x2: {  	s1 =	srdreg.scid  }
0x3: {  	s0 =	sand.u32 $0x1, s1  }
0x4: {  	s18 =	sshll.u32 s0, $0xA;
	s2 =	sadd.s32 s3, s2  }
0x5: {  	s2 =	sadd.s32 s2, s18  }
0x6: {  	[smem:$0x3FC6] =	sst s2  }
0x7: {  	_ = 	snop  }
0x8: {  	s2 =	sld [smem:$0x3FD0];
	(tm) =	ssettm $0x1  }
0x9: {  	s19 =	sld [smem:$0x3FFB];
	_ =	sdelay $0x3  }
0xa: {  	_ =	strace s19  }
0xb: {  	s3 =	sld [smem:$0x3FFC];
	_ =	sdelay $0x3  }
0xc: {  	_ =	strace s3  }
0xd: {  	s3 =	sld [smem:$0x3FFD];
	_ =	sdelay $0x3  }
0xe: {  	_ =	strace s3  }
0xf: {  	_ =	strace $0x8FFFFFFF  }
0x10: {  	s20 =	sld [smem:$0x3FDB];
	_ =	sdelay $0x1  }
0x11: {  	s4 =	simm.s32 $_scs_section_size  }
0x12: {  	s5 =	simm.s32 $_size__tile_overlayer_lowered;
	s6 =	simm.s32 $_tile_overlayer_lowered  }
0x13: {  	s23 =	simm.s32 $0x1BFF;
	s22 =	sshll.u32 s6, $0x1;
	s3 =	sadd.s32 s4, s20  }
0x14: {  	s7 =	simm.s32 $0x0;
	s21 =	sshll.u32 s5, $0x1;
	s5 =	sadd.s32 s22, s3  }
0x15: {  	[timem:s7], [sflag:s23] =	dma.local [hbm:s5], s21  }
0x16: {  	_ =	swait.ge [sflag:s23], s21  }
0x17: {  	s4 =	ssub.s32 $0x0, s21;
	[sflag:s23] =	ssyncset.done $0x0  }
0x18: {  	[sflag:s23] =	ssyncadd.s32 s4;
	_ =	sdelay $0x1  }
0x19: {  	s24 =	simm.s32 $0x1B8B  }
0x1a: {  	_ =	swait.ge [sflag:s24], $0x1  }
0x1b: {  	[sflag:s24] =	ssyncset.done $0x0  }
0x1c: {  	s26 =	simm.s32 $0x1B8E;
	s25 =	sld [smem:$0x3FFE];
	[sflag:s24] =	ssyncadd.s32 $0xFFFFFFFF  }
0x1d: {  	s27 =	simm.s32 $execute0_lowered;
	[smem:$0x3FD2] =	sst s26  }
0x1e: {  	s5 =	sshll.u32 s27, $0x1;
	_ =	strace $0x80000049;
	[dreg:$0x1] =	wrdreg $0xFFFFFFFF  }
0x1f: {  	s28 =	simm.s32 $_size_execute0_lowered;
	s3 =	sadd.s32 s3, s5;
	[dreg:$0x0] =	wrdreg $0x0  }
0x20: {  	s5 =	sshll.u32 s28, $0x1;
	[dreg:$0x2] =	wrdreg s3  }
0x21: {  	[dreg:$0x3] =	wrdreg s5  }
0x22: {  	[dreg:$0x4] =	wrdreg $0xC0  }
0x23: {  	_ =	task [dreg:s7], $0x5FFFF  }
0x24: {  	[dreg:$0x1] =	wrdreg $0xFFFFFFFF  }
0x25: {  	[dreg:$0x0] =	wrdreg $0x60  }
0x26: {  	[dreg:$0x2] =	wrdreg s25  }
0x27: {  	[dreg:$0x3] =	wrdreg s2  }
0x28: {  	[dreg:$0x4] =	wrdreg $0x9  }
0x29: {  	_ =	task.clear_ibuf [dreg:s7], $0x5FFFF;
	_ =	strace $0x90000049  }
0x2a: {  	s29 =	simm.s32 $0x9;
	_ =	strace $0x8000004B  }
0x2b: {  	_ =	swait.ge [sflag:s29], $0x1  }
0x2c: {  	[sflag:s29] =	ssyncadd.s32 $0xFFFFFFFF  }
0x2d: {  	_ =	strace $0x9000004B  }
0x2e: {  	_ =	sfence  }
0x2f: {  	s30 =	sld [smem:$0x0];
	_ =	sdelay $0x2  }
0x30: {  	s31 =	sshll.u32 s1, $0xD;
	s1 =	sshrl.u32 s1, $0x2  }
0x31: {  	s3 =	sand.u32 $0x4000, s31;
	s1 =	sadd.s32 s1, s30  }
0x32: {  	s0 =	sor.u32 s3, s0;
	s1 =	sshll.u32 s1, $0x11  }
0x33: {  	s0 =	sor.u32 s1, s0  }
0x34: {  	s0 =	sadd.s32 $0x8F2B, s0  }
0x35: {  	[sflag:s0] =	ssyncadd.remote.s32 $0x1  }
0x36: {  	_ =	sfence.sel $0xFFFF  }
0x37: {  	[dreg:$0x0] =	wrdreg $0xFFFFFFFF;
	(pc) =	sbr.abs _section_cstart, $3  }
0x38: {  	[dreg:$0x1] =	wrdreg $0xFFFFFFFF  }
0x39: {  	_ =	task.clear_ibuf [dreg:s7], $0x2FFFF;
	_ =	strace $0x9FFFFFFF  }
0x3a: {  	(tm) =	ssettm $0x7FFFFFFF  }
0x3b: {  	_ =	shalt  }
tec
execute0_lowered:
.L_overlay_start_1:
0x0: {  	(tag) =	ssettag $0x1  }
0x1: {  	s0 =	srdreg.scid  }
0x2: {  	s1 =	sshll.u32 s0, $0x4  }
0x3: {  	s0 =	stileid.u32;
	s1 =	sand.u32 $0x10, s1  }
0x4: {  	s1 =	sor.u32 s0, s1  }
0x5: {  	s6 =	rddreg [dreg:$0x0];
	s4 =	simm.s32 $0x1;
	s2 =	sshll.u32 s1, $0x7  }
0x6: {  	s7 =	simm.s32 $0x2;
	s12 =	simm.s32 $0x0;
	s1 =	ssub.s32 $0x1000, s2  }
0x7: {  	s8 =	simm.s32 $0x8000;
	s13 =	simm.s32 $0x0;
	s3 =	sand.u32 $0xF80, s1  }
0x8: {  	s9 =	simm.s32 $0x0;
	s5 =	sshrl.u32 s1, $0xC;
	p0 =	sne.s32 s3, $0x0  }
.Ltmp0:
0x9: {  	s1 =	rddreg [dreg:$0x2];
	s4 =	simm.s32 @!p0 $0x0;
	(pc) =	sbr.rel .LBB1_1-.Ltmp0, $4  }
0xa: {  	s11 =	simm.s32 $0x0;
	s3 =	rddreg [dreg:$0x1];
	s5 =	sadd.s32 s4, s5  }
0xb: {  	_ =	strace $0x8000004A;
	s4 =	simm.s32 $0x1;
	s5 =	smul.u32 $0xC8, s5  }
0xc: {  	s6 =	sadd.s32 $0x800, s6;
	s10 =	smov.u32 s2;
	[sflag:s4] =	ssyncpa.u1 $0x0  }
0xd: {  	p0 =	por $0x0, $0x0;
	[sflag:s7] =	ssyncpa.u1 $0x0;
	s7 =	sor.u32 $0x1, s5  }
.LBB1_4:
0xe: {  	s16 =	sshll.u32 s13, $0x3;
	s17 =	sand.u32 $0x78, s13  }
0xf: {  	s30 =	sand.u32 $0x3E00, s13;
	s12 =	sshll.u32 s12, $0xE;
	s16 =	sand.u32 $0xC00, s16  }
0x10: {  	s31 =	sand.u32 $0x7, s13;
	s16 =	sor.u32 s17, s16;
	s17 =	sadd.s32 s3, s30  }
0x11: {  	s13 =	sshll.u32 s31, $0x12;
	s16 =	sshrl.u32 s16, $0x3;
	s12 =	sadd.s32 s12, s17  }
0x12: {  	[tilespmem:s15+$0x0 ss:$0x81] =	vst.msk $0xffff, v0;
	s13 =	sor.u32 $0x400, s13;
	s12 =	sadd.s32 s16, s12  }
0x13: {  	[hbm4b:s12+s13] =	stream.strided.scatter [tilespmem:s14], [sflag:$0x2], $0x1000, s8, s13, $0x20;
	[tilespmem:$0x4040] =	vst v63  }
.LBB1_5:
0x14: {  	s14 =	sadd.s32 $0x1, s9  }
0x15: {  	s12 =	sadd.s32 $0x1000, s10;
	s16 =	smov.u32 s10;
	p2 =	sgt.s32 s14, $0xC7  }
0x16: {  	s16 =	smov.u32 @p2 s12  }
0x17: {  	s14 =	simm.s32 @p2 $0x0;
	p2 =	sgt.s32 s16, $0xFFF  }
0x18: {  	s16 =	smov.u32 @p2 s2;
	p2 =	sne.s32 s11, s7  }
.Ltmp1:
0x19: {  	p1 =	slt.u32 s11, $0x2;
	(pc) =	sbr.rel @!p2 .LBB1_6-.Ltmp1, $4  }
0x1a: {  	s15 =	simm.s32 @!p1 $0x2  }
0x1b: {  	s13 =	smov.u32 s10;
	p0 =	por !p0, !p0;
	_ =	swait.ge @!p1 [sflag:s15], $0x1000  }
0x1c: {  	s12 =	smov.u32 s9;
	[sflag:s15] =	ssyncset.done @!p1 $0x0;
	s9 =	smov.u32 s14  }
0x1d: {  	s11 =	sadd.s32 $0x1, s11;
	[sflag:s15] =	ssyncadd.s32 @!p1 $0xFFFFF000;
	s10 =	smov.u32 s16  }
.LBB1_1:
0x1e: {  	p1 =	sge.u32 s11, s5  }
0x1f: {  	s14 =	sand.u32 @!p1 $0x1FFFFFF, s9  }
0x20: {  	s15 =	smulhi.u32 @!p1 $0x147AE15, s14;
	_ =	sdelay $0x1  }
0x21: {  	s15 =	smul.u32 @!p1 $0xC8, s15  }
0x22: {  	s16 =	sxor.u32 @!p1 $0xFFFFFFFF, s11;
	s17 =	smul.u32 @!p1 $0xC80, s10  }
0x23: {  	s31 =	sadd.s32 $0xFFFFFFFF, s11;
	s16 =	sshll.u32 @!p1 s16, $0xC;
	s14 =	ssub.s32 @!p1 s14, s15  }
0x24: {  	s15 =	sand.u32 @!p1 $0x1000, s16;
	s16 =	sadd.s32 @!p1 s6, s17;
	s14 =	sshll.u32 @!p1 s14, $0x4  }
0x25: {  	s17 =	simm.s32 @!p1 $0x6400;
	s14 =	sadd.s32 @!p1 s14, s16;
	s16 =	simm.s32 @!p1 $0x20  }
0x26: {  	[tilespmem:s15], [sflag:$0x1] =	stream.strided.gather @!p1 [hbm4b:s14+s16], $0x1000, s17, s16, $0x38;
	[tilespmem:$0x4040] =	vst v63  }
0x27: {  	p1 =	sge.u32 s31, s5  }
.Ltmp2:
0x28: {  	_ = 	snop;
	(pc) =	sbr.rel @p1 .LBB1_5-.Ltmp2, $1  }
0x29: {  	_ =	sdelay $0x3  }
0x2a: {  	s14 =	simm.s32 $0x1  }
0x2b: {  	_ =	swait.ge [sflag:s4], $0x1000;
	s14 =	simm.s32 @!p0 $0x0  }
0x2c: {  	[sflag:s4] =	ssyncset.done $0x0;
	s15 =	sshll.u32 s14, $0xC  }
0x2d: {  	[sflag:s4] =	ssyncadd.s32 $0xFFFFF000;
	s18 =	sor.u32 $0x10, s15  }
0x2e: {  	s14 =	smul.u32 $0x4080, s14;
	v1 =	vld [tilespmem:s18+$0x0]  }
0x2f: {  	s30 =	sand.u32 $0x1, s11;
	v0 =	vld [tilespmem:s18+$0xFFFFFFF0]  }
0x30: {  	s15 =	smul.u32 $0x4080, s30;
	s14 =	sshrl.u32 s14, $0x2  }
0x31: {  	s16 =	sor.u32 $0x2000, s14  }
0x32: {  	s31 =	sshrl.u32 s15, $0x2;
	s15 =	sadd.s32 $0x0, s16  }
0x33: {  	s17 =	simm.s32 $0x4;
	s18 =	sadd.s32 $0x20, s18;
	s14 =	sor.u32 $0x2000, s31;
	[tilespmem:s15+$0x810 ss:$0x81] =	vst.msk $0xffff, v1  }
.LBB1_3:
0x34: {  	v1 =	vld [tilespmem:s18+$0x0];
	p1 =	sne.s32 s17, $0x1FC;
	[tilespmem:s15+$0x0 ss:$0x81] =	vst.msk $0xffff, v0;
	s15 =	smov.u32 s17;
	s17 =	sadd.s32 $0x4, s17  }
.Ltmp3:
0x35: {  	v0 =	vld [tilespmem:s18+$0xFFFFFFF0];
	(pc) =	sbr.rel @p1 .LBB1_3-.Ltmp3, $4  }
0x36: {  	_ = 	snop  }
0x37: {  	s15 =	sshra.s32 s15, $0x2  }
0x38: {  	s15 =	sadd.s32 s15, s16  }
0x39: {  	s18 =	sadd.s32 $0x20, s18;
	[tilespmem:s15+$0x810 ss:$0x81] =	vst.msk $0xffff, v1  }
.Ltmp4:
0x3a: {  	_ = 	snop;
	(pc) =	sbr.rel .LBB1_4-.Ltmp4, $1  }
0x3b: {  	_ =	sdelay $0x3  }
.LBB1_6:
0x3c: {  	_ =	sfence.sel $0x180000  }
0x3d: {  	s2 =	simm.s32 $0x1;
	[bflag:$0x0] =	sbarrier.arrive $0xFFFF  }
0x3e: {  	s31 =	simm.s32 $0x2;
	[sflag:s2] =	ssyncpa.u1 $0x1  }
0x3f: {  	[sflag:s31] =	ssyncpa.u1 $0x1  }
0x40: {  	p0 =	sne.s32 s0, $0x0;
	_ =	strace $0x9000004A  }
0x41: {  	s0 =	sadd.s32 @!p0 $0x100000, s1;
	[bflag:$0x2] =	sbarrier.arrive $0xFFFF  }
0x42: {  	[sflag:s0] =	ssyncadd.tile.s32 @!p0 $0x1;
	_ =	shalt  }
.Lfunc_end1:
_tile_overlayer_lowered:
.L_overlay_start_2:
0x43: {  	(tag) =	ssettag $0x2  }
0x44: {  	s0 =	rddreg [dreg:$0x0];
	s2 =	stileid.u32  }
0x45: {  	s1 =	rddreg [dreg:$0x1];
	p0 =	sne.s32 s2, $0x0  }
0x46: {  	s3 =	rddreg [dreg:$0x2];
	[bflag:$0x3] =	sbarrier.arrive $0xFFFF;
	s2 =	simm.s32 @!p0 $0x1C01  }
0x47: {  	[timem:s3], [sflag:s2] =	dma.local @!p0 [hbm:s0], s1  }
0x48: {  	s0 =	simm.s32 @!p0 $0x1  }
0x49: {  	_ =	swait.ge @!p0 [sflag:s0], s1  }
0x4a: {  	s1 =	ssub.s32 @!p0 $0x0, s1;
	[sflag:s0] =	ssyncset.done @!p0 $0x0  }
0x4b: {  	[sflag:s0] =	ssyncadd.s32 @!p0 s1  }
0x4c: {  	[bflag:$0x3] =	sbarrier.arrive $0xFFFF  }
0x4d: {  	_ =	shalt  }

</sc_bundles>
